<compile_context>
chip_gen: v7x
topology: tpu7x:2x2x1
jax: 0.10.2.dev20260603
libtpu: 0.0.44.dev20260713+nightly
codegen_flags: <defaults>
</compile_context>

<pallas_src>
import functools

import jax
import jax.numpy as jnp
from jax import lax
from jax.experimental import pallas as pl
from jax.experimental.pallas import tpu as pltpu
from jax.experimental.pallas import tpu_sc as plsc

_B = 2
_CLIP = 2
_C = 144
_H = 48
_W = 48
_AREA = _H * _W
_G = 12
_CG = _C // _G
_K2 = 9
_NS = _CLIP * _K2
_BG = _B * _G
_NCH = 9
_CHUNK = _AREA // _NCH
_NBLK = _CHUNK // 16
_SCALE = float(_CG) ** -0.5

_mesh = plsc.VectorSubcoreMesh(core_axis_name="c", subcore_axis_name="s")


def _const16(v):
    return jnp.full((16,), v, jnp.int32)


@functools.partial(
    pl.kernel,
    out_type=jax.ShapeDtypeStruct((_B, _G, _CG, _AREA), jnp.float32),
    mesh=_mesh,
    scratch_types=[
        pltpu.VMEM((4 * _CG * _AREA,), jnp.float32),
        pltpu.VMEM((_CLIP, _K2, 2, _CHUNK), jnp.float32),
        pltpu.VMEM((_CG, _CHUNK), jnp.float32),
        pltpu.VMEM((_CG, _CHUNK), jnp.float32),
        pltpu.VMEM((_NS * 4 * 16,), jnp.float32),
        pltpu.VMEM((_NS * 4 * 16,), jnp.int32),
        pltpu.VMEM((_NS * 16,), jnp.float32),
    ],
    compiler_params=pltpu.CompilerParams(needs_layout_passes=False),
)
def _sc_attn(kp_hbm, vp_hbm, qp_hbm, off_hbm, out_hbm,
             kvt, offv, qv, outv, wbuf, ibuf, lbuf):
    wid = lax.axis_index("s") * 2 + lax.axis_index("c")
    ncg = _BG * _NCH
    start = (wid * ncg) // 32
    end = ((wid + 1) * ncg) // 32

    def chunk_body(cg, prev_bg):
        bg = cg // _NCH
        ch = cg - bg * _NCH
        b = bg // _G
        g = bg - b * _G

        clw = _CG * _AREA
        @pl.when(bg != prev_bg)
        def _load_table():
            for clip in range(_CLIP):
                base = (b * 2 + clip) * (_C * _AREA) + g * clw
                pltpu.sync_copy(
                    kp_hbm.at[pl.ds(base, clw)], kvt.at[pl.ds(clip * clw, clw)]
                )
                pltpu.sync_copy(
                    vp_hbm.at[pl.ds(base, clw)],
                    kvt.at[pl.ds((2 + clip) * clw, clw)],
                )

        for clip in range(_CLIP):
            pltpu.sync_copy(
                off_hbm.at[b, clip, g, :, :, pl.ds(ch * _CHUNK, _CHUNK)],
                offv.at[clip],
            )
        pltpu.sync_copy(qp_hbm.at[b, g, :, pl.ds(ch * _CHUNK, _CHUNK)], qv)

        def blk_body(blk, carry1):
            p0 = blk * 16
            pix = ch * _CHUNK + p0 + lax.iota(jnp.int32, 16)
            hv = pix // _W
            wv = pix - hv * _W
            qs = [qv[c, pl.ds(p0, 16)] for c in range(_CG)]

            def make_s1(clip):
                def s1(kpos, carry2):
                    s = kpos + clip * _K2
                    ki = kpos // 3
                    kj = kpos - ki * 3
                    sy = (hv + (ki - 1)).astype(jnp.float32) + offv[clip, kpos, 0, pl.ds(p0, 16)]
                    sx = (wv + (kj - 1)).astype(jnp.float32) + offv[clip, kpos, 1, pl.ds(p0, 16)]
                    ty = sy.astype(jnp.int32)
                    y0 = jnp.where(sy < ty.astype(jnp.float32), ty - 1, ty)
                    tx = sx.astype(jnp.int32)
                    x0 = jnp.where(sx < tx.astype(jnp.float32), tx - 1, tx)
                    gs = []
                    ws = []
                    for t, (dy, dx) in enumerate(((0, 0), (0, 1), (1, 0), (1, 1))):
                        yi = y0 + dy
                        xi = x0 + dx
                        wy = 1.0 - jnp.abs(sy - yi.astype(jnp.float32))
                        wx = 1.0 - jnp.abs(sx - xi.astype(jnp.float32))
                        ok = (yi >= 0) & (yi <= _H - 1) & (xi >= 0) & (xi <= _W - 1)
                        wgt = jnp.where(ok, wy * wx, 0.0)
                        yc = jnp.clip(yi, 0, _H - 1)
                        xc = jnp.clip(xi, 0, _W - 1)
                        gi = yc * _W + xc
                        wbuf[pl.ds((s * 4 + t) * 16, 16)] = wgt
                        ibuf[pl.ds((s * 4 + t) * 16, 16)] = gi
                        gs.append(gi)
                        ws.append(wgt)
                    logit = jnp.zeros((16,), jnp.float32)
                    for c in range(_CG):
                        o = clip * (_CG * _AREA) + c * _AREA
                        kc = ws[0] * plsc.load_gather(kvt, [gs[0] + o])
                        for t in range(1, 4):
                            kc = kc + ws[t] * plsc.load_gather(kvt, [gs[t] + o])
                        logit = logit + qs[c] * kc
                    lbuf[pl.ds(s * 16, 16)] = logit * _SCALE
                    return carry2

                return s1

            lax.fori_loop(0, _K2, make_s1(0), 0)
            lax.fori_loop(0, _K2, make_s1(1), 0)

            def smax(s, m):
                return jnp.maximum(m, lbuf[pl.ds(s * 16, 16)])

            m = lax.fori_loop(1, _NS, smax, lbuf[pl.ds(0, 16)])

            def sexp(s, den):
                p = jnp.exp(lbuf[pl.ds(s * 16, 16)] - m)
                lbuf[pl.ds(s * 16, 16)] = p
                return den + p

            den = lax.fori_loop(0, _NS, sexp, jnp.zeros((16,), jnp.float32))
            rden = 1.0 / den

            def make_s2(clip):
                def s2(kpos, acc):
                    s = kpos + clip * _K2
                    a = lbuf[pl.ds(s * 16, 16)] * rden
                    accl = list(acc)
                    for t in range(4):
                        aw = a * wbuf[pl.ds((s * 4 + t) * 16, 16)]
                        gi = ibuf[pl.ds((s * 4 + t) * 16, 16)]
                        for c in range(_CG):
                            o = (2 + clip) * (_CG * _AREA) + c * _AREA
                            accl[c] = accl[c] + aw * plsc.load_gather(
                                kvt, [gi + o]
                            )
                    return tuple(accl)

                return s2

            zero = jnp.zeros((16,), jnp.float32)
            acc = lax.fori_loop(0, _K2, make_s2(0), (zero,) * _CG)
            acc = lax.fori_loop(0, _K2, make_s2(1), acc)
            for c in range(_CG):
                outv[c, pl.ds(p0, 16)] = acc[c]
            return carry1

        lax.fori_loop(0, _NBLK, blk_body, 0)
        pltpu.sync_copy(
            outv, out_hbm.at[b, g, :, pl.ds(ch * _CHUNK, _CHUNK)]
        )
        return bg

    lax.fori_loop(start, end, chunk_body, jnp.int32(-1))


def _proj_body(x_ref, w_ref, b_ref, o_ref):
    o_ref[0] = (
        jnp.dot(w_ref[...], x_ref[0], preferred_element_type=jnp.float32)
        + b_ref[...]
    )


def _mlp_body(x_ref, w1_ref, b1_ref, w2_ref, b2_ref, o_ref):
    x = x_ref[0]
    h = jnp.dot(w1_ref[...], x, preferred_element_type=jnp.float32) + b1_ref[...]
    h = 0.5 * h * (1.0 + lax.erf(h * (2.0 ** -0.5)))
    o_ref[0] = (
        jnp.dot(w2_ref[...], h, preferred_element_type=jnp.float32)
        + b2_ref[...]
        + x
    )


def _proj(x, w, b, n):
    return pl.pallas_call(
        _proj_body,
        grid=(n,),
        in_specs=[
            pl.BlockSpec((1, _C, _AREA), lambda i: (i, 0, 0)),
            pl.BlockSpec((_C, _C), lambda i: (0, 0)),
            pl.BlockSpec((_C, 1), lambda i: (0, 0)),
        ],
        out_specs=pl.BlockSpec((1, _C, _AREA), lambda i: (i, 0, 0)),
        out_shape=jax.ShapeDtypeStruct((n, _C, _AREA), jnp.float32),
    )(x, w, b[:, None])


def kernel(q, k, v, offset, Wq, bq, Wk, bk, Wv, bv, W1, b1, W2, b2):
    qp = _proj(q.reshape(_B, _C, _AREA), Wq, bq, _B)
    kp = _proj(k.reshape(_B * _CLIP, _C, _AREA), Wk, bk, _B * _CLIP)
    vp = _proj(v.reshape(_B * _CLIP, _C, _AREA), Wv, bv, _B * _CLIP)

    aout = _sc_attn(
        kp.reshape(_B * _CLIP * _C * _AREA),
        vp.reshape(_B * _CLIP * _C * _AREA),
        qp.reshape(_B, _G, _CG, _AREA),
        offset.reshape(_B, _CLIP, _G, _K2, 2, _AREA),
    ).reshape(_B, _C, _AREA)

    y = pl.pallas_call(
        _mlp_body,
        grid=(_B, 3),
        in_specs=[
            pl.BlockSpec((1, _C, _AREA // 3), lambda i, j: (i, 0, j)),
            pl.BlockSpec((2 * _C, _C), lambda i, j: (0, 0)),
            pl.BlockSpec((2 * _C, 1), lambda i, j: (0, 0)),
            pl.BlockSpec((_C, 2 * _C), lambda i, j: (0, 0)),
            pl.BlockSpec((_C, 1), lambda i, j: (0, 0)),
        ],
        out_specs=pl.BlockSpec((1, _C, _AREA // 3), lambda i, j: (i, 0, j)),
        out_shape=jax.ShapeDtypeStruct((_B, _C, _AREA), jnp.float32),
    )(aout, W1, b1[:, None], W2, b2[:, None])

    return y.reshape(_B, 1, _C, _H, _W)

# --- scband reference (transcript-rebuilt; emitter-appended) ---
"""Pipeline reference for scband-deform-attn-71717363908728 (READ-ONLY COPY).

The authoritative reference and input builder live on the scoring server;
editing this copy changes nothing except your own understanding.
"""

import jax, jax.numpy as jnp
import numpy as np

B = 2
CLIP = 2
C = 144
H = 48
W = 48
HEADS = 12
GROUPS = 12
KH = 3
KW = 3
K2 = KH * KW
PAD = KH // 2
DIL = 1

def _linear(x, w, b):
    return x @ w.T + b

def _to_last(x):
    return jnp.transpose(x, (0, 1, 3, 4, 2))

def _from_last(x):
    return jnp.transpose(x, (0, 1, 4, 2, 3))

def _bilinear(kv_flat, sy, sx, Hh, Ww):
    Bb, Tt, Gg = sy.shape[:3]
    area = Hh * Ww
    y0 = jnp.floor(sy)
    x0 = jnp.floor(sx)
    out = jnp.zeros(kv_flat.shape[:5] + (area,), dtype=kv_flat.dtype)
    for dy in (0.0, 1.0):
        for dx in (0.0, 1.0):
            yi = y0 + dy
            xi = x0 + dx
            wy = 1.0 - jnp.abs(sy - yi)
            wx = 1.0 - jnp.abs(sx - xi)
            valid = ((yi >= 0) & (yi <= Hh - 1) & (xi >= 0) & (xi <= Ww - 1)).astype(kv_flat.dtype)
            yc = jnp.clip(yi, 0, Hh - 1).astype(jnp.int32)
            xc = jnp.clip(xi, 0, Ww - 1).astype(jnp.int32)
            flat = (yc * Ww + xc).reshape(Bb, Tt, Gg, area)
            idx = jnp.broadcast_to(flat[:, :, None, :, None, :], kv_flat.shape[:5] + (area,))
            vals = jnp.take_along_axis(kv_flat, idx, axis=-1)
            wgt = (wy * wx * valid).reshape(Bb, Tt, Gg, area)
            out = out + vals * wgt[:, :, None, :, None, :]
    return out

def _deform_attn(q, kv, offset):
    Bb, _, Cc, Hh, Ww = q.shape
    G = GROUPS
    Cg = Cc // G
    area = Hh * Ww
    off = offset.reshape(Bb, CLIP, G, K2, 2, Hh, Ww)
    kv_flat = kv.reshape(Bb, CLIP, 2, G, Cg, area)
    hh, ww = jnp.meshgrid(jnp.arange(Hh, dtype=jnp.float32), jnp.arange(Ww, dtype=jnp.float32), indexing='ij')
    samples = []
    for kpos in range(K2):
        ki = kpos // KW
        kj = kpos % KW
        sy = hh[None, None, None] - PAD + ki * DIL + off[:, :, :, kpos, 0]
        sx = ww[None, None, None] - PAD + kj * DIL + off[:, :, :, kpos, 1]
        samples.append(_bilinear(kv_flat, sy, sx, Hh, Ww))
    s = jnp.stack(samples, axis=2)
    ks_ = jnp.transpose(s[:, :, :, 0], (0, 3, 4, 1, 2, 5)).reshape(Bb, G, Cg, CLIP * K2, area)
    vs_ = jnp.transpose(s[:, :, :, 1], (0, 3, 4, 1, 2, 5)).reshape(Bb, G, Cg, CLIP * K2, area)
    qr = q.reshape(Bb, HEADS, Cc // HEADS, area)
    scale = float(Cc // HEADS) ** -0.5
    attn = jnp.einsum('bhca,bhcka->bhka', qr, ks_) * scale
    attn = jax.nn.softmax(attn, axis=2)
    out = jnp.einsum('bhka,bhcka->bhca', attn, vs_)
    return out.reshape(Bb, 1, Cc, Hh, Ww)

def setup_inputs(seed: int = 0):
    key = jax.random.key(seed)
    ks = jax.random.split(key, 12)
    sc = 1.0 / np.sqrt(C)
    inp = {}
    inp['q'] = jax.random.normal(ks[0], (B, 1, C, H, W), dtype=jnp.float32)
    inp['k'] = jax.random.normal(ks[1], (B, CLIP, C, H, W), dtype=jnp.float32)
    inp['v'] = jax.random.normal(ks[2], (B, CLIP, C, H, W), dtype=jnp.float32)
    inp['offset'] = jax.random.normal(ks[3], (B, CLIP * GROUPS * K2 * 2, H, W), dtype=jnp.float32)
    inp['Wq'] = jax.random.normal(ks[4], (C, C), dtype=jnp.float32) * sc
    inp['bq'] = jnp.zeros((C,), dtype=jnp.float32)
    inp['Wk'] = jax.random.normal(ks[5], (C, C), dtype=jnp.float32) * sc
    inp['bk'] = jnp.zeros((C,), dtype=jnp.float32)
    inp['Wv'] = jax.random.normal(ks[6], (C, C), dtype=jnp.float32) * sc
    inp['bv'] = jnp.zeros((C,), dtype=jnp.float32)
    inp['W1'] = jax.random.normal(ks[7], (2 * C, C), dtype=jnp.float32) * sc
    inp['b1'] = jnp.zeros((2 * C,), dtype=jnp.float32)
    inp['W2'] = jax.random.normal(ks[8], (C, 2 * C), dtype=jnp.float32) * (1.0 / np.sqrt(2 * C))
    inp['b2'] = jnp.zeros((C,), dtype=jnp.float32)
    return inp

def reference(q, k, v, offset, Wq, bq, Wk, bk, Wv, bv, W1, b1, W2, b2):
    qp = _from_last(_linear(_to_last(q), Wq, bq))
    kp = _from_last(_linear(_to_last(k), Wk, bk))
    vp = _from_last(_linear(_to_last(v), Wv, bv))
    kv = jnp.concatenate([kp, vp], axis=2)
    out = _deform_attn(qp, kv, offset)
    xm = _linear(jax.nn.gelu(_linear(_to_last(out), W1, b1), approximate=False), W2, b2)
    return out + _from_last(xm)

if __name__ == "__main__":
    import jax
    _d = setup_inputs()
    print(jax.jit(kernel)(*tuple(_d.values())))

</pallas_src>

<mosaic_0001>
#map = affine_map<(d0, d1) -> (0)>
#map1 = affine_map<(d0, d1) -> (0, 0, 0, 0)>
#map2 = affine_map<(d0, d1) -> (0, 0, 0, 0, 0, 0)>
module attributes {stable_mosaic.version = 14 : i64} {
  func.func @_sc_attn(%arg0: i32, %arg1: i32, %arg2: memref<1327104xf32, #tpu.memory_space<hbm>>, %arg3: memref<1327104xf32, #tpu.memory_space<hbm>>, %arg4: memref<2x12x12x2304xf32, #tpu.memory_space<hbm>>, %arg5: memref<2x2x12x9x2x2304xf32, #tpu.memory_space<hbm>>, %arg6: memref<2x12x12x2304xf32, #tpu.memory_space<hbm>>, %arg7: memref<110592xf32, #tpu.memory_space<vmem>>, %arg8: memref<2x9x2x256xf32, #tpu.memory_space<vmem>>, %arg9: memref<12x256xf32, #tpu.memory_space<vmem>>, %arg10: memref<12x256xf32, #tpu.memory_space<vmem>>, %arg11: memref<1152xf32, #tpu.memory_space<vmem>>, %arg12: memref<1152xi32, #tpu.memory_space<vmem>>, %arg13: memref<288xf32, #tpu.memory_space<vmem>>) attributes {dimension_semantics = [#tpu.dimension_semantics<core_parallel>, #tpu.dimension_semantics<subcore_parallel>], iteration_bounds = array<i64: 2, 16>, scalar_prefetch = 0 : i64, scratch_operands = 7 : i64, tpu.core_type = #tpu.core_type<sc_vector_subcore>, window_params = [{transform_indices = #map}, {transform_indices = #map}, {transform_indices = #map1}, {transform_indices = #map2}, {transform_indices = #map1}]} {
    %mul3A = arith.constant 2 : i32
    %mul3A_0 = arith.muli %arg1, %mul3A : i32
    %add3A = arith.addi %mul3A_0, %arg0 : i32
    %mul3A_1 = arith.constant 216 : i32
    %mul3A_2 = arith.muli %add3A, %mul3A_1 : i32
    %jit3A = arith.constant 32 : i32
    %div3A = arith.divsi %mul3A_2, %jit3A : i32
    %sign3A = arith.constant 0 : i32
    %sign3A_3 = arith.cmpi sgt, %mul3A_2, %sign3A : i32
    %sign3A_4 = arith.extui %sign3A_3 : i1 to i32
    %sign3A_5 = arith.constant 0 : i32
    %sign3A_6 = arith.cmpi slt, %mul3A_2, %sign3A_5 : i32
    %sign3A_7 = arith.extui %sign3A_6 : i1 to i32
    %sign3A_8 = arith.subi %sign3A_4, %sign3A_7 : i32
    %sign3A_9 = arith.constant 0 : i32
    %sign3A_10 = arith.cmpi sgt, %jit3A, %sign3A_9 : i32
    %sign3A_11 = arith.extui %sign3A_10 : i1 to i32
    %sign3A_12 = arith.constant 0 : i32
    %sign3A_13 = arith.cmpi slt, %jit3A, %sign3A_12 : i32
    %sign3A_14 = arith.extui %sign3A_13 : i1 to i32
    %sign3A_15 = arith.subi %sign3A_11, %sign3A_14 : i32
    %ne3A = arith.cmpi ne, %sign3A_8, %sign3A_15 : i32
    %rem3A = arith.remsi %mul3A_2, %jit3A : i32
    %ne3A_16 = arith.constant 0 : i32
    %ne3A_17 = arith.cmpi ne, %rem3A, %ne3A_16 : i32
    %and3A = arith.andi %ne3A, %ne3A_17 : i1
    %sub3A = arith.constant 1 : i32
    %sub3A_18 = arith.subi %div3A, %sub3A : i32
    %select_n3A = arith.select %and3A, %sub3A_18, %div3A : i32
    %add3A_19 = arith.constant 1 : i32
    %add3A_20 = arith.addi %add3A, %add3A_19 : i32
    %mul3A_21 = arith.constant 216 : i32
    %mul3A_22 = arith.muli %add3A_20, %mul3A_21 : i32
    %jit3A_23 = arith.constant 32 : i32
    %div3A_24 = arith.divsi %mul3A_22, %jit3A_23 : i32
    %sign3A_25 = arith.constant 0 : i32
    %sign3A_26 = arith.cmpi sgt, %mul3A_22, %sign3A_25 : i32
    %sign3A_27 = arith.extui %sign3A_26 : i1 to i32
    %sign3A_28 = arith.constant 0 : i32
    %sign3A_29 = arith.cmpi slt, %mul3A_22, %sign3A_28 : i32
    %sign3A_30 = arith.extui %sign3A_29 : i1 to i32
    %sign3A_31 = arith.subi %sign3A_27, %sign3A_30 : i32
    %sign3A_32 = arith.constant 0 : i32
    %sign3A_33 = arith.cmpi sgt, %jit3A_23, %sign3A_32 : i32
    %sign3A_34 = arith.extui %sign3A_33 : i1 to i32
    %sign3A_35 = arith.constant 0 : i32
    %sign3A_36 = arith.cmpi slt, %jit3A_23, %sign3A_35 : i32
    %sign3A_37 = arith.extui %sign3A_36 : i1 to i32
    %sign3A_38 = arith.subi %sign3A_34, %sign3A_37 : i32
    %ne3A_39 = arith.cmpi ne, %sign3A_31, %sign3A_38 : i32
    %rem3A_40 = arith.remsi %mul3A_22, %jit3A_23 : i32
    %ne3A_41 = arith.constant 0 : i32
    %ne3A_42 = arith.cmpi ne, %rem3A_40, %ne3A_41 : i32
    %and3A_43 = arith.andi %ne3A_39, %ne3A_42 : i1
    %sub3A_44 = arith.constant 1 : i32
    %sub3A_45 = arith.subi %div3A_24, %sub3A_44 : i32
    %select_n3A_46 = arith.select %and3A_43, %sub3A_45, %div3A_24 : i32
    %while3A = arith.constant -1 : i32
    %while3A_47 = arith.subi %select_n3A_46, %select_n3A : i32
    %while3A_48 = arith.addi %select_n3A, %while3A_47 : i32
    %while3A_49 = arith.constant 1 : i32
    %while3A_50 = arith.divsi %while3A_47, %while3A_49 : i32
    %while3A_51 = arith.muli %while3A_50, %while3A_49 : i32
    %while3A_52 = arith.addi %select_n3A, %while3A_51 : i32
    %while3A_53 = arith.constant 1 : i32
    %while3A_54 = scf.for %while3A_57 = %select_n3A to %while3A_52 step %while3A_53 iter_args(%while3A_58 = %while3A) -> (i32)  : i32 {
      %jit3A_59 = arith.constant 9 : i32
      %div3A_60 = arith.divsi %while3A_57, %jit3A_59 : i32
      %sign3A_61 = arith.constant 0 : i32
      %sign3A_62 = arith.cmpi sgt, %while3A_57, %sign3A_61 : i32
      %sign3A_63 = arith.extui %sign3A_62 : i1 to i32
      %sign3A_64 = arith.constant 0 : i32
      %sign3A_65 = arith.cmpi slt, %while3A_57, %sign3A_64 : i32
      %sign3A_66 = arith.extui %sign3A_65 : i1 to i32
      %sign3A_67 = arith.subi %sign3A_63, %sign3A_66 : i32
      %sign3A_68 = arith.constant 0 : i32
      %sign3A_69 = arith.cmpi sgt, %jit3A_59, %sign3A_68 : i32
      %sign3A_70 = arith.extui %sign3A_69 : i1 to i32
      %sign3A_71 = arith.constant 0 : i32
      %sign3A_72 = arith.cmpi slt, %jit3A_59, %sign3A_71 : i32
      %sign3A_73 = arith.extui %sign3A_72 : i1 to i32
      %sign3A_74 = arith.subi %sign3A_70, %sign3A_73 : i32
      %ne3A_75 = arith.cmpi ne, %sign3A_67, %sign3A_74 : i32
      %rem3A_76 = arith.remsi %while3A_57, %jit3A_59 : i32
      %ne3A_77 = arith.constant 0 : i32
      %ne3A_78 = arith.cmpi ne, %rem3A_76, %ne3A_77 : i32
      %and3A_79 = arith.andi %ne3A_75, %ne3A_78 : i1
      %sub3A_80 = arith.constant 1 : i32
      %sub3A_81 = arith.subi %div3A_60, %sub3A_80 : i32
      %select_n3A_82 = arith.select %and3A_79, %sub3A_81, %div3A_60 : i32
      %mul3A_83 = arith.constant 9 : i32
      %mul3A_84 = arith.muli %select_n3A_82, %mul3A_83 : i32
      %sub3A_85 = arith.subi %while3A_57, %mul3A_84 : i32
      %jit3A_86 = arith.constant 12 : i32
      %div3A_87 = arith.divsi %select_n3A_82, %jit3A_86 : i32
      %sign3A_88 = arith.constant 0 : i32
      %sign3A_89 = arith.cmpi sgt, %select_n3A_82, %sign3A_88 : i32
      %sign3A_90 = arith.extui %sign3A_89 : i1 to i32
      %sign3A_91 = arith.constant 0 : i32
      %sign3A_92 = arith.cmpi slt, %select_n3A_82, %sign3A_91 : i32
      %sign3A_93 = arith.extui %sign3A_92 : i1 to i32
      %sign3A_94 = arith.subi %sign3A_90, %sign3A_93 : i32
      %sign3A_95 = arith.constant 0 : i32
      %sign3A_96 = arith.cmpi sgt, %jit3A_86, %sign3A_95 : i32
      %sign3A_97 = arith.extui %sign3A_96 : i1 to i32
      %sign3A_98 = arith.constant 0 : i32
      %sign3A_99 = arith.cmpi slt, %jit3A_86, %sign3A_98 : i32
      %sign3A_100 = arith.extui %sign3A_99 : i1 to i32
      %sign3A_101 = arith.subi %sign3A_97, %sign3A_100 : i32
      %ne3A_102 = arith.cmpi ne, %sign3A_94, %sign3A_101 : i32
      %rem3A_103 = arith.remsi %select_n3A_82, %jit3A_86 : i32
      %ne3A_104 = arith.constant 0 : i32
      %ne3A_105 = arith.cmpi ne, %rem3A_103, %ne3A_104 : i32
      %and3A_106 = arith.andi %ne3A_102, %ne3A_105 : i1
      %sub3A_107 = arith.constant 1 : i32
      %sub3A_108 = arith.subi %div3A_87, %sub3A_107 : i32
      %select_n3A_109 = arith.select %and3A_106, %sub3A_108, %div3A_87 : i32
      %mul3A_110 = arith.constant 12 : i32
      %mul3A_111 = arith.muli %select_n3A_109, %mul3A_110 : i32
      %sub3A_112 = arith.subi %select_n3A_82, %mul3A_111 : i32
      %ne3A_113 = arith.cmpi ne, %select_n3A_82, %while3A_58 : i32
      %convert_element_type3A = arith.extui %ne3A_113 : i1 to i32
      %cond3A = arith.constant 0 : i32
      %cond3A_114 = arith.cmpi ne, %convert_element_type3A, %cond3A : i32
      scf.if %cond3A_114 {
        %mul3A_131 = arith.constant 2 : i32
        %mul3A_132 = arith.muli %select_n3A_109, %mul3A_131 : i32
        %add3A_133 = arith.constant 0 : i32
        %add3A_134 = arith.addi %mul3A_132, %add3A_133 : i32
        %mul3A_135 = arith.constant 331776 : i32
        %mul3A_136 = arith.muli %add3A_134, %mul3A_135 : i32
        %mul3A_137 = arith.constant 27648 : i32
        %mul3A_138 = arith.muli %sub3A_112, %mul3A_137 : i32
        %add3A_139 = arith.addi %mul3A_136, %mul3A_138 : i32
        "tpu.region"() ({
          %run_scoped3A_149 = tpu.sem_alloc : memref<!tpu.dma_semaphore, #tpu.memory_space<semaphore_mem>>
          %dma_start3A = arith.constant 0 : i32
          %dma_start3A_150 = tpu.memref_slice %arg7[%dma_start3A] : memref<110592xf32, #tpu.memory_space<vmem>> -> memref<27648xf32, #tpu.memory_space<vmem>>
          %dma_start3A_151 = tpu.memref_slice %arg2[%add3A_139] : memref<1327104xf32, #tpu.memory_space<hbm>> -> memref<27648xf32, #tpu.memory_space<hbm>>
          %dma_start3A_152 = arith.constant 0 : i32
          %dma_start3A_153 = tpu.memref_slice %arg7[%dma_start3A_152] : memref<110592xf32, #tpu.memory_space<vmem>> -> memref<27648xf32, #tpu.memory_space<vmem>>
          %dma_start3A_154 = tpu.memref_slice %arg2[%add3A_139] : memref<1327104xf32, #tpu.memory_space<hbm>> -> memref<27648xf32, #tpu.memory_space<hbm>>
          tpu.enqueue_dma source(%dma_start3A_154 : memref<27648xf32, #tpu.memory_space<hbm>>) target(%dma_start3A_153 : memref<27648xf32, #tpu.memory_space<vmem>>) target_semaphore(%run_scoped3A_149 : memref<!tpu.dma_semaphore, #tpu.memory_space<semaphore_mem>>)
          %dma_wait3A = arith.constant 0 : i32
          %dma_wait3A_155 = tpu.memref_slice %arg7[%dma_wait3A] : memref<110592xf32, #tpu.memory_space<vmem>> -> memref<27648xf32, #tpu.memory_space<vmem>>
          %dma_wait3A_156 = tpu.memref_slice %arg2[%add3A_139] : memref<1327104xf32, #tpu.memory_space<hbm>> -> memref<27648xf32, #tpu.memory_space<hbm>>
          %dma_wait3A_157 = arith.constant 0 : i32
          %dma_wait3A_158 = tpu.memref_slice %arg7[%dma_wait3A_157] : memref<110592xf32, #tpu.memory_space<vmem>> -> memref<27648xf32, #tpu.memory_space<vmem>>
          %dma_wait3A_159 = tpu.memref_slice %arg2[%add3A_139] : memref<1327104xf32, #tpu.memory_space<hbm>> -> memref<27648xf32, #tpu.memory_space<hbm>>
          tpu.wait_dma2 semaphore(%run_scoped3A_149 : memref<!tpu.dma_semaphore, #tpu.memory_space<semaphore_mem>>) src(%dma_wait3A_159 : memref<27648xf32, #tpu.memory_space<hbm>>) dst(%dma_wait3A_158 : memref<27648xf32, #tpu.memory_space<vmem>>)
          tpu.yield
        }) : () -> ()
        "tpu.region"() ({
          %run_scoped3A_149 = tpu.sem_alloc : memref<!tpu.dma_semaphore, #tpu.memory_space<semaphore_mem>>
          %dma_start3A = arith.constant 55296 : i32
          %dma_start3A_150 = tpu.memref_slice %arg7[%dma_start3A] : memref<110592xf32, #tpu.memory_space<vmem>> -> memref<27648xf32, #tpu.memory_space<vmem>>
          %dma_start3A_151 = tpu.memref_slice %arg3[%add3A_139] : memref<1327104xf32, #tpu.memory_space<hbm>> -> memref<27648xf32, #tpu.memory_space<hbm>>
          %dma_start3A_152 = arith.constant 55296 : i32
          %dma_start3A_153 = tpu.memref_slice %arg7[%dma_start3A_152] : memref<110592xf32, #tpu.memory_space<vmem>> -> memref<27648xf32, #tpu.memory_space<vmem>>
          %dma_start3A_154 = tpu.memref_slice %arg3[%add3A_139] : memref<1327104xf32, #tpu.memory_space<hbm>> -> memref<27648xf32, #tpu.memory_space<hbm>>
          tpu.enqueue_dma source(%dma_start3A_154 : memref<27648xf32, #tpu.memory_space<hbm>>) target(%dma_start3A_153 : memref<27648xf32, #tpu.memory_space<vmem>>) target_semaphore(%run_scoped3A_149 : memref<!tpu.dma_semaphore, #tpu.memory_space<semaphore_mem>>)
          %dma_wait3A = arith.constant 55296 : i32
          %dma_wait3A_155 = tpu.memref_slice %arg7[%dma_wait3A] : memref<110592xf32, #tpu.memory_space<vmem>> -> memref<27648xf32, #tpu.memory_space<vmem>>
          %dma_wait3A_156 = tpu.memref_slice %arg3[%add3A_139] : memref<1327104xf32, #tpu.memory_space<hbm>> -> memref<27648xf32, #tpu.memory_space<hbm>>
          %dma_wait3A_157 = arith.constant 55296 : i32
          %dma_wait3A_158 = tpu.memref_slice %arg7[%dma_wait3A_157] : memref<110592xf32, #tpu.memory_space<vmem>> -> memref<27648xf32, #tpu.memory_space<vmem>>
          %dma_wait3A_159 = tpu.memref_slice %arg3[%add3A_139] : memref<1327104xf32, #tpu.memory_space<hbm>> -> memref<27648xf32, #tpu.memory_space<hbm>>
          tpu.wait_dma2 semaphore(%run_scoped3A_149 : memref<!tpu.dma_semaphore, #tpu.memory_space<semaphore_mem>>) src(%dma_wait3A_159 : memref<27648xf32, #tpu.memory_space<hbm>>) dst(%dma_wait3A_158 : memref<27648xf32, #tpu.memory_space<vmem>>)
          tpu.yield
        }) : () -> ()
        %mul3A_140 = arith.constant 2 : i32
        %mul3A_141 = arith.muli %select_n3A_109, %mul3A_140 : i32
        %add3A_142 = arith.constant 1 : i32
        %add3A_143 = arith.addi %mul3A_141, %add3A_142 : i32
        %mul3A_144 = arith.constant 331776 : i32
        %mul3A_145 = arith.muli %add3A_143, %mul3A_144 : i32
        %mul3A_146 = arith.constant 27648 : i32
        %mul3A_147 = arith.muli %sub3A_112, %mul3A_146 : i32
        %add3A_148 = arith.addi %mul3A_145, %mul3A_147 : i32
        "tpu.region"() ({
          %run_scoped3A_149 = tpu.sem_alloc : memref<!tpu.dma_semaphore, #tpu.memory_space<semaphore_mem>>
          %dma_start3A = arith.constant 27648 : i32
          %dma_start3A_150 = tpu.memref_slice %arg7[%dma_start3A] : memref<110592xf32, #tpu.memory_space<vmem>> -> memref<27648xf32, #tpu.memory_space<vmem>>
          %dma_start3A_151 = tpu.memref_slice %arg2[%add3A_148] : memref<1327104xf32, #tpu.memory_space<hbm>> -> memref<27648xf32, #tpu.memory_space<hbm>>
          %dma_start3A_152 = arith.constant 27648 : i32
          %dma_start3A_153 = tpu.memref_slice %arg7[%dma_start3A_152] : memref<110592xf32, #tpu.memory_space<vmem>> -> memref<27648xf32, #tpu.memory_space<vmem>>
          %dma_start3A_154 = tpu.memref_slice %arg2[%add3A_148] : memref<1327104xf32, #tpu.memory_space<hbm>> -> memref<27648xf32, #tpu.memory_space<hbm>>
          tpu.enqueue_dma source(%dma_start3A_154 : memref<27648xf32, #tpu.memory_space<hbm>>) target(%dma_start3A_153 : memref<27648xf32, #tpu.memory_space<vmem>>) target_semaphore(%run_scoped3A_149 : memref<!tpu.dma_semaphore, #tpu.memory_space<semaphore_mem>>)
          %dma_wait3A = arith.constant 27648 : i32
          %dma_wait3A_155 = tpu.memref_slice %arg7[%dma_wait3A] : memref<110592xf32, #tpu.memory_space<vmem>> -> memref<27648xf32, #tpu.memory_space<vmem>>
          %dma_wait3A_156 = tpu.memref_slice %arg2[%add3A_148] : memref<1327104xf32, #tpu.memory_space<hbm>> -> memref<27648xf32, #tpu.memory_space<hbm>>
          %dma_wait3A_157 = arith.constant 27648 : i32
          %dma_wait3A_158 = tpu.memref_slice %arg7[%dma_wait3A_157] : memref<110592xf32, #tpu.memory_space<vmem>> -> memref<27648xf32, #tpu.memory_space<vmem>>
          %dma_wait3A_159 = tpu.memref_slice %arg2[%add3A_148] : memref<1327104xf32, #tpu.memory_space<hbm>> -> memref<27648xf32, #tpu.memory_space<hbm>>
          tpu.wait_dma2 semaphore(%run_scoped3A_149 : memref<!tpu.dma_semaphore, #tpu.memory_space<semaphore_mem>>) src(%dma_wait3A_159 : memref<27648xf32, #tpu.memory_space<hbm>>) dst(%dma_wait3A_158 : memref<27648xf32, #tpu.memory_space<vmem>>)
          tpu.yield
        }) : () -> ()
        "tpu.region"() ({
          %run_scoped3A_149 = tpu.sem_alloc : memref<!tpu.dma_semaphore, #tpu.memory_space<semaphore_mem>>
          %dma_start3A = arith.constant 82944 : i32
          %dma_start3A_150 = tpu.memref_slice %arg7[%dma_start3A] : memref<110592xf32, #tpu.memory_space<vmem>> -> memref<27648xf32, #tpu.memory_space<vmem>>
          %dma_start3A_151 = tpu.memref_slice %arg3[%add3A_148] : memref<1327104xf32, #tpu.memory_space<hbm>> -> memref<27648xf32, #tpu.memory_space<hbm>>
          %dma_start3A_152 = arith.constant 82944 : i32
          %dma_start3A_153 = tpu.memref_slice %arg7[%dma_start3A_152] : memref<110592xf32, #tpu.memory_space<vmem>> -> memref<27648xf32, #tpu.memory_space<vmem>>
          %dma_start3A_154 = tpu.memref_slice %arg3[%add3A_148] : memref<1327104xf32, #tpu.memory_space<hbm>> -> memref<27648xf32, #tpu.memory_space<hbm>>
          tpu.enqueue_dma source(%dma_start3A_154 : memref<27648xf32, #tpu.memory_space<hbm>>) target(%dma_start3A_153 : memref<27648xf32, #tpu.memory_space<vmem>>) target_semaphore(%run_scoped3A_149 : memref<!tpu.dma_semaphore, #tpu.memory_space<semaphore_mem>>)
          %dma_wait3A = arith.constant 82944 : i32
          %dma_wait3A_155 = tpu.memref_slice %arg7[%dma_wait3A] : memref<110592xf32, #tpu.memory_space<vmem>> -> memref<27648xf32, #tpu.memory_space<vmem>>
          %dma_wait3A_156 = tpu.memref_slice %arg3[%add3A_148] : memref<1327104xf32, #tpu.memory_space<hbm>> -> memref<27648xf32, #tpu.memory_space<hbm>>
          %dma_wait3A_157 = arith.constant 82944 : i32
          %dma_wait3A_158 = tpu.memref_slice %arg7[%dma_wait3A_157] : memref<110592xf32, #tpu.memory_space<vmem>> -> memref<27648xf32, #tpu.memory_space<vmem>>
          %dma_wait3A_159 = tpu.memref_slice %arg3[%add3A_148] : memref<1327104xf32, #tpu.memory_space<hbm>> -> memref<27648xf32, #tpu.memory_space<hbm>>
          tpu.wait_dma2 semaphore(%run_scoped3A_149 : memref<!tpu.dma_semaphore, #tpu.memory_space<semaphore_mem>>) src(%dma_wait3A_159 : memref<27648xf32, #tpu.memory_space<hbm>>) dst(%dma_wait3A_158 : memref<27648xf32, #tpu.memory_space<vmem>>)
          tpu.yield
        }) : () -> ()
      } else {
      }
      %mul3A_115 = arith.constant 256 : i32
      %mul3A_116 = arith.muli %sub3A_85, %mul3A_115 : i32
      %run_scoped3A = arith.constant 0 : i32
      %run_scoped3A_117 = arith.constant 0 : i32
      "tpu.region"() ({
        %run_scoped3A_131 = tpu.sem_alloc : memref<!tpu.dma_semaphore, #tpu.memory_space<semaphore_mem>>
        %dma_start3A = arith.constant 0 : i32
        %dma_start3A_132 = arith.constant 0 : i32
        %dma_start3A_133 = arith.constant 0 : i32
        %dma_start3A_134 = tpu.memref_slice %arg8[%run_scoped3A_117, %dma_start3A, %dma_start3A_132, %dma_start3A_133] : memref<2x9x2x256xf32, #tpu.memory_space<vmem>> -> memref<1x9x2x256xf32, #tpu.memory_space<vmem>>
        %dma_start3A_135 = tpu.memref_squeeze %dma_start3A_134 : memref<1x9x2x256xf32, #tpu.memory_space<vmem>> -> memref<9x2x256xf32, #tpu.memory_space<vmem>>
        %dma_start3A_136 = arith.constant 0 : i32
        %dma_start3A_137 = arith.constant 0 : i32
        %dma_start3A_138 = tpu.memref_slice %arg5[%select_n3A_109, %run_scoped3A, %sub3A_112, %dma_start3A_136, %dma_start3A_137, %mul3A_116] : memref<2x2x12x9x2x2304xf32, #tpu.memory_space<hbm>> -> memref<1x1x1x9x2x256xf32, #tpu.memory_space<hbm>>
        %dma_start3A_139 = tpu.memref_squeeze %dma_start3A_138 : memref<1x1x1x9x2x256xf32, #tpu.memory_space<hbm>> -> memref<9x2x256xf32, #tpu.memory_space<hbm>>
        %dma_start3A_140 = arith.constant 0 : i32
        %dma_start3A_141 = arith.constant 0 : i32
        %dma_start3A_142 = arith.constant 0 : i32
        %dma_start3A_143 = tpu.memref_slice %arg8[%run_scoped3A_117, %dma_start3A_140, %dma_start3A_141, %dma_start3A_142] : memref<2x9x2x256xf32, #tpu.memory_space<vmem>> -> memref<1x9x2x256xf32, #tpu.memory_space<vmem>>
        %dma_start3A_144 = tpu.memref_squeeze %dma_start3A_143 : memref<1x9x2x256xf32, #tpu.memory_space<vmem>> -> memref<9x2x256xf32, #tpu.memory_space<vmem>>
        %dma_start3A_145 = arith.constant 0 : i32
        %dma_start3A_146 = arith.constant 0 : i32
        %dma_start3A_147 = tpu.memref_slice %arg5[%select_n3A_109, %run_scoped3A, %sub3A_112, %dma_start3A_145, %dma_start3A_146, %mul3A_116] : memref<2x2x12x9x2x2304xf32, #tpu.memory_space<hbm>> -> memref<1x1x1x9x2x256xf32, #tpu.memory_space<hbm>>
        %dma_start3A_148 = tpu.memref_squeeze %dma_start3A_147 : memref<1x1x1x9x2x256xf32, #tpu.memory_space<hbm>> -> memref<9x2x256xf32, #tpu.memory_space<hbm>>
        tpu.enqueue_dma source(%dma_start3A_148 : memref<9x2x256xf32, #tpu.memory_space<hbm>>) target(%dma_start3A_144 : memref<9x2x256xf32, #tpu.memory_space<vmem>>) target_semaphore(%run_scoped3A_131 : memref<!tpu.dma_semaphore, #tpu.memory_space<semaphore_mem>>)
        %dma_wait3A = arith.constant 0 : i32
        %dma_wait3A_149 = arith.constant 0 : i32
        %dma_wait3A_150 = arith.constant 0 : i32
        %dma_wait3A_151 = tpu.memref_slice %arg8[%run_scoped3A_117, %dma_wait3A, %dma_wait3A_149, %dma_wait3A_150] : memref<2x9x2x256xf32, #tpu.memory_space<vmem>> -> memref<1x9x2x256xf32, #tpu.memory_space<vmem>>
        %dma_wait3A_152 = tpu.memref_squeeze %dma_wait3A_151 : memref<1x9x2x256xf32, #tpu.memory_space<vmem>> -> memref<9x2x256xf32, #tpu.memory_space<vmem>>
        %dma_wait3A_153 = arith.constant 0 : i32
        %dma_wait3A_154 = arith.constant 0 : i32
        %dma_wait3A_155 = tpu.memref_slice %arg5[%select_n3A_109, %run_scoped3A, %sub3A_112, %dma_wait3A_153, %dma_wait3A_154, %mul3A_116] : memref<2x2x12x9x2x2304xf32, #tpu.memory_space<hbm>> -> memref<1x1x1x9x2x256xf32, #tpu.memory_space<hbm>>
        %dma_wait3A_156 = tpu.memref_squeeze %dma_wait3A_155 : memref<1x1x1x9x2x256xf32, #tpu.memory_space<hbm>> -> memref<9x2x256xf32, #tpu.memory_space<hbm>>
        %dma_wait3A_157 = arith.constant 0 : i32
        %dma_wait3A_158 = arith.constant 0 : i32
        %dma_wait3A_159 = arith.constant 0 : i32
        %dma_wait3A_160 = tpu.memref_slice %arg8[%run_scoped3A_117, %dma_wait3A_157, %dma_wait3A_158, %dma_wait3A_159] : memref<2x9x2x256xf32, #tpu.memory_space<vmem>> -> memref<1x9x2x256xf32, #tpu.memory_space<vmem>>
        %dma_wait3A_161 = tpu.memref_squeeze %dma_wait3A_160 : memref<1x9x2x256xf32, #tpu.memory_space<vmem>> -> memref<9x2x256xf32, #tpu.memory_space<vmem>>
        %dma_wait3A_162 = arith.constant 0 : i32
        %dma_wait3A_163 = arith.constant 0 : i32
        %dma_wait3A_164 = tpu.memref_slice %arg5[%select_n3A_109, %run_scoped3A, %sub3A_112, %dma_wait3A_162, %dma_wait3A_163, %mul3A_116] : memref<2x2x12x9x2x2304xf32, #tpu.memory_space<hbm>> -> memref<1x1x1x9x2x256xf32, #tpu.memory_space<hbm>>
        %dma_wait3A_165 = tpu.memref_squeeze %dma_wait3A_164 : memref<1x1x1x9x2x256xf32, #tpu.memory_space<hbm>> -> memref<9x2x256xf32, #tpu.memory_space<hbm>>
        tpu.wait_dma2 semaphore(%run_scoped3A_131 : memref<!tpu.dma_semaphore, #tpu.memory_space<semaphore_mem>>) src(%dma_wait3A_165 : memref<9x2x256xf32, #tpu.memory_space<hbm>>) dst(%dma_wait3A_161 : memref<9x2x256xf32, #tpu.memory_space<vmem>>)
        tpu.yield
      }) : () -> ()
      %mul3A_118 = arith.constant 256 : i32
      %mul3A_119 = arith.muli %sub3A_85, %mul3A_118 : i32
      %run_scoped3A_120 = arith.constant 1 : i32
      %run_scoped3A_121 = arith.constant 1 : i32
      "tpu.region"() ({
        %run_scoped3A_131 = tpu.sem_alloc : memref<!tpu.dma_semaphore, #tpu.memory_space<semaphore_mem>>
        %dma_start3A = arith.constant 0 : i32
        %dma_start3A_132 = arith.constant 0 : i32
        %dma_start3A_133 = arith.constant 0 : i32
        %dma_start3A_134 = tpu.memref_slice %arg8[%run_scoped3A_121, %dma_start3A, %dma_start3A_132, %dma_start3A_133] : memref<2x9x2x256xf32, #tpu.memory_space<vmem>> -> memref<1x9x2x256xf32, #tpu.memory_space<vmem>>
        %dma_start3A_135 = tpu.memref_squeeze %dma_start3A_134 : memref<1x9x2x256xf32, #tpu.memory_space<vmem>> -> memref<9x2x256xf32, #tpu.memory_space<vmem>>
        %dma_start3A_136 = arith.constant 0 : i32
        %dma_start3A_137 = arith.constant 0 : i32
        %dma_start3A_138 = tpu.memref_slice %arg5[%select_n3A_109, %run_scoped3A_120, %sub3A_112, %dma_start3A_136, %dma_start3A_137, %mul3A_119] : memref<2x2x12x9x2x2304xf32, #tpu.memory_space<hbm>> -> memref<1x1x1x9x2x256xf32, #tpu.memory_space<hbm>>
        %dma_start3A_139 = tpu.memref_squeeze %dma_start3A_138 : memref<1x1x1x9x2x256xf32, #tpu.memory_space<hbm>> -> memref<9x2x256xf32, #tpu.memory_space<hbm>>
        %dma_start3A_140 = arith.constant 0 : i32
        %dma_start3A_141 = arith.constant 0 : i32
        %dma_start3A_142 = arith.constant 0 : i32
        %dma_start3A_143 = tpu.memref_slice %arg8[%run_scoped3A_121, %dma_start3A_140, %dma_start3A_141, %dma_start3A_142] : memref<2x9x2x256xf32, #tpu.memory_space<vmem>> -> memref<1x9x2x256xf32, #tpu.memory_space<vmem>>
        %dma_start3A_144 = tpu.memref_squeeze %dma_start3A_143 : memref<1x9x2x256xf32, #tpu.memory_space<vmem>> -> memref<9x2x256xf32, #tpu.memory_space<vmem>>
        %dma_start3A_145 = arith.constant 0 : i32
        %dma_start3A_146 = arith.constant 0 : i32
        %dma_start3A_147 = tpu.memref_slice %arg5[%select_n3A_109, %run_scoped3A_120, %sub3A_112, %dma_start3A_145, %dma_start3A_146, %mul3A_119] : memref<2x2x12x9x2x2304xf32, #tpu.memory_space<hbm>> -> memref<1x1x1x9x2x256xf32, #tpu.memory_space<hbm>>
        %dma_start3A_148 = tpu.memref_squeeze %dma_start3A_147 : memref<1x1x1x9x2x256xf32, #tpu.memory_space<hbm>> -> memref<9x2x256xf32, #tpu.memory_space<hbm>>
        tpu.enqueue_dma source(%dma_start3A_148 : memref<9x2x256xf32, #tpu.memory_space<hbm>>) target(%dma_start3A_144 : memref<9x2x256xf32, #tpu.memory_space<vmem>>) target_semaphore(%run_scoped3A_131 : memref<!tpu.dma_semaphore, #tpu.memory_space<semaphore_mem>>)
        %dma_wait3A = arith.constant 0 : i32
        %dma_wait3A_149 = arith.constant 0 : i32
        %dma_wait3A_150 = arith.constant 0 : i32
        %dma_wait3A_151 = tpu.memref_slice %arg8[%run_scoped3A_121, %dma_wait3A, %dma_wait3A_149, %dma_wait3A_150] : memref<2x9x2x256xf32, #tpu.memory_space<vmem>> -> memref<1x9x2x256xf32, #tpu.memory_space<vmem>>
        %dma_wait3A_152 = tpu.memref_squeeze %dma_wait3A_151 : memref<1x9x2x256xf32, #tpu.memory_space<vmem>> -> memref<9x2x256xf32, #tpu.memory_space<vmem>>
        %dma_wait3A_153 = arith.constant 0 : i32
        %dma_wait3A_154 = arith.constant 0 : i32
        %dma_wait3A_155 = tpu.memref_slice %arg5[%select_n3A_109, %run_scoped3A_120, %sub3A_112, %dma_wait3A_153, %dma_wait3A_154, %mul3A_119] : memref<2x2x12x9x2x2304xf32, #tpu.memory_space<hbm>> -> memref<1x1x1x9x2x256xf32, #tpu.memory_space<hbm>>
        %dma_wait3A_156 = tpu.memref_squeeze %dma_wait3A_155 : memref<1x1x1x9x2x256xf32, #tpu.memory_space<hbm>> -> memref<9x2x256xf32, #tpu.memory_space<hbm>>
        %dma_wait3A_157 = arith.constant 0 : i32
        %dma_wait3A_158 = arith.constant 0 : i32
        %dma_wait3A_159 = arith.constant 0 : i32
        %dma_wait3A_160 = tpu.memref_slice %arg8[%run_scoped3A_121, %dma_wait3A_157, %dma_wait3A_158, %dma_wait3A_159] : memref<2x9x2x256xf32, #tpu.memory_space<vmem>> -> memref<1x9x2x256xf32, #tpu.memory_space<vmem>>
        %dma_wait3A_161 = tpu.memref_squeeze %dma_wait3A_160 : memref<1x9x2x256xf32, #tpu.memory_space<vmem>> -> memref<9x2x256xf32, #tpu.memory_space<vmem>>
        %dma_wait3A_162 = arith.constant 0 : i32
        %dma_wait3A_163 = arith.constant 0 : i32
        %dma_wait3A_164 = tpu.memref_slice %arg5[%select_n3A_109, %run_scoped3A_120, %sub3A_112, %dma_wait3A_162, %dma_wait3A_163, %mul3A_119] : memref<2x2x12x9x2x2304xf32, #tpu.memory_space<hbm>> -> memref<1x1x1x9x2x256xf32, #tpu.memory_space<hbm>>
        %dma_wait3A_165 = tpu.memref_squeeze %dma_wait3A_164 : memref<1x1x1x9x2x256xf32, #tpu.memory_space<hbm>> -> memref<9x2x256xf32, #tpu.memory_space<hbm>>
        tpu.wait_dma2 semaphore(%run_scoped3A_131 : memref<!tpu.dma_semaphore, #tpu.memory_space<semaphore_mem>>) src(%dma_wait3A_165 : memref<9x2x256xf32, #tpu.memory_space<hbm>>) dst(%dma_wait3A_161 : memref<9x2x256xf32, #tpu.memory_space<vmem>>)
        tpu.yield
      }) : () -> ()
      %mul3A_122 = arith.constant 256 : i32
      %mul3A_123 = arith.muli %sub3A_85, %mul3A_122 : i32
      "tpu.region"() ({
        %run_scoped3A_131 = tpu.sem_alloc : memref<!tpu.dma_semaphore, #tpu.memory_space<semaphore_mem>>
        %dma_start3A = arith.constant 0 : i32
        %dma_start3A_132 = tpu.memref_slice %arg4[%select_n3A_109, %sub3A_112, %dma_start3A, %mul3A_123] : memref<2x12x12x2304xf32, #tpu.memory_space<hbm>> -> memref<1x1x12x256xf32, #tpu.memory_space<hbm>>
        %dma_start3A_133 = tpu.memref_squeeze %dma_start3A_132 : memref<1x1x12x256xf32, #tpu.memory_space<hbm>> -> memref<12x256xf32, #tpu.memory_space<hbm>>
        %dma_start3A_134 = arith.constant 0 : i32
        %dma_start3A_135 = tpu.memref_slice %arg4[%select_n3A_109, %sub3A_112, %dma_start3A_134, %mul3A_123] : memref<2x12x12x2304xf32, #tpu.memory_space<hbm>> -> memref<1x1x12x256xf32, #tpu.memory_space<hbm>>
        %dma_start3A_136 = tpu.memref_squeeze %dma_start3A_135 : memref<1x1x12x256xf32, #tpu.memory_space<hbm>> -> memref<12x256xf32, #tpu.memory_space<hbm>>
        tpu.enqueue_dma source(%dma_start3A_136 : memref<12x256xf32, #tpu.memory_space<hbm>>) target(%arg9 : memref<12x256xf32, #tpu.memory_space<vmem>>) target_semaphore(%run_scoped3A_131 : memref<!tpu.dma_semaphore, #tpu.memory_space<semaphore_mem>>)
        %dma_wait3A = arith.constant 0 : i32
        %dma_wait3A_137 = tpu.memref_slice %arg4[%select_n3A_109, %sub3A_112, %dma_wait3A, %mul3A_123] : memref<2x12x12x2304xf32, #tpu.memory_space<hbm>> -> memref<1x1x12x256xf32, #tpu.memory_space<hbm>>
        %dma_wait3A_138 = tpu.memref_squeeze %dma_wait3A_137 : memref<1x1x12x256xf32, #tpu.memory_space<hbm>> -> memref<12x256xf32, #tpu.memory_space<hbm>>
        %dma_wait3A_139 = arith.constant 0 : i32
        %dma_wait3A_140 = tpu.memref_slice %arg4[%select_n3A_109, %sub3A_112, %dma_wait3A_139, %mul3A_123] : memref<2x12x12x2304xf32, #tpu.memory_space<hbm>> -> memref<1x1x12x256xf32, #tpu.memory_space<hbm>>
        %dma_wait3A_141 = tpu.memref_squeeze %dma_wait3A_140 : memref<1x1x12x256xf32, #tpu.memory_space<hbm>> -> memref<12x256xf32, #tpu.memory_space<hbm>>
        tpu.wait_dma2 semaphore(%run_scoped3A_131 : memref<!tpu.dma_semaphore, #tpu.memory_space<semaphore_mem>>) src(%dma_wait3A_141 : memref<12x256xf32, #tpu.memory_space<hbm>>) dst(%arg9 : memref<12x256xf32, #tpu.memory_space<vmem>>)
        tpu.yield
      }) : () -> ()
      %scan3A = arith.constant 0 : i32
      %scan3A_124 = arith.constant 0 : i32
      %scan3A_125 = arith.constant 16 : i32
      %scan3A_126 = arith.addi %scan3A_124, %scan3A_125 : i32
      %scan3A_127 = arith.constant 1 : i32
      scf.for %scan3A_131 = %scan3A_124 to %scan3A_126 step %scan3A_127  : i32 {
        %mul3A_132 = arith.constant 16 : i32
        %mul3A_133 = arith.muli %scan3A_131, %mul3A_132 : i32
        %mul3A_134 = arith.constant 256 : i32
        %mul3A_135 = arith.muli %sub3A_85, %mul3A_134 : i32
        %add3A_136 = arith.addi %mul3A_135, %mul3A_133 : i32
        %iota3A = tpu.iota {dimensions = array<i32: 0>} : vector<16xi32>
        %add3A_137 = vector.broadcast %add3A_136 : i32 to vector<16xi32>
        %add3A_138 = arith.addi %add3A_137, %iota3A : vector<16xi32>
        %jit3A_139 = arith.constant 48 : i32
        %div3A_140 = vector.broadcast %jit3A_139 : i32 to vector<16xi32>
        %div3A_141 = arith.divsi %add3A_138, %div3A_140 : vector<16xi32>
        %sign3A_142 = arith.constant 0 : i32
        %sign3A_143 = vector.broadcast %sign3A_142 : i32 to vector<16xi32>
        %sign3A_144 = arith.cmpi sgt, %add3A_138, %sign3A_143 : vector<16xi32>
        %sign3A_145 = arith.extui %sign3A_144 : vector<16xi1> to vector<16xi32>
        %sign3A_146 = arith.constant 0 : i32
        %sign3A_147 = vector.broadcast %sign3A_146 : i32 to vector<16xi32>
        %sign3A_148 = arith.cmpi slt, %add3A_138, %sign3A_147 : vector<16xi32>
        %sign3A_149 = arith.extui %sign3A_148 : vector<16xi1> to vector<16xi32>
        %sign3A_150 = arith.subi %sign3A_145, %sign3A_149 : vector<16xi32>
        %sign3A_151 = arith.constant 0 : i32
        %sign3A_152 = arith.cmpi sgt, %jit3A_139, %sign3A_151 : i32
        %sign3A_153 = arith.extui %sign3A_152 : i1 to i32
        %sign3A_154 = arith.constant 0 : i32
        %sign3A_155 = arith.cmpi slt, %jit3A_139, %sign3A_154 : i32
        %sign3A_156 = arith.extui %sign3A_155 : i1 to i32
        %sign3A_157 = arith.subi %sign3A_153, %sign3A_156 : i32
        %ne3A_158 = vector.broadcast %sign3A_157 : i32 to vector<16xi32>
        %ne3A_159 = arith.cmpi ne, %sign3A_150, %ne3A_158 : vector<16xi32>
        %rem3A_160 = vector.broadcast %jit3A_139 : i32 to vector<16xi32>
        %rem3A_161 = arith.remsi %add3A_138, %rem3A_160 : vector<16xi32>
        %ne3A_162 = arith.constant 0 : i32
        %ne3A_163 = vector.broadcast %ne3A_162 : i32 to vector<16xi32>
        %ne3A_164 = arith.cmpi ne, %rem3A_161, %ne3A_163 : vector<16xi32>
        %and3A_165 = arith.andi %ne3A_159, %ne3A_164 : vector<16xi1>
        %sub3A_166 = arith.constant 1 : i32
        %sub3A_167 = vector.broadcast %sub3A_166 : i32 to vector<16xi32>
        %sub3A_168 = arith.subi %div3A_141, %sub3A_167 : vector<16xi32>
        %select_n3A_169 = arith.select %and3A_165, %sub3A_168, %div3A_141 : vector<16xi1>, vector<16xi32>
        %mul3A_170 = arith.constant 48 : i32
        %mul3A_171 = vector.broadcast %mul3A_170 : i32 to vector<16xi32>
        %mul3A_172 = arith.muli %select_n3A_169, %mul3A_171 : vector<16xi32>
        %sub3A_173 = arith.subi %add3A_138, %mul3A_172 : vector<16xi32>
        %get3A = arith.constant 0 : i32
        %get3A_174 = arith.index_cast %get3A : i32 to index
        %get3A_175 = arith.index_cast %mul3A_133 : i32 to index
        %get3A_176 = tpu.vector_load %arg9[%get3A_174, %get3A_175] {strides = array<i32>} : memref<12x256xf32, #tpu.memory_space<vmem>>, vector<16xf32>,
        %get3A_177 = arith.constant 1 : i32
        %get3A_178 = arith.index_cast %get3A_177 : i32 to index
        %get3A_179 = arith.index_cast %mul3A_133 : i32 to index
        %get3A_180 = tpu.vector_load %arg9[%get3A_178, %get3A_179] {strides = array<i32>} : memref<12x256xf32, #tpu.memory_space<vmem>>, vector<16xf32>,
        %get3A_181 = arith.constant 2 : i32
        %get3A_182 = arith.index_cast %get3A_181 : i32 to index
        %get3A_183 = arith.index_cast %mul3A_133 : i32 to index
        %get3A_184 = tpu.vector_load %arg9[%get3A_182, %get3A_183] {strides = array<i32>} : memref<12x256xf32, #tpu.memory_space<vmem>>, vector<16xf32>,
        %get3A_185 = arith.constant 3 : i32
        %get3A_186 = arith.index_cast %get3A_185 : i32 to index
        %get3A_187 = arith.index_cast %mul3A_133 : i32 to index
        %get3A_188 = tpu.vector_load %arg9[%get3A_186, %get3A_187] {strides = array<i32>} : memref<12x256xf32, #tpu.memory_space<vmem>>, vector<16xf32>,
        %get3A_189 = arith.constant 4 : i32
        %get3A_190 = arith.index_cast %get3A_189 : i32 to index
        %get3A_191 = arith.index_cast %mul3A_133 : i32 to index
        %get3A_192 = tpu.vector_load %arg9[%get3A_190, %get3A_191] {strides = array<i32>} : memref<12x256xf32, #tpu.memory_space<vmem>>, vector<16xf32>,
        %get3A_193 = arith.constant 5 : i32
        %get3A_194 = arith.index_cast %get3A_193 : i32 to index
        %get3A_195 = arith.index_cast %mul3A_133 : i32 to index
        %get3A_196 = tpu.vector_load %arg9[%get3A_194, %get3A_195] {strides = array<i32>} : memref<12x256xf32, #tpu.memory_space<vmem>>, vector<16xf32>,
        %get3A_197 = arith.constant 6 : i32
        %get3A_198 = arith.index_cast %get3A_197 : i32 to index
        %get3A_199 = arith.index_cast %mul3A_133 : i32 to index
        %get3A_200 = tpu.vector_load %arg9[%get3A_198, %get3A_199] {strides = array<i32>} : memref<12x256xf32, #tpu.memory_space<vmem>>, vector<16xf32>,
        %get3A_201 = arith.constant 7 : i32
        %get3A_202 = arith.index_cast %get3A_201 : i32 to index
        %get3A_203 = arith.index_cast %mul3A_133 : i32 to index
        %get3A_204 = tpu.vector_load %arg9[%get3A_202, %get3A_203] {strides = array<i32>} : memref<12x256xf32, #tpu.memory_space<vmem>>, vector<16xf32>,
        %get3A_205 = arith.constant 8 : i32
        %get3A_206 = arith.index_cast %get3A_205 : i32 to index
        %get3A_207 = arith.index_cast %mul3A_133 : i32 to index
        %get3A_208 = tpu.vector_load %arg9[%get3A_206, %get3A_207] {strides = array<i32>} : memref<12x256xf32, #tpu.memory_space<vmem>>, vector<16xf32>,
        %get3A_209 = arith.constant 9 : i32
        %get3A_210 = arith.index_cast %get3A_209 : i32 to index
        %get3A_211 = arith.index_cast %mul3A_133 : i32 to index
        %get3A_212 = tpu.vector_load %arg9[%get3A_210, %get3A_211] {strides = array<i32>} : memref<12x256xf32, #tpu.memory_space<vmem>>, vector<16xf32>,
        %get3A_213 = arith.constant 10 : i32
        %get3A_214 = arith.index_cast %get3A_213 : i32 to index
        %get3A_215 = arith.index_cast %mul3A_133 : i32 to index
        %get3A_216 = tpu.vector_load %arg9[%get3A_214, %get3A_215] {strides = array<i32>} : memref<12x256xf32, #tpu.memory_space<vmem>>, vector<16xf32>,
        %get3A_217 = arith.constant 11 : i32
        %get3A_218 = arith.index_cast %get3A_217 : i32 to index
        %get3A_219 = arith.index_cast %mul3A_133 : i32 to index
        %get3A_220 = tpu.vector_load %arg9[%get3A_218, %get3A_219] {strides = array<i32>} : memref<12x256xf32, #tpu.memory_space<vmem>>, vector<16xf32>,
        %scan3A_221 = arith.constant 0 : i32
        %scan3A_222 = arith.constant 0 : i32
        %scan3A_223 = arith.constant 9 : i32
        %scan3A_224 = arith.addi %scan3A_222, %scan3A_223 : i32
        %scan3A_225 = arith.constant 1 : i32
        scf.for %scan3A_312 = %scan3A_222 to %scan3A_224 step %scan3A_225  : i32 {
          %add3A_313 = arith.constant 0 : i32
          %add3A_314 = arith.addi %scan3A_312, %add3A_313 : i32
          %jit3A_315 = arith.constant 3 : i32
          %div3A_316 = arith.divsi %scan3A_312, %jit3A_315 : i32
          %sign3A_317 = arith.constant 0 : i32
          %sign3A_318 = arith.cmpi sgt, %scan3A_312, %sign3A_317 : i32
          %sign3A_319 = arith.extui %sign3A_318 : i1 to i32
          %sign3A_320 = arith.constant 0 : i32
          %sign3A_321 = arith.cmpi slt, %scan3A_312, %sign3A_320 : i32
          %sign3A_322 = arith.extui %sign3A_321 : i1 to i32
          %sign3A_323 = arith.subi %sign3A_319, %sign3A_322 : i32
          %sign3A_324 = arith.constant 0 : i32
          %sign3A_325 = arith.cmpi sgt, %jit3A_315, %sign3A_324 : i32
          %sign3A_326 = arith.extui %sign3A_325 : i1 to i32
          %sign3A_327 = arith.constant 0 : i32
          %sign3A_328 = arith.cmpi slt, %jit3A_315, %sign3A_327 : i32
          %sign3A_329 = arith.extui %sign3A_328 : i1 to i32
          %sign3A_330 = arith.subi %sign3A_326, %sign3A_329 : i32
          %ne3A_331 = arith.cmpi ne, %sign3A_323, %sign3A_330 : i32
          %rem3A_332 = arith.remsi %scan3A_312, %jit3A_315 : i32
          %ne3A_333 = arith.constant 0 : i32
          %ne3A_334 = arith.cmpi ne, %rem3A_332, %ne3A_333 : i32
          %and3A_335 = arith.andi %ne3A_331, %ne3A_334 : i1
          %sub3A_336 = arith.constant 1 : i32
          %sub3A_337 = arith.subi %div3A_316, %sub3A_336 : i32
          %select_n3A_338 = arith.select %and3A_335, %sub3A_337, %div3A_316 : i32
          %mul3A_339 = arith.constant 3 : i32
          %mul3A_340 = arith.muli %select_n3A_338, %mul3A_339 : i32
          %sub3A_341 = arith.subi %scan3A_312, %mul3A_340 : i32
          %sub3A_342 = arith.constant 1 : i32
          %sub3A_343 = arith.subi %select_n3A_338, %sub3A_342 : i32
          %add3A_344 = vector.broadcast %sub3A_343 : i32 to vector<16xi32>
          %add3A_345 = arith.addi %select_n3A_169, %add3A_344 : vector<16xi32>
          %convert_element_type3A_346 = arith.sitofp %add3A_345 : vector<16xi32> to vector<16xf32>
          %get3A_347 = arith.constant 0 : i32
          %get3A_348 = arith.constant 0 : i32
          %get3A_349 = arith.index_cast %get3A_347 : i32 to index
          %get3A_350 = arith.index_cast %scan3A_312 : i32 to index
          %get3A_351 = arith.index_cast %get3A_348 : i32 to index
          %get3A_352 = arith.index_cast %mul3A_133 : i32 to index
          %get3A_353 = tpu.vector_load %arg8[%get3A_349, %get3A_350, %get3A_351, %get3A_352] {strides = array<i32>} : memref<2x9x2x256xf32, #tpu.memory_space<vmem>>, vector<16xf32>,
          %add3A_354 = arith.addf %convert_element_type3A_346, %get3A_353 : vector<16xf32>
          %sub3A_355 = arith.constant 1 : i32
          %sub3A_356 = arith.subi %sub3A_341, %sub3A_355 : i32
          %add3A_357 = vector.broadcast %sub3A_356 : i32 to vector<16xi32>
          %add3A_358 = arith.addi %sub3A_173, %add3A_357 : vector<16xi32>
          %convert_element_type3A_359 = arith.sitofp %add3A_358 : vector<16xi32> to vector<16xf32>
          %get3A_360 = arith.constant 0 : i32
          %get3A_361 = arith.constant 1 : i32
          %get3A_362 = arith.index_cast %get3A_360 : i32 to index
          %get3A_363 = arith.index_cast %scan3A_312 : i32 to index
          %get3A_364 = arith.index_cast %get3A_361 : i32 to index
          %get3A_365 = arith.index_cast %mul3A_133 : i32 to index
          %get3A_366 = tpu.vector_load %arg8[%get3A_362, %get3A_363, %get3A_364, %get3A_365] {strides = array<i32>} : memref<2x9x2x256xf32, #tpu.memory_space<vmem>>, vector<16xf32>,
          %add3A_367 = arith.addf %convert_element_type3A_359, %get3A_366 : vector<16xf32>
          %convert_element_type3A_368 = arith.fptosi %add3A_354 : vector<16xf32> to vector<16xi32>
          %convert_element_type3A_369 = arith.sitofp %convert_element_type3A_368 : vector<16xi32> to vector<16xf32>
          %lt3A = arith.cmpf olt, %add3A_354, %convert_element_type3A_369 : vector<16xf32>
          %sub3A_370 = arith.constant 1 : i32
          %sub3A_371 = vector.broadcast %sub3A_370 : i32 to vector<16xi32>
          %sub3A_372 = arith.subi %convert_element_type3A_368, %sub3A_371 : vector<16xi32>
          %select_n3A_373 = arith.select %lt3A, %sub3A_372, %convert_element_type3A_368 : vector<16xi1>, vector<16xi32>
          %convert_element_type3A_374 = arith.fptosi %add3A_367 : vector<16xf32> to vector<16xi32>
          %convert_element_type3A_375 = arith.sitofp %convert_element_type3A_374 : vector<16xi32> to vector<16xf32>
          %lt3A_376 = arith.cmpf olt, %add3A_367, %convert_element_type3A_375 : vector<16xf32>
          %sub3A_377 = arith.constant 1 : i32
          %sub3A_378 = vector.broadcast %sub3A_377 : i32 to vector<16xi32>
          %sub3A_379 = arith.subi %convert_element_type3A_374, %sub3A_378 : vector<16xi32>
          %select_n3A_380 = arith.select %lt3A_376, %sub3A_379, %convert_element_type3A_374 : vector<16xi1>, vector<16xi32>
          %add3A_381 = arith.constant 0 : i32
          %add3A_382 = vector.broadcast %add3A_381 : i32 to vector<16xi32>
          %add3A_383 = arith.addi %select_n3A_373, %add3A_382 : vector<16xi32>
          %add3A_384 = arith.constant 0 : i32
          %add3A_385 = vector.broadcast %add3A_384 : i32 to vector<16xi32>
          %add3A_386 = arith.addi %select_n3A_380, %add3A_385 : vector<16xi32>
          %convert_element_type3A_387 = arith.sitofp %add3A_383 : vector<16xi32> to vector<16xf32>
          %sub3A_388 = arith.subf %add3A_354, %convert_element_type3A_387 : vector<16xf32>
          %abs3A = math.absf %sub3A_388 : vector<16xf32>
          %sub3A_389 = arith.constant 1.000000e+00 : f32
          %sub3A_390 = vector.broadcast %sub3A_389 : f32 to vector<16xf32>
          %sub3A_391 = arith.subf %sub3A_390, %abs3A : vector<16xf32>
          %convert_element_type3A_392 = arith.sitofp %add3A_386 : vector<16xi32> to vector<16xf32>
          %sub3A_393 = arith.subf %add3A_367, %convert_element_type3A_392 : vector<16xf32>
          %abs3A_394 = math.absf %sub3A_393 : vector<16xf32>
          %sub3A_395 = arith.constant 1.000000e+00 : f32
          %sub3A_396 = vector.broadcast %sub3A_395 : f32 to vector<16xf32>
          %sub3A_397 = arith.subf %sub3A_396, %abs3A_394 : vector<16xf32>
          %ge3A = arith.constant 0 : i32
          %ge3A_398 = vector.broadcast %ge3A : i32 to vector<16xi32>
          %ge3A_399 = arith.cmpi sge, %add3A_383, %ge3A_398 : vector<16xi32>
          %le3A = arith.constant 47 : i32
          %le3A_400 = vector.broadcast %le3A : i32 to vector<16xi32>
          %le3A_401 = arith.cmpi sle, %add3A_383, %le3A_400 : vector<16xi32>
          %and3A_402 = arith.andi %ge3A_399, %le3A_401 : vector<16xi1>
          %ge3A_403 = arith.constant 0 : i32
          %ge3A_404 = vector.broadcast %ge3A_403 : i32 to vector<16xi32>
          %ge3A_405 = arith.cmpi sge, %add3A_386, %ge3A_404 : vector<16xi32>
          %and3A_406 = arith.andi %and3A_402, %ge3A_405 : vector<16xi1>
          %le3A_407 = arith.constant 47 : i32
          %le3A_408 = vector.broadcast %le3A_407 : i32 to vector<16xi32>
          %le3A_409 = arith.cmpi sle, %add3A_386, %le3A_408 : vector<16xi32>
          %and3A_410 = arith.andi %and3A_406, %le3A_409 : vector<16xi1>
          %mul3A_411 = arith.mulf %sub3A_391, %sub3A_397 : vector<16xf32>
          %jit3A_412 = arith.constant 0.000000e+00 : f32
          %broadcast_in_dim3A_413 = vector.broadcast %jit3A_412 : f32 to vector<16xf32>
          %select_n3A_414 = arith.select %and3A_410, %mul3A_411, %broadcast_in_dim3A_413 : vector<16xi1>, vector<16xf32>
          %jit3A_415 = arith.constant 0 : i32
          %jit3A_416 = arith.constant 47 : i32
          %max3A = vector.broadcast %jit3A_415 : i32 to vector<16xi32>
          %max3A_417 = arith.maxsi %max3A, %add3A_383 : vector<16xi32>
          %min3A = vector.broadcast %jit3A_416 : i32 to vector<16xi32>
          %min3A_418 = arith.minsi %min3A, %max3A_417 : vector<16xi32>
          %jit3A_419 = arith.constant 0 : i32
          %jit3A_420 = arith.constant 47 : i32
          %max3A_421 = vector.broadcast %jit3A_419 : i32 to vector<16xi32>
          %max3A_422 = arith.maxsi %max3A_421, %add3A_386 : vector<16xi32>
          %min3A_423 = vector.broadcast %jit3A_420 : i32 to vector<16xi32>
          %min3A_424 = arith.minsi %min3A_423, %max3A_422 : vector<16xi32>
          %mul3A_425 = arith.constant 48 : i32
          %mul3A_426 = vector.broadcast %mul3A_425 : i32 to vector<16xi32>
          %mul3A_427 = arith.muli %min3A_418, %mul3A_426 : vector<16xi32>
          %add3A_428 = arith.addi %mul3A_427, %min3A_424 : vector<16xi32>
          %mul3A_429 = arith.constant 4 : i32
          %mul3A_430 = arith.muli %add3A_314, %mul3A_429 : i32
          %add3A_431 = arith.constant 0 : i32
          %add3A_432 = arith.addi %mul3A_430, %add3A_431 : i32
          %mul3A_433 = arith.constant 16 : i32
          %mul3A_434 = arith.muli %add3A_432, %mul3A_433 : i32
          %swap3A_435 = arith.index_cast %mul3A_434 : i32 to index
          %swap3A_436 = tpu.vector_load %arg11[%swap3A_435] {strides = array<i32>} : memref<1152xf32, #tpu.memory_space<vmem>>, vector<16xf32>,
          tpu.vector_store %arg11[%swap3A_435], %select_n3A_414 {strides = array<i32>} : memref<1152xf32, #tpu.memory_space<vmem>>, vector<16xf32>,
          %mul3A_437 = arith.constant 4 : i32
          %mul3A_438 = arith.muli %add3A_314, %mul3A_437 : i32
          %add3A_439 = arith.constant 0 : i32
          %add3A_440 = arith.addi %mul3A_438, %add3A_439 : i32
          %mul3A_441 = arith.constant 16 : i32
          %mul3A_442 = arith.muli %add3A_440, %mul3A_441 : i32
          %swap3A_443 = arith.index_cast %mul3A_442 : i32 to index
          %swap3A_444 = tpu.vector_load %arg12[%swap3A_443] {strides = array<i32>} : memref<1152xi32, #tpu.memory_space<vmem>>, vector<16xi32>,
          tpu.vector_store %arg12[%swap3A_443], %add3A_428 {strides = array<i32>} : memref<1152xi32, #tpu.memory_space<vmem>>, vector<16xi32>,
          %add3A_445 = arith.constant 0 : i32
          %add3A_446 = vector.broadcast %add3A_445 : i32 to vector<16xi32>
          %add3A_447 = arith.addi %select_n3A_373, %add3A_446 : vector<16xi32>
          %add3A_448 = arith.constant 1 : i32
          %add3A_449 = vector.broadcast %add3A_448 : i32 to vector<16xi32>
          %add3A_450 = arith.addi %select_n3A_380, %add3A_449 : vector<16xi32>
          %convert_element_type3A_451 = arith.sitofp %add3A_447 : vector<16xi32> to vector<16xf32>
          %sub3A_452 = arith.subf %add3A_354, %convert_element_type3A_451 : vector<16xf32>
          %abs3A_453 = math.absf %sub3A_452 : vector<16xf32>
          %sub3A_454 = arith.constant 1.000000e+00 : f32
          %sub3A_455 = vector.broadcast %sub3A_454 : f32 to vector<16xf32>
          %sub3A_456 = arith.subf %sub3A_455, %abs3A_453 : vector<16xf32>
          %convert_element_type3A_457 = arith.sitofp %add3A_450 : vector<16xi32> to vector<16xf32>
          %sub3A_458 = arith.subf %add3A_367, %convert_element_type3A_457 : vector<16xf32>
          %abs3A_459 = math.absf %sub3A_458 : vector<16xf32>
          %sub3A_460 = arith.constant 1.000000e+00 : f32
          %sub3A_461 = vector.broadcast %sub3A_460 : f32 to vector<16xf32>
          %sub3A_462 = arith.subf %sub3A_461, %abs3A_459 : vector<16xf32>
          %ge3A_463 = arith.constant 0 : i32
          %ge3A_464 = vector.broadcast %ge3A_463 : i32 to vector<16xi32>
          %ge3A_465 = arith.cmpi sge, %add3A_447, %ge3A_464 : vector<16xi32>
          %le3A_466 = arith.constant 47 : i32
          %le3A_467 = vector.broadcast %le3A_466 : i32 to vector<16xi32>
          %le3A_468 = arith.cmpi sle, %add3A_447, %le3A_467 : vector<16xi32>
          %and3A_469 = arith.andi %ge3A_465, %le3A_468 : vector<16xi1>
          %ge3A_470 = arith.constant 0 : i32
          %ge3A_471 = vector.broadcast %ge3A_470 : i32 to vector<16xi32>
          %ge3A_472 = arith.cmpi sge, %add3A_450, %ge3A_471 : vector<16xi32>
          %and3A_473 = arith.andi %and3A_469, %ge3A_472 : vector<16xi1>
          %le3A_474 = arith.constant 47 : i32
          %le3A_475 = vector.broadcast %le3A_474 : i32 to vector<16xi32>
          %le3A_476 = arith.cmpi sle, %add3A_450, %le3A_475 : vector<16xi32>
          %and3A_477 = arith.andi %and3A_473, %le3A_476 : vector<16xi1>
          %mul3A_478 = arith.mulf %sub3A_456, %sub3A_462 : vector<16xf32>
          %jit3A_479 = arith.constant 0.000000e+00 : f32
          %broadcast_in_dim3A_480 = vector.broadcast %jit3A_479 : f32 to vector<16xf32>
          %select_n3A_481 = arith.select %and3A_477, %mul3A_478, %broadcast_in_dim3A_480 : vector<16xi1>, vector<16xf32>
          %jit3A_482 = arith.constant 0 : i32
          %jit3A_483 = arith.constant 47 : i32
          %max3A_484 = vector.broadcast %jit3A_482 : i32 to vector<16xi32>
          %max3A_485 = arith.maxsi %max3A_484, %add3A_447 : vector<16xi32>
          %min3A_486 = vector.broadcast %jit3A_483 : i32 to vector<16xi32>
          %min3A_487 = arith.minsi %min3A_486, %max3A_485 : vector<16xi32>
          %jit3A_488 = arith.constant 0 : i32
          %jit3A_489 = arith.constant 47 : i32
          %max3A_490 = vector.broadcast %jit3A_488 : i32 to vector<16xi32>
          %max3A_491 = arith.maxsi %max3A_490, %add3A_450 : vector<16xi32>
          %min3A_492 = vector.broadcast %jit3A_489 : i32 to vector<16xi32>
          %min3A_493 = arith.minsi %min3A_492, %max3A_491 : vector<16xi32>
          %mul3A_494 = arith.constant 48 : i32
          %mul3A_495 = vector.broadcast %mul3A_494 : i32 to vector<16xi32>
          %mul3A_496 = arith.muli %min3A_487, %mul3A_495 : vector<16xi32>
          %add3A_497 = arith.addi %mul3A_496, %min3A_493 : vector<16xi32>
          %mul3A_498 = arith.constant 4 : i32
          %mul3A_499 = arith.muli %add3A_314, %mul3A_498 : i32
          %add3A_500 = arith.constant 1 : i32
          %add3A_501 = arith.addi %mul3A_499, %add3A_500 : i32
          %mul3A_502 = arith.constant 16 : i32
          %mul3A_503 = arith.muli %add3A_501, %mul3A_502 : i32
          %swap3A_504 = arith.index_cast %mul3A_503 : i32 to index
          %swap3A_505 = tpu.vector_load %arg11[%swap3A_504] {strides = array<i32>} : memref<1152xf32, #tpu.memory_space<vmem>>, vector<16xf32>,
          tpu.vector_store %arg11[%swap3A_504], %select_n3A_481 {strides = array<i32>} : memref<1152xf32, #tpu.memory_space<vmem>>, vector<16xf32>,
          %mul3A_506 = arith.constant 4 : i32
          %mul3A_507 = arith.muli %add3A_314, %mul3A_506 : i32
          %add3A_508 = arith.constant 1 : i32
          %add3A_509 = arith.addi %mul3A_507, %add3A_508 : i32
          %mul3A_510 = arith.constant 16 : i32
          %mul3A_511 = arith.muli %add3A_509, %mul3A_510 : i32
          %swap3A_512 = arith.index_cast %mul3A_511 : i32 to index
          %swap3A_513 = tpu.vector_load %arg12[%swap3A_512] {strides = array<i32>} : memref<1152xi32, #tpu.memory_space<vmem>>, vector<16xi32>,
          tpu.vector_store %arg12[%swap3A_512], %add3A_497 {strides = array<i32>} : memref<1152xi32, #tpu.memory_space<vmem>>, vector<16xi32>,
          %add3A_514 = arith.constant 1 : i32
          %add3A_515 = vector.broadcast %add3A_514 : i32 to vector<16xi32>
          %add3A_516 = arith.addi %select_n3A_373, %add3A_515 : vector<16xi32>
          %add3A_517 = arith.constant 0 : i32
          %add3A_518 = vector.broadcast %add3A_517 : i32 to vector<16xi32>
          %add3A_519 = arith.addi %select_n3A_380, %add3A_518 : vector<16xi32>
          %convert_element_type3A_520 = arith.sitofp %add3A_516 : vector<16xi32> to vector<16xf32>
          %sub3A_521 = arith.subf %add3A_354, %convert_element_type3A_520 : vector<16xf32>
          %abs3A_522 = math.absf %sub3A_521 : vector<16xf32>
          %sub3A_523 = arith.constant 1.000000e+00 : f32
          %sub3A_524 = vector.broadcast %sub3A_523 : f32 to vector<16xf32>
          %sub3A_525 = arith.subf %sub3A_524, %abs3A_522 : vector<16xf32>
          %convert_element_type3A_526 = arith.sitofp %add3A_519 : vector<16xi32> to vector<16xf32>
          %sub3A_527 = arith.subf %add3A_367, %convert_element_type3A_526 : vector<16xf32>
          %abs3A_528 = math.absf %sub3A_527 : vector<16xf32>
          %sub3A_529 = arith.constant 1.000000e+00 : f32
          %sub3A_530 = vector.broadcast %sub3A_529 : f32 to vector<16xf32>
          %sub3A_531 = arith.subf %sub3A_530, %abs3A_528 : vector<16xf32>
          %ge3A_532 = arith.constant 0 : i32
          %ge3A_533 = vector.broadcast %ge3A_532 : i32 to vector<16xi32>
          %ge3A_534 = arith.cmpi sge, %add3A_516, %ge3A_533 : vector<16xi32>
          %le3A_535 = arith.constant 47 : i32
          %le3A_536 = vector.broadcast %le3A_535 : i32 to vector<16xi32>
          %le3A_537 = arith.cmpi sle, %add3A_516, %le3A_536 : vector<16xi32>
          %and3A_538 = arith.andi %ge3A_534, %le3A_537 : vector<16xi1>
          %ge3A_539 = arith.constant 0 : i32
          %ge3A_540 = vector.broadcast %ge3A_539 : i32 to vector<16xi32>
          %ge3A_541 = arith.cmpi sge, %add3A_519, %ge3A_540 : vector<16xi32>
          %and3A_542 = arith.andi %and3A_538, %ge3A_541 : vector<16xi1>
          %le3A_543 = arith.constant 47 : i32
          %le3A_544 = vector.broadcast %le3A_543 : i32 to vector<16xi32>
          %le3A_545 = arith.cmpi sle, %add3A_519, %le3A_544 : vector<16xi32>
          %and3A_546 = arith.andi %and3A_542, %le3A_545 : vector<16xi1>
          %mul3A_547 = arith.mulf %sub3A_525, %sub3A_531 : vector<16xf32>
          %jit3A_548 = arith.constant 0.000000e+00 : f32
          %broadcast_in_dim3A_549 = vector.broadcast %jit3A_548 : f32 to vector<16xf32>
          %select_n3A_550 = arith.select %and3A_546, %mul3A_547, %broadcast_in_dim3A_549 : vector<16xi1>, vector<16xf32>
          %jit3A_551 = arith.constant 0 : i32
          %jit3A_552 = arith.constant 47 : i32
          %max3A_553 = vector.broadcast %jit3A_551 : i32 to vector<16xi32>
          %max3A_554 = arith.maxsi %max3A_553, %add3A_516 : vector<16xi32>
          %min3A_555 = vector.broadcast %jit3A_552 : i32 to vector<16xi32>
          %min3A_556 = arith.minsi %min3A_555, %max3A_554 : vector<16xi32>
          %jit3A_557 = arith.constant 0 : i32
          %jit3A_558 = arith.constant 47 : i32
          %max3A_559 = vector.broadcast %jit3A_557 : i32 to vector<16xi32>
          %max3A_560 = arith.maxsi %max3A_559, %add3A_519 : vector<16xi32>
          %min3A_561 = vector.broadcast %jit3A_558 : i32 to vector<16xi32>
          %min3A_562 = arith.minsi %min3A_561, %max3A_560 : vector<16xi32>
          %mul3A_563 = arith.constant 48 : i32
          %mul3A_564 = vector.broadcast %mul3A_563 : i32 to vector<16xi32>
          %mul3A_565 = arith.muli %min3A_556, %mul3A_564 : vector<16xi32>
          %add3A_566 = arith.addi %mul3A_565, %min3A_562 : vector<16xi32>
          %mul3A_567 = arith.constant 4 : i32
          %mul3A_568 = arith.muli %add3A_314, %mul3A_567 : i32
          %add3A_569 = arith.constant 2 : i32
          %add3A_570 = arith.addi %mul3A_568, %add3A_569 : i32
          %mul3A_571 = arith.constant 16 : i32
          %mul3A_572 = arith.muli %add3A_570, %mul3A_571 : i32
          %swap3A_573 = arith.index_cast %mul3A_572 : i32 to index
          %swap3A_574 = tpu.vector_load %arg11[%swap3A_573] {strides = array<i32>} : memref<1152xf32, #tpu.memory_space<vmem>>, vector<16xf32>,
          tpu.vector_store %arg11[%swap3A_573], %select_n3A_550 {strides = array<i32>} : memref<1152xf32, #tpu.memory_space<vmem>>, vector<16xf32>,
          %mul3A_575 = arith.constant 4 : i32
          %mul3A_576 = arith.muli %add3A_314, %mul3A_575 : i32
          %add3A_577 = arith.constant 2 : i32
          %add3A_578 = arith.addi %mul3A_576, %add3A_577 : i32
          %mul3A_579 = arith.constant 16 : i32
          %mul3A_580 = arith.muli %add3A_578, %mul3A_579 : i32
          %swap3A_581 = arith.index_cast %mul3A_580 : i32 to index
          %swap3A_582 = tpu.vector_load %arg12[%swap3A_581] {strides = array<i32>} : memref<1152xi32, #tpu.memory_space<vmem>>, vector<16xi32>,
          tpu.vector_store %arg12[%swap3A_581], %add3A_566 {strides = array<i32>} : memref<1152xi32, #tpu.memory_space<vmem>>, vector<16xi32>,
          %add3A_583 = arith.constant 1 : i32
          %add3A_584 = vector.broadcast %add3A_583 : i32 to vector<16xi32>
          %add3A_585 = arith.addi %select_n3A_373, %add3A_584 : vector<16xi32>
          %add3A_586 = arith.constant 1 : i32
          %add3A_587 = vector.broadcast %add3A_586 : i32 to vector<16xi32>
          %add3A_588 = arith.addi %select_n3A_380, %add3A_587 : vector<16xi32>
          %convert_element_type3A_589 = arith.sitofp %add3A_585 : vector<16xi32> to vector<16xf32>
          %sub3A_590 = arith.subf %add3A_354, %convert_element_type3A_589 : vector<16xf32>
          %abs3A_591 = math.absf %sub3A_590 : vector<16xf32>
          %sub3A_592 = arith.constant 1.000000e+00 : f32
          %sub3A_593 = vector.broadcast %sub3A_592 : f32 to vector<16xf32>
          %sub3A_594 = arith.subf %sub3A_593, %abs3A_591 : vector<16xf32>
          %convert_element_type3A_595 = arith.sitofp %add3A_588 : vector<16xi32> to vector<16xf32>
          %sub3A_596 = arith.subf %add3A_367, %convert_element_type3A_595 : vector<16xf32>
          %abs3A_597 = math.absf %sub3A_596 : vector<16xf32>
          %sub3A_598 = arith.constant 1.000000e+00 : f32
          %sub3A_599 = vector.broadcast %sub3A_598 : f32 to vector<16xf32>
          %sub3A_600 = arith.subf %sub3A_599, %abs3A_597 : vector<16xf32>
          %ge3A_601 = arith.constant 0 : i32
          %ge3A_602 = vector.broadcast %ge3A_601 : i32 to vector<16xi32>
          %ge3A_603 = arith.cmpi sge, %add3A_585, %ge3A_602 : vector<16xi32>
          %le3A_604 = arith.constant 47 : i32
          %le3A_605 = vector.broadcast %le3A_604 : i32 to vector<16xi32>
          %le3A_606 = arith.cmpi sle, %add3A_585, %le3A_605 : vector<16xi32>
          %and3A_607 = arith.andi %ge3A_603, %le3A_606 : vector<16xi1>
          %ge3A_608 = arith.constant 0 : i32
          %ge3A_609 = vector.broadcast %ge3A_608 : i32 to vector<16xi32>
          %ge3A_610 = arith.cmpi sge, %add3A_588, %ge3A_609 : vector<16xi32>
          %and3A_611 = arith.andi %and3A_607, %ge3A_610 : vector<16xi1>
          %le3A_612 = arith.constant 47 : i32
          %le3A_613 = vector.broadcast %le3A_612 : i32 to vector<16xi32>
          %le3A_614 = arith.cmpi sle, %add3A_588, %le3A_613 : vector<16xi32>
          %and3A_615 = arith.andi %and3A_611, %le3A_614 : vector<16xi1>
          %mul3A_616 = arith.mulf %sub3A_594, %sub3A_600 : vector<16xf32>
          %jit3A_617 = arith.constant 0.000000e+00 : f32
          %broadcast_in_dim3A_618 = vector.broadcast %jit3A_617 : f32 to vector<16xf32>
          %select_n3A_619 = arith.select %and3A_615, %mul3A_616, %broadcast_in_dim3A_618 : vector<16xi1>, vector<16xf32>
          %jit3A_620 = arith.constant 0 : i32
          %jit3A_621 = arith.constant 47 : i32
          %max3A_622 = vector.broadcast %jit3A_620 : i32 to vector<16xi32>
          %max3A_623 = arith.maxsi %max3A_622, %add3A_585 : vector<16xi32>
          %min3A_624 = vector.broadcast %jit3A_621 : i32 to vector<16xi32>
          %min3A_625 = arith.minsi %min3A_624, %max3A_623 : vector<16xi32>
          %jit3A_626 = arith.constant 0 : i32
          %jit3A_627 = arith.constant 47 : i32
          %max3A_628 = vector.broadcast %jit3A_626 : i32 to vector<16xi32>
          %max3A_629 = arith.maxsi %max3A_628, %add3A_588 : vector<16xi32>
          %min3A_630 = vector.broadcast %jit3A_627 : i32 to vector<16xi32>
          %min3A_631 = arith.minsi %min3A_630, %max3A_629 : vector<16xi32>
          %mul3A_632 = arith.constant 48 : i32
          %mul3A_633 = vector.broadcast %mul3A_632 : i32 to vector<16xi32>
          %mul3A_634 = arith.muli %min3A_625, %mul3A_633 : vector<16xi32>
          %add3A_635 = arith.addi %mul3A_634, %min3A_631 : vector<16xi32>
          %mul3A_636 = arith.constant 4 : i32
          %mul3A_637 = arith.muli %add3A_314, %mul3A_636 : i32
          %add3A_638 = arith.constant 3 : i32
          %add3A_639 = arith.addi %mul3A_637, %add3A_638 : i32
          %mul3A_640 = arith.constant 16 : i32
          %mul3A_641 = arith.muli %add3A_639, %mul3A_640 : i32
          %swap3A_642 = arith.index_cast %mul3A_641 : i32 to index
          %swap3A_643 = tpu.vector_load %arg11[%swap3A_642] {strides = array<i32>} : memref<1152xf32, #tpu.memory_space<vmem>>, vector<16xf32>,
          tpu.vector_store %arg11[%swap3A_642], %select_n3A_619 {strides = array<i32>} : memref<1152xf32, #tpu.memory_space<vmem>>, vector<16xf32>,
          %mul3A_644 = arith.constant 4 : i32
          %mul3A_645 = arith.muli %add3A_314, %mul3A_644 : i32
          %add3A_646 = arith.constant 3 : i32
          %add3A_647 = arith.addi %mul3A_645, %add3A_646 : i32
          %mul3A_648 = arith.constant 16 : i32
          %mul3A_649 = arith.muli %add3A_647, %mul3A_648 : i32
          %swap3A_650 = arith.index_cast %mul3A_649 : i32 to index
          %swap3A_651 = tpu.vector_load %arg12[%swap3A_650] {strides = array<i32>} : memref<1152xi32, #tpu.memory_space<vmem>>, vector<16xi32>,
          tpu.vector_store %arg12[%swap3A_650], %add3A_635 {strides = array<i32>} : memref<1152xi32, #tpu.memory_space<vmem>>, vector<16xi32>,
          %broadcast_in_dim3A_652 = arith.constant 0.000000e+00 : f32
          %broadcast_in_dim3A_653 = vector.broadcast %broadcast_in_dim3A_652 : f32 to vector<16xf32>
          %add3A_654 = arith.constant 0 : i32
          %add3A_655 = vector.broadcast %add3A_654 : i32 to vector<16xi32>
          %add3A_656 = arith.addi %add3A_428, %add3A_655 : vector<16xi32>
          %gather3A = tpu.vector_load_idx %arg7[%add3A_656] : memref<110592xf32, #tpu.memory_space<vmem>>[vector<16xi32>], vector<16xf32>,
          %mul3A_657 = arith.mulf %select_n3A_414, %gather3A : vector<16xf32>
          %add3A_658 = arith.constant 0 : i32
          %add3A_659 = vector.broadcast %add3A_658 : i32 to vector<16xi32>
          %add3A_660 = arith.addi %add3A_497, %add3A_659 : vector<16xi32>
          %gather3A_661 = tpu.vector_load_idx %arg7[%add3A_660] : memref<110592xf32, #tpu.memory_space<vmem>>[vector<16xi32>], vector<16xf32>,
          %mul3A_662 = arith.mulf %select_n3A_481, %gather3A_661 : vector<16xf32>
          %add3A_663 = arith.addf %mul3A_657, %mul3A_662 : vector<16xf32>
          %add3A_664 = arith.constant 0 : i32
          %add3A_665 = vector.broadcast %add3A_664 : i32 to vector<16xi32>
          %add3A_666 = arith.addi %add3A_566, %add3A_665 : vector<16xi32>
          %gather3A_667 = tpu.vector_load_idx %arg7[%add3A_666] : memref<110592xf32, #tpu.memory_space<vmem>>[vector<16xi32>], vector<16xf32>,
          %mul3A_668 = arith.mulf %select_n3A_550, %gather3A_667 : vector<16xf32>
          %add3A_669 = arith.addf %add3A_663, %mul3A_668 : vector<16xf32>
          %add3A_670 = arith.constant 0 : i32
          %add3A_671 = vector.broadcast %add3A_670 : i32 to vector<16xi32>
          %add3A_672 = arith.addi %add3A_635, %add3A_671 : vector<16xi32>
          %gather3A_673 = tpu.vector_load_idx %arg7[%add3A_672] : memref<110592xf32, #tpu.memory_space<vmem>>[vector<16xi32>], vector<16xf32>,
          %mul3A_674 = arith.mulf %select_n3A_619, %gather3A_673 : vector<16xf32>
          %add3A_675 = arith.addf %add3A_669, %mul3A_674 : vector<16xf32>
          %mul3A_676 = arith.mulf %get3A_176, %add3A_675 : vector<16xf32>
          %add3A_677 = arith.addf %broadcast_in_dim3A_653, %mul3A_676 : vector<16xf32>
          %add3A_678 = arith.constant 2304 : i32
          %add3A_679 = vector.broadcast %add3A_678 : i32 to vector<16xi32>
          %add3A_680 = arith.addi %add3A_428, %add3A_679 : vector<16xi32>
          %gather3A_681 = tpu.vector_load_idx %arg7[%add3A_680] : memref<110592xf32, #tpu.memory_space<vmem>>[vector<16xi32>], vector<16xf32>,
          %mul3A_682 = arith.mulf %select_n3A_414, %gather3A_681 : vector<16xf32>
          %add3A_683 = arith.constant 2304 : i32
          %add3A_684 = vector.broadcast %add3A_683 : i32 to vector<16xi32>
          %add3A_685 = arith.addi %add3A_497, %add3A_684 : vector<16xi32>
          %gather3A_686 = tpu.vector_load_idx %arg7[%add3A_685] : memref<110592xf32, #tpu.memory_space<vmem>>[vector<16xi32>], vector<16xf32>,
          %mul3A_687 = arith.mulf %select_n3A_481, %gather3A_686 : vector<16xf32>
          %add3A_688 = arith.addf %mul3A_682, %mul3A_687 : vector<16xf32>
          %add3A_689 = arith.constant 2304 : i32
          %add3A_690 = vector.broadcast %add3A_689 : i32 to vector<16xi32>
          %add3A_691 = arith.addi %add3A_566, %add3A_690 : vector<16xi32>
          %gather3A_692 = tpu.vector_load_idx %arg7[%add3A_691] : memref<110592xf32, #tpu.memory_space<vmem>>[vector<16xi32>], vector<16xf32>,
          %mul3A_693 = arith.mulf %select_n3A_550, %gather3A_692 : vector<16xf32>
          %add3A_694 = arith.addf %add3A_688, %mul3A_693 : vector<16xf32>
          %add3A_695 = arith.constant 2304 : i32
          %add3A_696 = vector.broadcast %add3A_695 : i32 to vector<16xi32>
          %add3A_697 = arith.addi %add3A_635, %add3A_696 : vector<16xi32>
          %gather3A_698 = tpu.vector_load_idx %arg7[%add3A_697] : memref<110592xf32, #tpu.memory_space<vmem>>[vector<16xi32>], vector<16xf32>,
          %mul3A_699 = arith.mulf %select_n3A_619, %gather3A_698 : vector<16xf32>
          %add3A_700 = arith.addf %add3A_694, %mul3A_699 : vector<16xf32>
          %mul3A_701 = arith.mulf %get3A_180, %add3A_700 : vector<16xf32>
          %add3A_702 = arith.addf %add3A_677, %mul3A_701 : vector<16xf32>
          %add3A_703 = arith.constant 4608 : i32
          %add3A_704 = vector.broadcast %add3A_703 : i32 to vector<16xi32>
          %add3A_705 = arith.addi %add3A_428, %add3A_704 : vector<16xi32>
          %gather3A_706 = tpu.vector_load_idx %arg7[%add3A_705] : memref<110592xf32, #tpu.memory_space<vmem>>[vector<16xi32>], vector<16xf32>,
          %mul3A_707 = arith.mulf %select_n3A_414, %gather3A_706 : vector<16xf32>
          %add3A_708 = arith.constant 4608 : i32
          %add3A_709 = vector.broadcast %add3A_708 : i32 to vector<16xi32>
          %add3A_710 = arith.addi %add3A_497, %add3A_709 : vector<16xi32>
          %gather3A_711 = tpu.vector_load_idx %arg7[%add3A_710] : memref<110592xf32, #tpu.memory_space<vmem>>[vector<16xi32>], vector<16xf32>,
          %mul3A_712 = arith.mulf %select_n3A_481, %gather3A_711 : vector<16xf32>
          %add3A_713 = arith.addf %mul3A_707, %mul3A_712 : vector<16xf32>
          %add3A_714 = arith.constant 4608 : i32
          %add3A_715 = vector.broadcast %add3A_714 : i32 to vector<16xi32>
          %add3A_716 = arith.addi %add3A_566, %add3A_715 : vector<16xi32>
          %gather3A_717 = tpu.vector_load_idx %arg7[%add3A_716] : memref<110592xf32, #tpu.memory_space<vmem>>[vector<16xi32>], vector<16xf32>,
          %mul3A_718 = arith.mulf %select_n3A_550, %gather3A_717 : vector<16xf32>
          %add3A_719 = arith.addf %add3A_713, %mul3A_718 : vector<16xf32>
          %add3A_720 = arith.constant 4608 : i32
          %add3A_721 = vector.broadcast %add3A_720 : i32 to vector<16xi32>
          %add3A_722 = arith.addi %add3A_635, %add3A_721 : vector<16xi32>
          %gather3A_723 = tpu.vector_load_idx %arg7[%add3A_722] : memref<110592xf32, #tpu.memory_space<vmem>>[vector<16xi32>], vector<16xf32>,
          %mul3A_724 = arith.mulf %select_n3A_619, %gather3A_723 : vector<16xf32>
          %add3A_725 = arith.addf %add3A_719, %mul3A_724 : vector<16xf32>
          %mul3A_726 = arith.mulf %get3A_184, %add3A_725 : vector<16xf32>
          %add3A_727 = arith.addf %add3A_702, %mul3A_726 : vector<16xf32>
          %add3A_728 = arith.constant 6912 : i32
          %add3A_729 = vector.broadcast %add3A_728 : i32 to vector<16xi32>
          %add3A_730 = arith.addi %add3A_428, %add3A_729 : vector<16xi32>
          %gather3A_731 = tpu.vector_load_idx %arg7[%add3A_730] : memref<110592xf32, #tpu.memory_space<vmem>>[vector<16xi32>], vector<16xf32>,
          %mul3A_732 = arith.mulf %select_n3A_414, %gather3A_731 : vector<16xf32>
          %add3A_733 = arith.constant 6912 : i32
          %add3A_734 = vector.broadcast %add3A_733 : i32 to vector<16xi32>
          %add3A_735 = arith.addi %add3A_497, %add3A_734 : vector<16xi32>
          %gather3A_736 = tpu.vector_load_idx %arg7[%add3A_735] : memref<110592xf32, #tpu.memory_space<vmem>>[vector<16xi32>], vector<16xf32>,
          %mul3A_737 = arith.mulf %select_n3A_481, %gather3A_736 : vector<16xf32>
          %add3A_738 = arith.addf %mul3A_732, %mul3A_737 : vector<16xf32>
          %add3A_739 = arith.constant 6912 : i32
          %add3A_740 = vector.broadcast %add3A_739 : i32 to vector<16xi32>
          %add3A_741 = arith.addi %add3A_566, %add3A_740 : vector<16xi32>
          %gather3A_742 = tpu.vector_load_idx %arg7[%add3A_741] : memref<110592xf32, #tpu.memory_space<vmem>>[vector<16xi32>], vector<16xf32>,
          %mul3A_743 = arith.mulf %select_n3A_550, %gather3A_742 : vector<16xf32>
          %add3A_744 = arith.addf %add3A_738, %mul3A_743 : vector<16xf32>
          %add3A_745 = arith.constant 6912 : i32
          %add3A_746 = vector.broadcast %add3A_745 : i32 to vector<16xi32>
          %add3A_747 = arith.addi %add3A_635, %add3A_746 : vector<16xi32>
          %gather3A_748 = tpu.vector_load_idx %arg7[%add3A_747] : memref<110592xf32, #tpu.memory_space<vmem>>[vector<16xi32>], vector<16xf32>,
          %mul3A_749 = arith.mulf %select_n3A_619, %gather3A_748 : vector<16xf32>
          %add3A_750 = arith.addf %add3A_744, %mul3A_749 : vector<16xf32>
          %mul3A_751 = arith.mulf %get3A_188, %add3A_750 : vector<16xf32>
          %add3A_752 = arith.addf %add3A_727, %mul3A_751 : vector<16xf32>
          %add3A_753 = arith.constant 9216 : i32
          %add3A_754 = vector.broadcast %add3A_753 : i32 to vector<16xi32>
          %add3A_755 = arith.addi %add3A_428, %add3A_754 : vector<16xi32>
          %gather3A_756 = tpu.vector_load_idx %arg7[%add3A_755] : memref<110592xf32, #tpu.memory_space<vmem>>[vector<16xi32>], vector<16xf32>,
          %mul3A_757 = arith.mulf %select_n3A_414, %gather3A_756 : vector<16xf32>
          %add3A_758 = arith.constant 9216 : i32
          %add3A_759 = vector.broadcast %add3A_758 : i32 to vector<16xi32>
          %add3A_760 = arith.addi %add3A_497, %add3A_759 : vector<16xi32>
          %gather3A_761 = tpu.vector_load_idx %arg7[%add3A_760] : memref<110592xf32, #tpu.memory_space<vmem>>[vector<16xi32>], vector<16xf32>,
          %mul3A_762 = arith.mulf %select_n3A_481, %gather3A_761 : vector<16xf32>
          %add3A_763 = arith.addf %mul3A_757, %mul3A_762 : vector<16xf32>
          %add3A_764 = arith.constant 9216 : i32
          %add3A_765 = vector.broadcast %add3A_764 : i32 to vector<16xi32>
          %add3A_766 = arith.addi %add3A_566, %add3A_765 : vector<16xi32>
          %gather3A_767 = tpu.vector_load_idx %arg7[%add3A_766] : memref<110592xf32, #tpu.memory_space<vmem>>[vector<16xi32>], vector<16xf32>,
          %mul3A_768 = arith.mulf %select_n3A_550, %gather3A_767 : vector<16xf32>
          %add3A_769 = arith.addf %add3A_763, %mul3A_768 : vector<16xf32>
          %add3A_770 = arith.constant 9216 : i32
          %add3A_771 = vector.broadcast %add3A_770 : i32 to vector<16xi32>
          %add3A_772 = arith.addi %add3A_635, %add3A_771 : vector<16xi32>
          %gather3A_773 = tpu.vector_load_idx %arg7[%add3A_772] : memref<110592xf32, #tpu.memory_space<vmem>>[vector<16xi32>], vector<16xf32>,
          %mul3A_774 = arith.mulf %select_n3A_619, %gather3A_773 : vector<16xf32>
          %add3A_775 = arith.addf %add3A_769, %mul3A_774 : vector<16xf32>
          %mul3A_776 = arith.mulf %get3A_192, %add3A_775 : vector<16xf32>
          %add3A_777 = arith.addf %add3A_752, %mul3A_776 : vector<16xf32>
          %add3A_778 = arith.constant 11520 : i32
          %add3A_779 = vector.broadcast %add3A_778 : i32 to vector<16xi32>
          %add3A_780 = arith.addi %add3A_428, %add3A_779 : vector<16xi32>
          %gather3A_781 = tpu.vector_load_idx %arg7[%add3A_780] : memref<110592xf32, #tpu.memory_space<vmem>>[vector<16xi32>], vector<16xf32>,
          %mul3A_782 = arith.mulf %select_n3A_414, %gather3A_781 : vector<16xf32>
          %add3A_783 = arith.constant 11520 : i32
          %add3A_784 = vector.broadcast %add3A_783 : i32 to vector<16xi32>
          %add3A_785 = arith.addi %add3A_497, %add3A_784 : vector<16xi32>
          %gather3A_786 = tpu.vector_load_idx %arg7[%add3A_785] : memref<110592xf32, #tpu.memory_space<vmem>>[vector<16xi32>], vector<16xf32>,
          %mul3A_787 = arith.mulf %select_n3A_481, %gather3A_786 : vector<16xf32>
          %add3A_788 = arith.addf %mul3A_782, %mul3A_787 : vector<16xf32>
          %add3A_789 = arith.constant 11520 : i32
          %add3A_790 = vector.broadcast %add3A_789 : i32 to vector<16xi32>
          %add3A_791 = arith.addi %add3A_566, %add3A_790 : vector<16xi32>
          %gather3A_792 = tpu.vector_load_idx %arg7[%add3A_791] : memref<110592xf32, #tpu.memory_space<vmem>>[vector<16xi32>], vector<16xf32>,
          %mul3A_793 = arith.mulf %select_n3A_550, %gather3A_792 : vector<16xf32>
          %add3A_794 = arith.addf %add3A_788, %mul3A_793 : vector<16xf32>
          %add3A_795 = arith.constant 11520 : i32
          %add3A_796 = vector.broadcast %add3A_795 : i32 to vector<16xi32>
          %add3A_797 = arith.addi %add3A_635, %add3A_796 : vector<16xi32>
          %gather3A_798 = tpu.vector_load_idx %arg7[%add3A_797] : memref<110592xf32, #tpu.memory_space<vmem>>[vector<16xi32>], vector<16xf32>,
          %mul3A_799 = arith.mulf %select_n3A_619, %gather3A_798 : vector<16xf32>
          %add3A_800 = arith.addf %add3A_794, %mul3A_799 : vector<16xf32>
          %mul3A_801 = arith.mulf %get3A_196, %add3A_800 : vector<16xf32>
          %add3A_802 = arith.addf %add3A_777, %mul3A_801 : vector<16xf32>
          %add3A_803 = arith.constant 13824 : i32
          %add3A_804 = vector.broadcast %add3A_803 : i32 to vector<16xi32>
          %add3A_805 = arith.addi %add3A_428, %add3A_804 : vector<16xi32>
          %gather3A_806 = tpu.vector_load_idx %arg7[%add3A_805] : memref<110592xf32, #tpu.memory_space<vmem>>[vector<16xi32>], vector<16xf32>,
          %mul3A_807 = arith.mulf %select_n3A_414, %gather3A_806 : vector<16xf32>
          %add3A_808 = arith.constant 13824 : i32
          %add3A_809 = vector.broadcast %add3A_808 : i32 to vector<16xi32>
          %add3A_810 = arith.addi %add3A_497, %add3A_809 : vector<16xi32>
          %gather3A_811 = tpu.vector_load_idx %arg7[%add3A_810] : memref<110592xf32, #tpu.memory_space<vmem>>[vector<16xi32>], vector<16xf32>,
          %mul3A_812 = arith.mulf %select_n3A_481, %gather3A_811 : vector<16xf32>
          %add3A_813 = arith.addf %mul3A_807, %mul3A_812 : vector<16xf32>
          %add3A_814 = arith.constant 13824 : i32
          %add3A_815 = vector.broadcast %add3A_814 : i32 to vector<16xi32>
          %add3A_816 = arith.addi %add3A_566, %add3A_815 : vector<16xi32>
          %gather3A_817 = tpu.vector_load_idx %arg7[%add3A_816] : memref<110592xf32, #tpu.memory_space<vmem>>[vector<16xi32>], vector<16xf32>,
          %mul3A_818 = arith.mulf %select_n3A_550, %gather3A_817 : vector<16xf32>
          %add3A_819 = arith.addf %add3A_813, %mul3A_818 : vector<16xf32>
          %add3A_820 = arith.constant 13824 : i32
          %add3A_821 = vector.broadcast %add3A_820 : i32 to vector<16xi32>
          %add3A_822 = arith.addi %add3A_635, %add3A_821 : vector<16xi32>
          %gather3A_823 = tpu.vector_load_idx %arg7[%add3A_822] : memref<110592xf32, #tpu.memory_space<vmem>>[vector<16xi32>], vector<16xf32>,
          %mul3A_824 = arith.mulf %select_n3A_619, %gather3A_823 : vector<16xf32>
          %add3A_825 = arith.addf %add3A_819, %mul3A_824 : vector<16xf32>
          %mul3A_826 = arith.mulf %get3A_200, %add3A_825 : vector<16xf32>
          %add3A_827 = arith.addf %add3A_802, %mul3A_826 : vector<16xf32>
          %add3A_828 = arith.constant 16128 : i32
          %add3A_829 = vector.broadcast %add3A_828 : i32 to vector<16xi32>
          %add3A_830 = arith.addi %add3A_428, %add3A_829 : vector<16xi32>
          %gather3A_831 = tpu.vector_load_idx %arg7[%add3A_830] : memref<110592xf32, #tpu.memory_space<vmem>>[vector<16xi32>], vector<16xf32>,
          %mul3A_832 = arith.mulf %select_n3A_414, %gather3A_831 : vector<16xf32>
          %add3A_833 = arith.constant 16128 : i32
          %add3A_834 = vector.broadcast %add3A_833 : i32 to vector<16xi32>
          %add3A_835 = arith.addi %add3A_497, %add3A_834 : vector<16xi32>
          %gather3A_836 = tpu.vector_load_idx %arg7[%add3A_835] : memref<110592xf32, #tpu.memory_space<vmem>>[vector<16xi32>], vector<16xf32>,
          %mul3A_837 = arith.mulf %select_n3A_481, %gather3A_836 : vector<16xf32>
          %add3A_838 = arith.addf %mul3A_832, %mul3A_837 : vector<16xf32>
          %add3A_839 = arith.constant 16128 : i32
          %add3A_840 = vector.broadcast %add3A_839 : i32 to vector<16xi32>
          %add3A_841 = arith.addi %add3A_566, %add3A_840 : vector<16xi32>
          %gather3A_842 = tpu.vector_load_idx %arg7[%add3A_841] : memref<110592xf32, #tpu.memory_space<vmem>>[vector<16xi32>], vector<16xf32>,
          %mul3A_843 = arith.mulf %select_n3A_550, %gather3A_842 : vector<16xf32>
          %add3A_844 = arith.addf %add3A_838, %mul3A_843 : vector<16xf32>
          %add3A_845 = arith.constant 16128 : i32
          %add3A_846 = vector.broadcast %add3A_845 : i32 to vector<16xi32>
          %add3A_847 = arith.addi %add3A_635, %add3A_846 : vector<16xi32>
          %gather3A_848 = tpu.vector_load_idx %arg7[%add3A_847] : memref<110592xf32, #tpu.memory_space<vmem>>[vector<16xi32>], vector<16xf32>,
          %mul3A_849 = arith.mulf %select_n3A_619, %gather3A_848 : vector<16xf32>
          %add3A_850 = arith.addf %add3A_844, %mul3A_849 : vector<16xf32>
          %mul3A_851 = arith.mulf %get3A_204, %add3A_850 : vector<16xf32>
          %add3A_852 = arith.addf %add3A_827, %mul3A_851 : vector<16xf32>
          %add3A_853 = arith.constant 18432 : i32
          %add3A_854 = vector.broadcast %add3A_853 : i32 to vector<16xi32>
          %add3A_855 = arith.addi %add3A_428, %add3A_854 : vector<16xi32>
          %gather3A_856 = tpu.vector_load_idx %arg7[%add3A_855] : memref<110592xf32, #tpu.memory_space<vmem>>[vector<16xi32>], vector<16xf32>,
          %mul3A_857 = arith.mulf %select_n3A_414, %gather3A_856 : vector<16xf32>
          %add3A_858 = arith.constant 18432 : i32
          %add3A_859 = vector.broadcast %add3A_858 : i32 to vector<16xi32>
          %add3A_860 = arith.addi %add3A_497, %add3A_859 : vector<16xi32>
          %gather3A_861 = tpu.vector_load_idx %arg7[%add3A_860] : memref<110592xf32, #tpu.memory_space<vmem>>[vector<16xi32>], vector<16xf32>,
          %mul3A_862 = arith.mulf %select_n3A_481, %gather3A_861 : vector<16xf32>
          %add3A_863 = arith.addf %mul3A_857, %mul3A_862 : vector<16xf32>
          %add3A_864 = arith.constant 18432 : i32
          %add3A_865 = vector.broadcast %add3A_864 : i32 to vector<16xi32>
          %add3A_866 = arith.addi %add3A_566, %add3A_865 : vector<16xi32>
          %gather3A_867 = tpu.vector_load_idx %arg7[%add3A_866] : memref<110592xf32, #tpu.memory_space<vmem>>[vector<16xi32>], vector<16xf32>,
          %mul3A_868 = arith.mulf %select_n3A_550, %gather3A_867 : vector<16xf32>
          %add3A_869 = arith.addf %add3A_863, %mul3A_868 : vector<16xf32>
          %add3A_870 = arith.constant 18432 : i32
          %add3A_871 = vector.broadcast %add3A_870 : i32 to vector<16xi32>
          %add3A_872 = arith.addi %add3A_635, %add3A_871 : vector<16xi32>
          %gather3A_873 = tpu.vector_load_idx %arg7[%add3A_872] : memref<110592xf32, #tpu.memory_space<vmem>>[vector<16xi32>], vector<16xf32>,
          %mul3A_874 = arith.mulf %select_n3A_619, %gather3A_873 : vector<16xf32>
          %add3A_875 = arith.addf %add3A_869, %mul3A_874 : vector<16xf32>
          %mul3A_876 = arith.mulf %get3A_208, %add3A_875 : vector<16xf32>
          %add3A_877 = arith.addf %add3A_852, %mul3A_876 : vector<16xf32>
          %add3A_878 = arith.constant 20736 : i32
          %add3A_879 = vector.broadcast %add3A_878 : i32 to vector<16xi32>
          %add3A_880 = arith.addi %add3A_428, %add3A_879 : vector<16xi32>
          %gather3A_881 = tpu.vector_load_idx %arg7[%add3A_880] : memref<110592xf32, #tpu.memory_space<vmem>>[vector<16xi32>], vector<16xf32>,
          %mul3A_882 = arith.mulf %select_n3A_414, %gather3A_881 : vector<16xf32>
          %add3A_883 = arith.constant 20736 : i32
          %add3A_884 = vector.broadcast %add3A_883 : i32 to vector<16xi32>
          %add3A_885 = arith.addi %add3A_497, %add3A_884 : vector<16xi32>
          %gather3A_886 = tpu.vector_load_idx %arg7[%add3A_885] : memref<110592xf32, #tpu.memory_space<vmem>>[vector<16xi32>], vector<16xf32>,
          %mul3A_887 = arith.mulf %select_n3A_481, %gather3A_886 : vector<16xf32>
          %add3A_888 = arith.addf %mul3A_882, %mul3A_887 : vector<16xf32>
          %add3A_889 = arith.constant 20736 : i32
          %add3A_890 = vector.broadcast %add3A_889 : i32 to vector<16xi32>
          %add3A_891 = arith.addi %add3A_566, %add3A_890 : vector<16xi32>
          %gather3A_892 = tpu.vector_load_idx %arg7[%add3A_891] : memref<110592xf32, #tpu.memory_space<vmem>>[vector<16xi32>], vector<16xf32>,
          %mul3A_893 = arith.mulf %select_n3A_550, %gather3A_892 : vector<16xf32>
          %add3A_894 = arith.addf %add3A_888, %mul3A_893 : vector<16xf32>
          %add3A_895 = arith.constant 20736 : i32
          %add3A_896 = vector.broadcast %add3A_895 : i32 to vector<16xi32>
          %add3A_897 = arith.addi %add3A_635, %add3A_896 : vector<16xi32>
          %gather3A_898 = tpu.vector_load_idx %arg7[%add3A_897] : memref<110592xf32, #tpu.memory_space<vmem>>[vector<16xi32>], vector<16xf32>,
          %mul3A_899 = arith.mulf %select_n3A_619, %gather3A_898 : vector<16xf32>
          %add3A_900 = arith.addf %add3A_894, %mul3A_899 : vector<16xf32>
          %mul3A_901 = arith.mulf %get3A_212, %add3A_900 : vector<16xf32>
          %add3A_902 = arith.addf %add3A_877, %mul3A_901 : vector<16xf32>
          %add3A_903 = arith.constant 23040 : i32
          %add3A_904 = vector.broadcast %add3A_903 : i32 to vector<16xi32>
          %add3A_905 = arith.addi %add3A_428, %add3A_904 : vector<16xi32>
          %gather3A_906 = tpu.vector_load_idx %arg7[%add3A_905] : memref<110592xf32, #tpu.memory_space<vmem>>[vector<16xi32>], vector<16xf32>,
          %mul3A_907 = arith.mulf %select_n3A_414, %gather3A_906 : vector<16xf32>
          %add3A_908 = arith.constant 23040 : i32
          %add3A_909 = vector.broadcast %add3A_908 : i32 to vector<16xi32>
          %add3A_910 = arith.addi %add3A_497, %add3A_909 : vector<16xi32>
          %gather3A_911 = tpu.vector_load_idx %arg7[%add3A_910] : memref<110592xf32, #tpu.memory_space<vmem>>[vector<16xi32>], vector<16xf32>,
          %mul3A_912 = arith.mulf %select_n3A_481, %gather3A_911 : vector<16xf32>
          %add3A_913 = arith.addf %mul3A_907, %mul3A_912 : vector<16xf32>
          %add3A_914 = arith.constant 23040 : i32
          %add3A_915 = vector.broadcast %add3A_914 : i32 to vector<16xi32>
          %add3A_916 = arith.addi %add3A_566, %add3A_915 : vector<16xi32>
          %gather3A_917 = tpu.vector_load_idx %arg7[%add3A_916] : memref<110592xf32, #tpu.memory_space<vmem>>[vector<16xi32>], vector<16xf32>,
          %mul3A_918 = arith.mulf %select_n3A_550, %gather3A_917 : vector<16xf32>
          %add3A_919 = arith.addf %add3A_913, %mul3A_918 : vector<16xf32>
          %add3A_920 = arith.constant 23040 : i32
          %add3A_921 = vector.broadcast %add3A_920 : i32 to vector<16xi32>
          %add3A_922 = arith.addi %add3A_635, %add3A_921 : vector<16xi32>
          %gather3A_923 = tpu.vector_load_idx %arg7[%add3A_922] : memref<110592xf32, #tpu.memory_space<vmem>>[vector<16xi32>], vector<16xf32>,
          %mul3A_924 = arith.mulf %select_n3A_619, %gather3A_923 : vector<16xf32>
          %add3A_925 = arith.addf %add3A_919, %mul3A_924 : vector<16xf32>
          %mul3A_926 = arith.mulf %get3A_216, %add3A_925 : vector<16xf32>
          %add3A_927 = arith.addf %add3A_902, %mul3A_926 : vector<16xf32>
          %add3A_928 = arith.constant 25344 : i32
          %add3A_929 = vector.broadcast %add3A_928 : i32 to vector<16xi32>
          %add3A_930 = arith.addi %add3A_428, %add3A_929 : vector<16xi32>
          %gather3A_931 = tpu.vector_load_idx %arg7[%add3A_930] : memref<110592xf32, #tpu.memory_space<vmem>>[vector<16xi32>], vector<16xf32>,
          %mul3A_932 = arith.mulf %select_n3A_414, %gather3A_931 : vector<16xf32>
          %add3A_933 = arith.constant 25344 : i32
          %add3A_934 = vector.broadcast %add3A_933 : i32 to vector<16xi32>
          %add3A_935 = arith.addi %add3A_497, %add3A_934 : vector<16xi32>
          %gather3A_936 = tpu.vector_load_idx %arg7[%add3A_935] : memref<110592xf32, #tpu.memory_space<vmem>>[vector<16xi32>], vector<16xf32>,
          %mul3A_937 = arith.mulf %select_n3A_481, %gather3A_936 : vector<16xf32>
          %add3A_938 = arith.addf %mul3A_932, %mul3A_937 : vector<16xf32>
          %add3A_939 = arith.constant 25344 : i32
          %add3A_940 = vector.broadcast %add3A_939 : i32 to vector<16xi32>
          %add3A_941 = arith.addi %add3A_566, %add3A_940 : vector<16xi32>
          %gather3A_942 = tpu.vector_load_idx %arg7[%add3A_941] : memref<110592xf32, #tpu.memory_space<vmem>>[vector<16xi32>], vector<16xf32>,
          %mul3A_943 = arith.mulf %select_n3A_550, %gather3A_942 : vector<16xf32>
          %add3A_944 = arith.addf %add3A_938, %mul3A_943 : vector<16xf32>
          %add3A_945 = arith.constant 25344 : i32
          %add3A_946 = vector.broadcast %add3A_945 : i32 to vector<16xi32>
          %add3A_947 = arith.addi %add3A_635, %add3A_946 : vector<16xi32>
          %gather3A_948 = tpu.vector_load_idx %arg7[%add3A_947] : memref<110592xf32, #tpu.memory_space<vmem>>[vector<16xi32>], vector<16xf32>,
          %mul3A_949 = arith.mulf %select_n3A_619, %gather3A_948 : vector<16xf32>
          %add3A_950 = arith.addf %add3A_944, %mul3A_949 : vector<16xf32>
          %mul3A_951 = arith.mulf %get3A_220, %add3A_950 : vector<16xf32>
          %add3A_952 = arith.addf %add3A_927, %mul3A_951 : vector<16xf32>
          %mul3A_953 = arith.constant 0.288675129 : f32
          %mul3A_954 = vector.broadcast %mul3A_953 : f32 to vector<16xf32>
          %mul3A_955 = arith.mulf %add3A_952, %mul3A_954 : vector<16xf32>
          %mul3A_956 = arith.constant 16 : i32
          %mul3A_957 = arith.muli %add3A_314, %mul3A_956 : i32
          %swap3A_958 = arith.index_cast %mul3A_957 : i32 to index
          %swap3A_959 = tpu.vector_load %arg13[%swap3A_958] {strides = array<i32>} : memref<288xf32, #tpu.memory_space<vmem>>, vector<16xf32>,
          tpu.vector_store %arg13[%swap3A_958], %mul3A_955 {strides = array<i32>} : memref<288xf32, #tpu.memory_space<vmem>>, vector<16xf32>,
        }
        %scan3A_226 = arith.constant 9 : i32
        %scan3A_227 = arith.constant 0 : i32
        %scan3A_228 = arith.constant 0 : i32
        %scan3A_229 = arith.constant 9 : i32
        %scan3A_230 = arith.addi %scan3A_228, %scan3A_229 : i32
        %scan3A_231 = arith.constant 1 : i32
        scf.for %scan3A_312 = %scan3A_228 to %scan3A_230 step %scan3A_231  : i32 {
          %add3A_313 = arith.constant 9 : i32
          %add3A_314 = arith.addi %scan3A_312, %add3A_313 : i32
          %jit3A_315 = arith.constant 3 : i32
          %div3A_316 = arith.divsi %scan3A_312, %jit3A_315 : i32
          %sign3A_317 = arith.constant 0 : i32
          %sign3A_318 = arith.cmpi sgt, %scan3A_312, %sign3A_317 : i32
          %sign3A_319 = arith.extui %sign3A_318 : i1 to i32
          %sign3A_320 = arith.constant 0 : i32
          %sign3A_321 = arith.cmpi slt, %scan3A_312, %sign3A_320 : i32
          %sign3A_322 = arith.extui %sign3A_321 : i1 to i32
          %sign3A_323 = arith.subi %sign3A_319, %sign3A_322 : i32
          %sign3A_324 = arith.constant 0 : i32
          %sign3A_325 = arith.cmpi sgt, %jit3A_315, %sign3A_324 : i32
          %sign3A_326 = arith.extui %sign3A_325 : i1 to i32
          %sign3A_327 = arith.constant 0 : i32
          %sign3A_328 = arith.cmpi slt, %jit3A_315, %sign3A_327 : i32
          %sign3A_329 = arith.extui %sign3A_328 : i1 to i32
          %sign3A_330 = arith.subi %sign3A_326, %sign3A_329 : i32
          %ne3A_331 = arith.cmpi ne, %sign3A_323, %sign3A_330 : i32
          %rem3A_332 = arith.remsi %scan3A_312, %jit3A_315 : i32
          %ne3A_333 = arith.constant 0 : i32
          %ne3A_334 = arith.cmpi ne, %rem3A_332, %ne3A_333 : i32
          %and3A_335 = arith.andi %ne3A_331, %ne3A_334 : i1
          %sub3A_336 = arith.constant 1 : i32
          %sub3A_337 = arith.subi %div3A_316, %sub3A_336 : i32
          %select_n3A_338 = arith.select %and3A_335, %sub3A_337, %div3A_316 : i32
          %mul3A_339 = arith.constant 3 : i32
          %mul3A_340 = arith.muli %select_n3A_338, %mul3A_339 : i32
          %sub3A_341 = arith.subi %scan3A_312, %mul3A_340 : i32
          %sub3A_342 = arith.constant 1 : i32
          %sub3A_343 = arith.subi %select_n3A_338, %sub3A_342 : i32
          %add3A_344 = vector.broadcast %sub3A_343 : i32 to vector<16xi32>
          %add3A_345 = arith.addi %select_n3A_169, %add3A_344 : vector<16xi32>
          %convert_element_type3A_346 = arith.sitofp %add3A_345 : vector<16xi32> to vector<16xf32>
          %get3A_347 = arith.constant 1 : i32
          %get3A_348 = arith.constant 0 : i32
          %get3A_349 = arith.index_cast %get3A_347 : i32 to index
          %get3A_350 = arith.index_cast %scan3A_312 : i32 to index
          %get3A_351 = arith.index_cast %get3A_348 : i32 to index
          %get3A_352 = arith.index_cast %mul3A_133 : i32 to index
          %get3A_353 = tpu.vector_load %arg8[%get3A_349, %get3A_350, %get3A_351, %get3A_352] {strides = array<i32>} : memref<2x9x2x256xf32, #tpu.memory_space<vmem>>, vector<16xf32>,
          %add3A_354 = arith.addf %convert_element_type3A_346, %get3A_353 : vector<16xf32>
          %sub3A_355 = arith.constant 1 : i32
          %sub3A_356 = arith.subi %sub3A_341, %sub3A_355 : i32
          %add3A_357 = vector.broadcast %sub3A_356 : i32 to vector<16xi32>
          %add3A_358 = arith.addi %sub3A_173, %add3A_357 : vector<16xi32>
          %convert_element_type3A_359 = arith.sitofp %add3A_358 : vector<16xi32> to vector<16xf32>
          %get3A_360 = arith.constant 1 : i32
          %get3A_361 = arith.constant 1 : i32
          %get3A_362 = arith.index_cast %get3A_360 : i32 to index
          %get3A_363 = arith.index_cast %scan3A_312 : i32 to index
          %get3A_364 = arith.index_cast %get3A_361 : i32 to index
          %get3A_365 = arith.index_cast %mul3A_133 : i32 to index
          %get3A_366 = tpu.vector_load %arg8[%get3A_362, %get3A_363, %get3A_364, %get3A_365] {strides = array<i32>} : memref<2x9x2x256xf32, #tpu.memory_space<vmem>>, vector<16xf32>,
          %add3A_367 = arith.addf %convert_element_type3A_359, %get3A_366 : vector<16xf32>
          %convert_element_type3A_368 = arith.fptosi %add3A_354 : vector<16xf32> to vector<16xi32>
          %convert_element_type3A_369 = arith.sitofp %convert_element_type3A_368 : vector<16xi32> to vector<16xf32>
          %lt3A = arith.cmpf olt, %add3A_354, %convert_element_type3A_369 : vector<16xf32>
          %sub3A_370 = arith.constant 1 : i32
          %sub3A_371 = vector.broadcast %sub3A_370 : i32 to vector<16xi32>
          %sub3A_372 = arith.subi %convert_element_type3A_368, %sub3A_371 : vector<16xi32>
          %select_n3A_373 = arith.select %lt3A, %sub3A_372, %convert_element_type3A_368 : vector<16xi1>, vector<16xi32>
          %convert_element_type3A_374 = arith.fptosi %add3A_367 : vector<16xf32> to vector<16xi32>
          %convert_element_type3A_375 = arith.sitofp %convert_element_type3A_374 : vector<16xi32> to vector<16xf32>
          %lt3A_376 = arith.cmpf olt, %add3A_367, %convert_element_type3A_375 : vector<16xf32>
          %sub3A_377 = arith.constant 1 : i32
          %sub3A_378 = vector.broadcast %sub3A_377 : i32 to vector<16xi32>
          %sub3A_379 = arith.subi %convert_element_type3A_374, %sub3A_378 : vector<16xi32>
          %select_n3A_380 = arith.select %lt3A_376, %sub3A_379, %convert_element_type3A_374 : vector<16xi1>, vector<16xi32>
          %add3A_381 = arith.constant 0 : i32
          %add3A_382 = vector.broadcast %add3A_381 : i32 to vector<16xi32>
          %add3A_383 = arith.addi %select_n3A_373, %add3A_382 : vector<16xi32>
          %add3A_384 = arith.constant 0 : i32
          %add3A_385 = vector.broadcast %add3A_384 : i32 to vector<16xi32>
          %add3A_386 = arith.addi %select_n3A_380, %add3A_385 : vector<16xi32>
          %convert_element_type3A_387 = arith.sitofp %add3A_383 : vector<16xi32> to vector<16xf32>
          %sub3A_388 = arith.subf %add3A_354, %convert_element_type3A_387 : vector<16xf32>
          %abs3A = math.absf %sub3A_388 : vector<16xf32>
          %sub3A_389 = arith.constant 1.000000e+00 : f32
          %sub3A_390 = vector.broadcast %sub3A_389 : f32 to vector<16xf32>
          %sub3A_391 = arith.subf %sub3A_390, %abs3A : vector<16xf32>
          %convert_element_type3A_392 = arith.sitofp %add3A_386 : vector<16xi32> to vector<16xf32>
          %sub3A_393 = arith.subf %add3A_367, %convert_element_type3A_392 : vector<16xf32>
          %abs3A_394 = math.absf %sub3A_393 : vector<16xf32>
          %sub3A_395 = arith.constant 1.000000e+00 : f32
          %sub3A_396 = vector.broadcast %sub3A_395 : f32 to vector<16xf32>
          %sub3A_397 = arith.subf %sub3A_396, %abs3A_394 : vector<16xf32>
          %ge3A = arith.constant 0 : i32
          %ge3A_398 = vector.broadcast %ge3A : i32 to vector<16xi32>
          %ge3A_399 = arith.cmpi sge, %add3A_383, %ge3A_398 : vector<16xi32>
          %le3A = arith.constant 47 : i32
          %le3A_400 = vector.broadcast %le3A : i32 to vector<16xi32>
          %le3A_401 = arith.cmpi sle, %add3A_383, %le3A_400 : vector<16xi32>
          %and3A_402 = arith.andi %ge3A_399, %le3A_401 : vector<16xi1>
          %ge3A_403 = arith.constant 0 : i32
          %ge3A_404 = vector.broadcast %ge3A_403 : i32 to vector<16xi32>
          %ge3A_405 = arith.cmpi sge, %add3A_386, %ge3A_404 : vector<16xi32>
          %and3A_406 = arith.andi %and3A_402, %ge3A_405 : vector<16xi1>
          %le3A_407 = arith.constant 47 : i32
          %le3A_408 = vector.broadcast %le3A_407 : i32 to vector<16xi32>
          %le3A_409 = arith.cmpi sle, %add3A_386, %le3A_408 : vector<16xi32>
          %and3A_410 = arith.andi %and3A_406, %le3A_409 : vector<16xi1>
          %mul3A_411 = arith.mulf %sub3A_391, %sub3A_397 : vector<16xf32>
          %jit3A_412 = arith.constant 0.000000e+00 : f32
          %broadcast_in_dim3A_413 = vector.broadcast %jit3A_412 : f32 to vector<16xf32>
          %select_n3A_414 = arith.select %and3A_410, %mul3A_411, %broadcast_in_dim3A_413 : vector<16xi1>, vector<16xf32>
          %jit3A_415 = arith.constant 0 : i32
          %jit3A_416 = arith.constant 47 : i32
          %max3A = vector.broadcast %jit3A_415 : i32 to vector<16xi32>
          %max3A_417 = arith.maxsi %max3A, %add3A_383 : vector<16xi32>
          %min3A = vector.broadcast %jit3A_416 : i32 to vector<16xi32>
          %min3A_418 = arith.minsi %min3A, %max3A_417 : vector<16xi32>
          %jit3A_419 = arith.constant 0 : i32
          %jit3A_420 = arith.constant 47 : i32
          %max3A_421 = vector.broadcast %jit3A_419 : i32 to vector<16xi32>
          %max3A_422 = arith.maxsi %max3A_421, %add3A_386 : vector<16xi32>
          %min3A_423 = vector.broadcast %jit3A_420 : i32 to vector<16xi32>
          %min3A_424 = arith.minsi %min3A_423, %max3A_422 : vector<16xi32>
          %mul3A_425 = arith.constant 48 : i32
          %mul3A_426 = vector.broadcast %mul3A_425 : i32 to vector<16xi32>
          %mul3A_427 = arith.muli %min3A_418, %mul3A_426 : vector<16xi32>
          %add3A_428 = arith.addi %mul3A_427, %min3A_424 : vector<16xi32>
          %mul3A_429 = arith.constant 4 : i32
          %mul3A_430 = arith.muli %add3A_314, %mul3A_429 : i32
          %add3A_431 = arith.constant 0 : i32
          %add3A_432 = arith.addi %mul3A_430, %add3A_431 : i32
          %mul3A_433 = arith.constant 16 : i32
          %mul3A_434 = arith.muli %add3A_432, %mul3A_433 : i32
          %swap3A_435 = arith.index_cast %mul3A_434 : i32 to index
          %swap3A_436 = tpu.vector_load %arg11[%swap3A_435] {strides = array<i32>} : memref<1152xf32, #tpu.memory_space<vmem>>, vector<16xf32>,
          tpu.vector_store %arg11[%swap3A_435], %select_n3A_414 {strides = array<i32>} : memref<1152xf32, #tpu.memory_space<vmem>>, vector<16xf32>,
          %mul3A_437 = arith.constant 4 : i32
          %mul3A_438 = arith.muli %add3A_314, %mul3A_437 : i32
          %add3A_439 = arith.constant 0 : i32
          %add3A_440 = arith.addi %mul3A_438, %add3A_439 : i32
          %mul3A_441 = arith.constant 16 : i32
          %mul3A_442 = arith.muli %add3A_440, %mul3A_441 : i32
          %swap3A_443 = arith.index_cast %mul3A_442 : i32 to index
          %swap3A_444 = tpu.vector_load %arg12[%swap3A_443] {strides = array<i32>} : memref<1152xi32, #tpu.memory_space<vmem>>, vector<16xi32>,
          tpu.vector_store %arg12[%swap3A_443], %add3A_428 {strides = array<i32>} : memref<1152xi32, #tpu.memory_space<vmem>>, vector<16xi32>,
          %add3A_445 = arith.constant 0 : i32
          %add3A_446 = vector.broadcast %add3A_445 : i32 to vector<16xi32>
          %add3A_447 = arith.addi %select_n3A_373, %add3A_446 : vector<16xi32>
          %add3A_448 = arith.constant 1 : i32
          %add3A_449 = vector.broadcast %add3A_448 : i32 to vector<16xi32>
          %add3A_450 = arith.addi %select_n3A_380, %add3A_449 : vector<16xi32>
          %convert_element_type3A_451 = arith.sitofp %add3A_447 : vector<16xi32> to vector<16xf32>
          %sub3A_452 = arith.subf %add3A_354, %convert_element_type3A_451 : vector<16xf32>
          %abs3A_453 = math.absf %sub3A_452 : vector<16xf32>
          %sub3A_454 = arith.constant 1.000000e+00 : f32
          %sub3A_455 = vector.broadcast %sub3A_454 : f32 to vector<16xf32>
          %sub3A_456 = arith.subf %sub3A_455, %abs3A_453 : vector<16xf32>
          %convert_element_type3A_457 = arith.sitofp %add3A_450 : vector<16xi32> to vector<16xf32>
          %sub3A_458 = arith.subf %add3A_367, %convert_element_type3A_457 : vector<16xf32>
          %abs3A_459 = math.absf %sub3A_458 : vector<16xf32>
          %sub3A_460 = arith.constant 1.000000e+00 : f32
          %sub3A_461 = vector.broadcast %sub3A_460 : f32 to vector<16xf32>
          %sub3A_462 = arith.subf %sub3A_461, %abs3A_459 : vector<16xf32>
          %ge3A_463 = arith.constant 0 : i32
          %ge3A_464 = vector.broadcast %ge3A_463 : i32 to vector<16xi32>
          %ge3A_465 = arith.cmpi sge, %add3A_447, %ge3A_464 : vector<16xi32>
          %le3A_466 = arith.constant 47 : i32
          %le3A_467 = vector.broadcast %le3A_466 : i32 to vector<16xi32>
          %le3A_468 = arith.cmpi sle, %add3A_447, %le3A_467 : vector<16xi32>
          %and3A_469 = arith.andi %ge3A_465, %le3A_468 : vector<16xi1>
          %ge3A_470 = arith.constant 0 : i32
          %ge3A_471 = vector.broadcast %ge3A_470 : i32 to vector<16xi32>
          %ge3A_472 = arith.cmpi sge, %add3A_450, %ge3A_471 : vector<16xi32>
          %and3A_473 = arith.andi %and3A_469, %ge3A_472 : vector<16xi1>
          %le3A_474 = arith.constant 47 : i32
          %le3A_475 = vector.broadcast %le3A_474 : i32 to vector<16xi32>
          %le3A_476 = arith.cmpi sle, %add3A_450, %le3A_475 : vector<16xi32>
          %and3A_477 = arith.andi %and3A_473, %le3A_476 : vector<16xi1>
          %mul3A_478 = arith.mulf %sub3A_456, %sub3A_462 : vector<16xf32>
          %jit3A_479 = arith.constant 0.000000e+00 : f32
          %broadcast_in_dim3A_480 = vector.broadcast %jit3A_479 : f32 to vector<16xf32>
          %select_n3A_481 = arith.select %and3A_477, %mul3A_478, %broadcast_in_dim3A_480 : vector<16xi1>, vector<16xf32>
          %jit3A_482 = arith.constant 0 : i32
          %jit3A_483 = arith.constant 47 : i32
          %max3A_484 = vector.broadcast %jit3A_482 : i32 to vector<16xi32>
          %max3A_485 = arith.maxsi %max3A_484, %add3A_447 : vector<16xi32>
          %min3A_486 = vector.broadcast %jit3A_483 : i32 to vector<16xi32>
          %min3A_487 = arith.minsi %min3A_486, %max3A_485 : vector<16xi32>
          %jit3A_488 = arith.constant 0 : i32
          %jit3A_489 = arith.constant 47 : i32
          %max3A_490 = vector.broadcast %jit3A_488 : i32 to vector<16xi32>
          %max3A_491 = arith.maxsi %max3A_490, %add3A_450 : vector<16xi32>
          %min3A_492 = vector.broadcast %jit3A_489 : i32 to vector<16xi32>
          %min3A_493 = arith.minsi %min3A_492, %max3A_491 : vector<16xi32>
          %mul3A_494 = arith.constant 48 : i32
          %mul3A_495 = vector.broadcast %mul3A_494 : i32 to vector<16xi32>
          %mul3A_496 = arith.muli %min3A_487, %mul3A_495 : vector<16xi32>
          %add3A_497 = arith.addi %mul3A_496, %min3A_493 : vector<16xi32>
          %mul3A_498 = arith.constant 4 : i32
          %mul3A_499 = arith.muli %add3A_314, %mul3A_498 : i32
          %add3A_500 = arith.constant 1 : i32
          %add3A_501 = arith.addi %mul3A_499, %add3A_500 : i32
          %mul3A_502 = arith.constant 16 : i32
          %mul3A_503 = arith.muli %add3A_501, %mul3A_502 : i32
          %swap3A_504 = arith.index_cast %mul3A_503 : i32 to index
          %swap3A_505 = tpu.vector_load %arg11[%swap3A_504] {strides = array<i32>} : memref<1152xf32, #tpu.memory_space<vmem>>, vector<16xf32>,
          tpu.vector_store %arg11[%swap3A_504], %select_n3A_481 {strides = array<i32>} : memref<1152xf32, #tpu.memory_space<vmem>>, vector<16xf32>,
          %mul3A_506 = arith.constant 4 : i32
          %mul3A_507 = arith.muli %add3A_314, %mul3A_506 : i32
          %add3A_508 = arith.constant 1 : i32
          %add3A_509 = arith.addi %mul3A_507, %add3A_508 : i32
          %mul3A_510 = arith.constant 16 : i32
          %mul3A_511 = arith.muli %add3A_509, %mul3A_510 : i32
          %swap3A_512 = arith.index_cast %mul3A_511 : i32 to index
          %swap3A_513 = tpu.vector_load %arg12[%swap3A_512] {strides = array<i32>} : memref<1152xi32, #tpu.memory_space<vmem>>, vector<16xi32>,
          tpu.vector_store %arg12[%swap3A_512], %add3A_497 {strides = array<i32>} : memref<1152xi32, #tpu.memory_space<vmem>>, vector<16xi32>,
          %add3A_514 = arith.constant 1 : i32
          %add3A_515 = vector.broadcast %add3A_514 : i32 to vector<16xi32>
          %add3A_516 = arith.addi %select_n3A_373, %add3A_515 : vector<16xi32>
          %add3A_517 = arith.constant 0 : i32
          %add3A_518 = vector.broadcast %add3A_517 : i32 to vector<16xi32>
          %add3A_519 = arith.addi %select_n3A_380, %add3A_518 : vector<16xi32>
          %convert_element_type3A_520 = arith.sitofp %add3A_516 : vector<16xi32> to vector<16xf32>
          %sub3A_521 = arith.subf %add3A_354, %convert_element_type3A_520 : vector<16xf32>
          %abs3A_522 = math.absf %sub3A_521 : vector<16xf32>
          %sub3A_523 = arith.constant 1.000000e+00 : f32
          %sub3A_524 = vector.broadcast %sub3A_523 : f32 to vector<16xf32>
          %sub3A_525 = arith.subf %sub3A_524, %abs3A_522 : vector<16xf32>
          %convert_element_type3A_526 = arith.sitofp %add3A_519 : vector<16xi32> to vector<16xf32>
          %sub3A_527 = arith.subf %add3A_367, %convert_element_type3A_526 : vector<16xf32>
          %abs3A_528 = math.absf %sub3A_527 : vector<16xf32>
          %sub3A_529 = arith.constant 1.000000e+00 : f32
          %sub3A_530 = vector.broadcast %sub3A_529 : f32 to vector<16xf32>
          %sub3A_531 = arith.subf %sub3A_530, %abs3A_528 : vector<16xf32>
          %ge3A_532 = arith.constant 0 : i32
          %ge3A_533 = vector.broadcast %ge3A_532 : i32 to vector<16xi32>
          %ge3A_534 = arith.cmpi sge, %add3A_516, %ge3A_533 : vector<16xi32>
          %le3A_535 = arith.constant 47 : i32
          %le3A_536 = vector.broadcast %le3A_535 : i32 to vector<16xi32>
          %le3A_537 = arith.cmpi sle, %add3A_516, %le3A_536 : vector<16xi32>
          %and3A_538 = arith.andi %ge3A_534, %le3A_537 : vector<16xi1>
          %ge3A_539 = arith.constant 0 : i32
          %ge3A_540 = vector.broadcast %ge3A_539 : i32 to vector<16xi32>
          %ge3A_541 = arith.cmpi sge, %add3A_519, %ge3A_540 : vector<16xi32>
          %and3A_542 = arith.andi %and3A_538, %ge3A_541 : vector<16xi1>
          %le3A_543 = arith.constant 47 : i32
          %le3A_544 = vector.broadcast %le3A_543 : i32 to vector<16xi32>
          %le3A_545 = arith.cmpi sle, %add3A_519, %le3A_544 : vector<16xi32>
          %and3A_546 = arith.andi %and3A_542, %le3A_545 : vector<16xi1>
          %mul3A_547 = arith.mulf %sub3A_525, %sub3A_531 : vector<16xf32>
          %jit3A_548 = arith.constant 0.000000e+00 : f32
          %broadcast_in_dim3A_549 = vector.broadcast %jit3A_548 : f32 to vector<16xf32>
          %select_n3A_550 = arith.select %and3A_546, %mul3A_547, %broadcast_in_dim3A_549 : vector<16xi1>, vector<16xf32>
          %jit3A_551 = arith.constant 0 : i32
          %jit3A_552 = arith.constant 47 : i32
          %max3A_553 = vector.broadcast %jit3A_551 : i32 to vector<16xi32>
          %max3A_554 = arith.maxsi %max3A_553, %add3A_516 : vector<16xi32>
          %min3A_555 = vector.broadcast %jit3A_552 : i32 to vector<16xi32>
          %min3A_556 = arith.minsi %min3A_555, %max3A_554 : vector<16xi32>
          %jit3A_557 = arith.constant 0 : i32
          %jit3A_558 = arith.constant 47 : i32
          %max3A_559 = vector.broadcast %jit3A_557 : i32 to vector<16xi32>
          %max3A_560 = arith.maxsi %max3A_559, %add3A_519 : vector<16xi32>
          %min3A_561 = vector.broadcast %jit3A_558 : i32 to vector<16xi32>
          %min3A_562 = arith.minsi %min3A_561, %max3A_560 : vector<16xi32>
          %mul3A_563 = arith.constant 48 : i32
          %mul3A_564 = vector.broadcast %mul3A_563 : i32 to vector<16xi32>
          %mul3A_565 = arith.muli %min3A_556, %mul3A_564 : vector<16xi32>
          %add3A_566 = arith.addi %mul3A_565, %min3A_562 : vector<16xi32>
          %mul3A_567 = arith.constant 4 : i32
          %mul3A_568 = arith.muli %add3A_314, %mul3A_567 : i32
          %add3A_569 = arith.constant 2 : i32
          %add3A_570 = arith.addi %mul3A_568, %add3A_569 : i32
          %mul3A_571 = arith.constant 16 : i32
          %mul3A_572 = arith.muli %add3A_570, %mul3A_571 : i32
          %swap3A_573 = arith.index_cast %mul3A_572 : i32 to index
          %swap3A_574 = tpu.vector_load %arg11[%swap3A_573] {strides = array<i32>} : memref<1152xf32, #tpu.memory_space<vmem>>, vector<16xf32>,
          tpu.vector_store %arg11[%swap3A_573], %select_n3A_550 {strides = array<i32>} : memref<1152xf32, #tpu.memory_space<vmem>>, vector<16xf32>,
          %mul3A_575 = arith.constant 4 : i32
          %mul3A_576 = arith.muli %add3A_314, %mul3A_575 : i32
          %add3A_577 = arith.constant 2 : i32
          %add3A_578 = arith.addi %mul3A_576, %add3A_577 : i32
          %mul3A_579 = arith.constant 16 : i32
          %mul3A_580 = arith.muli %add3A_578, %mul3A_579 : i32
          %swap3A_581 = arith.index_cast %mul3A_580 : i32 to index
          %swap3A_582 = tpu.vector_load %arg12[%swap3A_581] {strides = array<i32>} : memref<1152xi32, #tpu.memory_space<vmem>>, vector<16xi32>,
          tpu.vector_store %arg12[%swap3A_581], %add3A_566 {strides = array<i32>} : memref<1152xi32, #tpu.memory_space<vmem>>, vector<16xi32>,
          %add3A_583 = arith.constant 1 : i32
          %add3A_584 = vector.broadcast %add3A_583 : i32 to vector<16xi32>
          %add3A_585 = arith.addi %select_n3A_373, %add3A_584 : vector<16xi32>
          %add3A_586 = arith.constant 1 : i32
          %add3A_587 = vector.broadcast %add3A_586 : i32 to vector<16xi32>
          %add3A_588 = arith.addi %select_n3A_380, %add3A_587 : vector<16xi32>
          %convert_element_type3A_589 = arith.sitofp %add3A_585 : vector<16xi32> to vector<16xf32>
          %sub3A_590 = arith.subf %add3A_354, %convert_element_type3A_589 : vector<16xf32>
          %abs3A_591 = math.absf %sub3A_590 : vector<16xf32>
          %sub3A_592 = arith.constant 1.000000e+00 : f32
          %sub3A_593 = vector.broadcast %sub3A_592 : f32 to vector<16xf32>
          %sub3A_594 = arith.subf %sub3A_593, %abs3A_591 : vector<16xf32>
          %convert_element_type3A_595 = arith.sitofp %add3A_588 : vector<16xi32> to vector<16xf32>
          %sub3A_596 = arith.subf %add3A_367, %convert_element_type3A_595 : vector<16xf32>
          %abs3A_597 = math.absf %sub3A_596 : vector<16xf32>
          %sub3A_598 = arith.constant 1.000000e+00 : f32
          %sub3A_599 = vector.broadcast %sub3A_598 : f32 to vector<16xf32>
          %sub3A_600 = arith.subf %sub3A_599, %abs3A_597 : vector<16xf32>
          %ge3A_601 = arith.constant 0 : i32
          %ge3A_602 = vector.broadcast %ge3A_601 : i32 to vector<16xi32>
          %ge3A_603 = arith.cmpi sge, %add3A_585, %ge3A_602 : vector<16xi32>
          %le3A_604 = arith.constant 47 : i32
          %le3A_605 = vector.broadcast %le3A_604 : i32 to vector<16xi32>
          %le3A_606 = arith.cmpi sle, %add3A_585, %le3A_605 : vector<16xi32>
          %and3A_607 = arith.andi %ge3A_603, %le3A_606 : vector<16xi1>
          %ge3A_608 = arith.constant 0 : i32
          %ge3A_609 = vector.broadcast %ge3A_608 : i32 to vector<16xi32>
          %ge3A_610 = arith.cmpi sge, %add3A_588, %ge3A_609 : vector<16xi32>
          %and3A_611 = arith.andi %and3A_607, %ge3A_610 : vector<16xi1>
          %le3A_612 = arith.constant 47 : i32
          %le3A_613 = vector.broadcast %le3A_612 : i32 to vector<16xi32>
          %le3A_614 = arith.cmpi sle, %add3A_588, %le3A_613 : vector<16xi32>
          %and3A_615 = arith.andi %and3A_611, %le3A_614 : vector<16xi1>
          %mul3A_616 = arith.mulf %sub3A_594, %sub3A_600 : vector<16xf32>
          %jit3A_617 = arith.constant 0.000000e+00 : f32
          %broadcast_in_dim3A_618 = vector.broadcast %jit3A_617 : f32 to vector<16xf32>
          %select_n3A_619 = arith.select %and3A_615, %mul3A_616, %broadcast_in_dim3A_618 : vector<16xi1>, vector<16xf32>
          %jit3A_620 = arith.constant 0 : i32
          %jit3A_621 = arith.constant 47 : i32
          %max3A_622 = vector.broadcast %jit3A_620 : i32 to vector<16xi32>
          %max3A_623 = arith.maxsi %max3A_622, %add3A_585 : vector<16xi32>
          %min3A_624 = vector.broadcast %jit3A_621 : i32 to vector<16xi32>
          %min3A_625 = arith.minsi %min3A_624, %max3A_623 : vector<16xi32>
          %jit3A_626 = arith.constant 0 : i32
          %jit3A_627 = arith.constant 47 : i32
          %max3A_628 = vector.broadcast %jit3A_626 : i32 to vector<16xi32>
          %max3A_629 = arith.maxsi %max3A_628, %add3A_588 : vector<16xi32>
          %min3A_630 = vector.broadcast %jit3A_627 : i32 to vector<16xi32>
          %min3A_631 = arith.minsi %min3A_630, %max3A_629 : vector<16xi32>
          %mul3A_632 = arith.constant 48 : i32
          %mul3A_633 = vector.broadcast %mul3A_632 : i32 to vector<16xi32>
          %mul3A_634 = arith.muli %min3A_625, %mul3A_633 : vector<16xi32>
          %add3A_635 = arith.addi %mul3A_634, %min3A_631 : vector<16xi32>
          %mul3A_636 = arith.constant 4 : i32
          %mul3A_637 = arith.muli %add3A_314, %mul3A_636 : i32
          %add3A_638 = arith.constant 3 : i32
          %add3A_639 = arith.addi %mul3A_637, %add3A_638 : i32
          %mul3A_640 = arith.constant 16 : i32
          %mul3A_641 = arith.muli %add3A_639, %mul3A_640 : i32
          %swap3A_642 = arith.index_cast %mul3A_641 : i32 to index
          %swap3A_643 = tpu.vector_load %arg11[%swap3A_642] {strides = array<i32>} : memref<1152xf32, #tpu.memory_space<vmem>>, vector<16xf32>,
          tpu.vector_store %arg11[%swap3A_642], %select_n3A_619 {strides = array<i32>} : memref<1152xf32, #tpu.memory_space<vmem>>, vector<16xf32>,
          %mul3A_644 = arith.constant 4 : i32
          %mul3A_645 = arith.muli %add3A_314, %mul3A_644 : i32
          %add3A_646 = arith.constant 3 : i32
          %add3A_647 = arith.addi %mul3A_645, %add3A_646 : i32
          %mul3A_648 = arith.constant 16 : i32
          %mul3A_649 = arith.muli %add3A_647, %mul3A_648 : i32
          %swap3A_650 = arith.index_cast %mul3A_649 : i32 to index
          %swap3A_651 = tpu.vector_load %arg12[%swap3A_650] {strides = array<i32>} : memref<1152xi32, #tpu.memory_space<vmem>>, vector<16xi32>,
          tpu.vector_store %arg12[%swap3A_650], %add3A_635 {strides = array<i32>} : memref<1152xi32, #tpu.memory_space<vmem>>, vector<16xi32>,
          %broadcast_in_dim3A_652 = arith.constant 0.000000e+00 : f32
          %broadcast_in_dim3A_653 = vector.broadcast %broadcast_in_dim3A_652 : f32 to vector<16xf32>
          %add3A_654 = arith.constant 27648 : i32
          %add3A_655 = vector.broadcast %add3A_654 : i32 to vector<16xi32>
          %add3A_656 = arith.addi %add3A_428, %add3A_655 : vector<16xi32>
          %gather3A = tpu.vector_load_idx %arg7[%add3A_656] : memref<110592xf32, #tpu.memory_space<vmem>>[vector<16xi32>], vector<16xf32>,
          %mul3A_657 = arith.mulf %select_n3A_414, %gather3A : vector<16xf32>
          %add3A_658 = arith.constant 27648 : i32
          %add3A_659 = vector.broadcast %add3A_658 : i32 to vector<16xi32>
          %add3A_660 = arith.addi %add3A_497, %add3A_659 : vector<16xi32>
          %gather3A_661 = tpu.vector_load_idx %arg7[%add3A_660] : memref<110592xf32, #tpu.memory_space<vmem>>[vector<16xi32>], vector<16xf32>,
          %mul3A_662 = arith.mulf %select_n3A_481, %gather3A_661 : vector<16xf32>
          %add3A_663 = arith.addf %mul3A_657, %mul3A_662 : vector<16xf32>
          %add3A_664 = arith.constant 27648 : i32
          %add3A_665 = vector.broadcast %add3A_664 : i32 to vector<16xi32>
          %add3A_666 = arith.addi %add3A_566, %add3A_665 : vector<16xi32>
          %gather3A_667 = tpu.vector_load_idx %arg7[%add3A_666] : memref<110592xf32, #tpu.memory_space<vmem>>[vector<16xi32>], vector<16xf32>,
          %mul3A_668 = arith.mulf %select_n3A_550, %gather3A_667 : vector<16xf32>
          %add3A_669 = arith.addf %add3A_663, %mul3A_668 : vector<16xf32>
          %add3A_670 = arith.constant 27648 : i32
          %add3A_671 = vector.broadcast %add3A_670 : i32 to vector<16xi32>
          %add3A_672 = arith.addi %add3A_635, %add3A_671 : vector<16xi32>
          %gather3A_673 = tpu.vector_load_idx %arg7[%add3A_672] : memref<110592xf32, #tpu.memory_space<vmem>>[vector<16xi32>], vector<16xf32>,
          %mul3A_674 = arith.mulf %select_n3A_619, %gather3A_673 : vector<16xf32>
          %add3A_675 = arith.addf %add3A_669, %mul3A_674 : vector<16xf32>
          %mul3A_676 = arith.mulf %get3A_176, %add3A_675 : vector<16xf32>
          %add3A_677 = arith.addf %broadcast_in_dim3A_653, %mul3A_676 : vector<16xf32>
          %add3A_678 = arith.constant 29952 : i32
          %add3A_679 = vector.broadcast %add3A_678 : i32 to vector<16xi32>
          %add3A_680 = arith.addi %add3A_428, %add3A_679 : vector<16xi32>
          %gather3A_681 = tpu.vector_load_idx %arg7[%add3A_680] : memref<110592xf32, #tpu.memory_space<vmem>>[vector<16xi32>], vector<16xf32>,
          %mul3A_682 = arith.mulf %select_n3A_414, %gather3A_681 : vector<16xf32>
          %add3A_683 = arith.constant 29952 : i32
          %add3A_684 = vector.broadcast %add3A_683 : i32 to vector<16xi32>
          %add3A_685 = arith.addi %add3A_497, %add3A_684 : vector<16xi32>
          %gather3A_686 = tpu.vector_load_idx %arg7[%add3A_685] : memref<110592xf32, #tpu.memory_space<vmem>>[vector<16xi32>], vector<16xf32>,
          %mul3A_687 = arith.mulf %select_n3A_481, %gather3A_686 : vector<16xf32>
          %add3A_688 = arith.addf %mul3A_682, %mul3A_687 : vector<16xf32>
          %add3A_689 = arith.constant 29952 : i32
          %add3A_690 = vector.broadcast %add3A_689 : i32 to vector<16xi32>
          %add3A_691 = arith.addi %add3A_566, %add3A_690 : vector<16xi32>
          %gather3A_692 = tpu.vector_load_idx %arg7[%add3A_691] : memref<110592xf32, #tpu.memory_space<vmem>>[vector<16xi32>], vector<16xf32>,
          %mul3A_693 = arith.mulf %select_n3A_550, %gather3A_692 : vector<16xf32>
          %add3A_694 = arith.addf %add3A_688, %mul3A_693 : vector<16xf32>
          %add3A_695 = arith.constant 29952 : i32
          %add3A_696 = vector.broadcast %add3A_695 : i32 to vector<16xi32>
          %add3A_697 = arith.addi %add3A_635, %add3A_696 : vector<16xi32>
          %gather3A_698 = tpu.vector_load_idx %arg7[%add3A_697] : memref<110592xf32, #tpu.memory_space<vmem>>[vector<16xi32>], vector<16xf32>,
          %mul3A_699 = arith.mulf %select_n3A_619, %gather3A_698 : vector<16xf32>
          %add3A_700 = arith.addf %add3A_694, %mul3A_699 : vector<16xf32>
          %mul3A_701 = arith.mulf %get3A_180, %add3A_700 : vector<16xf32>
          %add3A_702 = arith.addf %add3A_677, %mul3A_701 : vector<16xf32>
          %add3A_703 = arith.constant 32256 : i32
          %add3A_704 = vector.broadcast %add3A_703 : i32 to vector<16xi32>
          %add3A_705 = arith.addi %add3A_428, %add3A_704 : vector<16xi32>
          %gather3A_706 = tpu.vector_load_idx %arg7[%add3A_705] : memref<110592xf32, #tpu.memory_space<vmem>>[vector<16xi32>], vector<16xf32>,
          %mul3A_707 = arith.mulf %select_n3A_414, %gather3A_706 : vector<16xf32>
          %add3A_708 = arith.constant 32256 : i32
          %add3A_709 = vector.broadcast %add3A_708 : i32 to vector<16xi32>
          %add3A_710 = arith.addi %add3A_497, %add3A_709 : vector<16xi32>
          %gather3A_711 = tpu.vector_load_idx %arg7[%add3A_710] : memref<110592xf32, #tpu.memory_space<vmem>>[vector<16xi32>], vector<16xf32>,
          %mul3A_712 = arith.mulf %select_n3A_481, %gather3A_711 : vector<16xf32>
          %add3A_713 = arith.addf %mul3A_707, %mul3A_712 : vector<16xf32>
          %add3A_714 = arith.constant 32256 : i32
          %add3A_715 = vector.broadcast %add3A_714 : i32 to vector<16xi32>
          %add3A_716 = arith.addi %add3A_566, %add3A_715 : vector<16xi32>
          %gather3A_717 = tpu.vector_load_idx %arg7[%add3A_716] : memref<110592xf32, #tpu.memory_space<vmem>>[vector<16xi32>], vector<16xf32>,
          %mul3A_718 = arith.mulf %select_n3A_550, %gather3A_717 : vector<16xf32>
          %add3A_719 = arith.addf %add3A_713, %mul3A_718 : vector<16xf32>
          %add3A_720 = arith.constant 32256 : i32
          %add3A_721 = vector.broadcast %add3A_720 : i32 to vector<16xi32>
          %add3A_722 = arith.addi %add3A_635, %add3A_721 : vector<16xi32>
          %gather3A_723 = tpu.vector_load_idx %arg7[%add3A_722] : memref<110592xf32, #tpu.memory_space<vmem>>[vector<16xi32>], vector<16xf32>,
          %mul3A_724 = arith.mulf %select_n3A_619, %gather3A_723 : vector<16xf32>
          %add3A_725 = arith.addf %add3A_719, %mul3A_724 : vector<16xf32>
          %mul3A_726 = arith.mulf %get3A_184, %add3A_725 : vector<16xf32>
          %add3A_727 = arith.addf %add3A_702, %mul3A_726 : vector<16xf32>
          %add3A_728 = arith.constant 34560 : i32
          %add3A_729 = vector.broadcast %add3A_728 : i32 to vector<16xi32>
          %add3A_730 = arith.addi %add3A_428, %add3A_729 : vector<16xi32>
          %gather3A_731 = tpu.vector_load_idx %arg7[%add3A_730] : memref<110592xf32, #tpu.memory_space<vmem>>[vector<16xi32>], vector<16xf32>,
          %mul3A_732 = arith.mulf %select_n3A_414, %gather3A_731 : vector<16xf32>
          %add3A_733 = arith.constant 34560 : i32
          %add3A_734 = vector.broadcast %add3A_733 : i32 to vector<16xi32>
          %add3A_735 = arith.addi %add3A_497, %add3A_734 : vector<16xi32>
          %gather3A_736 = tpu.vector_load_idx %arg7[%add3A_735] : memref<110592xf32, #tpu.memory_space<vmem>>[vector<16xi32>], vector<16xf32>,
          %mul3A_737 = arith.mulf %select_n3A_481, %gather3A_736 : vector<16xf32>
          %add3A_738 = arith.addf %mul3A_732, %mul3A_737 : vector<16xf32>
          %add3A_739 = arith.constant 34560 : i32
          %add3A_740 = vector.broadcast %add3A_739 : i32 to vector<16xi32>
          %add3A_741 = arith.addi %add3A_566, %add3A_740 : vector<16xi32>
          %gather3A_742 = tpu.vector_load_idx %arg7[%add3A_741] : memref<110592xf32, #tpu.memory_space<vmem>>[vector<16xi32>], vector<16xf32>,
          %mul3A_743 = arith.mulf %select_n3A_550, %gather3A_742 : vector<16xf32>
          %add3A_744 = arith.addf %add3A_738, %mul3A_743 : vector<16xf32>
          %add3A_745 = arith.constant 34560 : i32
          %add3A_746 = vector.broadcast %add3A_745 : i32 to vector<16xi32>
          %add3A_747 = arith.addi %add3A_635, %add3A_746 : vector<16xi32>
          %gather3A_748 = tpu.vector_load_idx %arg7[%add3A_747] : memref<110592xf32, #tpu.memory_space<vmem>>[vector<16xi32>], vector<16xf32>,
          %mul3A_749 = arith.mulf %select_n3A_619, %gather3A_748 : vector<16xf32>
          %add3A_750 = arith.addf %add3A_744, %mul3A_749 : vector<16xf32>
          %mul3A_751 = arith.mulf %get3A_188, %add3A_750 : vector<16xf32>
          %add3A_752 = arith.addf %add3A_727, %mul3A_751 : vector<16xf32>
          %add3A_753 = arith.constant 36864 : i32
          %add3A_754 = vector.broadcast %add3A_753 : i32 to vector<16xi32>
          %add3A_755 = arith.addi %add3A_428, %add3A_754 : vector<16xi32>
          %gather3A_756 = tpu.vector_load_idx %arg7[%add3A_755] : memref<110592xf32, #tpu.memory_space<vmem>>[vector<16xi32>], vector<16xf32>,
          %mul3A_757 = arith.mulf %select_n3A_414, %gather3A_756 : vector<16xf32>
          %add3A_758 = arith.constant 36864 : i32
          %add3A_759 = vector.broadcast %add3A_758 : i32 to vector<16xi32>
          %add3A_760 = arith.addi %add3A_497, %add3A_759 : vector<16xi32>
          %gather3A_761 = tpu.vector_load_idx %arg7[%add3A_760] : memref<110592xf32, #tpu.memory_space<vmem>>[vector<16xi32>], vector<16xf32>,
          %mul3A_762 = arith.mulf %select_n3A_481, %gather3A_761 : vector<16xf32>
          %add3A_763 = arith.addf %mul3A_757, %mul3A_762 : vector<16xf32>
          %add3A_764 = arith.constant 36864 : i32
          %add3A_765 = vector.broadcast %add3A_764 : i32 to vector<16xi32>
          %add3A_766 = arith.addi %add3A_566, %add3A_765 : vector<16xi32>
          %gather3A_767 = tpu.vector_load_idx %arg7[%add3A_766] : memref<110592xf32, #tpu.memory_space<vmem>>[vector<16xi32>], vector<16xf32>,
          %mul3A_768 = arith.mulf %select_n3A_550, %gather3A_767 : vector<16xf32>
          %add3A_769 = arith.addf %add3A_763, %mul3A_768 : vector<16xf32>
          %add3A_770 = arith.constant 36864 : i32
          %add3A_771 = vector.broadcast %add3A_770 : i32 to vector<16xi32>
          %add3A_772 = arith.addi %add3A_635, %add3A_771 : vector<16xi32>
          %gather3A_773 = tpu.vector_load_idx %arg7[%add3A_772] : memref<110592xf32, #tpu.memory_space<vmem>>[vector<16xi32>], vector<16xf32>,
          %mul3A_774 = arith.mulf %select_n3A_619, %gather3A_773 : vector<16xf32>
          %add3A_775 = arith.addf %add3A_769, %mul3A_774 : vector<16xf32>
          %mul3A_776 = arith.mulf %get3A_192, %add3A_775 : vector<16xf32>
          %add3A_777 = arith.addf %add3A_752, %mul3A_776 : vector<16xf32>
          %add3A_778 = arith.constant 39168 : i32
          %add3A_779 = vector.broadcast %add3A_778 : i32 to vector<16xi32>
          %add3A_780 = arith.addi %add3A_428, %add3A_779 : vector<16xi32>
          %gather3A_781 = tpu.vector_load_idx %arg7[%add3A_780] : memref<110592xf32, #tpu.memory_space<vmem>>[vector<16xi32>], vector<16xf32>,
          %mul3A_782 = arith.mulf %select_n3A_414, %gather3A_781 : vector<16xf32>
          %add3A_783 = arith.constant 39168 : i32
          %add3A_784 = vector.broadcast %add3A_783 : i32 to vector<16xi32>
          %add3A_785 = arith.addi %add3A_497, %add3A_784 : vector<16xi32>
          %gather3A_786 = tpu.vector_load_idx %arg7[%add3A_785] : memref<110592xf32, #tpu.memory_space<vmem>>[vector<16xi32>], vector<16xf32>,
          %mul3A_787 = arith.mulf %select_n3A_481, %gather3A_786 : vector<16xf32>
          %add3A_788 = arith.addf %mul3A_782, %mul3A_787 : vector<16xf32>
          %add3A_789 = arith.constant 39168 : i32
          %add3A_790 = vector.broadcast %add3A_789 : i32 to vector<16xi32>
          %add3A_791 = arith.addi %add3A_566, %add3A_790 : vector<16xi32>
          %gather3A_792 = tpu.vector_load_idx %arg7[%add3A_791] : memref<110592xf32, #tpu.memory_space<vmem>>[vector<16xi32>], vector<16xf32>,
          %mul3A_793 = arith.mulf %select_n3A_550, %gather3A_792 : vector<16xf32>
          %add3A_794 = arith.addf %add3A_788, %mul3A_793 : vector<16xf32>
          %add3A_795 = arith.constant 39168 : i32
          %add3A_796 = vector.broadcast %add3A_795 : i32 to vector<16xi32>
          %add3A_797 = arith.addi %add3A_635, %add3A_796 : vector<16xi32>
          %gather3A_798 = tpu.vector_load_idx %arg7[%add3A_797] : memref<110592xf32, #tpu.memory_space<vmem>>[vector<16xi32>], vector<16xf32>,
          %mul3A_799 = arith.mulf %select_n3A_619, %gather3A_798 : vector<16xf32>
          %add3A_800 = arith.addf %add3A_794, %mul3A_799 : vector<16xf32>
          %mul3A_801 = arith.mulf %get3A_196, %add3A_800 : vector<16xf32>
          %add3A_802 = arith.addf %add3A_777, %mul3A_801 : vector<16xf32>
          %add3A_803 = arith.constant 41472 : i32
          %add3A_804 = vector.broadcast %add3A_803 : i32 to vector<16xi32>
          %add3A_805 = arith.addi %add3A_428, %add3A_804 : vector<16xi32>
          %gather3A_806 = tpu.vector_load_idx %arg7[%add3A_805] : memref<110592xf32, #tpu.memory_space<vmem>>[vector<16xi32>], vector<16xf32>,
          %mul3A_807 = arith.mulf %select_n3A_414, %gather3A_806 : vector<16xf32>
          %add3A_808 = arith.constant 41472 : i32
          %add3A_809 = vector.broadcast %add3A_808 : i32 to vector<16xi32>
          %add3A_810 = arith.addi %add3A_497, %add3A_809 : vector<16xi32>
          %gather3A_811 = tpu.vector_load_idx %arg7[%add3A_810] : memref<110592xf32, #tpu.memory_space<vmem>>[vector<16xi32>], vector<16xf32>,
          %mul3A_812 = arith.mulf %select_n3A_481, %gather3A_811 : vector<16xf32>
          %add3A_813 = arith.addf %mul3A_807, %mul3A_812 : vector<16xf32>
          %add3A_814 = arith.constant 41472 : i32
          %add3A_815 = vector.broadcast %add3A_814 : i32 to vector<16xi32>
          %add3A_816 = arith.addi %add3A_566, %add3A_815 : vector<16xi32>
          %gather3A_817 = tpu.vector_load_idx %arg7[%add3A_816] : memref<110592xf32, #tpu.memory_space<vmem>>[vector<16xi32>], vector<16xf32>,
          %mul3A_818 = arith.mulf %select_n3A_550, %gather3A_817 : vector<16xf32>
          %add3A_819 = arith.addf %add3A_813, %mul3A_818 : vector<16xf32>
          %add3A_820 = arith.constant 41472 : i32
          %add3A_821 = vector.broadcast %add3A_820 : i32 to vector<16xi32>
          %add3A_822 = arith.addi %add3A_635, %add3A_821 : vector<16xi32>
          %gather3A_823 = tpu.vector_load_idx %arg7[%add3A_822] : memref<110592xf32, #tpu.memory_space<vmem>>[vector<16xi32>], vector<16xf32>,
          %mul3A_824 = arith.mulf %select_n3A_619, %gather3A_823 : vector<16xf32>
          %add3A_825 = arith.addf %add3A_819, %mul3A_824 : vector<16xf32>
          %mul3A_826 = arith.mulf %get3A_200, %add3A_825 : vector<16xf32>
          %add3A_827 = arith.addf %add3A_802, %mul3A_826 : vector<16xf32>
          %add3A_828 = arith.constant 43776 : i32
          %add3A_829 = vector.broadcast %add3A_828 : i32 to vector<16xi32>
          %add3A_830 = arith.addi %add3A_428, %add3A_829 : vector<16xi32>
          %gather3A_831 = tpu.vector_load_idx %arg7[%add3A_830] : memref<110592xf32, #tpu.memory_space<vmem>>[vector<16xi32>], vector<16xf32>,
          %mul3A_832 = arith.mulf %select_n3A_414, %gather3A_831 : vector<16xf32>
          %add3A_833 = arith.constant 43776 : i32
          %add3A_834 = vector.broadcast %add3A_833 : i32 to vector<16xi32>
          %add3A_835 = arith.addi %add3A_497, %add3A_834 : vector<16xi32>
          %gather3A_836 = tpu.vector_load_idx %arg7[%add3A_835] : memref<110592xf32, #tpu.memory_space<vmem>>[vector<16xi32>], vector<16xf32>,
          %mul3A_837 = arith.mulf %select_n3A_481, %gather3A_836 : vector<16xf32>
          %add3A_838 = arith.addf %mul3A_832, %mul3A_837 : vector<16xf32>
          %add3A_839 = arith.constant 43776 : i32
          %add3A_840 = vector.broadcast %add3A_839 : i32 to vector<16xi32>
          %add3A_841 = arith.addi %add3A_566, %add3A_840 : vector<16xi32>
          %gather3A_842 = tpu.vector_load_idx %arg7[%add3A_841] : memref<110592xf32, #tpu.memory_space<vmem>>[vector<16xi32>], vector<16xf32>,
          %mul3A_843 = arith.mulf %select_n3A_550, %gather3A_842 : vector<16xf32>
          %add3A_844 = arith.addf %add3A_838, %mul3A_843 : vector<16xf32>
          %add3A_845 = arith.constant 43776 : i32
          %add3A_846 = vector.broadcast %add3A_845 : i32 to vector<16xi32>
          %add3A_847 = arith.addi %add3A_635, %add3A_846 : vector<16xi32>
          %gather3A_848 = tpu.vector_load_idx %arg7[%add3A_847] : memref<110592xf32, #tpu.memory_space<vmem>>[vector<16xi32>], vector<16xf32>,
          %mul3A_849 = arith.mulf %select_n3A_619, %gather3A_848 : vector<16xf32>
          %add3A_850 = arith.addf %add3A_844, %mul3A_849 : vector<16xf32>
          %mul3A_851 = arith.mulf %get3A_204, %add3A_850 : vector<16xf32>
          %add3A_852 = arith.addf %add3A_827, %mul3A_851 : vector<16xf32>
          %add3A_853 = arith.constant 46080 : i32
          %add3A_854 = vector.broadcast %add3A_853 : i32 to vector<16xi32>
          %add3A_855 = arith.addi %add3A_428, %add3A_854 : vector<16xi32>
          %gather3A_856 = tpu.vector_load_idx %arg7[%add3A_855] : memref<110592xf32, #tpu.memory_space<vmem>>[vector<16xi32>], vector<16xf32>,
          %mul3A_857 = arith.mulf %select_n3A_414, %gather3A_856 : vector<16xf32>
          %add3A_858 = arith.constant 46080 : i32
          %add3A_859 = vector.broadcast %add3A_858 : i32 to vector<16xi32>
          %add3A_860 = arith.addi %add3A_497, %add3A_859 : vector<16xi32>
          %gather3A_861 = tpu.vector_load_idx %arg7[%add3A_860] : memref<110592xf32, #tpu.memory_space<vmem>>[vector<16xi32>], vector<16xf32>,
          %mul3A_862 = arith.mulf %select_n3A_481, %gather3A_861 : vector<16xf32>
          %add3A_863 = arith.addf %mul3A_857, %mul3A_862 : vector<16xf32>
          %add3A_864 = arith.constant 46080 : i32
          %add3A_865 = vector.broadcast %add3A_864 : i32 to vector<16xi32>
          %add3A_866 = arith.addi %add3A_566, %add3A_865 : vector<16xi32>
          %gather3A_867 = tpu.vector_load_idx %arg7[%add3A_866] : memref<110592xf32, #tpu.memory_space<vmem>>[vector<16xi32>], vector<16xf32>,
          %mul3A_868 = arith.mulf %select_n3A_550, %gather3A_867 : vector<16xf32>
          %add3A_869 = arith.addf %add3A_863, %mul3A_868 : vector<16xf32>
          %add3A_870 = arith.constant 46080 : i32
          %add3A_871 = vector.broadcast %add3A_870 : i32 to vector<16xi32>
          %add3A_872 = arith.addi %add3A_635, %add3A_871 : vector<16xi32>
          %gather3A_873 = tpu.vector_load_idx %arg7[%add3A_872] : memref<110592xf32, #tpu.memory_space<vmem>>[vector<16xi32>], vector<16xf32>,
          %mul3A_874 = arith.mulf %select_n3A_619, %gather3A_873 : vector<16xf32>
          %add3A_875 = arith.addf %add3A_869, %mul3A_874 : vector<16xf32>
          %mul3A_876 = arith.mulf %get3A_208, %add3A_875 : vector<16xf32>
          %add3A_877 = arith.addf %add3A_852, %mul3A_876 : vector<16xf32>
          %add3A_878 = arith.constant 48384 : i32
          %add3A_879 = vector.broadcast %add3A_878 : i32 to vector<16xi32>
          %add3A_880 = arith.addi %add3A_428, %add3A_879 : vector<16xi32>
          %gather3A_881 = tpu.vector_load_idx %arg7[%add3A_880] : memref<110592xf32, #tpu.memory_space<vmem>>[vector<16xi32>], vector<16xf32>,
          %mul3A_882 = arith.mulf %select_n3A_414, %gather3A_881 : vector<16xf32>
          %add3A_883 = arith.constant 48384 : i32
          %add3A_884 = vector.broadcast %add3A_883 : i32 to vector<16xi32>
          %add3A_885 = arith.addi %add3A_497, %add3A_884 : vector<16xi32>
          %gather3A_886 = tpu.vector_load_idx %arg7[%add3A_885] : memref<110592xf32, #tpu.memory_space<vmem>>[vector<16xi32>], vector<16xf32>,
          %mul3A_887 = arith.mulf %select_n3A_481, %gather3A_886 : vector<16xf32>
          %add3A_888 = arith.addf %mul3A_882, %mul3A_887 : vector<16xf32>
          %add3A_889 = arith.constant 48384 : i32
          %add3A_890 = vector.broadcast %add3A_889 : i32 to vector<16xi32>
          %add3A_891 = arith.addi %add3A_566, %add3A_890 : vector<16xi32>
          %gather3A_892 = tpu.vector_load_idx %arg7[%add3A_891] : memref<110592xf32, #tpu.memory_space<vmem>>[vector<16xi32>], vector<16xf32>,
          %mul3A_893 = arith.mulf %select_n3A_550, %gather3A_892 : vector<16xf32>
          %add3A_894 = arith.addf %add3A_888, %mul3A_893 : vector<16xf32>
          %add3A_895 = arith.constant 48384 : i32
          %add3A_896 = vector.broadcast %add3A_895 : i32 to vector<16xi32>
          %add3A_897 = arith.addi %add3A_635, %add3A_896 : vector<16xi32>
          %gather3A_898 = tpu.vector_load_idx %arg7[%add3A_897] : memref<110592xf32, #tpu.memory_space<vmem>>[vector<16xi32>], vector<16xf32>,
          %mul3A_899 = arith.mulf %select_n3A_619, %gather3A_898 : vector<16xf32>
          %add3A_900 = arith.addf %add3A_894, %mul3A_899 : vector<16xf32>
          %mul3A_901 = arith.mulf %get3A_212, %add3A_900 : vector<16xf32>
          %add3A_902 = arith.addf %add3A_877, %mul3A_901 : vector<16xf32>
          %add3A_903 = arith.constant 50688 : i32
          %add3A_904 = vector.broadcast %add3A_903 : i32 to vector<16xi32>
          %add3A_905 = arith.addi %add3A_428, %add3A_904 : vector<16xi32>
          %gather3A_906 = tpu.vector_load_idx %arg7[%add3A_905] : memref<110592xf32, #tpu.memory_space<vmem>>[vector<16xi32>], vector<16xf32>,
          %mul3A_907 = arith.mulf %select_n3A_414, %gather3A_906 : vector<16xf32>
          %add3A_908 = arith.constant 50688 : i32
          %add3A_909 = vector.broadcast %add3A_908 : i32 to vector<16xi32>
          %add3A_910 = arith.addi %add3A_497, %add3A_909 : vector<16xi32>
          %gather3A_911 = tpu.vector_load_idx %arg7[%add3A_910] : memref<110592xf32, #tpu.memory_space<vmem>>[vector<16xi32>], vector<16xf32>,
          %mul3A_912 = arith.mulf %select_n3A_481, %gather3A_911 : vector<16xf32>
          %add3A_913 = arith.addf %mul3A_907, %mul3A_912 : vector<16xf32>
          %add3A_914 = arith.constant 50688 : i32
          %add3A_915 = vector.broadcast %add3A_914 : i32 to vector<16xi32>
          %add3A_916 = arith.addi %add3A_566, %add3A_915 : vector<16xi32>
          %gather3A_917 = tpu.vector_load_idx %arg7[%add3A_916] : memref<110592xf32, #tpu.memory_space<vmem>>[vector<16xi32>], vector<16xf32>,
          %mul3A_918 = arith.mulf %select_n3A_550, %gather3A_917 : vector<16xf32>
          %add3A_919 = arith.addf %add3A_913, %mul3A_918 : vector<16xf32>
          %add3A_920 = arith.constant 50688 : i32
          %add3A_921 = vector.broadcast %add3A_920 : i32 to vector<16xi32>
          %add3A_922 = arith.addi %add3A_635, %add3A_921 : vector<16xi32>
          %gather3A_923 = tpu.vector_load_idx %arg7[%add3A_922] : memref<110592xf32, #tpu.memory_space<vmem>>[vector<16xi32>], vector<16xf32>,
          %mul3A_924 = arith.mulf %select_n3A_619, %gather3A_923 : vector<16xf32>
          %add3A_925 = arith.addf %add3A_919, %mul3A_924 : vector<16xf32>
          %mul3A_926 = arith.mulf %get3A_216, %add3A_925 : vector<16xf32>
          %add3A_927 = arith.addf %add3A_902, %mul3A_926 : vector<16xf32>
          %add3A_928 = arith.constant 52992 : i32
          %add3A_929 = vector.broadcast %add3A_928 : i32 to vector<16xi32>
          %add3A_930 = arith.addi %add3A_428, %add3A_929 : vector<16xi32>
          %gather3A_931 = tpu.vector_load_idx %arg7[%add3A_930] : memref<110592xf32, #tpu.memory_space<vmem>>[vector<16xi32>], vector<16xf32>,
          %mul3A_932 = arith.mulf %select_n3A_414, %gather3A_931 : vector<16xf32>
          %add3A_933 = arith.constant 52992 : i32
          %add3A_934 = vector.broadcast %add3A_933 : i32 to vector<16xi32>
          %add3A_935 = arith.addi %add3A_497, %add3A_934 : vector<16xi32>
          %gather3A_936 = tpu.vector_load_idx %arg7[%add3A_935] : memref<110592xf32, #tpu.memory_space<vmem>>[vector<16xi32>], vector<16xf32>,
          %mul3A_937 = arith.mulf %select_n3A_481, %gather3A_936 : vector<16xf32>
          %add3A_938 = arith.addf %mul3A_932, %mul3A_937 : vector<16xf32>
          %add3A_939 = arith.constant 52992 : i32
          %add3A_940 = vector.broadcast %add3A_939 : i32 to vector<16xi32>
          %add3A_941 = arith.addi %add3A_566, %add3A_940 : vector<16xi32>
          %gather3A_942 = tpu.vector_load_idx %arg7[%add3A_941] : memref<110592xf32, #tpu.memory_space<vmem>>[vector<16xi32>], vector<16xf32>,
          %mul3A_943 = arith.mulf %select_n3A_550, %gather3A_942 : vector<16xf32>
          %add3A_944 = arith.addf %add3A_938, %mul3A_943 : vector<16xf32>
          %add3A_945 = arith.constant 52992 : i32
          %add3A_946 = vector.broadcast %add3A_945 : i32 to vector<16xi32>
          %add3A_947 = arith.addi %add3A_635, %add3A_946 : vector<16xi32>
          %gather3A_948 = tpu.vector_load_idx %arg7[%add3A_947] : memref<110592xf32, #tpu.memory_space<vmem>>[vector<16xi32>], vector<16xf32>,
          %mul3A_949 = arith.mulf %select_n3A_619, %gather3A_948 : vector<16xf32>
          %add3A_950 = arith.addf %add3A_944, %mul3A_949 : vector<16xf32>
          %mul3A_951 = arith.mulf %get3A_220, %add3A_950 : vector<16xf32>
          %add3A_952 = arith.addf %add3A_927, %mul3A_951 : vector<16xf32>
          %mul3A_953 = arith.constant 0.288675129 : f32
          %mul3A_954 = vector.broadcast %mul3A_953 : f32 to vector<16xf32>
          %mul3A_955 = arith.mulf %add3A_952, %mul3A_954 : vector<16xf32>
          %mul3A_956 = arith.constant 16 : i32
          %mul3A_957 = arith.muli %add3A_314, %mul3A_956 : i32
          %swap3A_958 = arith.index_cast %mul3A_957 : i32 to index
          %swap3A_959 = tpu.vector_load %arg13[%swap3A_958] {strides = array<i32>} : memref<288xf32, #tpu.memory_space<vmem>>, vector<16xf32>,
          tpu.vector_store %arg13[%swap3A_958], %mul3A_955 {strides = array<i32>} : memref<288xf32, #tpu.memory_space<vmem>>, vector<16xf32>,
        }
        %scan3A_232 = arith.constant 9 : i32
        %get3A_233 = arith.constant 0 : index
        %get3A_234 = tpu.vector_load %arg13[%get3A_233] {strides = array<i32>} : memref<288xf32, #tpu.memory_space<vmem>>, vector<16xf32>,
        %scan3A_235 = arith.constant 1 : i32
        %scan3A_236 = arith.constant 17 : i32
        %scan3A_237 = arith.addi %scan3A_235, %scan3A_236 : i32
        %scan3A_238 = arith.constant 1 : i32
        %scan3A_239 = scf.for %scan3A_312 = %scan3A_235 to %scan3A_237 step %scan3A_238 iter_args(%scan3A_313 = %get3A_234) -> (vector<16xf32>)  : i32 {
          %mul3A_314 = arith.constant 16 : i32
          %mul3A_315 = arith.muli %scan3A_312, %mul3A_314 : i32
          %get3A_316 = arith.index_cast %mul3A_315 : i32 to index
          %get3A_317 = tpu.vector_load %arg13[%get3A_316] {strides = array<i32>} : memref<288xf32, #tpu.memory_space<vmem>>, vector<16xf32>,
          %max3A = arith.maximumf %scan3A_313, %get3A_317 : vector<16xf32>
          scf.yield %max3A : vector<16xf32>
        }
        %scan3A_240 = arith.constant 17 : i32
        %broadcast_in_dim3A = arith.constant 0.000000e+00 : f32
        %broadcast_in_dim3A_241 = vector.broadcast %broadcast_in_dim3A : f32 to vector<16xf32>
        %scan3A_242 = arith.constant 0 : i32
        %scan3A_243 = arith.constant 18 : i32
        %scan3A_244 = arith.addi %scan3A_242, %scan3A_243 : i32
        %scan3A_245 = arith.constant 1 : i32
        %scan3A_246 = scf.for %scan3A_312 = %scan3A_242 to %scan3A_244 step %scan3A_245 iter_args(%scan3A_313 = %broadcast_in_dim3A_241) -> (vector<16xf32>)  : i32 {
          %mul3A_314 = arith.constant 16 : i32
          %mul3A_315 = arith.muli %scan3A_312, %mul3A_314 : i32
          %get3A_316 = arith.index_cast %mul3A_315 : i32 to index
          %get3A_317 = tpu.vector_load %arg13[%get3A_316] {strides = array<i32>} : memref<288xf32, #tpu.memory_space<vmem>>, vector<16xf32>,
          %sub3A_318 = arith.subf %get3A_317, %scan3A_239 : vector<16xf32>
          %exp3A = math.exp %sub3A_318 : vector<16xf32>
          %mul3A_319 = arith.constant 16 : i32
          %mul3A_320 = arith.muli %scan3A_312, %mul3A_319 : i32
          %swap3A_321 = arith.index_cast %mul3A_320 : i32 to index
          %swap3A_322 = tpu.vector_load %arg13[%swap3A_321] {strides = array<i32>} : memref<288xf32, #tpu.memory_space<vmem>>, vector<16xf32>,
          tpu.vector_store %arg13[%swap3A_321], %exp3A {strides = array<i32>} : memref<288xf32, #tpu.memory_space<vmem>>, vector<16xf32>,
          %add3A_323 = arith.addf %scan3A_313, %exp3A : vector<16xf32>
          scf.yield %add3A_323 : vector<16xf32>
        }
        %scan3A_247 = arith.constant 18 : i32
        %div3A_248 = arith.constant 1.000000e+00 : f32
        %div3A_249 = vector.broadcast %div3A_248 : f32 to vector<16xf32>
        %div3A_250 = arith.divf %div3A_249, %scan3A_246 : vector<16xf32>
        %broadcast_in_dim3A_251 = arith.constant 0.000000e+00 : f32
        %broadcast_in_dim3A_252 = vector.broadcast %broadcast_in_dim3A_251 : f32 to vector<16xf32>
        %scan3A_253 = arith.constant 0 : i32
        %scan3A_254 = arith.constant 9 : i32
        %scan3A_255 = arith.addi %scan3A_253, %scan3A_254 : i32
        %scan3A_256 = arith.constant 1 : i32
        %scan3A_257:12 = scf.for %scan3A_312 = %scan3A_253 to %scan3A_255 step %scan3A_256 iter_args(%scan3A_313 = %broadcast_in_dim3A_252, %scan3A_314 = %broadcast_in_dim3A_252, %scan3A_315 = %broadcast_in_dim3A_252, %scan3A_316 = %broadcast_in_dim3A_252, %scan3A_317 = %broadcast_in_dim3A_252, %scan3A_318 = %broadcast_in_dim3A_252, %scan3A_319 = %broadcast_in_dim3A_252, %scan3A_320 = %broadcast_in_dim3A_252, %scan3A_321 = %broadcast_in_dim3A_252, %scan3A_322 = %broadcast_in_dim3A_252, %scan3A_323 = %broadcast_in_dim3A_252, %scan3A_324 = %broadcast_in_dim3A_252) -> (vector<16xf32>, vector<16xf32>, vector<16xf32>, vector<16xf32>, vector<16xf32>, vector<16xf32>, vector<16xf32>, vector<16xf32>, vector<16xf32>, vector<16xf32>, vector<16xf32>, vector<16xf32>)  : i32 {
          %add3A_325 = arith.constant 0 : i32
          %add3A_326 = arith.addi %scan3A_312, %add3A_325 : i32
          %mul3A_327 = arith.constant 16 : i32
          %mul3A_328 = arith.muli %add3A_326, %mul3A_327 : i32
          %get3A_329 = arith.index_cast %mul3A_328 : i32 to index
          %get3A_330 = tpu.vector_load %arg13[%get3A_329] {strides = array<i32>} : memref<288xf32, #tpu.memory_space<vmem>>, vector<16xf32>,
          %mul3A_331 = arith.mulf %get3A_330, %div3A_250 : vector<16xf32>
          %mul3A_332 = arith.constant 4 : i32
          %mul3A_333 = arith.muli %add3A_326, %mul3A_332 : i32
          %add3A_334 = arith.constant 0 : i32
          %add3A_335 = arith.addi %mul3A_333, %add3A_334 : i32
          %mul3A_336 = arith.constant 16 : i32
          %mul3A_337 = arith.muli %add3A_335, %mul3A_336 : i32
          %get3A_338 = arith.index_cast %mul3A_337 : i32 to index
          %get3A_339 = tpu.vector_load %arg11[%get3A_338] {strides = array<i32>} : memref<1152xf32, #tpu.memory_space<vmem>>, vector<16xf32>,
          %mul3A_340 = arith.mulf %mul3A_331, %get3A_339 : vector<16xf32>
          %mul3A_341 = arith.constant 4 : i32
          %mul3A_342 = arith.muli %add3A_326, %mul3A_341 : i32
          %add3A_343 = arith.constant 0 : i32
          %add3A_344 = arith.addi %mul3A_342, %add3A_343 : i32
          %mul3A_345 = arith.constant 16 : i32
          %mul3A_346 = arith.muli %add3A_344, %mul3A_345 : i32
          %get3A_347 = arith.index_cast %mul3A_346 : i32 to index
          %get3A_348 = tpu.vector_load %arg12[%get3A_347] {strides = array<i32>} : memref<1152xi32, #tpu.memory_space<vmem>>, vector<16xi32>,
          %add3A_349 = arith.constant 55296 : i32
          %add3A_350 = vector.broadcast %add3A_349 : i32 to vector<16xi32>
          %add3A_351 = arith.addi %get3A_348, %add3A_350 : vector<16xi32>
          %gather3A = tpu.vector_load_idx %arg7[%add3A_351] : memref<110592xf32, #tpu.memory_space<vmem>>[vector<16xi32>], vector<16xf32>,
          %mul3A_352 = arith.mulf %mul3A_340, %gather3A : vector<16xf32>
          %add3A_353 = arith.addf %scan3A_313, %mul3A_352 : vector<16xf32>
          %add3A_354 = arith.constant 57600 : i32
          %add3A_355 = vector.broadcast %add3A_354 : i32 to vector<16xi32>
          %add3A_356 = arith.addi %get3A_348, %add3A_355 : vector<16xi32>
          %gather3A_357 = tpu.vector_load_idx %arg7[%add3A_356] : memref<110592xf32, #tpu.memory_space<vmem>>[vector<16xi32>], vector<16xf32>,
          %mul3A_358 = arith.mulf %mul3A_340, %gather3A_357 : vector<16xf32>
          %add3A_359 = arith.addf %scan3A_314, %mul3A_358 : vector<16xf32>
          %add3A_360 = arith.constant 59904 : i32
          %add3A_361 = vector.broadcast %add3A_360 : i32 to vector<16xi32>
          %add3A_362 = arith.addi %get3A_348, %add3A_361 : vector<16xi32>
          %gather3A_363 = tpu.vector_load_idx %arg7[%add3A_362] : memref<110592xf32, #tpu.memory_space<vmem>>[vector<16xi32>], vector<16xf32>,
          %mul3A_364 = arith.mulf %mul3A_340, %gather3A_363 : vector<16xf32>
          %add3A_365 = arith.addf %scan3A_315, %mul3A_364 : vector<16xf32>
          %add3A_366 = arith.constant 62208 : i32
          %add3A_367 = vector.broadcast %add3A_366 : i32 to vector<16xi32>
          %add3A_368 = arith.addi %get3A_348, %add3A_367 : vector<16xi32>
          %gather3A_369 = tpu.vector_load_idx %arg7[%add3A_368] : memref<110592xf32, #tpu.memory_space<vmem>>[vector<16xi32>], vector<16xf32>,
          %mul3A_370 = arith.mulf %mul3A_340, %gather3A_369 : vector<16xf32>
          %add3A_371 = arith.addf %scan3A_316, %mul3A_370 : vector<16xf32>
          %add3A_372 = arith.constant 64512 : i32
          %add3A_373 = vector.broadcast %add3A_372 : i32 to vector<16xi32>
          %add3A_374 = arith.addi %get3A_348, %add3A_373 : vector<16xi32>
          %gather3A_375 = tpu.vector_load_idx %arg7[%add3A_374] : memref<110592xf32, #tpu.memory_space<vmem>>[vector<16xi32>], vector<16xf32>,
          %mul3A_376 = arith.mulf %mul3A_340, %gather3A_375 : vector<16xf32>
          %add3A_377 = arith.addf %scan3A_317, %mul3A_376 : vector<16xf32>
          %add3A_378 = arith.constant 66816 : i32
          %add3A_379 = vector.broadcast %add3A_378 : i32 to vector<16xi32>
          %add3A_380 = arith.addi %get3A_348, %add3A_379 : vector<16xi32>
          %gather3A_381 = tpu.vector_load_idx %arg7[%add3A_380] : memref<110592xf32, #tpu.memory_space<vmem>>[vector<16xi32>], vector<16xf32>,
          %mul3A_382 = arith.mulf %mul3A_340, %gather3A_381 : vector<16xf32>
          %add3A_383 = arith.addf %scan3A_318, %mul3A_382 : vector<16xf32>
          %add3A_384 = arith.constant 69120 : i32
          %add3A_385 = vector.broadcast %add3A_384 : i32 to vector<16xi32>
          %add3A_386 = arith.addi %get3A_348, %add3A_385 : vector<16xi32>
          %gather3A_387 = tpu.vector_load_idx %arg7[%add3A_386] : memref<110592xf32, #tpu.memory_space<vmem>>[vector<16xi32>], vector<16xf32>,
          %mul3A_388 = arith.mulf %mul3A_340, %gather3A_387 : vector<16xf32>
          %add3A_389 = arith.addf %scan3A_319, %mul3A_388 : vector<16xf32>
          %add3A_390 = arith.constant 71424 : i32
          %add3A_391 = vector.broadcast %add3A_390 : i32 to vector<16xi32>
          %add3A_392 = arith.addi %get3A_348, %add3A_391 : vector<16xi32>
          %gather3A_393 = tpu.vector_load_idx %arg7[%add3A_392] : memref<110592xf32, #tpu.memory_space<vmem>>[vector<16xi32>], vector<16xf32>,
          %mul3A_394 = arith.mulf %mul3A_340, %gather3A_393 : vector<16xf32>
          %add3A_395 = arith.addf %scan3A_320, %mul3A_394 : vector<16xf32>
          %add3A_396 = arith.constant 73728 : i32
          %add3A_397 = vector.broadcast %add3A_396 : i32 to vector<16xi32>
          %add3A_398 = arith.addi %get3A_348, %add3A_397 : vector<16xi32>
          %gather3A_399 = tpu.vector_load_idx %arg7[%add3A_398] : memref<110592xf32, #tpu.memory_space<vmem>>[vector<16xi32>], vector<16xf32>,
          %mul3A_400 = arith.mulf %mul3A_340, %gather3A_399 : vector<16xf32>
          %add3A_401 = arith.addf %scan3A_321, %mul3A_400 : vector<16xf32>
          %add3A_402 = arith.constant 76032 : i32
          %add3A_403 = vector.broadcast %add3A_402 : i32 to vector<16xi32>
          %add3A_404 = arith.addi %get3A_348, %add3A_403 : vector<16xi32>
          %gather3A_405 = tpu.vector_load_idx %arg7[%add3A_404] : memref<110592xf32, #tpu.memory_space<vmem>>[vector<16xi32>], vector<16xf32>,
          %mul3A_406 = arith.mulf %mul3A_340, %gather3A_405 : vector<16xf32>
          %add3A_407 = arith.addf %scan3A_322, %mul3A_406 : vector<16xf32>
          %add3A_408 = arith.constant 78336 : i32
          %add3A_409 = vector.broadcast %add3A_408 : i32 to vector<16xi32>
          %add3A_410 = arith.addi %get3A_348, %add3A_409 : vector<16xi32>
          %gather3A_411 = tpu.vector_load_idx %arg7[%add3A_410] : memref<110592xf32, #tpu.memory_space<vmem>>[vector<16xi32>], vector<16xf32>,
          %mul3A_412 = arith.mulf %mul3A_340, %gather3A_411 : vector<16xf32>
          %add3A_413 = arith.addf %scan3A_323, %mul3A_412 : vector<16xf32>
          %add3A_414 = arith.constant 80640 : i32
          %add3A_415 = vector.broadcast %add3A_414 : i32 to vector<16xi32>
          %add3A_416 = arith.addi %get3A_348, %add3A_415 : vector<16xi32>
          %gather3A_417 = tpu.vector_load_idx %arg7[%add3A_416] : memref<110592xf32, #tpu.memory_space<vmem>>[vector<16xi32>], vector<16xf32>,
          %mul3A_418 = arith.mulf %mul3A_340, %gather3A_417 : vector<16xf32>
          %add3A_419 = arith.addf %scan3A_324, %mul3A_418 : vector<16xf32>
          %mul3A_420 = arith.constant 4 : i32
          %mul3A_421 = arith.muli %add3A_326, %mul3A_420 : i32
          %add3A_422 = arith.constant 1 : i32
          %add3A_423 = arith.addi %mul3A_421, %add3A_422 : i32
          %mul3A_424 = arith.constant 16 : i32
          %mul3A_425 = arith.muli %add3A_423, %mul3A_424 : i32
          %get3A_426 = arith.index_cast %mul3A_425 : i32 to index
          %get3A_427 = tpu.vector_load %arg11[%get3A_426] {strides = array<i32>} : memref<1152xf32, #tpu.memory_space<vmem>>, vector<16xf32>,
          %mul3A_428 = arith.mulf %mul3A_331, %get3A_427 : vector<16xf32>
          %mul3A_429 = arith.constant 4 : i32
          %mul3A_430 = arith.muli %add3A_326, %mul3A_429 : i32
          %add3A_431 = arith.constant 1 : i32
          %add3A_432 = arith.addi %mul3A_430, %add3A_431 : i32
          %mul3A_433 = arith.constant 16 : i32
          %mul3A_434 = arith.muli %add3A_432, %mul3A_433 : i32
          %get3A_435 = arith.index_cast %mul3A_434 : i32 to index
          %get3A_436 = tpu.vector_load %arg12[%get3A_435] {strides = array<i32>} : memref<1152xi32, #tpu.memory_space<vmem>>, vector<16xi32>,
          %add3A_437 = arith.constant 55296 : i32
          %add3A_438 = vector.broadcast %add3A_437 : i32 to vector<16xi32>
          %add3A_439 = arith.addi %get3A_436, %add3A_438 : vector<16xi32>
          %gather3A_440 = tpu.vector_load_idx %arg7[%add3A_439] : memref<110592xf32, #tpu.memory_space<vmem>>[vector<16xi32>], vector<16xf32>,
          %mul3A_441 = arith.mulf %mul3A_428, %gather3A_440 : vector<16xf32>
          %add3A_442 = arith.addf %add3A_353, %mul3A_441 : vector<16xf32>
          %add3A_443 = arith.constant 57600 : i32
          %add3A_444 = vector.broadcast %add3A_443 : i32 to vector<16xi32>
          %add3A_445 = arith.addi %get3A_436, %add3A_444 : vector<16xi32>
          %gather3A_446 = tpu.vector_load_idx %arg7[%add3A_445] : memref<110592xf32, #tpu.memory_space<vmem>>[vector<16xi32>], vector<16xf32>,
          %mul3A_447 = arith.mulf %mul3A_428, %gather3A_446 : vector<16xf32>
          %add3A_448 = arith.addf %add3A_359, %mul3A_447 : vector<16xf32>
          %add3A_449 = arith.constant 59904 : i32
          %add3A_450 = vector.broadcast %add3A_449 : i32 to vector<16xi32>
          %add3A_451 = arith.addi %get3A_436, %add3A_450 : vector<16xi32>
          %gather3A_452 = tpu.vector_load_idx %arg7[%add3A_451] : memref<110592xf32, #tpu.memory_space<vmem>>[vector<16xi32>], vector<16xf32>,
          %mul3A_453 = arith.mulf %mul3A_428, %gather3A_452 : vector<16xf32>
          %add3A_454 = arith.addf %add3A_365, %mul3A_453 : vector<16xf32>
          %add3A_455 = arith.constant 62208 : i32
          %add3A_456 = vector.broadcast %add3A_455 : i32 to vector<16xi32>
          %add3A_457 = arith.addi %get3A_436, %add3A_456 : vector<16xi32>
          %gather3A_458 = tpu.vector_load_idx %arg7[%add3A_457] : memref<110592xf32, #tpu.memory_space<vmem>>[vector<16xi32>], vector<16xf32>,
          %mul3A_459 = arith.mulf %mul3A_428, %gather3A_458 : vector<16xf32>
          %add3A_460 = arith.addf %add3A_371, %mul3A_459 : vector<16xf32>
          %add3A_461 = arith.constant 64512 : i32
          %add3A_462 = vector.broadcast %add3A_461 : i32 to vector<16xi32>
          %add3A_463 = arith.addi %get3A_436, %add3A_462 : vector<16xi32>
          %gather3A_464 = tpu.vector_load_idx %arg7[%add3A_463] : memref<110592xf32, #tpu.memory_space<vmem>>[vector<16xi32>], vector<16xf32>,
          %mul3A_465 = arith.mulf %mul3A_428, %gather3A_464 : vector<16xf32>
          %add3A_466 = arith.addf %add3A_377, %mul3A_465 : vector<16xf32>
          %add3A_467 = arith.constant 66816 : i32
          %add3A_468 = vector.broadcast %add3A_467 : i32 to vector<16xi32>
          %add3A_469 = arith.addi %get3A_436, %add3A_468 : vector<16xi32>
          %gather3A_470 = tpu.vector_load_idx %arg7[%add3A_469] : memref<110592xf32, #tpu.memory_space<vmem>>[vector<16xi32>], vector<16xf32>,
          %mul3A_471 = arith.mulf %mul3A_428, %gather3A_470 : vector<16xf32>
          %add3A_472 = arith.addf %add3A_383, %mul3A_471 : vector<16xf32>
          %add3A_473 = arith.constant 69120 : i32
          %add3A_474 = vector.broadcast %add3A_473 : i32 to vector<16xi32>
          %add3A_475 = arith.addi %get3A_436, %add3A_474 : vector<16xi32>
          %gather3A_476 = tpu.vector_load_idx %arg7[%add3A_475] : memref<110592xf32, #tpu.memory_space<vmem>>[vector<16xi32>], vector<16xf32>,
          %mul3A_477 = arith.mulf %mul3A_428, %gather3A_476 : vector<16xf32>
          %add3A_478 = arith.addf %add3A_389, %mul3A_477 : vector<16xf32>
          %add3A_479 = arith.constant 71424 : i32
          %add3A_480 = vector.broadcast %add3A_479 : i32 to vector<16xi32>
          %add3A_481 = arith.addi %get3A_436, %add3A_480 : vector<16xi32>
          %gather3A_482 = tpu.vector_load_idx %arg7[%add3A_481] : memref<110592xf32, #tpu.memory_space<vmem>>[vector<16xi32>], vector<16xf32>,
          %mul3A_483 = arith.mulf %mul3A_428, %gather3A_482 : vector<16xf32>
          %add3A_484 = arith.addf %add3A_395, %mul3A_483 : vector<16xf32>
          %add3A_485 = arith.constant 73728 : i32
          %add3A_486 = vector.broadcast %add3A_485 : i32 to vector<16xi32>
          %add3A_487 = arith.addi %get3A_436, %add3A_486 : vector<16xi32>
          %gather3A_488 = tpu.vector_load_idx %arg7[%add3A_487] : memref<110592xf32, #tpu.memory_space<vmem>>[vector<16xi32>], vector<16xf32>,
          %mul3A_489 = arith.mulf %mul3A_428, %gather3A_488 : vector<16xf32>
          %add3A_490 = arith.addf %add3A_401, %mul3A_489 : vector<16xf32>
          %add3A_491 = arith.constant 76032 : i32
          %add3A_492 = vector.broadcast %add3A_491 : i32 to vector<16xi32>
          %add3A_493 = arith.addi %get3A_436, %add3A_492 : vector<16xi32>
          %gather3A_494 = tpu.vector_load_idx %arg7[%add3A_493] : memref<110592xf32, #tpu.memory_space<vmem>>[vector<16xi32>], vector<16xf32>,
          %mul3A_495 = arith.mulf %mul3A_428, %gather3A_494 : vector<16xf32>
          %add3A_496 = arith.addf %add3A_407, %mul3A_495 : vector<16xf32>
          %add3A_497 = arith.constant 78336 : i32
          %add3A_498 = vector.broadcast %add3A_497 : i32 to vector<16xi32>
          %add3A_499 = arith.addi %get3A_436, %add3A_498 : vector<16xi32>
          %gather3A_500 = tpu.vector_load_idx %arg7[%add3A_499] : memref<110592xf32, #tpu.memory_space<vmem>>[vector<16xi32>], vector<16xf32>,
          %mul3A_501 = arith.mulf %mul3A_428, %gather3A_500 : vector<16xf32>
          %add3A_502 = arith.addf %add3A_413, %mul3A_501 : vector<16xf32>
          %add3A_503 = arith.constant 80640 : i32
          %add3A_504 = vector.broadcast %add3A_503 : i32 to vector<16xi32>
          %add3A_505 = arith.addi %get3A_436, %add3A_504 : vector<16xi32>
          %gather3A_506 = tpu.vector_load_idx %arg7[%add3A_505] : memref<110592xf32, #tpu.memory_space<vmem>>[vector<16xi32>], vector<16xf32>,
          %mul3A_507 = arith.mulf %mul3A_428, %gather3A_506 : vector<16xf32>
          %add3A_508 = arith.addf %add3A_419, %mul3A_507 : vector<16xf32>
          %mul3A_509 = arith.constant 4 : i32
          %mul3A_510 = arith.muli %add3A_326, %mul3A_509 : i32
          %add3A_511 = arith.constant 2 : i32
          %add3A_512 = arith.addi %mul3A_510, %add3A_511 : i32
          %mul3A_513 = arith.constant 16 : i32
          %mul3A_514 = arith.muli %add3A_512, %mul3A_513 : i32
          %get3A_515 = arith.index_cast %mul3A_514 : i32 to index
          %get3A_516 = tpu.vector_load %arg11[%get3A_515] {strides = array<i32>} : memref<1152xf32, #tpu.memory_space<vmem>>, vector<16xf32>,
          %mul3A_517 = arith.mulf %mul3A_331, %get3A_516 : vector<16xf32>
          %mul3A_518 = arith.constant 4 : i32
          %mul3A_519 = arith.muli %add3A_326, %mul3A_518 : i32
          %add3A_520 = arith.constant 2 : i32
          %add3A_521 = arith.addi %mul3A_519, %add3A_520 : i32
          %mul3A_522 = arith.constant 16 : i32
          %mul3A_523 = arith.muli %add3A_521, %mul3A_522 : i32
          %get3A_524 = arith.index_cast %mul3A_523 : i32 to index
          %get3A_525 = tpu.vector_load %arg12[%get3A_524] {strides = array<i32>} : memref<1152xi32, #tpu.memory_space<vmem>>, vector<16xi32>,
          %add3A_526 = arith.constant 55296 : i32
          %add3A_527 = vector.broadcast %add3A_526 : i32 to vector<16xi32>
          %add3A_528 = arith.addi %get3A_525, %add3A_527 : vector<16xi32>
          %gather3A_529 = tpu.vector_load_idx %arg7[%add3A_528] : memref<110592xf32, #tpu.memory_space<vmem>>[vector<16xi32>], vector<16xf32>,
          %mul3A_530 = arith.mulf %mul3A_517, %gather3A_529 : vector<16xf32>
          %add3A_531 = arith.addf %add3A_442, %mul3A_530 : vector<16xf32>
          %add3A_532 = arith.constant 57600 : i32
          %add3A_533 = vector.broadcast %add3A_532 : i32 to vector<16xi32>
          %add3A_534 = arith.addi %get3A_525, %add3A_533 : vector<16xi32>
          %gather3A_535 = tpu.vector_load_idx %arg7[%add3A_534] : memref<110592xf32, #tpu.memory_space<vmem>>[vector<16xi32>], vector<16xf32>,
          %mul3A_536 = arith.mulf %mul3A_517, %gather3A_535 : vector<16xf32>
          %add3A_537 = arith.addf %add3A_448, %mul3A_536 : vector<16xf32>
          %add3A_538 = arith.constant 59904 : i32
          %add3A_539 = vector.broadcast %add3A_538 : i32 to vector<16xi32>
          %add3A_540 = arith.addi %get3A_525, %add3A_539 : vector<16xi32>
          %gather3A_541 = tpu.vector_load_idx %arg7[%add3A_540] : memref<110592xf32, #tpu.memory_space<vmem>>[vector<16xi32>], vector<16xf32>,
          %mul3A_542 = arith.mulf %mul3A_517, %gather3A_541 : vector<16xf32>
          %add3A_543 = arith.addf %add3A_454, %mul3A_542 : vector<16xf32>
          %add3A_544 = arith.constant 62208 : i32
          %add3A_545 = vector.broadcast %add3A_544 : i32 to vector<16xi32>
          %add3A_546 = arith.addi %get3A_525, %add3A_545 : vector<16xi32>
          %gather3A_547 = tpu.vector_load_idx %arg7[%add3A_546] : memref<110592xf32, #tpu.memory_space<vmem>>[vector<16xi32>], vector<16xf32>,
          %mul3A_548 = arith.mulf %mul3A_517, %gather3A_547 : vector<16xf32>
          %add3A_549 = arith.addf %add3A_460, %mul3A_548 : vector<16xf32>
          %add3A_550 = arith.constant 64512 : i32
          %add3A_551 = vector.broadcast %add3A_550 : i32 to vector<16xi32>
          %add3A_552 = arith.addi %get3A_525, %add3A_551 : vector<16xi32>
          %gather3A_553 = tpu.vector_load_idx %arg7[%add3A_552] : memref<110592xf32, #tpu.memory_space<vmem>>[vector<16xi32>], vector<16xf32>,
          %mul3A_554 = arith.mulf %mul3A_517, %gather3A_553 : vector<16xf32>
          %add3A_555 = arith.addf %add3A_466, %mul3A_554 : vector<16xf32>
          %add3A_556 = arith.constant 66816 : i32
          %add3A_557 = vector.broadcast %add3A_556 : i32 to vector<16xi32>
          %add3A_558 = arith.addi %get3A_525, %add3A_557 : vector<16xi32>
          %gather3A_559 = tpu.vector_load_idx %arg7[%add3A_558] : memref<110592xf32, #tpu.memory_space<vmem>>[vector<16xi32>], vector<16xf32>,
          %mul3A_560 = arith.mulf %mul3A_517, %gather3A_559 : vector<16xf32>
          %add3A_561 = arith.addf %add3A_472, %mul3A_560 : vector<16xf32>
          %add3A_562 = arith.constant 69120 : i32
          %add3A_563 = vector.broadcast %add3A_562 : i32 to vector<16xi32>
          %add3A_564 = arith.addi %get3A_525, %add3A_563 : vector<16xi32>
          %gather3A_565 = tpu.vector_load_idx %arg7[%add3A_564] : memref<110592xf32, #tpu.memory_space<vmem>>[vector<16xi32>], vector<16xf32>,
          %mul3A_566 = arith.mulf %mul3A_517, %gather3A_565 : vector<16xf32>
          %add3A_567 = arith.addf %add3A_478, %mul3A_566 : vector<16xf32>
          %add3A_568 = arith.constant 71424 : i32
          %add3A_569 = vector.broadcast %add3A_568 : i32 to vector<16xi32>
          %add3A_570 = arith.addi %get3A_525, %add3A_569 : vector<16xi32>
          %gather3A_571 = tpu.vector_load_idx %arg7[%add3A_570] : memref<110592xf32, #tpu.memory_space<vmem>>[vector<16xi32>], vector<16xf32>,
          %mul3A_572 = arith.mulf %mul3A_517, %gather3A_571 : vector<16xf32>
          %add3A_573 = arith.addf %add3A_484, %mul3A_572 : vector<16xf32>
          %add3A_574 = arith.constant 73728 : i32
          %add3A_575 = vector.broadcast %add3A_574 : i32 to vector<16xi32>
          %add3A_576 = arith.addi %get3A_525, %add3A_575 : vector<16xi32>
          %gather3A_577 = tpu.vector_load_idx %arg7[%add3A_576] : memref<110592xf32, #tpu.memory_space<vmem>>[vector<16xi32>], vector<16xf32>,
          %mul3A_578 = arith.mulf %mul3A_517, %gather3A_577 : vector<16xf32>
          %add3A_579 = arith.addf %add3A_490, %mul3A_578 : vector<16xf32>
          %add3A_580 = arith.constant 76032 : i32
          %add3A_581 = vector.broadcast %add3A_580 : i32 to vector<16xi32>
          %add3A_582 = arith.addi %get3A_525, %add3A_581 : vector<16xi32>
          %gather3A_583 = tpu.vector_load_idx %arg7[%add3A_582] : memref<110592xf32, #tpu.memory_space<vmem>>[vector<16xi32>], vector<16xf32>,
          %mul3A_584 = arith.mulf %mul3A_517, %gather3A_583 : vector<16xf32>
          %add3A_585 = arith.addf %add3A_496, %mul3A_584 : vector<16xf32>
          %add3A_586 = arith.constant 78336 : i32
          %add3A_587 = vector.broadcast %add3A_586 : i32 to vector<16xi32>
          %add3A_588 = arith.addi %get3A_525, %add3A_587 : vector<16xi32>
          %gather3A_589 = tpu.vector_load_idx %arg7[%add3A_588] : memref<110592xf32, #tpu.memory_space<vmem>>[vector<16xi32>], vector<16xf32>,
          %mul3A_590 = arith.mulf %mul3A_517, %gather3A_589 : vector<16xf32>
          %add3A_591 = arith.addf %add3A_502, %mul3A_590 : vector<16xf32>
          %add3A_592 = arith.constant 80640 : i32
          %add3A_593 = vector.broadcast %add3A_592 : i32 to vector<16xi32>
          %add3A_594 = arith.addi %get3A_525, %add3A_593 : vector<16xi32>
          %gather3A_595 = tpu.vector_load_idx %arg7[%add3A_594] : memref<110592xf32, #tpu.memory_space<vmem>>[vector<16xi32>], vector<16xf32>,
          %mul3A_596 = arith.mulf %mul3A_517, %gather3A_595 : vector<16xf32>
          %add3A_597 = arith.addf %add3A_508, %mul3A_596 : vector<16xf32>
          %mul3A_598 = arith.constant 4 : i32
          %mul3A_599 = arith.muli %add3A_326, %mul3A_598 : i32
          %add3A_600 = arith.constant 3 : i32
          %add3A_601 = arith.addi %mul3A_599, %add3A_600 : i32
          %mul3A_602 = arith.constant 16 : i32
          %mul3A_603 = arith.muli %add3A_601, %mul3A_602 : i32
          %get3A_604 = arith.index_cast %mul3A_603 : i32 to index
          %get3A_605 = tpu.vector_load %arg11[%get3A_604] {strides = array<i32>} : memref<1152xf32, #tpu.memory_space<vmem>>, vector<16xf32>,
          %mul3A_606 = arith.mulf %mul3A_331, %get3A_605 : vector<16xf32>
          %mul3A_607 = arith.constant 4 : i32
          %mul3A_608 = arith.muli %add3A_326, %mul3A_607 : i32
          %add3A_609 = arith.constant 3 : i32
          %add3A_610 = arith.addi %mul3A_608, %add3A_609 : i32
          %mul3A_611 = arith.constant 16 : i32
          %mul3A_612 = arith.muli %add3A_610, %mul3A_611 : i32
          %get3A_613 = arith.index_cast %mul3A_612 : i32 to index
          %get3A_614 = tpu.vector_load %arg12[%get3A_613] {strides = array<i32>} : memref<1152xi32, #tpu.memory_space<vmem>>, vector<16xi32>,
          %add3A_615 = arith.constant 55296 : i32
          %add3A_616 = vector.broadcast %add3A_615 : i32 to vector<16xi32>
          %add3A_617 = arith.addi %get3A_614, %add3A_616 : vector<16xi32>
          %gather3A_618 = tpu.vector_load_idx %arg7[%add3A_617] : memref<110592xf32, #tpu.memory_space<vmem>>[vector<16xi32>], vector<16xf32>,
          %mul3A_619 = arith.mulf %mul3A_606, %gather3A_618 : vector<16xf32>
          %add3A_620 = arith.addf %add3A_531, %mul3A_619 : vector<16xf32>
          %add3A_621 = arith.constant 57600 : i32
          %add3A_622 = vector.broadcast %add3A_621 : i32 to vector<16xi32>
          %add3A_623 = arith.addi %get3A_614, %add3A_622 : vector<16xi32>
          %gather3A_624 = tpu.vector_load_idx %arg7[%add3A_623] : memref<110592xf32, #tpu.memory_space<vmem>>[vector<16xi32>], vector<16xf32>,
          %mul3A_625 = arith.mulf %mul3A_606, %gather3A_624 : vector<16xf32>
          %add3A_626 = arith.addf %add3A_537, %mul3A_625 : vector<16xf32>
          %add3A_627 = arith.constant 59904 : i32
          %add3A_628 = vector.broadcast %add3A_627 : i32 to vector<16xi32>
          %add3A_629 = arith.addi %get3A_614, %add3A_628 : vector<16xi32>
          %gather3A_630 = tpu.vector_load_idx %arg7[%add3A_629] : memref<110592xf32, #tpu.memory_space<vmem>>[vector<16xi32>], vector<16xf32>,
          %mul3A_631 = arith.mulf %mul3A_606, %gather3A_630 : vector<16xf32>
          %add3A_632 = arith.addf %add3A_543, %mul3A_631 : vector<16xf32>
          %add3A_633 = arith.constant 62208 : i32
          %add3A_634 = vector.broadcast %add3A_633 : i32 to vector<16xi32>
          %add3A_635 = arith.addi %get3A_614, %add3A_634 : vector<16xi32>
          %gather3A_636 = tpu.vector_load_idx %arg7[%add3A_635] : memref<110592xf32, #tpu.memory_space<vmem>>[vector<16xi32>], vector<16xf32>,
          %mul3A_637 = arith.mulf %mul3A_606, %gather3A_636 : vector<16xf32>
          %add3A_638 = arith.addf %add3A_549, %mul3A_637 : vector<16xf32>
          %add3A_639 = arith.constant 64512 : i32
          %add3A_640 = vector.broadcast %add3A_639 : i32 to vector<16xi32>
          %add3A_641 = arith.addi %get3A_614, %add3A_640 : vector<16xi32>
          %gather3A_642 = tpu.vector_load_idx %arg7[%add3A_641] : memref<110592xf32, #tpu.memory_space<vmem>>[vector<16xi32>], vector<16xf32>,
          %mul3A_643 = arith.mulf %mul3A_606, %gather3A_642 : vector<16xf32>
          %add3A_644 = arith.addf %add3A_555, %mul3A_643 : vector<16xf32>
          %add3A_645 = arith.constant 66816 : i32
          %add3A_646 = vector.broadcast %add3A_645 : i32 to vector<16xi32>
          %add3A_647 = arith.addi %get3A_614, %add3A_646 : vector<16xi32>
          %gather3A_648 = tpu.vector_load_idx %arg7[%add3A_647] : memref<110592xf32, #tpu.memory_space<vmem>>[vector<16xi32>], vector<16xf32>,
          %mul3A_649 = arith.mulf %mul3A_606, %gather3A_648 : vector<16xf32>
          %add3A_650 = arith.addf %add3A_561, %mul3A_649 : vector<16xf32>
          %add3A_651 = arith.constant 69120 : i32
          %add3A_652 = vector.broadcast %add3A_651 : i32 to vector<16xi32>
          %add3A_653 = arith.addi %get3A_614, %add3A_652 : vector<16xi32>
          %gather3A_654 = tpu.vector_load_idx %arg7[%add3A_653] : memref<110592xf32, #tpu.memory_space<vmem>>[vector<16xi32>], vector<16xf32>,
          %mul3A_655 = arith.mulf %mul3A_606, %gather3A_654 : vector<16xf32>
          %add3A_656 = arith.addf %add3A_567, %mul3A_655 : vector<16xf32>
          %add3A_657 = arith.constant 71424 : i32
          %add3A_658 = vector.broadcast %add3A_657 : i32 to vector<16xi32>
          %add3A_659 = arith.addi %get3A_614, %add3A_658 : vector<16xi32>
          %gather3A_660 = tpu.vector_load_idx %arg7[%add3A_659] : memref<110592xf32, #tpu.memory_space<vmem>>[vector<16xi32>], vector<16xf32>,
          %mul3A_661 = arith.mulf %mul3A_606, %gather3A_660 : vector<16xf32>
          %add3A_662 = arith.addf %add3A_573, %mul3A_661 : vector<16xf32>
          %add3A_663 = arith.constant 73728 : i32
          %add3A_664 = vector.broadcast %add3A_663 : i32 to vector<16xi32>
          %add3A_665 = arith.addi %get3A_614, %add3A_664 : vector<16xi32>
          %gather3A_666 = tpu.vector_load_idx %arg7[%add3A_665] : memref<110592xf32, #tpu.memory_space<vmem>>[vector<16xi32>], vector<16xf32>,
          %mul3A_667 = arith.mulf %mul3A_606, %gather3A_666 : vector<16xf32>
          %add3A_668 = arith.addf %add3A_579, %mul3A_667 : vector<16xf32>
          %add3A_669 = arith.constant 76032 : i32
          %add3A_670 = vector.broadcast %add3A_669 : i32 to vector<16xi32>
          %add3A_671 = arith.addi %get3A_614, %add3A_670 : vector<16xi32>
          %gather3A_672 = tpu.vector_load_idx %arg7[%add3A_671] : memref<110592xf32, #tpu.memory_space<vmem>>[vector<16xi32>], vector<16xf32>,
          %mul3A_673 = arith.mulf %mul3A_606, %gather3A_672 : vector<16xf32>
          %add3A_674 = arith.addf %add3A_585, %mul3A_673 : vector<16xf32>
          %add3A_675 = arith.constant 78336 : i32
          %add3A_676 = vector.broadcast %add3A_675 : i32 to vector<16xi32>
          %add3A_677 = arith.addi %get3A_614, %add3A_676 : vector<16xi32>
          %gather3A_678 = tpu.vector_load_idx %arg7[%add3A_677] : memref<110592xf32, #tpu.memory_space<vmem>>[vector<16xi32>], vector<16xf32>,
          %mul3A_679 = arith.mulf %mul3A_606, %gather3A_678 : vector<16xf32>
          %add3A_680 = arith.addf %add3A_591, %mul3A_679 : vector<16xf32>
          %add3A_681 = arith.constant 80640 : i32
          %add3A_682 = vector.broadcast %add3A_681 : i32 to vector<16xi32>
          %add3A_683 = arith.addi %get3A_614, %add3A_682 : vector<16xi32>
          %gather3A_684 = tpu.vector_load_idx %arg7[%add3A_683] : memref<110592xf32, #tpu.memory_space<vmem>>[vector<16xi32>], vector<16xf32>,
          %mul3A_685 = arith.mulf %mul3A_606, %gather3A_684 : vector<16xf32>
          %add3A_686 = arith.addf %add3A_597, %mul3A_685 : vector<16xf32>
          scf.yield %add3A_620, %add3A_626, %add3A_632, %add3A_638, %add3A_644, %add3A_650, %add3A_656, %add3A_662, %add3A_668, %add3A_674, %add3A_680, %add3A_686 : vector<16xf32>, vector<16xf32>, vector<16xf32>, vector<16xf32>, vector<16xf32>, vector<16xf32>, vector<16xf32>, vector<16xf32>, vector<16xf32>, vector<16xf32>, vector<16xf32>, vector<16xf32>
        }
        %scan3A_258 = arith.constant 9 : i32
        %scan3A_259 = arith.constant 0 : i32
        %scan3A_260 = arith.constant 9 : i32
        %scan3A_261 = arith.addi %scan3A_259, %scan3A_260 : i32
        %scan3A_262 = arith.constant 1 : i32
        %scan3A_263:12 = scf.for %scan3A_312 = %scan3A_259 to %scan3A_261 step %scan3A_262 iter_args(%scan3A_313 = %scan3A_257#0, %scan3A_314 = %scan3A_257#1, %scan3A_315 = %scan3A_257#2, %scan3A_316 = %scan3A_257#3, %scan3A_317 = %scan3A_257#4, %scan3A_318 = %scan3A_257#5, %scan3A_319 = %scan3A_257#6, %scan3A_320 = %scan3A_257#7, %scan3A_321 = %scan3A_257#8, %scan3A_322 = %scan3A_257#9, %scan3A_323 = %scan3A_257#10, %scan3A_324 = %scan3A_257#11) -> (vector<16xf32>, vector<16xf32>, vector<16xf32>, vector<16xf32>, vector<16xf32>, vector<16xf32>, vector<16xf32>, vector<16xf32>, vector<16xf32>, vector<16xf32>, vector<16xf32>, vector<16xf32>)  : i32 {
          %add3A_325 = arith.constant 9 : i32
          %add3A_326 = arith.addi %scan3A_312, %add3A_325 : i32
          %mul3A_327 = arith.constant 16 : i32
          %mul3A_328 = arith.muli %add3A_326, %mul3A_327 : i32
          %get3A_329 = arith.index_cast %mul3A_328 : i32 to index
          %get3A_330 = tpu.vector_load %arg13[%get3A_329] {strides = array<i32>} : memref<288xf32, #tpu.memory_space<vmem>>, vector<16xf32>,
          %mul3A_331 = arith.mulf %get3A_330, %div3A_250 : vector<16xf32>
          %mul3A_332 = arith.constant 4 : i32
          %mul3A_333 = arith.muli %add3A_326, %mul3A_332 : i32
          %add3A_334 = arith.constant 0 : i32
          %add3A_335 = arith.addi %mul3A_333, %add3A_334 : i32
          %mul3A_336 = arith.constant 16 : i32
          %mul3A_337 = arith.muli %add3A_335, %mul3A_336 : i32
          %get3A_338 = arith.index_cast %mul3A_337 : i32 to index
          %get3A_339 = tpu.vector_load %arg11[%get3A_338] {strides = array<i32>} : memref<1152xf32, #tpu.memory_space<vmem>>, vector<16xf32>,
          %mul3A_340 = arith.mulf %mul3A_331, %get3A_339 : vector<16xf32>
          %mul3A_341 = arith.constant 4 : i32
          %mul3A_342 = arith.muli %add3A_326, %mul3A_341 : i32
          %add3A_343 = arith.constant 0 : i32
          %add3A_344 = arith.addi %mul3A_342, %add3A_343 : i32
          %mul3A_345 = arith.constant 16 : i32
          %mul3A_346 = arith.muli %add3A_344, %mul3A_345 : i32
          %get3A_347 = arith.index_cast %mul3A_346 : i32 to index
          %get3A_348 = tpu.vector_load %arg12[%get3A_347] {strides = array<i32>} : memref<1152xi32, #tpu.memory_space<vmem>>, vector<16xi32>,
          %add3A_349 = arith.constant 82944 : i32
          %add3A_350 = vector.broadcast %add3A_349 : i32 to vector<16xi32>
          %add3A_351 = arith.addi %get3A_348, %add3A_350 : vector<16xi32>
          %gather3A = tpu.vector_load_idx %arg7[%add3A_351] : memref<110592xf32, #tpu.memory_space<vmem>>[vector<16xi32>], vector<16xf32>,
          %mul3A_352 = arith.mulf %mul3A_340, %gather3A : vector<16xf32>
          %add3A_353 = arith.addf %scan3A_313, %mul3A_352 : vector<16xf32>
          %add3A_354 = arith.constant 85248 : i32
          %add3A_355 = vector.broadcast %add3A_354 : i32 to vector<16xi32>
          %add3A_356 = arith.addi %get3A_348, %add3A_355 : vector<16xi32>
          %gather3A_357 = tpu.vector_load_idx %arg7[%add3A_356] : memref<110592xf32, #tpu.memory_space<vmem>>[vector<16xi32>], vector<16xf32>,
          %mul3A_358 = arith.mulf %mul3A_340, %gather3A_357 : vector<16xf32>
          %add3A_359 = arith.addf %scan3A_314, %mul3A_358 : vector<16xf32>
          %add3A_360 = arith.constant 87552 : i32
          %add3A_361 = vector.broadcast %add3A_360 : i32 to vector<16xi32>
          %add3A_362 = arith.addi %get3A_348, %add3A_361 : vector<16xi32>
          %gather3A_363 = tpu.vector_load_idx %arg7[%add3A_362] : memref<110592xf32, #tpu.memory_space<vmem>>[vector<16xi32>], vector<16xf32>,
          %mul3A_364 = arith.mulf %mul3A_340, %gather3A_363 : vector<16xf32>
          %add3A_365 = arith.addf %scan3A_315, %mul3A_364 : vector<16xf32>
          %add3A_366 = arith.constant 89856 : i32
          %add3A_367 = vector.broadcast %add3A_366 : i32 to vector<16xi32>
          %add3A_368 = arith.addi %get3A_348, %add3A_367 : vector<16xi32>
          %gather3A_369 = tpu.vector_load_idx %arg7[%add3A_368] : memref<110592xf32, #tpu.memory_space<vmem>>[vector<16xi32>], vector<16xf32>,
          %mul3A_370 = arith.mulf %mul3A_340, %gather3A_369 : vector<16xf32>
          %add3A_371 = arith.addf %scan3A_316, %mul3A_370 : vector<16xf32>
          %add3A_372 = arith.constant 92160 : i32
          %add3A_373 = vector.broadcast %add3A_372 : i32 to vector<16xi32>
          %add3A_374 = arith.addi %get3A_348, %add3A_373 : vector<16xi32>
          %gather3A_375 = tpu.vector_load_idx %arg7[%add3A_374] : memref<110592xf32, #tpu.memory_space<vmem>>[vector<16xi32>], vector<16xf32>,
          %mul3A_376 = arith.mulf %mul3A_340, %gather3A_375 : vector<16xf32>
          %add3A_377 = arith.addf %scan3A_317, %mul3A_376 : vector<16xf32>
          %add3A_378 = arith.constant 94464 : i32
          %add3A_379 = vector.broadcast %add3A_378 : i32 to vector<16xi32>
          %add3A_380 = arith.addi %get3A_348, %add3A_379 : vector<16xi32>
          %gather3A_381 = tpu.vector_load_idx %arg7[%add3A_380] : memref<110592xf32, #tpu.memory_space<vmem>>[vector<16xi32>], vector<16xf32>,
          %mul3A_382 = arith.mulf %mul3A_340, %gather3A_381 : vector<16xf32>
          %add3A_383 = arith.addf %scan3A_318, %mul3A_382 : vector<16xf32>
          %add3A_384 = arith.constant 96768 : i32
          %add3A_385 = vector.broadcast %add3A_384 : i32 to vector<16xi32>
          %add3A_386 = arith.addi %get3A_348, %add3A_385 : vector<16xi32>
          %gather3A_387 = tpu.vector_load_idx %arg7[%add3A_386] : memref<110592xf32, #tpu.memory_space<vmem>>[vector<16xi32>], vector<16xf32>,
          %mul3A_388 = arith.mulf %mul3A_340, %gather3A_387 : vector<16xf32>
          %add3A_389 = arith.addf %scan3A_319, %mul3A_388 : vector<16xf32>
          %add3A_390 = arith.constant 99072 : i32
          %add3A_391 = vector.broadcast %add3A_390 : i32 to vector<16xi32>
          %add3A_392 = arith.addi %get3A_348, %add3A_391 : vector<16xi32>
          %gather3A_393 = tpu.vector_load_idx %arg7[%add3A_392] : memref<110592xf32, #tpu.memory_space<vmem>>[vector<16xi32>], vector<16xf32>,
          %mul3A_394 = arith.mulf %mul3A_340, %gather3A_393 : vector<16xf32>
          %add3A_395 = arith.addf %scan3A_320, %mul3A_394 : vector<16xf32>
          %add3A_396 = arith.constant 101376 : i32
          %add3A_397 = vector.broadcast %add3A_396 : i32 to vector<16xi32>
          %add3A_398 = arith.addi %get3A_348, %add3A_397 : vector<16xi32>
          %gather3A_399 = tpu.vector_load_idx %arg7[%add3A_398] : memref<110592xf32, #tpu.memory_space<vmem>>[vector<16xi32>], vector<16xf32>,
          %mul3A_400 = arith.mulf %mul3A_340, %gather3A_399 : vector<16xf32>
          %add3A_401 = arith.addf %scan3A_321, %mul3A_400 : vector<16xf32>
          %add3A_402 = arith.constant 103680 : i32
          %add3A_403 = vector.broadcast %add3A_402 : i32 to vector<16xi32>
          %add3A_404 = arith.addi %get3A_348, %add3A_403 : vector<16xi32>
          %gather3A_405 = tpu.vector_load_idx %arg7[%add3A_404] : memref<110592xf32, #tpu.memory_space<vmem>>[vector<16xi32>], vector<16xf32>,
          %mul3A_406 = arith.mulf %mul3A_340, %gather3A_405 : vector<16xf32>
          %add3A_407 = arith.addf %scan3A_322, %mul3A_406 : vector<16xf32>
          %add3A_408 = arith.constant 105984 : i32
          %add3A_409 = vector.broadcast %add3A_408 : i32 to vector<16xi32>
          %add3A_410 = arith.addi %get3A_348, %add3A_409 : vector<16xi32>
          %gather3A_411 = tpu.vector_load_idx %arg7[%add3A_410] : memref<110592xf32, #tpu.memory_space<vmem>>[vector<16xi32>], vector<16xf32>,
          %mul3A_412 = arith.mulf %mul3A_340, %gather3A_411 : vector<16xf32>
          %add3A_413 = arith.addf %scan3A_323, %mul3A_412 : vector<16xf32>
          %add3A_414 = arith.constant 108288 : i32
          %add3A_415 = vector.broadcast %add3A_414 : i32 to vector<16xi32>
          %add3A_416 = arith.addi %get3A_348, %add3A_415 : vector<16xi32>
          %gather3A_417 = tpu.vector_load_idx %arg7[%add3A_416] : memref<110592xf32, #tpu.memory_space<vmem>>[vector<16xi32>], vector<16xf32>,
          %mul3A_418 = arith.mulf %mul3A_340, %gather3A_417 : vector<16xf32>
          %add3A_419 = arith.addf %scan3A_324, %mul3A_418 : vector<16xf32>
          %mul3A_420 = arith.constant 4 : i32
          %mul3A_421 = arith.muli %add3A_326, %mul3A_420 : i32
          %add3A_422 = arith.constant 1 : i32
          %add3A_423 = arith.addi %mul3A_421, %add3A_422 : i32
          %mul3A_424 = arith.constant 16 : i32
          %mul3A_425 = arith.muli %add3A_423, %mul3A_424 : i32
          %get3A_426 = arith.index_cast %mul3A_425 : i32 to index
          %get3A_427 = tpu.vector_load %arg11[%get3A_426] {strides = array<i32>} : memref<1152xf32, #tpu.memory_space<vmem>>, vector<16xf32>,
          %mul3A_428 = arith.mulf %mul3A_331, %get3A_427 : vector<16xf32>
          %mul3A_429 = arith.constant 4 : i32
          %mul3A_430 = arith.muli %add3A_326, %mul3A_429 : i32
          %add3A_431 = arith.constant 1 : i32
          %add3A_432 = arith.addi %mul3A_430, %add3A_431 : i32
          %mul3A_433 = arith.constant 16 : i32
          %mul3A_434 = arith.muli %add3A_432, %mul3A_433 : i32
          %get3A_435 = arith.index_cast %mul3A_434 : i32 to index
          %get3A_436 = tpu.vector_load %arg12[%get3A_435] {strides = array<i32>} : memref<1152xi32, #tpu.memory_space<vmem>>, vector<16xi32>,
          %add3A_437 = arith.constant 82944 : i32
          %add3A_438 = vector.broadcast %add3A_437 : i32 to vector<16xi32>
          %add3A_439 = arith.addi %get3A_436, %add3A_438 : vector<16xi32>
          %gather3A_440 = tpu.vector_load_idx %arg7[%add3A_439] : memref<110592xf32, #tpu.memory_space<vmem>>[vector<16xi32>], vector<16xf32>,
          %mul3A_441 = arith.mulf %mul3A_428, %gather3A_440 : vector<16xf32>
          %add3A_442 = arith.addf %add3A_353, %mul3A_441 : vector<16xf32>
          %add3A_443 = arith.constant 85248 : i32
          %add3A_444 = vector.broadcast %add3A_443 : i32 to vector<16xi32>
          %add3A_445 = arith.addi %get3A_436, %add3A_444 : vector<16xi32>
          %gather3A_446 = tpu.vector_load_idx %arg7[%add3A_445] : memref<110592xf32, #tpu.memory_space<vmem>>[vector<16xi32>], vector<16xf32>,
          %mul3A_447 = arith.mulf %mul3A_428, %gather3A_446 : vector<16xf32>
          %add3A_448 = arith.addf %add3A_359, %mul3A_447 : vector<16xf32>
          %add3A_449 = arith.constant 87552 : i32
          %add3A_450 = vector.broadcast %add3A_449 : i32 to vector<16xi32>
          %add3A_451 = arith.addi %get3A_436, %add3A_450 : vector<16xi32>
          %gather3A_452 = tpu.vector_load_idx %arg7[%add3A_451] : memref<110592xf32, #tpu.memory_space<vmem>>[vector<16xi32>], vector<16xf32>,
          %mul3A_453 = arith.mulf %mul3A_428, %gather3A_452 : vector<16xf32>
          %add3A_454 = arith.addf %add3A_365, %mul3A_453 : vector<16xf32>
          %add3A_455 = arith.constant 89856 : i32
          %add3A_456 = vector.broadcast %add3A_455 : i32 to vector<16xi32>
          %add3A_457 = arith.addi %get3A_436, %add3A_456 : vector<16xi32>
          %gather3A_458 = tpu.vector_load_idx %arg7[%add3A_457] : memref<110592xf32, #tpu.memory_space<vmem>>[vector<16xi32>], vector<16xf32>,
          %mul3A_459 = arith.mulf %mul3A_428, %gather3A_458 : vector<16xf32>
          %add3A_460 = arith.addf %add3A_371, %mul3A_459 : vector<16xf32>
          %add3A_461 = arith.constant 92160 : i32
          %add3A_462 = vector.broadcast %add3A_461 : i32 to vector<16xi32>
          %add3A_463 = arith.addi %get3A_436, %add3A_462 : vector<16xi32>
          %gather3A_464 = tpu.vector_load_idx %arg7[%add3A_463] : memref<110592xf32, #tpu.memory_space<vmem>>[vector<16xi32>], vector<16xf32>,
          %mul3A_465 = arith.mulf %mul3A_428, %gather3A_464 : vector<16xf32>
          %add3A_466 = arith.addf %add3A_377, %mul3A_465 : vector<16xf32>
          %add3A_467 = arith.constant 94464 : i32
          %add3A_468 = vector.broadcast %add3A_467 : i32 to vector<16xi32>
          %add3A_469 = arith.addi %get3A_436, %add3A_468 : vector<16xi32>
          %gather3A_470 = tpu.vector_load_idx %arg7[%add3A_469] : memref<110592xf32, #tpu.memory_space<vmem>>[vector<16xi32>], vector<16xf32>,
          %mul3A_471 = arith.mulf %mul3A_428, %gather3A_470 : vector<16xf32>
          %add3A_472 = arith.addf %add3A_383, %mul3A_471 : vector<16xf32>
          %add3A_473 = arith.constant 96768 : i32
          %add3A_474 = vector.broadcast %add3A_473 : i32 to vector<16xi32>
          %add3A_475 = arith.addi %get3A_436, %add3A_474 : vector<16xi32>
          %gather3A_476 = tpu.vector_load_idx %arg7[%add3A_475] : memref<110592xf32, #tpu.memory_space<vmem>>[vector<16xi32>], vector<16xf32>,
          %mul3A_477 = arith.mulf %mul3A_428, %gather3A_476 : vector<16xf32>
          %add3A_478 = arith.addf %add3A_389, %mul3A_477 : vector<16xf32>
          %add3A_479 = arith.constant 99072 : i32
          %add3A_480 = vector.broadcast %add3A_479 : i32 to vector<16xi32>
          %add3A_481 = arith.addi %get3A_436, %add3A_480 : vector<16xi32>
          %gather3A_482 = tpu.vector_load_idx %arg7[%add3A_481] : memref<110592xf32, #tpu.memory_space<vmem>>[vector<16xi32>], vector<16xf32>,
          %mul3A_483 = arith.mulf %mul3A_428, %gather3A_482 : vector<16xf32>
          %add3A_484 = arith.addf %add3A_395, %mul3A_483 : vector<16xf32>
          %add3A_485 = arith.constant 101376 : i32
          %add3A_486 = vector.broadcast %add3A_485 : i32 to vector<16xi32>
          %add3A_487 = arith.addi %get3A_436, %add3A_486 : vector<16xi32>
          %gather3A_488 = tpu.vector_load_idx %arg7[%add3A_487] : memref<110592xf32, #tpu.memory_space<vmem>>[vector<16xi32>], vector<16xf32>,
          %mul3A_489 = arith.mulf %mul3A_428, %gather3A_488 : vector<16xf32>
          %add3A_490 = arith.addf %add3A_401, %mul3A_489 : vector<16xf32>
          %add3A_491 = arith.constant 103680 : i32
          %add3A_492 = vector.broadcast %add3A_491 : i32 to vector<16xi32>
          %add3A_493 = arith.addi %get3A_436, %add3A_492 : vector<16xi32>
          %gather3A_494 = tpu.vector_load_idx %arg7[%add3A_493] : memref<110592xf32, #tpu.memory_space<vmem>>[vector<16xi32>], vector<16xf32>,
          %mul3A_495 = arith.mulf %mul3A_428, %gather3A_494 : vector<16xf32>
          %add3A_496 = arith.addf %add3A_407, %mul3A_495 : vector<16xf32>
          %add3A_497 = arith.constant 105984 : i32
          %add3A_498 = vector.broadcast %add3A_497 : i32 to vector<16xi32>
          %add3A_499 = arith.addi %get3A_436, %add3A_498 : vector<16xi32>
          %gather3A_500 = tpu.vector_load_idx %arg7[%add3A_499] : memref<110592xf32, #tpu.memory_space<vmem>>[vector<16xi32>], vector<16xf32>,
          %mul3A_501 = arith.mulf %mul3A_428, %gather3A_500 : vector<16xf32>
          %add3A_502 = arith.addf %add3A_413, %mul3A_501 : vector<16xf32>
          %add3A_503 = arith.constant 108288 : i32
          %add3A_504 = vector.broadcast %add3A_503 : i32 to vector<16xi32>
          %add3A_505 = arith.addi %get3A_436, %add3A_504 : vector<16xi32>
          %gather3A_506 = tpu.vector_load_idx %arg7[%add3A_505] : memref<110592xf32, #tpu.memory_space<vmem>>[vector<16xi32>], vector<16xf32>,
          %mul3A_507 = arith.mulf %mul3A_428, %gather3A_506 : vector<16xf32>
          %add3A_508 = arith.addf %add3A_419, %mul3A_507 : vector<16xf32>
          %mul3A_509 = arith.constant 4 : i32
          %mul3A_510 = arith.muli %add3A_326, %mul3A_509 : i32
          %add3A_511 = arith.constant 2 : i32
          %add3A_512 = arith.addi %mul3A_510, %add3A_511 : i32
          %mul3A_513 = arith.constant 16 : i32
          %mul3A_514 = arith.muli %add3A_512, %mul3A_513 : i32
          %get3A_515 = arith.index_cast %mul3A_514 : i32 to index
          %get3A_516 = tpu.vector_load %arg11[%get3A_515] {strides = array<i32>} : memref<1152xf32, #tpu.memory_space<vmem>>, vector<16xf32>,
          %mul3A_517 = arith.mulf %mul3A_331, %get3A_516 : vector<16xf32>
          %mul3A_518 = arith.constant 4 : i32
          %mul3A_519 = arith.muli %add3A_326, %mul3A_518 : i32
          %add3A_520 = arith.constant 2 : i32
          %add3A_521 = arith.addi %mul3A_519, %add3A_520 : i32
          %mul3A_522 = arith.constant 16 : i32
          %mul3A_523 = arith.muli %add3A_521, %mul3A_522 : i32
          %get3A_524 = arith.index_cast %mul3A_523 : i32 to index
          %get3A_525 = tpu.vector_load %arg12[%get3A_524] {strides = array<i32>} : memref<1152xi32, #tpu.memory_space<vmem>>, vector<16xi32>,
          %add3A_526 = arith.constant 82944 : i32
          %add3A_527 = vector.broadcast %add3A_526 : i32 to vector<16xi32>
          %add3A_528 = arith.addi %get3A_525, %add3A_527 : vector<16xi32>
          %gather3A_529 = tpu.vector_load_idx %arg7[%add3A_528] : memref<110592xf32, #tpu.memory_space<vmem>>[vector<16xi32>], vector<16xf32>,
          %mul3A_530 = arith.mulf %mul3A_517, %gather3A_529 : vector<16xf32>
          %add3A_531 = arith.addf %add3A_442, %mul3A_530 : vector<16xf32>
          %add3A_532 = arith.constant 85248 : i32
          %add3A_533 = vector.broadcast %add3A_532 : i32 to vector<16xi32>
          %add3A_534 = arith.addi %get3A_525, %add3A_533 : vector<16xi32>
          %gather3A_535 = tpu.vector_load_idx %arg7[%add3A_534] : memref<110592xf32, #tpu.memory_space<vmem>>[vector<16xi32>], vector<16xf32>,
          %mul3A_536 = arith.mulf %mul3A_517, %gather3A_535 : vector<16xf32>
          %add3A_537 = arith.addf %add3A_448, %mul3A_536 : vector<16xf32>
          %add3A_538 = arith.constant 87552 : i32
          %add3A_539 = vector.broadcast %add3A_538 : i32 to vector<16xi32>
          %add3A_540 = arith.addi %get3A_525, %add3A_539 : vector<16xi32>
          %gather3A_541 = tpu.vector_load_idx %arg7[%add3A_540] : memref<110592xf32, #tpu.memory_space<vmem>>[vector<16xi32>], vector<16xf32>,
          %mul3A_542 = arith.mulf %mul3A_517, %gather3A_541 : vector<16xf32>
          %add3A_543 = arith.addf %add3A_454, %mul3A_542 : vector<16xf32>
          %add3A_544 = arith.constant 89856 : i32
          %add3A_545 = vector.broadcast %add3A_544 : i32 to vector<16xi32>
          %add3A_546 = arith.addi %get3A_525, %add3A_545 : vector<16xi32>
          %gather3A_547 = tpu.vector_load_idx %arg7[%add3A_546] : memref<110592xf32, #tpu.memory_space<vmem>>[vector<16xi32>], vector<16xf32>,
          %mul3A_548 = arith.mulf %mul3A_517, %gather3A_547 : vector<16xf32>
          %add3A_549 = arith.addf %add3A_460, %mul3A_548 : vector<16xf32>
          %add3A_550 = arith.constant 92160 : i32
          %add3A_551 = vector.broadcast %add3A_550 : i32 to vector<16xi32>
          %add3A_552 = arith.addi %get3A_525, %add3A_551 : vector<16xi32>
          %gather3A_553 = tpu.vector_load_idx %arg7[%add3A_552] : memref<110592xf32, #tpu.memory_space<vmem>>[vector<16xi32>], vector<16xf32>,
          %mul3A_554 = arith.mulf %mul3A_517, %gather3A_553 : vector<16xf32>
          %add3A_555 = arith.addf %add3A_466, %mul3A_554 : vector<16xf32>
          %add3A_556 = arith.constant 94464 : i32
          %add3A_557 = vector.broadcast %add3A_556 : i32 to vector<16xi32>
          %add3A_558 = arith.addi %get3A_525, %add3A_557 : vector<16xi32>
          %gather3A_559 = tpu.vector_load_idx %arg7[%add3A_558] : memref<110592xf32, #tpu.memory_space<vmem>>[vector<16xi32>], vector<16xf32>,
          %mul3A_560 = arith.mulf %mul3A_517, %gather3A_559 : vector<16xf32>
          %add3A_561 = arith.addf %add3A_472, %mul3A_560 : vector<16xf32>
          %add3A_562 = arith.constant 96768 : i32
          %add3A_563 = vector.broadcast %add3A_562 : i32 to vector<16xi32>
          %add3A_564 = arith.addi %get3A_525, %add3A_563 : vector<16xi32>
          %gather3A_565 = tpu.vector_load_idx %arg7[%add3A_564] : memref<110592xf32, #tpu.memory_space<vmem>>[vector<16xi32>], vector<16xf32>,
          %mul3A_566 = arith.mulf %mul3A_517, %gather3A_565 : vector<16xf32>
          %add3A_567 = arith.addf %add3A_478, %mul3A_566 : vector<16xf32>
          %add3A_568 = arith.constant 99072 : i32
          %add3A_569 = vector.broadcast %add3A_568 : i32 to vector<16xi32>
          %add3A_570 = arith.addi %get3A_525, %add3A_569 : vector<16xi32>
          %gather3A_571 = tpu.vector_load_idx %arg7[%add3A_570] : memref<110592xf32, #tpu.memory_space<vmem>>[vector<16xi32>], vector<16xf32>,
          %mul3A_572 = arith.mulf %mul3A_517, %gather3A_571 : vector<16xf32>
          %add3A_573 = arith.addf %add3A_484, %mul3A_572 : vector<16xf32>
          %add3A_574 = arith.constant 101376 : i32
          %add3A_575 = vector.broadcast %add3A_574 : i32 to vector<16xi32>
          %add3A_576 = arith.addi %get3A_525, %add3A_575 : vector<16xi32>
          %gather3A_577 = tpu.vector_load_idx %arg7[%add3A_576] : memref<110592xf32, #tpu.memory_space<vmem>>[vector<16xi32>], vector<16xf32>,
          %mul3A_578 = arith.mulf %mul3A_517, %gather3A_577 : vector<16xf32>
          %add3A_579 = arith.addf %add3A_490, %mul3A_578 : vector<16xf32>
          %add3A_580 = arith.constant 103680 : i32
          %add3A_581 = vector.broadcast %add3A_580 : i32 to vector<16xi32>
          %add3A_582 = arith.addi %get3A_525, %add3A_581 : vector<16xi32>
          %gather3A_583 = tpu.vector_load_idx %arg7[%add3A_582] : memref<110592xf32, #tpu.memory_space<vmem>>[vector<16xi32>], vector<16xf32>,
          %mul3A_584 = arith.mulf %mul3A_517, %gather3A_583 : vector<16xf32>
          %add3A_585 = arith.addf %add3A_496, %mul3A_584 : vector<16xf32>
          %add3A_586 = arith.constant 105984 : i32
          %add3A_587 = vector.broadcast %add3A_586 : i32 to vector<16xi32>
          %add3A_588 = arith.addi %get3A_525, %add3A_587 : vector<16xi32>
          %gather3A_589 = tpu.vector_load_idx %arg7[%add3A_588] : memref<110592xf32, #tpu.memory_space<vmem>>[vector<16xi32>], vector<16xf32>,
          %mul3A_590 = arith.mulf %mul3A_517, %gather3A_589 : vector<16xf32>
          %add3A_591 = arith.addf %add3A_502, %mul3A_590 : vector<16xf32>
          %add3A_592 = arith.constant 108288 : i32
          %add3A_593 = vector.broadcast %add3A_592 : i32 to vector<16xi32>
          %add3A_594 = arith.addi %get3A_525, %add3A_593 : vector<16xi32>
          %gather3A_595 = tpu.vector_load_idx %arg7[%add3A_594] : memref<110592xf32, #tpu.memory_space<vmem>>[vector<16xi32>], vector<16xf32>,
          %mul3A_596 = arith.mulf %mul3A_517, %gather3A_595 : vector<16xf32>
          %add3A_597 = arith.addf %add3A_508, %mul3A_596 : vector<16xf32>
          %mul3A_598 = arith.constant 4 : i32
          %mul3A_599 = arith.muli %add3A_326, %mul3A_598 : i32
          %add3A_600 = arith.constant 3 : i32
          %add3A_601 = arith.addi %mul3A_599, %add3A_600 : i32
          %mul3A_602 = arith.constant 16 : i32
          %mul3A_603 = arith.muli %add3A_601, %mul3A_602 : i32
          %get3A_604 = arith.index_cast %mul3A_603 : i32 to index
          %get3A_605 = tpu.vector_load %arg11[%get3A_604] {strides = array<i32>} : memref<1152xf32, #tpu.memory_space<vmem>>, vector<16xf32>,
          %mul3A_606 = arith.mulf %mul3A_331, %get3A_605 : vector<16xf32>
          %mul3A_607 = arith.constant 4 : i32
          %mul3A_608 = arith.muli %add3A_326, %mul3A_607 : i32
          %add3A_609 = arith.constant 3 : i32
          %add3A_610 = arith.addi %mul3A_608, %add3A_609 : i32
          %mul3A_611 = arith.constant 16 : i32
          %mul3A_612 = arith.muli %add3A_610, %mul3A_611 : i32
          %get3A_613 = arith.index_cast %mul3A_612 : i32 to index
          %get3A_614 = tpu.vector_load %arg12[%get3A_613] {strides = array<i32>} : memref<1152xi32, #tpu.memory_space<vmem>>, vector<16xi32>,
          %add3A_615 = arith.constant 82944 : i32
          %add3A_616 = vector.broadcast %add3A_615 : i32 to vector<16xi32>
          %add3A_617 = arith.addi %get3A_614, %add3A_616 : vector<16xi32>
          %gather3A_618 = tpu.vector_load_idx %arg7[%add3A_617] : memref<110592xf32, #tpu.memory_space<vmem>>[vector<16xi32>], vector<16xf32>,
          %mul3A_619 = arith.mulf %mul3A_606, %gather3A_618 : vector<16xf32>
          %add3A_620 = arith.addf %add3A_531, %mul3A_619 : vector<16xf32>
          %add3A_621 = arith.constant 85248 : i32
          %add3A_622 = vector.broadcast %add3A_621 : i32 to vector<16xi32>
          %add3A_623 = arith.addi %get3A_614, %add3A_622 : vector<16xi32>
          %gather3A_624 = tpu.vector_load_idx %arg7[%add3A_623] : memref<110592xf32, #tpu.memory_space<vmem>>[vector<16xi32>], vector<16xf32>,
          %mul3A_625 = arith.mulf %mul3A_606, %gather3A_624 : vector<16xf32>
          %add3A_626 = arith.addf %add3A_537, %mul3A_625 : vector<16xf32>
          %add3A_627 = arith.constant 87552 : i32
          %add3A_628 = vector.broadcast %add3A_627 : i32 to vector<16xi32>
          %add3A_629 = arith.addi %get3A_614, %add3A_628 : vector<16xi32>
          %gather3A_630 = tpu.vector_load_idx %arg7[%add3A_629] : memref<110592xf32, #tpu.memory_space<vmem>>[vector<16xi32>], vector<16xf32>,
          %mul3A_631 = arith.mulf %mul3A_606, %gather3A_630 : vector<16xf32>
          %add3A_632 = arith.addf %add3A_543, %mul3A_631 : vector<16xf32>
          %add3A_633 = arith.constant 89856 : i32
          %add3A_634 = vector.broadcast %add3A_633 : i32 to vector<16xi32>
          %add3A_635 = arith.addi %get3A_614, %add3A_634 : vector<16xi32>
          %gather3A_636 = tpu.vector_load_idx %arg7[%add3A_635] : memref<110592xf32, #tpu.memory_space<vmem>>[vector<16xi32>], vector<16xf32>,
          %mul3A_637 = arith.mulf %mul3A_606, %gather3A_636 : vector<16xf32>
          %add3A_638 = arith.addf %add3A_549, %mul3A_637 : vector<16xf32>
          %add3A_639 = arith.constant 92160 : i32
          %add3A_640 = vector.broadcast %add3A_639 : i32 to vector<16xi32>
          %add3A_641 = arith.addi %get3A_614, %add3A_640 : vector<16xi32>
          %gather3A_642 = tpu.vector_load_idx %arg7[%add3A_641] : memref<110592xf32, #tpu.memory_space<vmem>>[vector<16xi32>], vector<16xf32>,
          %mul3A_643 = arith.mulf %mul3A_606, %gather3A_642 : vector<16xf32>
          %add3A_644 = arith.addf %add3A_555, %mul3A_643 : vector<16xf32>
          %add3A_645 = arith.constant 94464 : i32
          %add3A_646 = vector.broadcast %add3A_645 : i32 to vector<16xi32>
          %add3A_647 = arith.addi %get3A_614, %add3A_646 : vector<16xi32>
          %gather3A_648 = tpu.vector_load_idx %arg7[%add3A_647] : memref<110592xf32, #tpu.memory_space<vmem>>[vector<16xi32>], vector<16xf32>,
          %mul3A_649 = arith.mulf %mul3A_606, %gather3A_648 : vector<16xf32>
          %add3A_650 = arith.addf %add3A_561, %mul3A_649 : vector<16xf32>
          %add3A_651 = arith.constant 96768 : i32
          %add3A_652 = vector.broadcast %add3A_651 : i32 to vector<16xi32>
          %add3A_653 = arith.addi %get3A_614, %add3A_652 : vector<16xi32>
          %gather3A_654 = tpu.vector_load_idx %arg7[%add3A_653] : memref<110592xf32, #tpu.memory_space<vmem>>[vector<16xi32>], vector<16xf32>,
          %mul3A_655 = arith.mulf %mul3A_606, %gather3A_654 : vector<16xf32>
          %add3A_656 = arith.addf %add3A_567, %mul3A_655 : vector<16xf32>
          %add3A_657 = arith.constant 99072 : i32
          %add3A_658 = vector.broadcast %add3A_657 : i32 to vector<16xi32>
          %add3A_659 = arith.addi %get3A_614, %add3A_658 : vector<16xi32>
          %gather3A_660 = tpu.vector_load_idx %arg7[%add3A_659] : memref<110592xf32, #tpu.memory_space<vmem>>[vector<16xi32>], vector<16xf32>,
          %mul3A_661 = arith.mulf %mul3A_606, %gather3A_660 : vector<16xf32>
          %add3A_662 = arith.addf %add3A_573, %mul3A_661 : vector<16xf32>
          %add3A_663 = arith.constant 101376 : i32
          %add3A_664 = vector.broadcast %add3A_663 : i32 to vector<16xi32>
          %add3A_665 = arith.addi %get3A_614, %add3A_664 : vector<16xi32>
          %gather3A_666 = tpu.vector_load_idx %arg7[%add3A_665] : memref<110592xf32, #tpu.memory_space<vmem>>[vector<16xi32>], vector<16xf32>,
          %mul3A_667 = arith.mulf %mul3A_606, %gather3A_666 : vector<16xf32>
          %add3A_668 = arith.addf %add3A_579, %mul3A_667 : vector<16xf32>
          %add3A_669 = arith.constant 103680 : i32
          %add3A_670 = vector.broadcast %add3A_669 : i32 to vector<16xi32>
          %add3A_671 = arith.addi %get3A_614, %add3A_670 : vector<16xi32>
          %gather3A_672 = tpu.vector_load_idx %arg7[%add3A_671] : memref<110592xf32, #tpu.memory_space<vmem>>[vector<16xi32>], vector<16xf32>,
          %mul3A_673 = arith.mulf %mul3A_606, %gather3A_672 : vector<16xf32>
          %add3A_674 = arith.addf %add3A_585, %mul3A_673 : vector<16xf32>
          %add3A_675 = arith.constant 105984 : i32
          %add3A_676 = vector.broadcast %add3A_675 : i32 to vector<16xi32>
          %add3A_677 = arith.addi %get3A_614, %add3A_676 : vector<16xi32>
          %gather3A_678 = tpu.vector_load_idx %arg7[%add3A_677] : memref<110592xf32, #tpu.memory_space<vmem>>[vector<16xi32>], vector<16xf32>,
          %mul3A_679 = arith.mulf %mul3A_606, %gather3A_678 : vector<16xf32>
          %add3A_680 = arith.addf %add3A_591, %mul3A_679 : vector<16xf32>
          %add3A_681 = arith.constant 108288 : i32
          %add3A_682 = vector.broadcast %add3A_681 : i32 to vector<16xi32>
          %add3A_683 = arith.addi %get3A_614, %add3A_682 : vector<16xi32>
          %gather3A_684 = tpu.vector_load_idx %arg7[%add3A_683] : memref<110592xf32, #tpu.memory_space<vmem>>[vector<16xi32>], vector<16xf32>,
          %mul3A_685 = arith.mulf %mul3A_606, %gather3A_684 : vector<16xf32>
          %add3A_686 = arith.addf %add3A_597, %mul3A_685 : vector<16xf32>
          scf.yield %add3A_620, %add3A_626, %add3A_632, %add3A_638, %add3A_644, %add3A_650, %add3A_656, %add3A_662, %add3A_668, %add3A_674, %add3A_680, %add3A_686 : vector<16xf32>, vector<16xf32>, vector<16xf32>, vector<16xf32>, vector<16xf32>, vector<16xf32>, vector<16xf32>, vector<16xf32>, vector<16xf32>, vector<16xf32>, vector<16xf32>, vector<16xf32>
        }
        %scan3A_264 = arith.constant 9 : i32
        %swap3A = arith.constant 0 : i32
        %swap3A_265 = arith.index_cast %swap3A : i32 to index
        %swap3A_266 = arith.index_cast %mul3A_133 : i32 to index
        %swap3A_267 = tpu.vector_load %arg10[%swap3A_265, %swap3A_266] {strides = array<i32>} : memref<12x256xf32, #tpu.memory_space<vmem>>, vector<16xf32>,
        tpu.vector_store %arg10[%swap3A_265, %swap3A_266], %scan3A_263#0 {strides = array<i32>} : memref<12x256xf32, #tpu.memory_space<vmem>>, vector<16xf32>,
        %swap3A_268 = arith.constant 1 : i32
        %swap3A_269 = arith.index_cast %swap3A_268 : i32 to index
        %swap3A_270 = arith.index_cast %mul3A_133 : i32 to index
        %swap3A_271 = tpu.vector_load %arg10[%swap3A_269, %swap3A_270] {strides = array<i32>} : memref<12x256xf32, #tpu.memory_space<vmem>>, vector<16xf32>,
        tpu.vector_store %arg10[%swap3A_269, %swap3A_270], %scan3A_263#1 {strides = array<i32>} : memref<12x256xf32, #tpu.memory_space<vmem>>, vector<16xf32>,
        %swap3A_272 = arith.constant 2 : i32
        %swap3A_273 = arith.index_cast %swap3A_272 : i32 to index
        %swap3A_274 = arith.index_cast %mul3A_133 : i32 to index
        %swap3A_275 = tpu.vector_load %arg10[%swap3A_273, %swap3A_274] {strides = array<i32>} : memref<12x256xf32, #tpu.memory_space<vmem>>, vector<16xf32>,
        tpu.vector_store %arg10[%swap3A_273, %swap3A_274], %scan3A_263#2 {strides = array<i32>} : memref<12x256xf32, #tpu.memory_space<vmem>>, vector<16xf32>,
        %swap3A_276 = arith.constant 3 : i32
        %swap3A_277 = arith.index_cast %swap3A_276 : i32 to index
        %swap3A_278 = arith.index_cast %mul3A_133 : i32 to index
        %swap3A_279 = tpu.vector_load %arg10[%swap3A_277, %swap3A_278] {strides = array<i32>} : memref<12x256xf32, #tpu.memory_space<vmem>>, vector<16xf32>,
        tpu.vector_store %arg10[%swap3A_277, %swap3A_278], %scan3A_263#3 {strides = array<i32>} : memref<12x256xf32, #tpu.memory_space<vmem>>, vector<16xf32>,
        %swap3A_280 = arith.constant 4 : i32
        %swap3A_281 = arith.index_cast %swap3A_280 : i32 to index
        %swap3A_282 = arith.index_cast %mul3A_133 : i32 to index
        %swap3A_283 = tpu.vector_load %arg10[%swap3A_281, %swap3A_282] {strides = array<i32>} : memref<12x256xf32, #tpu.memory_space<vmem>>, vector<16xf32>,
        tpu.vector_store %arg10[%swap3A_281, %swap3A_282], %scan3A_263#4 {strides = array<i32>} : memref<12x256xf32, #tpu.memory_space<vmem>>, vector<16xf32>,
        %swap3A_284 = arith.constant 5 : i32
        %swap3A_285 = arith.index_cast %swap3A_284 : i32 to index
        %swap3A_286 = arith.index_cast %mul3A_133 : i32 to index
        %swap3A_287 = tpu.vector_load %arg10[%swap3A_285, %swap3A_286] {strides = array<i32>} : memref<12x256xf32, #tpu.memory_space<vmem>>, vector<16xf32>,
        tpu.vector_store %arg10[%swap3A_285, %swap3A_286], %scan3A_263#5 {strides = array<i32>} : memref<12x256xf32, #tpu.memory_space<vmem>>, vector<16xf32>,
        %swap3A_288 = arith.constant 6 : i32
        %swap3A_289 = arith.index_cast %swap3A_288 : i32 to index
        %swap3A_290 = arith.index_cast %mul3A_133 : i32 to index
        %swap3A_291 = tpu.vector_load %arg10[%swap3A_289, %swap3A_290] {strides = array<i32>} : memref<12x256xf32, #tpu.memory_space<vmem>>, vector<16xf32>,
        tpu.vector_store %arg10[%swap3A_289, %swap3A_290], %scan3A_263#6 {strides = array<i32>} : memref<12x256xf32, #tpu.memory_space<vmem>>, vector<16xf32>,
        %swap3A_292 = arith.constant 7 : i32
        %swap3A_293 = arith.index_cast %swap3A_292 : i32 to index
        %swap3A_294 = arith.index_cast %mul3A_133 : i32 to index
        %swap3A_295 = tpu.vector_load %arg10[%swap3A_293, %swap3A_294] {strides = array<i32>} : memref<12x256xf32, #tpu.memory_space<vmem>>, vector<16xf32>,
        tpu.vector_store %arg10[%swap3A_293, %swap3A_294], %scan3A_263#7 {strides = array<i32>} : memref<12x256xf32, #tpu.memory_space<vmem>>, vector<16xf32>,
        %swap3A_296 = arith.constant 8 : i32
        %swap3A_297 = arith.index_cast %swap3A_296 : i32 to index
        %swap3A_298 = arith.index_cast %mul3A_133 : i32 to index
        %swap3A_299 = tpu.vector_load %arg10[%swap3A_297, %swap3A_298] {strides = array<i32>} : memref<12x256xf32, #tpu.memory_space<vmem>>, vector<16xf32>,
        tpu.vector_store %arg10[%swap3A_297, %swap3A_298], %scan3A_263#8 {strides = array<i32>} : memref<12x256xf32, #tpu.memory_space<vmem>>, vector<16xf32>,
        %swap3A_300 = arith.constant 9 : i32
        %swap3A_301 = arith.index_cast %swap3A_300 : i32 to index
        %swap3A_302 = arith.index_cast %mul3A_133 : i32 to index
        %swap3A_303 = tpu.vector_load %arg10[%swap3A_301, %swap3A_302] {strides = array<i32>} : memref<12x256xf32, #tpu.memory_space<vmem>>, vector<16xf32>,
        tpu.vector_store %arg10[%swap3A_301, %swap3A_302], %scan3A_263#9 {strides = array<i32>} : memref<12x256xf32, #tpu.memory_space<vmem>>, vector<16xf32>,
        %swap3A_304 = arith.constant 10 : i32
        %swap3A_305 = arith.index_cast %swap3A_304 : i32 to index
        %swap3A_306 = arith.index_cast %mul3A_133 : i32 to index
        %swap3A_307 = tpu.vector_load %arg10[%swap3A_305, %swap3A_306] {strides = array<i32>} : memref<12x256xf32, #tpu.memory_space<vmem>>, vector<16xf32>,
        tpu.vector_store %arg10[%swap3A_305, %swap3A_306], %scan3A_263#10 {strides = array<i32>} : memref<12x256xf32, #tpu.memory_space<vmem>>, vector<16xf32>,
        %swap3A_308 = arith.constant 11 : i32
        %swap3A_309 = arith.index_cast %swap3A_308 : i32 to index
        %swap3A_310 = arith.index_cast %mul3A_133 : i32 to index
        %swap3A_311 = tpu.vector_load %arg10[%swap3A_309, %swap3A_310] {strides = array<i32>} : memref<12x256xf32, #tpu.memory_space<vmem>>, vector<16xf32>,
        tpu.vector_store %arg10[%swap3A_309, %swap3A_310], %scan3A_263#11 {strides = array<i32>} : memref<12x256xf32, #tpu.memory_space<vmem>>, vector<16xf32>,
      }
      %scan3A_128 = arith.constant 16 : i32
      %mul3A_129 = arith.constant 256 : i32
      %mul3A_130 = arith.muli %sub3A_85, %mul3A_129 : i32
      "tpu.region"() ({
        %run_scoped3A_131 = tpu.sem_alloc : memref<!tpu.dma_semaphore, #tpu.memory_space<semaphore_mem>>
        %dma_start3A = arith.constant 0 : i32
        %dma_start3A_132 = tpu.memref_slice %arg6[%select_n3A_109, %sub3A_112, %dma_start3A, %mul3A_130] : memref<2x12x12x2304xf32, #tpu.memory_space<hbm>> -> memref<1x1x12x256xf32, #tpu.memory_space<hbm>>
        %dma_start3A_133 = tpu.memref_squeeze %dma_start3A_132 : memref<1x1x12x256xf32, #tpu.memory_space<hbm>> -> memref<12x256xf32, #tpu.memory_space<hbm>>
        %dma_start3A_134 = arith.constant 0 : i32
        %dma_start3A_135 = tpu.memref_slice %arg6[%select_n3A_109, %sub3A_112, %dma_start3A_134, %mul3A_130] : memref<2x12x12x2304xf32, #tpu.memory_space<hbm>> -> memref<1x1x12x256xf32, #tpu.memory_space<hbm>>
        %dma_start3A_136 = tpu.memref_squeeze %dma_start3A_135 : memref<1x1x12x256xf32, #tpu.memory_space<hbm>> -> memref<12x256xf32, #tpu.memory_space<hbm>>
        tpu.enqueue_dma source(%arg10 : memref<12x256xf32, #tpu.memory_space<vmem>>) target(%dma_start3A_136 : memref<12x256xf32, #tpu.memory_space<hbm>>) target_semaphore(%run_scoped3A_131 : memref<!tpu.dma_semaphore, #tpu.memory_space<semaphore_mem>>)
        %dma_wait3A = arith.constant 0 : i32
        %dma_wait3A_137 = tpu.memref_slice %arg6[%select_n3A_109, %sub3A_112, %dma_wait3A, %mul3A_130] : memref<2x12x12x2304xf32, #tpu.memory_space<hbm>> -> memref<1x1x12x256xf32, #tpu.memory_space<hbm>>
        %dma_wait3A_138 = tpu.memref_squeeze %dma_wait3A_137 : memref<1x1x12x256xf32, #tpu.memory_space<hbm>> -> memref<12x256xf32, #tpu.memory_space<hbm>>
        %dma_wait3A_139 = arith.constant 0 : i32
        %dma_wait3A_140 = tpu.memref_slice %arg6[%select_n3A_109, %sub3A_112, %dma_wait3A_139, %mul3A_130] : memref<2x12x12x2304xf32, #tpu.memory_space<hbm>> -> memref<1x1x12x256xf32, #tpu.memory_space<hbm>>
        %dma_wait3A_141 = tpu.memref_squeeze %dma_wait3A_140 : memref<1x1x12x256xf32, #tpu.memory_space<hbm>> -> memref<12x256xf32, #tpu.memory_space<hbm>>
        tpu.wait_dma2 semaphore(%run_scoped3A_131 : memref<!tpu.dma_semaphore, #tpu.memory_space<semaphore_mem>>) src(%arg10 : memref<12x256xf32, #tpu.memory_space<vmem>>) dst(%dma_wait3A_141 : memref<12x256xf32, #tpu.memory_space<hbm>>)
        tpu.yield
      }) : () -> ()
      scf.yield %select_n3A_82 : i32
    }
    %while3A_55 = arith.constant 1 : i32
    %while3A_56 = scf.for %while3A_57 = %while3A_52 to %while3A_48 step %while3A_55 iter_args(%while3A_58 = %while3A_54) -> (i32)  : i32 {
      %jit3A_59 = arith.constant 9 : i32
      %div3A_60 = arith.divsi %while3A_57, %jit3A_59 : i32
      %sign3A_61 = arith.constant 0 : i32
      %sign3A_62 = arith.cmpi sgt, %while3A_57, %sign3A_61 : i32
      %sign3A_63 = arith.extui %sign3A_62 : i1 to i32
      %sign3A_64 = arith.constant 0 : i32
      %sign3A_65 = arith.cmpi slt, %while3A_57, %sign3A_64 : i32
      %sign3A_66 = arith.extui %sign3A_65 : i1 to i32
      %sign3A_67 = arith.subi %sign3A_63, %sign3A_66 : i32
      %sign3A_68 = arith.constant 0 : i32
      %sign3A_69 = arith.cmpi sgt, %jit3A_59, %sign3A_68 : i32
      %sign3A_70 = arith.extui %sign3A_69 : i1 to i32
      %sign3A_71 = arith.constant 0 : i32
      %sign3A_72 = arith.cmpi slt, %jit3A_59, %sign3A_71 : i32
      %sign3A_73 = arith.extui %sign3A_72 : i1 to i32
      %sign3A_74 = arith.subi %sign3A_70, %sign3A_73 : i32
      %ne3A_75 = arith.cmpi ne, %sign3A_67, %sign3A_74 : i32
      %rem3A_76 = arith.remsi %while3A_57, %jit3A_59 : i32
      %ne3A_77 = arith.constant 0 : i32
      %ne3A_78 = arith.cmpi ne, %rem3A_76, %ne3A_77 : i32
      %and3A_79 = arith.andi %ne3A_75, %ne3A_78 : i1
      %sub3A_80 = arith.constant 1 : i32
      %sub3A_81 = arith.subi %div3A_60, %sub3A_80 : i32
      %select_n3A_82 = arith.select %and3A_79, %sub3A_81, %div3A_60 : i32
      %mul3A_83 = arith.constant 9 : i32
      %mul3A_84 = arith.muli %select_n3A_82, %mul3A_83 : i32
      %sub3A_85 = arith.subi %while3A_57, %mul3A_84 : i32
      %jit3A_86 = arith.constant 12 : i32
      %div3A_87 = arith.divsi %select_n3A_82, %jit3A_86 : i32
      %sign3A_88 = arith.constant 0 : i32
      %sign3A_89 = arith.cmpi sgt, %select_n3A_82, %sign3A_88 : i32
      %sign3A_90 = arith.extui %sign3A_89 : i1 to i32
      %sign3A_91 = arith.constant 0 : i32
      %sign3A_92 = arith.cmpi slt, %select_n3A_82, %sign3A_91 : i32
      %sign3A_93 = arith.extui %sign3A_92 : i1 to i32
      %sign3A_94 = arith.subi %sign3A_90, %sign3A_93 : i32
      %sign3A_95 = arith.constant 0 : i32
      %sign3A_96 = arith.cmpi sgt, %jit3A_86, %sign3A_95 : i32
      %sign3A_97 = arith.extui %sign3A_96 : i1 to i32
      %sign3A_98 = arith.constant 0 : i32
      %sign3A_99 = arith.cmpi slt, %jit3A_86, %sign3A_98 : i32
      %sign3A_100 = arith.extui %sign3A_99 : i1 to i32
      %sign3A_101 = arith.subi %sign3A_97, %sign3A_100 : i32
      %ne3A_102 = arith.cmpi ne, %sign3A_94, %sign3A_101 : i32
      %rem3A_103 = arith.remsi %select_n3A_82, %jit3A_86 : i32
      %ne3A_104 = arith.constant 0 : i32
      %ne3A_105 = arith.cmpi ne, %rem3A_103, %ne3A_104 : i32
      %and3A_106 = arith.andi %ne3A_102, %ne3A_105 : i1
      %sub3A_107 = arith.constant 1 : i32
      %sub3A_108 = arith.subi %div3A_87, %sub3A_107 : i32
      %select_n3A_109 = arith.select %and3A_106, %sub3A_108, %div3A_87 : i32
      %mul3A_110 = arith.constant 12 : i32
      %mul3A_111 = arith.muli %select_n3A_109, %mul3A_110 : i32
      %sub3A_112 = arith.subi %select_n3A_82, %mul3A_111 : i32
      %ne3A_113 = arith.cmpi ne, %select_n3A_82, %while3A_58 : i32
      %convert_element_type3A = arith.extui %ne3A_113 : i1 to i32
      %cond3A = arith.constant 0 : i32
      %cond3A_114 = arith.cmpi ne, %convert_element_type3A, %cond3A : i32
      scf.if %cond3A_114 {
        %mul3A_131 = arith.constant 2 : i32
        %mul3A_132 = arith.muli %select_n3A_109, %mul3A_131 : i32
        %add3A_133 = arith.constant 0 : i32
        %add3A_134 = arith.addi %mul3A_132, %add3A_133 : i32
        %mul3A_135 = arith.constant 331776 : i32
        %mul3A_136 = arith.muli %add3A_134, %mul3A_135 : i32
        %mul3A_137 = arith.constant 27648 : i32
        %mul3A_138 = arith.muli %sub3A_112, %mul3A_137 : i32
        %add3A_139 = arith.addi %mul3A_136, %mul3A_138 : i32
        "tpu.region"() ({
          %run_scoped3A_149 = tpu.sem_alloc : memref<!tpu.dma_semaphore, #tpu.memory_space<semaphore_mem>>
          %dma_start3A = arith.constant 0 : i32
          %dma_start3A_150 = tpu.memref_slice %arg7[%dma_start3A] : memref<110592xf32, #tpu.memory_space<vmem>> -> memref<27648xf32, #tpu.memory_space<vmem>>
          %dma_start3A_151 = tpu.memref_slice %arg2[%add3A_139] : memref<1327104xf32, #tpu.memory_space<hbm>> -> memref<27648xf32, #tpu.memory_space<hbm>>
          %dma_start3A_152 = arith.constant 0 : i32
          %dma_start3A_153 = tpu.memref_slice %arg7[%dma_start3A_152] : memref<110592xf32, #tpu.memory_space<vmem>> -> memref<27648xf32, #tpu.memory_space<vmem>>
          %dma_start3A_154 = tpu.memref_slice %arg2[%add3A_139] : memref<1327104xf32, #tpu.memory_space<hbm>> -> memref<27648xf32, #tpu.memory_space<hbm>>
          tpu.enqueue_dma source(%dma_start3A_154 : memref<27648xf32, #tpu.memory_space<hbm>>) target(%dma_start3A_153 : memref<27648xf32, #tpu.memory_space<vmem>>) target_semaphore(%run_scoped3A_149 : memref<!tpu.dma_semaphore, #tpu.memory_space<semaphore_mem>>)
          %dma_wait3A = arith.constant 0 : i32
          %dma_wait3A_155 = tpu.memref_slice %arg7[%dma_wait3A] : memref<110592xf32, #tpu.memory_space<vmem>> -> memref<27648xf32, #tpu.memory_space<vmem>>
          %dma_wait3A_156 = tpu.memref_slice %arg2[%add3A_139] : memref<1327104xf32, #tpu.memory_space<hbm>> -> memref<27648xf32, #tpu.memory_space<hbm>>
          %dma_wait3A_157 = arith.constant 0 : i32
          %dma_wait3A_158 = tpu.memref_slice %arg7[%dma_wait3A_157] : memref<110592xf32, #tpu.memory_space<vmem>> -> memref<27648xf32, #tpu.memory_space<vmem>>
          %dma_wait3A_159 = tpu.memref_slice %arg2[%add3A_139] : memref<1327104xf32, #tpu.memory_space<hbm>> -> memref<27648xf32, #tpu.memory_space<hbm>>
          tpu.wait_dma2 semaphore(%run_scoped3A_149 : memref<!tpu.dma_semaphore, #tpu.memory_space<semaphore_mem>>) src(%dma_wait3A_159 : memref<27648xf32, #tpu.memory_space<hbm>>) dst(%dma_wait3A_158 : memref<27648xf32, #tpu.memory_space<vmem>>)
          tpu.yield
        }) : () -> ()
        "tpu.region"() ({
          %run_scoped3A_149 = tpu.sem_alloc : memref<!tpu.dma_semaphore, #tpu.memory_space<semaphore_mem>>
          %dma_start3A = arith.constant 55296 : i32
          %dma_start3A_150 = tpu.memref_slice %arg7[%dma_start3A] : memref<110592xf32, #tpu.memory_space<vmem>> -> memref<27648xf32, #tpu.memory_space<vmem>>
          %dma_start3A_151 = tpu.memref_slice %arg3[%add3A_139] : memref<1327104xf32, #tpu.memory_space<hbm>> -> memref<27648xf32, #tpu.memory_space<hbm>>
          %dma_start3A_152 = arith.constant 55296 : i32
          %dma_start3A_153 = tpu.memref_slice %arg7[%dma_start3A_152] : memref<110592xf32, #tpu.memory_space<vmem>> -> memref<27648xf32, #tpu.memory_space<vmem>>
          %dma_start3A_154 = tpu.memref_slice %arg3[%add3A_139] : memref<1327104xf32, #tpu.memory_space<hbm>> -> memref<27648xf32, #tpu.memory_space<hbm>>
          tpu.enqueue_dma source(%dma_start3A_154 : memref<27648xf32, #tpu.memory_space<hbm>>) target(%dma_start3A_153 : memref<27648xf32, #tpu.memory_space<vmem>>) target_semaphore(%run_scoped3A_149 : memref<!tpu.dma_semaphore, #tpu.memory_space<semaphore_mem>>)
          %dma_wait3A = arith.constant 55296 : i32
          %dma_wait3A_155 = tpu.memref_slice %arg7[%dma_wait3A] : memref<110592xf32, #tpu.memory_space<vmem>> -> memref<27648xf32, #tpu.memory_space<vmem>>
          %dma_wait3A_156 = tpu.memref_slice %arg3[%add3A_139] : memref<1327104xf32, #tpu.memory_space<hbm>> -> memref<27648xf32, #tpu.memory_space<hbm>>
          %dma_wait3A_157 = arith.constant 55296 : i32
          %dma_wait3A_158 = tpu.memref_slice %arg7[%dma_wait3A_157] : memref<110592xf32, #tpu.memory_space<vmem>> -> memref<27648xf32, #tpu.memory_space<vmem>>
          %dma_wait3A_159 = tpu.memref_slice %arg3[%add3A_139] : memref<1327104xf32, #tpu.memory_space<hbm>> -> memref<27648xf32, #tpu.memory_space<hbm>>
          tpu.wait_dma2 semaphore(%run_scoped3A_149 : memref<!tpu.dma_semaphore, #tpu.memory_space<semaphore_mem>>) src(%dma_wait3A_159 : memref<27648xf32, #tpu.memory_space<hbm>>) dst(%dma_wait3A_158 : memref<27648xf32, #tpu.memory_space<vmem>>)
          tpu.yield
        }) : () -> ()
        %mul3A_140 = arith.constant 2 : i32
        %mul3A_141 = arith.muli %select_n3A_109, %mul3A_140 : i32
        %add3A_142 = arith.constant 1 : i32
        %add3A_143 = arith.addi %mul3A_141, %add3A_142 : i32
        %mul3A_144 = arith.constant 331776 : i32
        %mul3A_145 = arith.muli %add3A_143, %mul3A_144 : i32
        %mul3A_146 = arith.constant 27648 : i32
        %mul3A_147 = arith.muli %sub3A_112, %mul3A_146 : i32
        %add3A_148 = arith.addi %mul3A_145, %mul3A_147 : i32
        "tpu.region"() ({
          %run_scoped3A_149 = tpu.sem_alloc : memref<!tpu.dma_semaphore, #tpu.memory_space<semaphore_mem>>
          %dma_start3A = arith.constant 27648 : i32
          %dma_start3A_150 = tpu.memref_slice %arg7[%dma_start3A] : memref<110592xf32, #tpu.memory_space<vmem>> -> memref<27648xf32, #tpu.memory_space<vmem>>
          %dma_start3A_151 = tpu.memref_slice %arg2[%add3A_148] : memref<1327104xf32, #tpu.memory_space<hbm>> -> memref<27648xf32, #tpu.memory_space<hbm>>
          %dma_start3A_152 = arith.constant 27648 : i32
          %dma_start3A_153 = tpu.memref_slice %arg7[%dma_start3A_152] : memref<110592xf32, #tpu.memory_space<vmem>> -> memref<27648xf32, #tpu.memory_space<vmem>>
          %dma_start3A_154 = tpu.memref_slice %arg2[%add3A_148] : memref<1327104xf32, #tpu.memory_space<hbm>> -> memref<27648xf32, #tpu.memory_space<hbm>>
          tpu.enqueue_dma source(%dma_start3A_154 : memref<27648xf32, #tpu.memory_space<hbm>>) target(%dma_start3A_153 : memref<27648xf32, #tpu.memory_space<vmem>>) target_semaphore(%run_scoped3A_149 : memref<!tpu.dma_semaphore, #tpu.memory_space<semaphore_mem>>)
          %dma_wait3A = arith.constant 27648 : i32
          %dma_wait3A_155 = tpu.memref_slice %arg7[%dma_wait3A] : memref<110592xf32, #tpu.memory_space<vmem>> -> memref<27648xf32, #tpu.memory_space<vmem>>
          %dma_wait3A_156 = tpu.memref_slice %arg2[%add3A_148] : memref<1327104xf32, #tpu.memory_space<hbm>> -> memref<27648xf32, #tpu.memory_space<hbm>>
          %dma_wait3A_157 = arith.constant 27648 : i32
          %dma_wait3A_158 = tpu.memref_slice %arg7[%dma_wait3A_157] : memref<110592xf32, #tpu.memory_space<vmem>> -> memref<27648xf32, #tpu.memory_space<vmem>>
          %dma_wait3A_159 = tpu.memref_slice %arg2[%add3A_148] : memref<1327104xf32, #tpu.memory_space<hbm>> -> memref<27648xf32, #tpu.memory_space<hbm>>
          tpu.wait_dma2 semaphore(%run_scoped3A_149 : memref<!tpu.dma_semaphore, #tpu.memory_space<semaphore_mem>>) src(%dma_wait3A_159 : memref<27648xf32, #tpu.memory_space<hbm>>) dst(%dma_wait3A_158 : memref<27648xf32, #tpu.memory_space<vmem>>)
          tpu.yield
        }) : () -> ()
        "tpu.region"() ({
          %run_scoped3A_149 = tpu.sem_alloc : memref<!tpu.dma_semaphore, #tpu.memory_space<semaphore_mem>>
          %dma_start3A = arith.constant 82944 : i32
          %dma_start3A_150 = tpu.memref_slice %arg7[%dma_start3A] : memref<110592xf32, #tpu.memory_space<vmem>> -> memref<27648xf32, #tpu.memory_space<vmem>>
          %dma_start3A_151 = tpu.memref_slice %arg3[%add3A_148] : memref<1327104xf32, #tpu.memory_space<hbm>> -> memref<27648xf32, #tpu.memory_space<hbm>>
          %dma_start3A_152 = arith.constant 82944 : i32
          %dma_start3A_153 = tpu.memref_slice %arg7[%dma_start3A_152] : memref<110592xf32, #tpu.memory_space<vmem>> -> memref<27648xf32, #tpu.memory_space<vmem>>
          %dma_start3A_154 = tpu.memref_slice %arg3[%add3A_148] : memref<1327104xf32, #tpu.memory_space<hbm>> -> memref<27648xf32, #tpu.memory_space<hbm>>
          tpu.enqueue_dma source(%dma_start3A_154 : memref<27648xf32, #tpu.memory_space<hbm>>) target(%dma_start3A_153 : memref<27648xf32, #tpu.memory_space<vmem>>) target_semaphore(%run_scoped3A_149 : memref<!tpu.dma_semaphore, #tpu.memory_space<semaphore_mem>>)
          %dma_wait3A = arith.constant 82944 : i32
          %dma_wait3A_155 = tpu.memref_slice %arg7[%dma_wait3A] : memref<110592xf32, #tpu.memory_space<vmem>> -> memref<27648xf32, #tpu.memory_space<vmem>>
          %dma_wait3A_156 = tpu.memref_slice %arg3[%add3A_148] : memref<1327104xf32, #tpu.memory_space<hbm>> -> memref<27648xf32, #tpu.memory_space<hbm>>
          %dma_wait3A_157 = arith.constant 82944 : i32
          %dma_wait3A_158 = tpu.memref_slice %arg7[%dma_wait3A_157] : memref<110592xf32, #tpu.memory_space<vmem>> -> memref<27648xf32, #tpu.memory_space<vmem>>
          %dma_wait3A_159 = tpu.memref_slice %arg3[%add3A_148] : memref<1327104xf32, #tpu.memory_space<hbm>> -> memref<27648xf32, #tpu.memory_space<hbm>>
          tpu.wait_dma2 semaphore(%run_scoped3A_149 : memref<!tpu.dma_semaphore, #tpu.memory_space<semaphore_mem>>) src(%dma_wait3A_159 : memref<27648xf32, #tpu.memory_space<hbm>>) dst(%dma_wait3A_158 : memref<27648xf32, #tpu.memory_space<vmem>>)
          tpu.yield
        }) : () -> ()
      } else {
      }
      %mul3A_115 = arith.constant 256 : i32
      %mul3A_116 = arith.muli %sub3A_85, %mul3A_115 : i32
      %run_scoped3A = arith.constant 0 : i32
      %run_scoped3A_117 = arith.constant 0 : i32
      "tpu.region"() ({
        %run_scoped3A_131 = tpu.sem_alloc : memref<!tpu.dma_semaphore, #tpu.memory_space<semaphore_mem>>
        %dma_start3A = arith.constant 0 : i32
        %dma_start3A_132 = arith.constant 0 : i32
        %dma_start3A_133 = arith.constant 0 : i32
        %dma_start3A_134 = tpu.memref_slice %arg8[%run_scoped3A_117, %dma_start3A, %dma_start3A_132, %dma_start3A_133] : memref<2x9x2x256xf32, #tpu.memory_space<vmem>> -> memref<1x9x2x256xf32, #tpu.memory_space<vmem>>
        %dma_start3A_135 = tpu.memref_squeeze %dma_start3A_134 : memref<1x9x2x256xf32, #tpu.memory_space<vmem>> -> memref<9x2x256xf32, #tpu.memory_space<vmem>>
        %dma_start3A_136 = arith.constant 0 : i32
        %dma_start3A_137 = arith.constant 0 : i32
        %dma_start3A_138 = tpu.memref_slice %arg5[%select_n3A_109, %run_scoped3A, %sub3A_112, %dma_start3A_136, %dma_start3A_137, %mul3A_116] : memref<2x2x12x9x2x2304xf32, #tpu.memory_space<hbm>> -> memref<1x1x1x9x2x256xf32, #tpu.memory_space<hbm>>
        %dma_start3A_139 = tpu.memref_squeeze %dma_start3A_138 : memref<1x1x1x9x2x256xf32, #tpu.memory_space<hbm>> -> memref<9x2x256xf32, #tpu.memory_space<hbm>>
        %dma_start3A_140 = arith.constant 0 : i32
        %dma_start3A_141 = arith.constant 0 : i32
        %dma_start3A_142 = arith.constant 0 : i32
        %dma_start3A_143 = tpu.memref_slice %arg8[%run_scoped3A_117, %dma_start3A_140, %dma_start3A_141, %dma_start3A_142] : memref<2x9x2x256xf32, #tpu.memory_space<vmem>> -> memref<1x9x2x256xf32, #tpu.memory_space<vmem>>
        %dma_start3A_144 = tpu.memref_squeeze %dma_start3A_143 : memref<1x9x2x256xf32, #tpu.memory_space<vmem>> -> memref<9x2x256xf32, #tpu.memory_space<vmem>>
        %dma_start3A_145 = arith.constant 0 : i32
        %dma_start3A_146 = arith.constant 0 : i32
        %dma_start3A_147 = tpu.memref_slice %arg5[%select_n3A_109, %run_scoped3A, %sub3A_112, %dma_start3A_145, %dma_start3A_146, %mul3A_116] : memref<2x2x12x9x2x2304xf32, #tpu.memory_space<hbm>> -> memref<1x1x1x9x2x256xf32, #tpu.memory_space<hbm>>
        %dma_start3A_148 = tpu.memref_squeeze %dma_start3A_147 : memref<1x1x1x9x2x256xf32, #tpu.memory_space<hbm>> -> memref<9x2x256xf32, #tpu.memory_space<hbm>>
        tpu.enqueue_dma source(%dma_start3A_148 : memref<9x2x256xf32, #tpu.memory_space<hbm>>) target(%dma_start3A_144 : memref<9x2x256xf32, #tpu.memory_space<vmem>>) target_semaphore(%run_scoped3A_131 : memref<!tpu.dma_semaphore, #tpu.memory_space<semaphore_mem>>)
        %dma_wait3A = arith.constant 0 : i32
        %dma_wait3A_149 = arith.constant 0 : i32
        %dma_wait3A_150 = arith.constant 0 : i32
        %dma_wait3A_151 = tpu.memref_slice %arg8[%run_scoped3A_117, %dma_wait3A, %dma_wait3A_149, %dma_wait3A_150] : memref<2x9x2x256xf32, #tpu.memory_space<vmem>> -> memref<1x9x2x256xf32, #tpu.memory_space<vmem>>
        %dma_wait3A_152 = tpu.memref_squeeze %dma_wait3A_151 : memref<1x9x2x256xf32, #tpu.memory_space<vmem>> -> memref<9x2x256xf32, #tpu.memory_space<vmem>>
        %dma_wait3A_153 = arith.constant 0 : i32
        %dma_wait3A_154 = arith.constant 0 : i32
        %dma_wait3A_155 = tpu.memref_slice %arg5[%select_n3A_109, %run_scoped3A, %sub3A_112, %dma_wait3A_153, %dma_wait3A_154, %mul3A_116] : memref<2x2x12x9x2x2304xf32, #tpu.memory_space<hbm>> -> memref<1x1x1x9x2x256xf32, #tpu.memory_space<hbm>>
        %dma_wait3A_156 = tpu.memref_squeeze %dma_wait3A_155 : memref<1x1x1x9x2x256xf32, #tpu.memory_space<hbm>> -> memref<9x2x256xf32, #tpu.memory_space<hbm>>
        %dma_wait3A_157 = arith.constant 0 : i32
        %dma_wait3A_158 = arith.constant 0 : i32
        %dma_wait3A_159 = arith.constant 0 : i32
        %dma_wait3A_160 = tpu.memref_slice %arg8[%run_scoped3A_117, %dma_wait3A_157, %dma_wait3A_158, %dma_wait3A_159] : memref<2x9x2x256xf32, #tpu.memory_space<vmem>> -> memref<1x9x2x256xf32, #tpu.memory_space<vmem>>
        %dma_wait3A_161 = tpu.memref_squeeze %dma_wait3A_160 : memref<1x9x2x256xf32, #tpu.memory_space<vmem>> -> memref<9x2x256xf32, #tpu.memory_space<vmem>>
        %dma_wait3A_162 = arith.constant 0 : i32
        %dma_wait3A_163 = arith.constant 0 : i32
        %dma_wait3A_164 = tpu.memref_slice %arg5[%select_n3A_109, %run_scoped3A, %sub3A_112, %dma_wait3A_162, %dma_wait3A_163, %mul3A_116] : memref<2x2x12x9x2x2304xf32, #tpu.memory_space<hbm>> -> memref<1x1x1x9x2x256xf32, #tpu.memory_space<hbm>>
        %dma_wait3A_165 = tpu.memref_squeeze %dma_wait3A_164 : memref<1x1x1x9x2x256xf32, #tpu.memory_space<hbm>> -> memref<9x2x256xf32, #tpu.memory_space<hbm>>
        tpu.wait_dma2 semaphore(%run_scoped3A_131 : memref<!tpu.dma_semaphore, #tpu.memory_space<semaphore_mem>>) src(%dma_wait3A_165 : memref<9x2x256xf32, #tpu.memory_space<hbm>>) dst(%dma_wait3A_161 : memref<9x2x256xf32, #tpu.memory_space<vmem>>)
        tpu.yield
      }) : () -> ()
      %mul3A_118 = arith.constant 256 : i32
      %mul3A_119 = arith.muli %sub3A_85, %mul3A_118 : i32
      %run_scoped3A_120 = arith.constant 1 : i32
      %run_scoped3A_121 = arith.constant 1 : i32
      "tpu.region"() ({
        %run_scoped3A_131 = tpu.sem_alloc : memref<!tpu.dma_semaphore, #tpu.memory_space<semaphore_mem>>
        %dma_start3A = arith.constant 0 : i32
        %dma_start3A_132 = arith.constant 0 : i32
        %dma_start3A_133 = arith.constant 0 : i32
        %dma_start3A_134 = tpu.memref_slice %arg8[%run_scoped3A_121, %dma_start3A, %dma_start3A_132, %dma_start3A_133] : memref<2x9x2x256xf32, #tpu.memory_space<vmem>> -> memref<1x9x2x256xf32, #tpu.memory_space<vmem>>
        %dma_start3A_135 = tpu.memref_squeeze %dma_start3A_134 : memref<1x9x2x256xf32, #tpu.memory_space<vmem>> -> memref<9x2x256xf32, #tpu.memory_space<vmem>>
        %dma_start3A_136 = arith.constant 0 : i32
        %dma_start3A_137 = arith.constant 0 : i32
        %dma_start3A_138 = tpu.memref_slice %arg5[%select_n3A_109, %run_scoped3A_120, %sub3A_112, %dma_start3A_136, %dma_start3A_137, %mul3A_119] : memref<2x2x12x9x2x2304xf32, #tpu.memory_space<hbm>> -> memref<1x1x1x9x2x256xf32, #tpu.memory_space<hbm>>
        %dma_start3A_139 = tpu.memref_squeeze %dma_start3A_138 : memref<1x1x1x9x2x256xf32, #tpu.memory_space<hbm>> -> memref<9x2x256xf32, #tpu.memory_space<hbm>>
        %dma_start3A_140 = arith.constant 0 : i32
        %dma_start3A_141 = arith.constant 0 : i32
        %dma_start3A_142 = arith.constant 0 : i32
        %dma_start3A_143 = tpu.memref_slice %arg8[%run_scoped3A_121, %dma_start3A_140, %dma_start3A_141, %dma_start3A_142] : memref<2x9x2x256xf32, #tpu.memory_space<vmem>> -> memref<1x9x2x256xf32, #tpu.memory_space<vmem>>
        %dma_start3A_144 = tpu.memref_squeeze %dma_start3A_143 : memref<1x9x2x256xf32, #tpu.memory_space<vmem>> -> memref<9x2x256xf32, #tpu.memory_space<vmem>>
        %dma_start3A_145 = arith.constant 0 : i32
        %dma_start3A_146 = arith.constant 0 : i32
        %dma_start3A_147 = tpu.memref_slice %arg5[%select_n3A_109, %run_scoped3A_120, %sub3A_112, %dma_start3A_145, %dma_start3A_146, %mul3A_119] : memref<2x2x12x9x2x2304xf32, #tpu.memory_space<hbm>> -> memref<1x1x1x9x2x256xf32, #tpu.memory_space<hbm>>
        %dma_start3A_148 = tpu.memref_squeeze %dma_start3A_147 : memref<1x1x1x9x2x256xf32, #tpu.memory_space<hbm>> -> memref<9x2x256xf32, #tpu.memory_space<hbm>>
        tpu.enqueue_dma source(%dma_start3A_148 : memref<9x2x256xf32, #tpu.memory_space<hbm>>) target(%dma_start3A_144 : memref<9x2x256xf32, #tpu.memory_space<vmem>>) target_semaphore(%run_scoped3A_131 : memref<!tpu.dma_semaphore, #tpu.memory_space<semaphore_mem>>)
        %dma_wait3A = arith.constant 0 : i32
        %dma_wait3A_149 = arith.constant 0 : i32
        %dma_wait3A_150 = arith.constant 0 : i32
        %dma_wait3A_151 = tpu.memref_slice %arg8[%run_scoped3A_121, %dma_wait3A, %dma_wait3A_149, %dma_wait3A_150] : memref<2x9x2x256xf32, #tpu.memory_space<vmem>> -> memref<1x9x2x256xf32, #tpu.memory_space<vmem>>
        %dma_wait3A_152 = tpu.memref_squeeze %dma_wait3A_151 : memref<1x9x2x256xf32, #tpu.memory_space<vmem>> -> memref<9x2x256xf32, #tpu.memory_space<vmem>>
        %dma_wait3A_153 = arith.constant 0 : i32
        %dma_wait3A_154 = arith.constant 0 : i32
        %dma_wait3A_155 = tpu.memref_slice %arg5[%select_n3A_109, %run_scoped3A_120, %sub3A_112, %dma_wait3A_153, %dma_wait3A_154, %mul3A_119] : memref<2x2x12x9x2x2304xf32, #tpu.memory_space<hbm>> -> memref<1x1x1x9x2x256xf32, #tpu.memory_space<hbm>>
        %dma_wait3A_156 = tpu.memref_squeeze %dma_wait3A_155 : memref<1x1x1x9x2x256xf32, #tpu.memory_space<hbm>> -> memref<9x2x256xf32, #tpu.memory_space<hbm>>
        %dma_wait3A_157 = arith.constant 0 : i32
        %dma_wait3A_158 = arith.constant 0 : i32
        %dma_wait3A_159 = arith.constant 0 : i32
        %dma_wait3A_160 = tpu.memref_slice %arg8[%run_scoped3A_121, %dma_wait3A_157, %dma_wait3A_158, %dma_wait3A_159] : memref<2x9x2x256xf32, #tpu.memory_space<vmem>> -> memref<1x9x2x256xf32, #tpu.memory_space<vmem>>
        %dma_wait3A_161 = tpu.memref_squeeze %dma_wait3A_160 : memref<1x9x2x256xf32, #tpu.memory_space<vmem>> -> memref<9x2x256xf32, #tpu.memory_space<vmem>>
        %dma_wait3A_162 = arith.constant 0 : i32
        %dma_wait3A_163 = arith.constant 0 : i32
        %dma_wait3A_164 = tpu.memref_slice %arg5[%select_n3A_109, %run_scoped3A_120, %sub3A_112, %dma_wait3A_162, %dma_wait3A_163, %mul3A_119] : memref<2x2x12x9x2x2304xf32, #tpu.memory_space<hbm>> -> memref<1x1x1x9x2x256xf32, #tpu.memory_space<hbm>>
        %dma_wait3A_165 = tpu.memref_squeeze %dma_wait3A_164 : memref<1x1x1x9x2x256xf32, #tpu.memory_space<hbm>> -> memref<9x2x256xf32, #tpu.memory_space<hbm>>
        tpu.wait_dma2 semaphore(%run_scoped3A_131 : memref<!tpu.dma_semaphore, #tpu.memory_space<semaphore_mem>>) src(%dma_wait3A_165 : memref<9x2x256xf32, #tpu.memory_space<hbm>>) dst(%dma_wait3A_161 : memref<9x2x256xf32, #tpu.memory_space<vmem>>)
        tpu.yield
      }) : () -> ()
      %mul3A_122 = arith.constant 256 : i32
      %mul3A_123 = arith.muli %sub3A_85, %mul3A_122 : i32
      "tpu.region"() ({
        %run_scoped3A_131 = tpu.sem_alloc : memref<!tpu.dma_semaphore, #tpu.memory_space<semaphore_mem>>
        %dma_start3A = arith.constant 0 : i32
        %dma_start3A_132 = tpu.memref_slice %arg4[%select_n3A_109, %sub3A_112, %dma_start3A, %mul3A_123] : memref<2x12x12x2304xf32, #tpu.memory_space<hbm>> -> memref<1x1x12x256xf32, #tpu.memory_space<hbm>>
        %dma_start3A_133 = tpu.memref_squeeze %dma_start3A_132 : memref<1x1x12x256xf32, #tpu.memory_space<hbm>> -> memref<12x256xf32, #tpu.memory_space<hbm>>
        %dma_start3A_134 = arith.constant 0 : i32
        %dma_start3A_135 = tpu.memref_slice %arg4[%select_n3A_109, %sub3A_112, %dma_start3A_134, %mul3A_123] : memref<2x12x12x2304xf32, #tpu.memory_space<hbm>> -> memref<1x1x12x256xf32, #tpu.memory_space<hbm>>
        %dma_start3A_136 = tpu.memref_squeeze %dma_start3A_135 : memref<1x1x12x256xf32, #tpu.memory_space<hbm>> -> memref<12x256xf32, #tpu.memory_space<hbm>>
        tpu.enqueue_dma source(%dma_start3A_136 : memref<12x256xf32, #tpu.memory_space<hbm>>) target(%arg9 : memref<12x256xf32, #tpu.memory_space<vmem>>) target_semaphore(%run_scoped3A_131 : memref<!tpu.dma_semaphore, #tpu.memory_space<semaphore_mem>>)
        %dma_wait3A = arith.constant 0 : i32
        %dma_wait3A_137 = tpu.memref_slice %arg4[%select_n3A_109, %sub3A_112, %dma_wait3A, %mul3A_123] : memref<2x12x12x2304xf32, #tpu.memory_space<hbm>> -> memref<1x1x12x256xf32, #tpu.memory_space<hbm>>
        %dma_wait3A_138 = tpu.memref_squeeze %dma_wait3A_137 : memref<1x1x12x256xf32, #tpu.memory_space<hbm>> -> memref<12x256xf32, #tpu.memory_space<hbm>>
        %dma_wait3A_139 = arith.constant 0 : i32
        %dma_wait3A_140 = tpu.memref_slice %arg4[%select_n3A_109, %sub3A_112, %dma_wait3A_139, %mul3A_123] : memref<2x12x12x2304xf32, #tpu.memory_space<hbm>> -> memref<1x1x12x256xf32, #tpu.memory_space<hbm>>
        %dma_wait3A_141 = tpu.memref_squeeze %dma_wait3A_140 : memref<1x1x12x256xf32, #tpu.memory_space<hbm>> -> memref<12x256xf32, #tpu.memory_space<hbm>>
        tpu.wait_dma2 semaphore(%run_scoped3A_131 : memref<!tpu.dma_semaphore, #tpu.memory_space<semaphore_mem>>) src(%dma_wait3A_141 : memref<12x256xf32, #tpu.memory_space<hbm>>) dst(%arg9 : memref<12x256xf32, #tpu.memory_space<vmem>>)
        tpu.yield
      }) : () -> ()
      %scan3A = arith.constant 0 : i32
      %scan3A_124 = arith.constant 0 : i32
      %scan3A_125 = arith.constant 16 : i32
      %scan3A_126 = arith.addi %scan3A_124, %scan3A_125 : i32
      %scan3A_127 = arith.constant 1 : i32
      scf.for %scan3A_131 = %scan3A_124 to %scan3A_126 step %scan3A_127  : i32 {
        %mul3A_132 = arith.constant 16 : i32
        %mul3A_133 = arith.muli %scan3A_131, %mul3A_132 : i32
        %mul3A_134 = arith.constant 256 : i32
        %mul3A_135 = arith.muli %sub3A_85, %mul3A_134 : i32
        %add3A_136 = arith.addi %mul3A_135, %mul3A_133 : i32
        %iota3A = tpu.iota {dimensions = array<i32: 0>} : vector<16xi32>
        %add3A_137 = vector.broadcast %add3A_136 : i32 to vector<16xi32>
        %add3A_138 = arith.addi %add3A_137, %iota3A : vector<16xi32>
        %jit3A_139 = arith.constant 48 : i32
        %div3A_140 = vector.broadcast %jit3A_139 : i32 to vector<16xi32>
        %div3A_141 = arith.divsi %add3A_138, %div3A_140 : vector<16xi32>
        %sign3A_142 = arith.constant 0 : i32
        %sign3A_143 = vector.broadcast %sign3A_142 : i32 to vector<16xi32>
        %sign3A_144 = arith.cmpi sgt, %add3A_138, %sign3A_143 : vector<16xi32>
        %sign3A_145 = arith.extui %sign3A_144 : vector<16xi1> to vector<16xi32>
        %sign3A_146 = arith.constant 0 : i32
        %sign3A_147 = vector.broadcast %sign3A_146 : i32 to vector<16xi32>
        %sign3A_148 = arith.cmpi slt, %add3A_138, %sign3A_147 : vector<16xi32>
        %sign3A_149 = arith.extui %sign3A_148 : vector<16xi1> to vector<16xi32>
        %sign3A_150 = arith.subi %sign3A_145, %sign3A_149 : vector<16xi32>
        %sign3A_151 = arith.constant 0 : i32
        %sign3A_152 = arith.cmpi sgt, %jit3A_139, %sign3A_151 : i32
        %sign3A_153 = arith.extui %sign3A_152 : i1 to i32
        %sign3A_154 = arith.constant 0 : i32
        %sign3A_155 = arith.cmpi slt, %jit3A_139, %sign3A_154 : i32
        %sign3A_156 = arith.extui %sign3A_155 : i1 to i32
        %sign3A_157 = arith.subi %sign3A_153, %sign3A_156 : i32
        %ne3A_158 = vector.broadcast %sign3A_157 : i32 to vector<16xi32>
        %ne3A_159 = arith.cmpi ne, %sign3A_150, %ne3A_158 : vector<16xi32>
        %rem3A_160 = vector.broadcast %jit3A_139 : i32 to vector<16xi32>
        %rem3A_161 = arith.remsi %add3A_138, %rem3A_160 : vector<16xi32>
        %ne3A_162 = arith.constant 0 : i32
        %ne3A_163 = vector.broadcast %ne3A_162 : i32 to vector<16xi32>
        %ne3A_164 = arith.cmpi ne, %rem3A_161, %ne3A_163 : vector<16xi32>
        %and3A_165 = arith.andi %ne3A_159, %ne3A_164 : vector<16xi1>
        %sub3A_166 = arith.constant 1 : i32
        %sub3A_167 = vector.broadcast %sub3A_166 : i32 to vector<16xi32>
        %sub3A_168 = arith.subi %div3A_141, %sub3A_167 : vector<16xi32>
        %select_n3A_169 = arith.select %and3A_165, %sub3A_168, %div3A_141 : vector<16xi1>, vector<16xi32>
        %mul3A_170 = arith.constant 48 : i32
        %mul3A_171 = vector.broadcast %mul3A_170 : i32 to vector<16xi32>
        %mul3A_172 = arith.muli %select_n3A_169, %mul3A_171 : vector<16xi32>
        %sub3A_173 = arith.subi %add3A_138, %mul3A_172 : vector<16xi32>
        %get3A = arith.constant 0 : i32
        %get3A_174 = arith.index_cast %get3A : i32 to index
        %get3A_175 = arith.index_cast %mul3A_133 : i32 to index
        %get3A_176 = tpu.vector_load %arg9[%get3A_174, %get3A_175] {strides = array<i32>} : memref<12x256xf32, #tpu.memory_space<vmem>>, vector<16xf32>,
        %get3A_177 = arith.constant 1 : i32
        %get3A_178 = arith.index_cast %get3A_177 : i32 to index
        %get3A_179 = arith.index_cast %mul3A_133 : i32 to index
        %get3A_180 = tpu.vector_load %arg9[%get3A_178, %get3A_179] {strides = array<i32>} : memref<12x256xf32, #tpu.memory_space<vmem>>, vector<16xf32>,
        %get3A_181 = arith.constant 2 : i32
        %get3A_182 = arith.index_cast %get3A_181 : i32 to index
        %get3A_183 = arith.index_cast %mul3A_133 : i32 to index
        %get3A_184 = tpu.vector_load %arg9[%get3A_182, %get3A_183] {strides = array<i32>} : memref<12x256xf32, #tpu.memory_space<vmem>>, vector<16xf32>,
        %get3A_185 = arith.constant 3 : i32
        %get3A_186 = arith.index_cast %get3A_185 : i32 to index
        %get3A_187 = arith.index_cast %mul3A_133 : i32 to index
        %get3A_188 = tpu.vector_load %arg9[%get3A_186, %get3A_187] {strides = array<i32>} : memref<12x256xf32, #tpu.memory_space<vmem>>, vector<16xf32>,
        %get3A_189 = arith.constant 4 : i32
        %get3A_190 = arith.index_cast %get3A_189 : i32 to index
        %get3A_191 = arith.index_cast %mul3A_133 : i32 to index
        %get3A_192 = tpu.vector_load %arg9[%get3A_190, %get3A_191] {strides = array<i32>} : memref<12x256xf32, #tpu.memory_space<vmem>>, vector<16xf32>,
        %get3A_193 = arith.constant 5 : i32
        %get3A_194 = arith.index_cast %get3A_193 : i32 to index
        %get3A_195 = arith.index_cast %mul3A_133 : i32 to index
        %get3A_196 = tpu.vector_load %arg9[%get3A_194, %get3A_195] {strides = array<i32>} : memref<12x256xf32, #tpu.memory_space<vmem>>, vector<16xf32>,
        %get3A_197 = arith.constant 6 : i32
        %get3A_198 = arith.index_cast %get3A_197 : i32 to index
        %get3A_199 = arith.index_cast %mul3A_133 : i32 to index
        %get3A_200 = tpu.vector_load %arg9[%get3A_198, %get3A_199] {strides = array<i32>} : memref<12x256xf32, #tpu.memory_space<vmem>>, vector<16xf32>,
        %get3A_201 = arith.constant 7 : i32
        %get3A_202 = arith.index_cast %get3A_201 : i32 to index
        %get3A_203 = arith.index_cast %mul3A_133 : i32 to index
        %get3A_204 = tpu.vector_load %arg9[%get3A_202, %get3A_203] {strides = array<i32>} : memref<12x256xf32, #tpu.memory_space<vmem>>, vector<16xf32>,
        %get3A_205 = arith.constant 8 : i32
        %get3A_206 = arith.index_cast %get3A_205 : i32 to index
        %get3A_207 = arith.index_cast %mul3A_133 : i32 to index
        %get3A_208 = tpu.vector_load %arg9[%get3A_206, %get3A_207] {strides = array<i32>} : memref<12x256xf32, #tpu.memory_space<vmem>>, vector<16xf32>,
        %get3A_209 = arith.constant 9 : i32
        %get3A_210 = arith.index_cast %get3A_209 : i32 to index
        %get3A_211 = arith.index_cast %mul3A_133 : i32 to index
        %get3A_212 = tpu.vector_load %arg9[%get3A_210, %get3A_211] {strides = array<i32>} : memref<12x256xf32, #tpu.memory_space<vmem>>, vector<16xf32>,
        %get3A_213 = arith.constant 10 : i32
        %get3A_214 = arith.index_cast %get3A_213 : i32 to index
        %get3A_215 = arith.index_cast %mul3A_133 : i32 to index
        %get3A_216 = tpu.vector_load %arg9[%get3A_214, %get3A_215] {strides = array<i32>} : memref<12x256xf32, #tpu.memory_space<vmem>>, vector<16xf32>,
        %get3A_217 = arith.constant 11 : i32
        %get3A_218 = arith.index_cast %get3A_217 : i32 to index
        %get3A_219 = arith.index_cast %mul3A_133 : i32 to index
        %get3A_220 = tpu.vector_load %arg9[%get3A_218, %get3A_219] {strides = array<i32>} : memref<12x256xf32, #tpu.memory_space<vmem>>, vector<16xf32>,
        %scan3A_221 = arith.constant 0 : i32
        %scan3A_222 = arith.constant 0 : i32
        %scan3A_223 = arith.constant 9 : i32
        %scan3A_224 = arith.addi %scan3A_222, %scan3A_223 : i32
        %scan3A_225 = arith.constant 1 : i32
        scf.for %scan3A_312 = %scan3A_222 to %scan3A_224 step %scan3A_225  : i32 {
          %add3A_313 = arith.constant 0 : i32
          %add3A_314 = arith.addi %scan3A_312, %add3A_313 : i32
          %jit3A_315 = arith.constant 3 : i32
          %div3A_316 = arith.divsi %scan3A_312, %jit3A_315 : i32
          %sign3A_317 = arith.constant 0 : i32
          %sign3A_318 = arith.cmpi sgt, %scan3A_312, %sign3A_317 : i32
          %sign3A_319 = arith.extui %sign3A_318 : i1 to i32
          %sign3A_320 = arith.constant 0 : i32
          %sign3A_321 = arith.cmpi slt, %scan3A_312, %sign3A_320 : i32
          %sign3A_322 = arith.extui %sign3A_321 : i1 to i32
          %sign3A_323 = arith.subi %sign3A_319, %sign3A_322 : i32
          %sign3A_324 = arith.constant 0 : i32
          %sign3A_325 = arith.cmpi sgt, %jit3A_315, %sign3A_324 : i32
          %sign3A_326 = arith.extui %sign3A_325 : i1 to i32
          %sign3A_327 = arith.constant 0 : i32
          %sign3A_328 = arith.cmpi slt, %jit3A_315, %sign3A_327 : i32
          %sign3A_329 = arith.extui %sign3A_328 : i1 to i32
          %sign3A_330 = arith.subi %sign3A_326, %sign3A_329 : i32
          %ne3A_331 = arith.cmpi ne, %sign3A_323, %sign3A_330 : i32
          %rem3A_332 = arith.remsi %scan3A_312, %jit3A_315 : i32
          %ne3A_333 = arith.constant 0 : i32
          %ne3A_334 = arith.cmpi ne, %rem3A_332, %ne3A_333 : i32
          %and3A_335 = arith.andi %ne3A_331, %ne3A_334 : i1
          %sub3A_336 = arith.constant 1 : i32
          %sub3A_337 = arith.subi %div3A_316, %sub3A_336 : i32
          %select_n3A_338 = arith.select %and3A_335, %sub3A_337, %div3A_316 : i32
          %mul3A_339 = arith.constant 3 : i32
          %mul3A_340 = arith.muli %select_n3A_338, %mul3A_339 : i32
          %sub3A_341 = arith.subi %scan3A_312, %mul3A_340 : i32
          %sub3A_342 = arith.constant 1 : i32
          %sub3A_343 = arith.subi %select_n3A_338, %sub3A_342 : i32
          %add3A_344 = vector.broadcast %sub3A_343 : i32 to vector<16xi32>
          %add3A_345 = arith.addi %select_n3A_169, %add3A_344 : vector<16xi32>
          %convert_element_type3A_346 = arith.sitofp %add3A_345 : vector<16xi32> to vector<16xf32>
          %get3A_347 = arith.constant 0 : i32
          %get3A_348 = arith.constant 0 : i32
          %get3A_349 = arith.index_cast %get3A_347 : i32 to index
          %get3A_350 = arith.index_cast %scan3A_312 : i32 to index
          %get3A_351 = arith.index_cast %get3A_348 : i32 to index
          %get3A_352 = arith.index_cast %mul3A_133 : i32 to index
          %get3A_353 = tpu.vector_load %arg8[%get3A_349, %get3A_350, %get3A_351, %get3A_352] {strides = array<i32>} : memref<2x9x2x256xf32, #tpu.memory_space<vmem>>, vector<16xf32>,
          %add3A_354 = arith.addf %convert_element_type3A_346, %get3A_353 : vector<16xf32>
          %sub3A_355 = arith.constant 1 : i32
          %sub3A_356 = arith.subi %sub3A_341, %sub3A_355 : i32
          %add3A_357 = vector.broadcast %sub3A_356 : i32 to vector<16xi32>
          %add3A_358 = arith.addi %sub3A_173, %add3A_357 : vector<16xi32>
          %convert_element_type3A_359 = arith.sitofp %add3A_358 : vector<16xi32> to vector<16xf32>
          %get3A_360 = arith.constant 0 : i32
          %get3A_361 = arith.constant 1 : i32
          %get3A_362 = arith.index_cast %get3A_360 : i32 to index
          %get3A_363 = arith.index_cast %scan3A_312 : i32 to index
          %get3A_364 = arith.index_cast %get3A_361 : i32 to index
          %get3A_365 = arith.index_cast %mul3A_133 : i32 to index
          %get3A_366 = tpu.vector_load %arg8[%get3A_362, %get3A_363, %get3A_364, %get3A_365] {strides = array<i32>} : memref<2x9x2x256xf32, #tpu.memory_space<vmem>>, vector<16xf32>,
          %add3A_367 = arith.addf %convert_element_type3A_359, %get3A_366 : vector<16xf32>
          %convert_element_type3A_368 = arith.fptosi %add3A_354 : vector<16xf32> to vector<16xi32>
          %convert_element_type3A_369 = arith.sitofp %convert_element_type3A_368 : vector<16xi32> to vector<16xf32>
          %lt3A = arith.cmpf olt, %add3A_354, %convert_element_type3A_369 : vector<16xf32>
          %sub3A_370 = arith.constant 1 : i32
          %sub3A_371 = vector.broadcast %sub3A_370 : i32 to vector<16xi32>
          %sub3A_372 = arith.subi %convert_element_type3A_368, %sub3A_371 : vector<16xi32>
          %select_n3A_373 = arith.select %lt3A, %sub3A_372, %convert_element_type3A_368 : vector<16xi1>, vector<16xi32>
          %convert_element_type3A_374 = arith.fptosi %add3A_367 : vector<16xf32> to vector<16xi32>
          %convert_element_type3A_375 = arith.sitofp %convert_element_type3A_374 : vector<16xi32> to vector<16xf32>
          %lt3A_376 = arith.cmpf olt, %add3A_367, %convert_element_type3A_375 : vector<16xf32>
          %sub3A_377 = arith.constant 1 : i32
          %sub3A_378 = vector.broadcast %sub3A_377 : i32 to vector<16xi32>
          %sub3A_379 = arith.subi %convert_element_type3A_374, %sub3A_378 : vector<16xi32>
          %select_n3A_380 = arith.select %lt3A_376, %sub3A_379, %convert_element_type3A_374 : vector<16xi1>, vector<16xi32>
          %add3A_381 = arith.constant 0 : i32
          %add3A_382 = vector.broadcast %add3A_381 : i32 to vector<16xi32>
          %add3A_383 = arith.addi %select_n3A_373, %add3A_382 : vector<16xi32>
          %add3A_384 = arith.constant 0 : i32
          %add3A_385 = vector.broadcast %add3A_384 : i32 to vector<16xi32>
          %add3A_386 = arith.addi %select_n3A_380, %add3A_385 : vector<16xi32>
          %convert_element_type3A_387 = arith.sitofp %add3A_383 : vector<16xi32> to vector<16xf32>
          %sub3A_388 = arith.subf %add3A_354, %convert_element_type3A_387 : vector<16xf32>
          %abs3A = math.absf %sub3A_388 : vector<16xf32>
          %sub3A_389 = arith.constant 1.000000e+00 : f32
          %sub3A_390 = vector.broadcast %sub3A_389 : f32 to vector<16xf32>
          %sub3A_391 = arith.subf %sub3A_390, %abs3A : vector<16xf32>
          %convert_element_type3A_392 = arith.sitofp %add3A_386 : vector<16xi32> to vector<16xf32>
          %sub3A_393 = arith.subf %add3A_367, %convert_element_type3A_392 : vector<16xf32>
          %abs3A_394 = math.absf %sub3A_393 : vector<16xf32>
          %sub3A_395 = arith.constant 1.000000e+00 : f32
          %sub3A_396 = vector.broadcast %sub3A_395 : f32 to vector<16xf32>
          %sub3A_397 = arith.subf %sub3A_396, %abs3A_394 : vector<16xf32>
          %ge3A = arith.constant 0 : i32
          %ge3A_398 = vector.broadcast %ge3A : i32 to vector<16xi32>
          %ge3A_399 = arith.cmpi sge, %add3A_383, %ge3A_398 : vector<16xi32>
          %le3A = arith.constant 47 : i32
          %le3A_400 = vector.broadcast %le3A : i32 to vector<16xi32>
          %le3A_401 = arith.cmpi sle, %add3A_383, %le3A_400 : vector<16xi32>
          %and3A_402 = arith.andi %ge3A_399, %le3A_401 : vector<16xi1>
          %ge3A_403 = arith.constant 0 : i32
          %ge3A_404 = vector.broadcast %ge3A_403 : i32 to vector<16xi32>
          %ge3A_405 = arith.cmpi sge, %add3A_386, %ge3A_404 : vector<16xi32>
          %and3A_406 = arith.andi %and3A_402, %ge3A_405 : vector<16xi1>
          %le3A_407 = arith.constant 47 : i32
          %le3A_408 = vector.broadcast %le3A_407 : i32 to vector<16xi32>
          %le3A_409 = arith.cmpi sle, %add3A_386, %le3A_408 : vector<16xi32>
          %and3A_410 = arith.andi %and3A_406, %le3A_409 : vector<16xi1>
          %mul3A_411 = arith.mulf %sub3A_391, %sub3A_397 : vector<16xf32>
          %jit3A_412 = arith.constant 0.000000e+00 : f32
          %broadcast_in_dim3A_413 = vector.broadcast %jit3A_412 : f32 to vector<16xf32>
          %select_n3A_414 = arith.select %and3A_410, %mul3A_411, %broadcast_in_dim3A_413 : vector<16xi1>, vector<16xf32>
          %jit3A_415 = arith.constant 0 : i32
          %jit3A_416 = arith.constant 47 : i32
          %max3A = vector.broadcast %jit3A_415 : i32 to vector<16xi32>
          %max3A_417 = arith.maxsi %max3A, %add3A_383 : vector<16xi32>
          %min3A = vector.broadcast %jit3A_416 : i32 to vector<16xi32>
          %min3A_418 = arith.minsi %min3A, %max3A_417 : vector<16xi32>
          %jit3A_419 = arith.constant 0 : i32
          %jit3A_420 = arith.constant 47 : i32
          %max3A_421 = vector.broadcast %jit3A_419 : i32 to vector<16xi32>
          %max3A_422 = arith.maxsi %max3A_421, %add3A_386 : vector<16xi32>
          %min3A_423 = vector.broadcast %jit3A_420 : i32 to vector<16xi32>
          %min3A_424 = arith.minsi %min3A_423, %max3A_422 : vector<16xi32>
          %mul3A_425 = arith.constant 48 : i32
          %mul3A_426 = vector.broadcast %mul3A_425 : i32 to vector<16xi32>
          %mul3A_427 = arith.muli %min3A_418, %mul3A_426 : vector<16xi32>
          %add3A_428 = arith.addi %mul3A_427, %min3A_424 : vector<16xi32>
          %mul3A_429 = arith.constant 4 : i32
          %mul3A_430 = arith.muli %add3A_314, %mul3A_429 : i32
          %add3A_431 = arith.constant 0 : i32
          %add3A_432 = arith.addi %mul3A_430, %add3A_431 : i32
          %mul3A_433 = arith.constant 16 : i32
          %mul3A_434 = arith.muli %add3A_432, %mul3A_433 : i32
          %swap3A_435 = arith.index_cast %mul3A_434 : i32 to index
          %swap3A_436 = tpu.vector_load %arg11[%swap3A_435] {strides = array<i32>} : memref<1152xf32, #tpu.memory_space<vmem>>, vector<16xf32>,
          tpu.vector_store %arg11[%swap3A_435], %select_n3A_414 {strides = array<i32>} : memref<1152xf32, #tpu.memory_space<vmem>>, vector<16xf32>,
          %mul3A_437 = arith.constant 4 : i32
          %mul3A_438 = arith.muli %add3A_314, %mul3A_437 : i32
          %add3A_439 = arith.constant 0 : i32
          %add3A_440 = arith.addi %mul3A_438, %add3A_439 : i32
          %mul3A_441 = arith.constant 16 : i32
          %mul3A_442 = arith.muli %add3A_440, %mul3A_441 : i32
          %swap3A_443 = arith.index_cast %mul3A_442 : i32 to index
          %swap3A_444 = tpu.vector_load %arg12[%swap3A_443] {strides = array<i32>} : memref<1152xi32, #tpu.memory_space<vmem>>, vector<16xi32>,
          tpu.vector_store %arg12[%swap3A_443], %add3A_428 {strides = array<i32>} : memref<1152xi32, #tpu.memory_space<vmem>>, vector<16xi32>,
          %add3A_445 = arith.constant 0 : i32
          %add3A_446 = vector.broadcast %add3A_445 : i32 to vector<16xi32>
          %add3A_447 = arith.addi %select_n3A_373, %add3A_446 : vector<16xi32>
          %add3A_448 = arith.constant 1 : i32
          %add3A_449 = vector.broadcast %add3A_448 : i32 to vector<16xi32>
          %add3A_450 = arith.addi %select_n3A_380, %add3A_449 : vector<16xi32>
          %convert_element_type3A_451 = arith.sitofp %add3A_447 : vector<16xi32> to vector<16xf32>
          %sub3A_452 = arith.subf %add3A_354, %convert_element_type3A_451 : vector<16xf32>
          %abs3A_453 = math.absf %sub3A_452 : vector<16xf32>
          %sub3A_454 = arith.constant 1.000000e+00 : f32
          %sub3A_455 = vector.broadcast %sub3A_454 : f32 to vector<16xf32>
          %sub3A_456 = arith.subf %sub3A_455, %abs3A_453 : vector<16xf32>
          %convert_element_type3A_457 = arith.sitofp %add3A_450 : vector<16xi32> to vector<16xf32>
          %sub3A_458 = arith.subf %add3A_367, %convert_element_type3A_457 : vector<16xf32>
          %abs3A_459 = math.absf %sub3A_458 : vector<16xf32>
          %sub3A_460 = arith.constant 1.000000e+00 : f32
          %sub3A_461 = vector.broadcast %sub3A_460 : f32 to vector<16xf32>
          %sub3A_462 = arith.subf %sub3A_461, %abs3A_459 : vector<16xf32>
          %ge3A_463 = arith.constant 0 : i32
          %ge3A_464 = vector.broadcast %ge3A_463 : i32 to vector<16xi32>
          %ge3A_465 = arith.cmpi sge, %add3A_447, %ge3A_464 : vector<16xi32>
          %le3A_466 = arith.constant 47 : i32
          %le3A_467 = vector.broadcast %le3A_466 : i32 to vector<16xi32>
          %le3A_468 = arith.cmpi sle, %add3A_447, %le3A_467 : vector<16xi32>
          %and3A_469 = arith.andi %ge3A_465, %le3A_468 : vector<16xi1>
          %ge3A_470 = arith.constant 0 : i32
          %ge3A_471 = vector.broadcast %ge3A_470 : i32 to vector<16xi32>
          %ge3A_472 = arith.cmpi sge, %add3A_450, %ge3A_471 : vector<16xi32>
          %and3A_473 = arith.andi %and3A_469, %ge3A_472 : vector<16xi1>
          %le3A_474 = arith.constant 47 : i32
          %le3A_475 = vector.broadcast %le3A_474 : i32 to vector<16xi32>
          %le3A_476 = arith.cmpi sle, %add3A_450, %le3A_475 : vector<16xi32>
          %and3A_477 = arith.andi %and3A_473, %le3A_476 : vector<16xi1>
          %mul3A_478 = arith.mulf %sub3A_456, %sub3A_462 : vector<16xf32>
          %jit3A_479 = arith.constant 0.000000e+00 : f32
          %broadcast_in_dim3A_480 = vector.broadcast %jit3A_479 : f32 to vector<16xf32>
          %select_n3A_481 = arith.select %and3A_477, %mul3A_478, %broadcast_in_dim3A_480 : vector<16xi1>, vector<16xf32>
          %jit3A_482 = arith.constant 0 : i32
          %jit3A_483 = arith.constant 47 : i32
          %max3A_484 = vector.broadcast %jit3A_482 : i32 to vector<16xi32>
          %max3A_485 = arith.maxsi %max3A_484, %add3A_447 : vector<16xi32>
          %min3A_486 = vector.broadcast %jit3A_483 : i32 to vector<16xi32>
          %min3A_487 = arith.minsi %min3A_486, %max3A_485 : vector<16xi32>
          %jit3A_488 = arith.constant 0 : i32
          %jit3A_489 = arith.constant 47 : i32
          %max3A_490 = vector.broadcast %jit3A_488 : i32 to vector<16xi32>
          %max3A_491 = arith.maxsi %max3A_490, %add3A_450 : vector<16xi32>
          %min3A_492 = vector.broadcast %jit3A_489 : i32 to vector<16xi32>
          %min3A_493 = arith.minsi %min3A_492, %max3A_491 : vector<16xi32>
          %mul3A_494 = arith.constant 48 : i32
          %mul3A_495 = vector.broadcast %mul3A_494 : i32 to vector<16xi32>
          %mul3A_496 = arith.muli %min3A_487, %mul3A_495 : vector<16xi32>
          %add3A_497 = arith.addi %mul3A_496, %min3A_493 : vector<16xi32>
          %mul3A_498 = arith.constant 4 : i32
          %mul3A_499 = arith.muli %add3A_314, %mul3A_498 : i32
          %add3A_500 = arith.constant 1 : i32
          %add3A_501 = arith.addi %mul3A_499, %add3A_500 : i32
          %mul3A_502 = arith.constant 16 : i32
          %mul3A_503 = arith.muli %add3A_501, %mul3A_502 : i32
          %swap3A_504 = arith.index_cast %mul3A_503 : i32 to index
          %swap3A_505 = tpu.vector_load %arg11[%swap3A_504] {strides = array<i32>} : memref<1152xf32, #tpu.memory_space<vmem>>, vector<16xf32>,
          tpu.vector_store %arg11[%swap3A_504], %select_n3A_481 {strides = array<i32>} : memref<1152xf32, #tpu.memory_space<vmem>>, vector<16xf32>,
          %mul3A_506 = arith.constant 4 : i32
          %mul3A_507 = arith.muli %add3A_314, %mul3A_506 : i32
          %add3A_508 = arith.constant 1 : i32
          %add3A_509 = arith.addi %mul3A_507, %add3A_508 : i32
          %mul3A_510 = arith.constant 16 : i32
          %mul3A_511 = arith.muli %add3A_509, %mul3A_510 : i32
          %swap3A_512 = arith.index_cast %mul3A_511 : i32 to index
          %swap3A_513 = tpu.vector_load %arg12[%swap3A_512] {strides = array<i32>} : memref<1152xi32, #tpu.memory_space<vmem>>, vector<16xi32>,
          tpu.vector_store %arg12[%swap3A_512], %add3A_497 {strides = array<i32>} : memref<1152xi32, #tpu.memory_space<vmem>>, vector<16xi32>,
          %add3A_514 = arith.constant 1 : i32
          %add3A_515 = vector.broadcast %add3A_514 : i32 to vector<16xi32>
          %add3A_516 = arith.addi %select_n3A_373, %add3A_515 : vector<16xi32>
          %add3A_517 = arith.constant 0 : i32
          %add3A_518 = vector.broadcast %add3A_517 : i32 to vector<16xi32>
          %add3A_519 = arith.addi %select_n3A_380, %add3A_518 : vector<16xi32>
          %convert_element_type3A_520 = arith.sitofp %add3A_516 : vector<16xi32> to vector<16xf32>
          %sub3A_521 = arith.subf %add3A_354, %convert_element_type3A_520 : vector<16xf32>
          %abs3A_522 = math.absf %sub3A_521 : vector<16xf32>
          %sub3A_523 = arith.constant 1.000000e+00 : f32
          %sub3A_524 = vector.broadcast %sub3A_523 : f32 to vector<16xf32>
          %sub3A_525 = arith.subf %sub3A_524, %abs3A_522 : vector<16xf32>
          %convert_element_type3A_526 = arith.sitofp %add3A_519 : vector<16xi32> to vector<16xf32>
          %sub3A_527 = arith.subf %add3A_367, %convert_element_type3A_526 : vector<16xf32>
          %abs3A_528 = math.absf %sub3A_527 : vector<16xf32>
          %sub3A_529 = arith.constant 1.000000e+00 : f32
          %sub3A_530 = vector.broadcast %sub3A_529 : f32 to vector<16xf32>
          %sub3A_531 = arith.subf %sub3A_530, %abs3A_528 : vector<16xf32>
          %ge3A_532 = arith.constant 0 : i32
          %ge3A_533 = vector.broadcast %ge3A_532 : i32 to vector<16xi32>
          %ge3A_534 = arith.cmpi sge, %add3A_516, %ge3A_533 : vector<16xi32>
          %le3A_535 = arith.constant 47 : i32
          %le3A_536 = vector.broadcast %le3A_535 : i32 to vector<16xi32>
          %le3A_537 = arith.cmpi sle, %add3A_516, %le3A_536 : vector<16xi32>
          %and3A_538 = arith.andi %ge3A_534, %le3A_537 : vector<16xi1>
          %ge3A_539 = arith.constant 0 : i32
          %ge3A_540 = vector.broadcast %ge3A_539 : i32 to vector<16xi32>
          %ge3A_541 = arith.cmpi sge, %add3A_519, %ge3A_540 : vector<16xi32>
          %and3A_542 = arith.andi %and3A_538, %ge3A_541 : vector<16xi1>
          %le3A_543 = arith.constant 47 : i32
          %le3A_544 = vector.broadcast %le3A_543 : i32 to vector<16xi32>
          %le3A_545 = arith.cmpi sle, %add3A_519, %le3A_544 : vector<16xi32>
          %and3A_546 = arith.andi %and3A_542, %le3A_545 : vector<16xi1>
          %mul3A_547 = arith.mulf %sub3A_525, %sub3A_531 : vector<16xf32>
          %jit3A_548 = arith.constant 0.000000e+00 : f32
          %broadcast_in_dim3A_549 = vector.broadcast %jit3A_548 : f32 to vector<16xf32>
          %select_n3A_550 = arith.select %and3A_546, %mul3A_547, %broadcast_in_dim3A_549 : vector<16xi1>, vector<16xf32>
          %jit3A_551 = arith.constant 0 : i32
          %jit3A_552 = arith.constant 47 : i32
          %max3A_553 = vector.broadcast %jit3A_551 : i32 to vector<16xi32>
          %max3A_554 = arith.maxsi %max3A_553, %add3A_516 : vector<16xi32>
          %min3A_555 = vector.broadcast %jit3A_552 : i32 to vector<16xi32>
          %min3A_556 = arith.minsi %min3A_555, %max3A_554 : vector<16xi32>
          %jit3A_557 = arith.constant 0 : i32
          %jit3A_558 = arith.constant 47 : i32
          %max3A_559 = vector.broadcast %jit3A_557 : i32 to vector<16xi32>
          %max3A_560 = arith.maxsi %max3A_559, %add3A_519 : vector<16xi32>
          %min3A_561 = vector.broadcast %jit3A_558 : i32 to vector<16xi32>
          %min3A_562 = arith.minsi %min3A_561, %max3A_560 : vector<16xi32>
          %mul3A_563 = arith.constant 48 : i32
          %mul3A_564 = vector.broadcast %mul3A_563 : i32 to vector<16xi32>
          %mul3A_565 = arith.muli %min3A_556, %mul3A_564 : vector<16xi32>
          %add3A_566 = arith.addi %mul3A_565, %min3A_562 : vector<16xi32>
          %mul3A_567 = arith.constant 4 : i32
          %mul3A_568 = arith.muli %add3A_314, %mul3A_567 : i32
          %add3A_569 = arith.constant 2 : i32
          %add3A_570 = arith.addi %mul3A_568, %add3A_569 : i32
          %mul3A_571 = arith.constant 16 : i32
          %mul3A_572 = arith.muli %add3A_570, %mul3A_571 : i32
          %swap3A_573 = arith.index_cast %mul3A_572 : i32 to index
          %swap3A_574 = tpu.vector_load %arg11[%swap3A_573] {strides = array<i32>} : memref<1152xf32, #tpu.memory_space<vmem>>, vector<16xf32>,
          tpu.vector_store %arg11[%swap3A_573], %select_n3A_550 {strides = array<i32>} : memref<1152xf32, #tpu.memory_space<vmem>>, vector<16xf32>,
          %mul3A_575 = arith.constant 4 : i32
          %mul3A_576 = arith.muli %add3A_314, %mul3A_575 : i32
          %add3A_577 = arith.constant 2 : i32
          %add3A_578 = arith.addi %mul3A_576, %add3A_577 : i32
          %mul3A_579 = arith.constant 16 : i32
          %mul3A_580 = arith.muli %add3A_578, %mul3A_579 : i32
          %swap3A_581 = arith.index_cast %mul3A_580 : i32 to index
          %swap3A_582 = tpu.vector_load %arg12[%swap3A_581] {strides = array<i32>} : memref<1152xi32, #tpu.memory_space<vmem>>, vector<16xi32>,
          tpu.vector_store %arg12[%swap3A_581], %add3A_566 {strides = array<i32>} : memref<1152xi32, #tpu.memory_space<vmem>>, vector<16xi32>,
          %add3A_583 = arith.constant 1 : i32
          %add3A_584 = vector.broadcast %add3A_583 : i32 to vector<16xi32>
          %add3A_585 = arith.addi %select_n3A_373, %add3A_584 : vector<16xi32>
          %add3A_586 = arith.constant 1 : i32
          %add3A_587 = vector.broadcast %add3A_586 : i32 to vector<16xi32>
          %add3A_588 = arith.addi %select_n3A_380, %add3A_587 : vector<16xi32>
          %convert_element_type3A_589 = arith.sitofp %add3A_585 : vector<16xi32> to vector<16xf32>
          %sub3A_590 = arith.subf %add3A_354, %convert_element_type3A_589 : vector<16xf32>
          %abs3A_591 = math.absf %sub3A_590 : vector<16xf32>
          %sub3A_592 = arith.constant 1.000000e+00 : f32
          %sub3A_593 = vector.broadcast %sub3A_592 : f32 to vector<16xf32>
          %sub3A_594 = arith.subf %sub3A_593, %abs3A_591 : vector<16xf32>
          %convert_element_type3A_595 = arith.sitofp %add3A_588 : vector<16xi32> to vector<16xf32>
          %sub3A_596 = arith.subf %add3A_367, %convert_element_type3A_595 : vector<16xf32>
          %abs3A_597 = math.absf %sub3A_596 : vector<16xf32>
          %sub3A_598 = arith.constant 1.000000e+00 : f32
          %sub3A_599 = vector.broadcast %sub3A_598 : f32 to vector<16xf32>
          %sub3A_600 = arith.subf %sub3A_599, %abs3A_597 : vector<16xf32>
          %ge3A_601 = arith.constant 0 : i32
          %ge3A_602 = vector.broadcast %ge3A_601 : i32 to vector<16xi32>
          %ge3A_603 = arith.cmpi sge, %add3A_585, %ge3A_602 : vector<16xi32>
          %le3A_604 = arith.constant 47 : i32
          %le3A_605 = vector.broadcast %le3A_604 : i32 to vector<16xi32>
          %le3A_606 = arith.cmpi sle, %add3A_585, %le3A_605 : vector<16xi32>
          %and3A_607 = arith.andi %ge3A_603, %le3A_606 : vector<16xi1>
          %ge3A_608 = arith.constant 0 : i32
          %ge3A_609 = vector.broadcast %ge3A_608 : i32 to vector<16xi32>
          %ge3A_610 = arith.cmpi sge, %add3A_588, %ge3A_609 : vector<16xi32>
          %and3A_611 = arith.andi %and3A_607, %ge3A_610 : vector<16xi1>
          %le3A_612 = arith.constant 47 : i32
          %le3A_613 = vector.broadcast %le3A_612 : i32 to vector<16xi32>
          %le3A_614 = arith.cmpi sle, %add3A_588, %le3A_613 : vector<16xi32>
          %and3A_615 = arith.andi %and3A_611, %le3A_614 : vector<16xi1>
          %mul3A_616 = arith.mulf %sub3A_594, %sub3A_600 : vector<16xf32>
          %jit3A_617 = arith.constant 0.000000e+00 : f32
          %broadcast_in_dim3A_618 = vector.broadcast %jit3A_617 : f32 to vector<16xf32>
          %select_n3A_619 = arith.select %and3A_615, %mul3A_616, %broadcast_in_dim3A_618 : vector<16xi1>, vector<16xf32>
          %jit3A_620 = arith.constant 0 : i32
          %jit3A_621 = arith.constant 47 : i32
          %max3A_622 = vector.broadcast %jit3A_620 : i32 to vector<16xi32>
          %max3A_623 = arith.maxsi %max3A_622, %add3A_585 : vector<16xi32>
          %min3A_624 = vector.broadcast %jit3A_621 : i32 to vector<16xi32>
          %min3A_625 = arith.minsi %min3A_624, %max3A_623 : vector<16xi32>
          %jit3A_626 = arith.constant 0 : i32
          %jit3A_627 = arith.constant 47 : i32
          %max3A_628 = vector.broadcast %jit3A_626 : i32 to vector<16xi32>
          %max3A_629 = arith.maxsi %max3A_628, %add3A_588 : vector<16xi32>
          %min3A_630 = vector.broadcast %jit3A_627 : i32 to vector<16xi32>
          %min3A_631 = arith.minsi %min3A_630, %max3A_629 : vector<16xi32>
          %mul3A_632 = arith.constant 48 : i32
          %mul3A_633 = vector.broadcast %mul3A_632 : i32 to vector<16xi32>
          %mul3A_634 = arith.muli %min3A_625, %mul3A_633 : vector<16xi32>
          %add3A_635 = arith.addi %mul3A_634, %min3A_631 : vector<16xi32>
          %mul3A_636 = arith.constant 4 : i32
          %mul3A_637 = arith.muli %add3A_314, %mul3A_636 : i32
          %add3A_638 = arith.constant 3 : i32
          %add3A_639 = arith.addi %mul3A_637, %add3A_638 : i32
          %mul3A_640 = arith.constant 16 : i32
          %mul3A_641 = arith.muli %add3A_639, %mul3A_640 : i32
          %swap3A_642 = arith.index_cast %mul3A_641 : i32 to index
          %swap3A_643 = tpu.vector_load %arg11[%swap3A_642] {strides = array<i32>} : memref<1152xf32, #tpu.memory_space<vmem>>, vector<16xf32>,
          tpu.vector_store %arg11[%swap3A_642], %select_n3A_619 {strides = array<i32>} : memref<1152xf32, #tpu.memory_space<vmem>>, vector<16xf32>,
          %mul3A_644 = arith.constant 4 : i32
          %mul3A_645 = arith.muli %add3A_314, %mul3A_644 : i32
          %add3A_646 = arith.constant 3 : i32
          %add3A_647 = arith.addi %mul3A_645, %add3A_646 : i32
          %mul3A_648 = arith.constant 16 : i32
          %mul3A_649 = arith.muli %add3A_647, %mul3A_648 : i32
          %swap3A_650 = arith.index_cast %mul3A_649 : i32 to index
          %swap3A_651 = tpu.vector_load %arg12[%swap3A_650] {strides = array<i32>} : memref<1152xi32, #tpu.memory_space<vmem>>, vector<16xi32>,
          tpu.vector_store %arg12[%swap3A_650], %add3A_635 {strides = array<i32>} : memref<1152xi32, #tpu.memory_space<vmem>>, vector<16xi32>,
          %broadcast_in_dim3A_652 = arith.constant 0.000000e+00 : f32
          %broadcast_in_dim3A_653 = vector.broadcast %broadcast_in_dim3A_652 : f32 to vector<16xf32>
          %add3A_654 = arith.constant 0 : i32
          %add3A_655 = vector.broadcast %add3A_654 : i32 to vector<16xi32>
          %add3A_656 = arith.addi %add3A_428, %add3A_655 : vector<16xi32>
          %gather3A = tpu.vector_load_idx %arg7[%add3A_656] : memref<110592xf32, #tpu.memory_space<vmem>>[vector<16xi32>], vector<16xf32>,
          %mul3A_657 = arith.mulf %select_n3A_414, %gather3A : vector<16xf32>
          %add3A_658 = arith.constant 0 : i32
          %add3A_659 = vector.broadcast %add3A_658 : i32 to vector<16xi32>
          %add3A_660 = arith.addi %add3A_497, %add3A_659 : vector<16xi32>
          %gather3A_661 = tpu.vector_load_idx %arg7[%add3A_660] : memref<110592xf32, #tpu.memory_space<vmem>>[vector<16xi32>], vector<16xf32>,
          %mul3A_662 = arith.mulf %select_n3A_481, %gather3A_661 : vector<16xf32>
          %add3A_663 = arith.addf %mul3A_657, %mul3A_662 : vector<16xf32>
          %add3A_664 = arith.constant 0 : i32
          %add3A_665 = vector.broadcast %add3A_664 : i32 to vector<16xi32>
          %add3A_666 = arith.addi %add3A_566, %add3A_665 : vector<16xi32>
          %gather3A_667 = tpu.vector_load_idx %arg7[%add3A_666] : memref<110592xf32, #tpu.memory_space<vmem>>[vector<16xi32>], vector<16xf32>,
          %mul3A_668 = arith.mulf %select_n3A_550, %gather3A_667 : vector<16xf32>
          %add3A_669 = arith.addf %add3A_663, %mul3A_668 : vector<16xf32>
          %add3A_670 = arith.constant 0 : i32
          %add3A_671 = vector.broadcast %add3A_670 : i32 to vector<16xi32>
          %add3A_672 = arith.addi %add3A_635, %add3A_671 : vector<16xi32>
          %gather3A_673 = tpu.vector_load_idx %arg7[%add3A_672] : memref<110592xf32, #tpu.memory_space<vmem>>[vector<16xi32>], vector<16xf32>,
          %mul3A_674 = arith.mulf %select_n3A_619, %gather3A_673 : vector<16xf32>
          %add3A_675 = arith.addf %add3A_669, %mul3A_674 : vector<16xf32>
          %mul3A_676 = arith.mulf %get3A_176, %add3A_675 : vector<16xf32>
          %add3A_677 = arith.addf %broadcast_in_dim3A_653, %mul3A_676 : vector<16xf32>
          %add3A_678 = arith.constant 2304 : i32
          %add3A_679 = vector.broadcast %add3A_678 : i32 to vector<16xi32>
          %add3A_680 = arith.addi %add3A_428, %add3A_679 : vector<16xi32>
          %gather3A_681 = tpu.vector_load_idx %arg7[%add3A_680] : memref<110592xf32, #tpu.memory_space<vmem>>[vector<16xi32>], vector<16xf32>,
          %mul3A_682 = arith.mulf %select_n3A_414, %gather3A_681 : vector<16xf32>
          %add3A_683 = arith.constant 2304 : i32
          %add3A_684 = vector.broadcast %add3A_683 : i32 to vector<16xi32>
          %add3A_685 = arith.addi %add3A_497, %add3A_684 : vector<16xi32>
          %gather3A_686 = tpu.vector_load_idx %arg7[%add3A_685] : memref<110592xf32, #tpu.memory_space<vmem>>[vector<16xi32>], vector<16xf32>,
          %mul3A_687 = arith.mulf %select_n3A_481, %gather3A_686 : vector<16xf32>
          %add3A_688 = arith.addf %mul3A_682, %mul3A_687 : vector<16xf32>
          %add3A_689 = arith.constant 2304 : i32
          %add3A_690 = vector.broadcast %add3A_689 : i32 to vector<16xi32>
          %add3A_691 = arith.addi %add3A_566, %add3A_690 : vector<16xi32>
          %gather3A_692 = tpu.vector_load_idx %arg7[%add3A_691] : memref<110592xf32, #tpu.memory_space<vmem>>[vector<16xi32>], vector<16xf32>,
          %mul3A_693 = arith.mulf %select_n3A_550, %gather3A_692 : vector<16xf32>
          %add3A_694 = arith.addf %add3A_688, %mul3A_693 : vector<16xf32>
          %add3A_695 = arith.constant 2304 : i32
          %add3A_696 = vector.broadcast %add3A_695 : i32 to vector<16xi32>
          %add3A_697 = arith.addi %add3A_635, %add3A_696 : vector<16xi32>
          %gather3A_698 = tpu.vector_load_idx %arg7[%add3A_697] : memref<110592xf32, #tpu.memory_space<vmem>>[vector<16xi32>], vector<16xf32>,
          %mul3A_699 = arith.mulf %select_n3A_619, %gather3A_698 : vector<16xf32>
          %add3A_700 = arith.addf %add3A_694, %mul3A_699 : vector<16xf32>
          %mul3A_701 = arith.mulf %get3A_180, %add3A_700 : vector<16xf32>
          %add3A_702 = arith.addf %add3A_677, %mul3A_701 : vector<16xf32>
          %add3A_703 = arith.constant 4608 : i32
          %add3A_704 = vector.broadcast %add3A_703 : i32 to vector<16xi32>
          %add3A_705 = arith.addi %add3A_428, %add3A_704 : vector<16xi32>
          %gather3A_706 = tpu.vector_load_idx %arg7[%add3A_705] : memref<110592xf32, #tpu.memory_space<vmem>>[vector<16xi32>], vector<16xf32>,
          %mul3A_707 = arith.mulf %select_n3A_414, %gather3A_706 : vector<16xf32>
          %add3A_708 = arith.constant 4608 : i32
          %add3A_709 = vector.broadcast %add3A_708 : i32 to vector<16xi32>
          %add3A_710 = arith.addi %add3A_497, %add3A_709 : vector<16xi32>
          %gather3A_711 = tpu.vector_load_idx %arg7[%add3A_710] : memref<110592xf32, #tpu.memory_space<vmem>>[vector<16xi32>], vector<16xf32>,
          %mul3A_712 = arith.mulf %select_n3A_481, %gather3A_711 : vector<16xf32>
          %add3A_713 = arith.addf %mul3A_707, %mul3A_712 : vector<16xf32>
          %add3A_714 = arith.constant 4608 : i32
          %add3A_715 = vector.broadcast %add3A_714 : i32 to vector<16xi32>
          %add3A_716 = arith.addi %add3A_566, %add3A_715 : vector<16xi32>
          %gather3A_717 = tpu.vector_load_idx %arg7[%add3A_716] : memref<110592xf32, #tpu.memory_space<vmem>>[vector<16xi32>], vector<16xf32>,
          %mul3A_718 = arith.mulf %select_n3A_550, %gather3A_717 : vector<16xf32>
          %add3A_719 = arith.addf %add3A_713, %mul3A_718 : vector<16xf32>
          %add3A_720 = arith.constant 4608 : i32
          %add3A_721 = vector.broadcast %add3A_720 : i32 to vector<16xi32>
          %add3A_722 = arith.addi %add3A_635, %add3A_721 : vector<16xi32>
          %gather3A_723 = tpu.vector_load_idx %arg7[%add3A_722] : memref<110592xf32, #tpu.memory_space<vmem>>[vector<16xi32>], vector<16xf32>,
          %mul3A_724 = arith.mulf %select_n3A_619, %gather3A_723 : vector<16xf32>
          %add3A_725 = arith.addf %add3A_719, %mul3A_724 : vector<16xf32>
          %mul3A_726 = arith.mulf %get3A_184, %add3A_725 : vector<16xf32>
          %add3A_727 = arith.addf %add3A_702, %mul3A_726 : vector<16xf32>
          %add3A_728 = arith.constant 6912 : i32
          %add3A_729 = vector.broadcast %add3A_728 : i32 to vector<16xi32>
          %add3A_730 = arith.addi %add3A_428, %add3A_729 : vector<16xi32>
          %gather3A_731 = tpu.vector_load_idx %arg7[%add3A_730] : memref<110592xf32, #tpu.memory_space<vmem>>[vector<16xi32>], vector<16xf32>,
          %mul3A_732 = arith.mulf %select_n3A_414, %gather3A_731 : vector<16xf32>
          %add3A_733 = arith.constant 6912 : i32
          %add3A_734 = vector.broadcast %add3A_733 : i32 to vector<16xi32>
          %add3A_735 = arith.addi %add3A_497, %add3A_734 : vector<16xi32>
          %gather3A_736 = tpu.vector_load_idx %arg7[%add3A_735] : memref<110592xf32, #tpu.memory_space<vmem>>[vector<16xi32>], vector<16xf32>,
          %mul3A_737 = arith.mulf %select_n3A_481, %gather3A_736 : vector<16xf32>
          %add3A_738 = arith.addf %mul3A_732, %mul3A_737 : vector<16xf32>
          %add3A_739 = arith.constant 6912 : i32
          %add3A_740 = vector.broadcast %add3A_739 : i32 to vector<16xi32>
          %add3A_741 = arith.addi %add3A_566, %add3A_740 : vector<16xi32>
          %gather3A_742 = tpu.vector_load_idx %arg7[%add3A_741] : memref<110592xf32, #tpu.memory_space<vmem>>[vector<16xi32>], vector<16xf32>,
          %mul3A_743 = arith.mulf %select_n3A_550, %gather3A_742 : vector<16xf32>
          %add3A_744 = arith.addf %add3A_738, %mul3A_743 : vector<16xf32>
          %add3A_745 = arith.constant 6912 : i32
          %add3A_746 = vector.broadcast %add3A_745 : i32 to vector<16xi32>
          %add3A_747 = arith.addi %add3A_635, %add3A_746 : vector<16xi32>
          %gather3A_748 = tpu.vector_load_idx %arg7[%add3A_747] : memref<110592xf32, #tpu.memory_space<vmem>>[vector<16xi32>], vector<16xf32>,
          %mul3A_749 = arith.mulf %select_n3A_619, %gather3A_748 : vector<16xf32>
          %add3A_750 = arith.addf %add3A_744, %mul3A_749 : vector<16xf32>
          %mul3A_751 = arith.mulf %get3A_188, %add3A_750 : vector<16xf32>
          %add3A_752 = arith.addf %add3A_727, %mul3A_751 : vector<16xf32>
          %add3A_753 = arith.constant 9216 : i32
          %add3A_754 = vector.broadcast %add3A_753 : i32 to vector<16xi32>
          %add3A_755 = arith.addi %add3A_428, %add3A_754 : vector<16xi32>
          %gather3A_756 = tpu.vector_load_idx %arg7[%add3A_755] : memref<110592xf32, #tpu.memory_space<vmem>>[vector<16xi32>], vector<16xf32>,
          %mul3A_757 = arith.mulf %select_n3A_414, %gather3A_756 : vector<16xf32>
          %add3A_758 = arith.constant 9216 : i32
          %add3A_759 = vector.broadcast %add3A_758 : i32 to vector<16xi32>
          %add3A_760 = arith.addi %add3A_497, %add3A_759 : vector<16xi32>
          %gather3A_761 = tpu.vector_load_idx %arg7[%add3A_760] : memref<110592xf32, #tpu.memory_space<vmem>>[vector<16xi32>], vector<16xf32>,
          %mul3A_762 = arith.mulf %select_n3A_481, %gather3A_761 : vector<16xf32>
          %add3A_763 = arith.addf %mul3A_757, %mul3A_762 : vector<16xf32>
          %add3A_764 = arith.constant 9216 : i32
          %add3A_765 = vector.broadcast %add3A_764 : i32 to vector<16xi32>
          %add3A_766 = arith.addi %add3A_566, %add3A_765 : vector<16xi32>
          %gather3A_767 = tpu.vector_load_idx %arg7[%add3A_766] : memref<110592xf32, #tpu.memory_space<vmem>>[vector<16xi32>], vector<16xf32>,
          %mul3A_768 = arith.mulf %select_n3A_550, %gather3A_767 : vector<16xf32>
          %add3A_769 = arith.addf %add3A_763, %mul3A_768 : vector<16xf32>
          %add3A_770 = arith.constant 9216 : i32
          %add3A_771 = vector.broadcast %add3A_770 : i32 to vector<16xi32>
          %add3A_772 = arith.addi %add3A_635, %add3A_771 : vector<16xi32>
          %gather3A_773 = tpu.vector_load_idx %arg7[%add3A_772] : memref<110592xf32, #tpu.memory_space<vmem>>[vector<16xi32>], vector<16xf32>,
          %mul3A_774 = arith.mulf %select_n3A_619, %gather3A_773 : vector<16xf32>
          %add3A_775 = arith.addf %add3A_769, %mul3A_774 : vector<16xf32>
          %mul3A_776 = arith.mulf %get3A_192, %add3A_775 : vector<16xf32>
          %add3A_777 = arith.addf %add3A_752, %mul3A_776 : vector<16xf32>
          %add3A_778 = arith.constant 11520 : i32
          %add3A_779 = vector.broadcast %add3A_778 : i32 to vector<16xi32>
          %add3A_780 = arith.addi %add3A_428, %add3A_779 : vector<16xi32>
          %gather3A_781 = tpu.vector_load_idx %arg7[%add3A_780] : memref<110592xf32, #tpu.memory_space<vmem>>[vector<16xi32>], vector<16xf32>,
          %mul3A_782 = arith.mulf %select_n3A_414, %gather3A_781 : vector<16xf32>
          %add3A_783 = arith.constant 11520 : i32
          %add3A_784 = vector.broadcast %add3A_783 : i32 to vector<16xi32>
          %add3A_785 = arith.addi %add3A_497, %add3A_784 : vector<16xi32>
          %gather3A_786 = tpu.vector_load_idx %arg7[%add3A_785] : memref<110592xf32, #tpu.memory_space<vmem>>[vector<16xi32>], vector<16xf32>,
          %mul3A_787 = arith.mulf %select_n3A_481, %gather3A_786 : vector<16xf32>
          %add3A_788 = arith.addf %mul3A_782, %mul3A_787 : vector<16xf32>
          %add3A_789 = arith.constant 11520 : i32
          %add3A_790 = vector.broadcast %add3A_789 : i32 to vector<16xi32>
          %add3A_791 = arith.addi %add3A_566, %add3A_790 : vector<16xi32>
          %gather3A_792 = tpu.vector_load_idx %arg7[%add3A_791] : memref<110592xf32, #tpu.memory_space<vmem>>[vector<16xi32>], vector<16xf32>,
          %mul3A_793 = arith.mulf %select_n3A_550, %gather3A_792 : vector<16xf32>
          %add3A_794 = arith.addf %add3A_788, %mul3A_793 : vector<16xf32>
          %add3A_795 = arith.constant 11520 : i32
          %add3A_796 = vector.broadcast %add3A_795 : i32 to vector<16xi32>
          %add3A_797 = arith.addi %add3A_635, %add3A_796 : vector<16xi32>
          %gather3A_798 = tpu.vector_load_idx %arg7[%add3A_797] : memref<110592xf32, #tpu.memory_space<vmem>>[vector<16xi32>], vector<16xf32>,
          %mul3A_799 = arith.mulf %select_n3A_619, %gather3A_798 : vector<16xf32>
          %add3A_800 = arith.addf %add3A_794, %mul3A_799 : vector<16xf32>
          %mul3A_801 = arith.mulf %get3A_196, %add3A_800 : vector<16xf32>
          %add3A_802 = arith.addf %add3A_777, %mul3A_801 : vector<16xf32>
          %add3A_803 = arith.constant 13824 : i32
          %add3A_804 = vector.broadcast %add3A_803 : i32 to vector<16xi32>
          %add3A_805 = arith.addi %add3A_428, %add3A_804 : vector<16xi32>
          %gather3A_806 = tpu.vector_load_idx %arg7[%add3A_805] : memref<110592xf32, #tpu.memory_space<vmem>>[vector<16xi32>], vector<16xf32>,
          %mul3A_807 = arith.mulf %select_n3A_414, %gather3A_806 : vector<16xf32>
          %add3A_808 = arith.constant 13824 : i32
          %add3A_809 = vector.broadcast %add3A_808 : i32 to vector<16xi32>
          %add3A_810 = arith.addi %add3A_497, %add3A_809 : vector<16xi32>
          %gather3A_811 = tpu.vector_load_idx %arg7[%add3A_810] : memref<110592xf32, #tpu.memory_space<vmem>>[vector<16xi32>], vector<16xf32>,
          %mul3A_812 = arith.mulf %select_n3A_481, %gather3A_811 : vector<16xf32>
          %add3A_813 = arith.addf %mul3A_807, %mul3A_812 : vector<16xf32>
          %add3A_814 = arith.constant 13824 : i32
          %add3A_815 = vector.broadcast %add3A_814 : i32 to vector<16xi32>
          %add3A_816 = arith.addi %add3A_566, %add3A_815 : vector<16xi32>
          %gather3A_817 = tpu.vector_load_idx %arg7[%add3A_816] : memref<110592xf32, #tpu.memory_space<vmem>>[vector<16xi32>], vector<16xf32>,
          %mul3A_818 = arith.mulf %select_n3A_550, %gather3A_817 : vector<16xf32>
          %add3A_819 = arith.addf %add3A_813, %mul3A_818 : vector<16xf32>
          %add3A_820 = arith.constant 13824 : i32
          %add3A_821 = vector.broadcast %add3A_820 : i32 to vector<16xi32>
          %add3A_822 = arith.addi %add3A_635, %add3A_821 : vector<16xi32>
          %gather3A_823 = tpu.vector_load_idx %arg7[%add3A_822] : memref<110592xf32, #tpu.memory_space<vmem>>[vector<16xi32>], vector<16xf32>,
          %mul3A_824 = arith.mulf %select_n3A_619, %gather3A_823 : vector<16xf32>
          %add3A_825 = arith.addf %add3A_819, %mul3A_824 : vector<16xf32>
          %mul3A_826 = arith.mulf %get3A_200, %add3A_825 : vector<16xf32>
          %add3A_827 = arith.addf %add3A_802, %mul3A_826 : vector<16xf32>
          %add3A_828 = arith.constant 16128 : i32
          %add3A_829 = vector.broadcast %add3A_828 : i32 to vector<16xi32>
          %add3A_830 = arith.addi %add3A_428, %add3A_829 : vector<16xi32>
          %gather3A_831 = tpu.vector_load_idx %arg7[%add3A_830] : memref<110592xf32, #tpu.memory_space<vmem>>[vector<16xi32>], vector<16xf32>,
          %mul3A_832 = arith.mulf %select_n3A_414, %gather3A_831 : vector<16xf32>
          %add3A_833 = arith.constant 16128 : i32
          %add3A_834 = vector.broadcast %add3A_833 : i32 to vector<16xi32>
          %add3A_835 = arith.addi %add3A_497, %add3A_834 : vector<16xi32>
          %gather3A_836 = tpu.vector_load_idx %arg7[%add3A_835] : memref<110592xf32, #tpu.memory_space<vmem>>[vector<16xi32>], vector<16xf32>,
          %mul3A_837 = arith.mulf %select_n3A_481, %gather3A_836 : vector<16xf32>
          %add3A_838 = arith.addf %mul3A_832, %mul3A_837 : vector<16xf32>
          %add3A_839 = arith.constant 16128 : i32
          %add3A_840 = vector.broadcast %add3A_839 : i32 to vector<16xi32>
          %add3A_841 = arith.addi %add3A_566, %add3A_840 : vector<16xi32>
          %gather3A_842 = tpu.vector_load_idx %arg7[%add3A_841] : memref<110592xf32, #tpu.memory_space<vmem>>[vector<16xi32>], vector<16xf32>,
          %mul3A_843 = arith.mulf %select_n3A_550, %gather3A_842 : vector<16xf32>
          %add3A_844 = arith.addf %add3A_838, %mul3A_843 : vector<16xf32>
          %add3A_845 = arith.constant 16128 : i32
          %add3A_846 = vector.broadcast %add3A_845 : i32 to vector<16xi32>
          %add3A_847 = arith.addi %add3A_635, %add3A_846 : vector<16xi32>
          %gather3A_848 = tpu.vector_load_idx %arg7[%add3A_847] : memref<110592xf32, #tpu.memory_space<vmem>>[vector<16xi32>], vector<16xf32>,
          %mul3A_849 = arith.mulf %select_n3A_619, %gather3A_848 : vector<16xf32>
          %add3A_850 = arith.addf %add3A_844, %mul3A_849 : vector<16xf32>
          %mul3A_851 = arith.mulf %get3A_204, %add3A_850 : vector<16xf32>
          %add3A_852 = arith.addf %add3A_827, %mul3A_851 : vector<16xf32>
          %add3A_853 = arith.constant 18432 : i32
          %add3A_854 = vector.broadcast %add3A_853 : i32 to vector<16xi32>
          %add3A_855 = arith.addi %add3A_428, %add3A_854 : vector<16xi32>
          %gather3A_856 = tpu.vector_load_idx %arg7[%add3A_855] : memref<110592xf32, #tpu.memory_space<vmem>>[vector<16xi32>], vector<16xf32>,
          %mul3A_857 = arith.mulf %select_n3A_414, %gather3A_856 : vector<16xf32>
          %add3A_858 = arith.constant 18432 : i32
          %add3A_859 = vector.broadcast %add3A_858 : i32 to vector<16xi32>
          %add3A_860 = arith.addi %add3A_497, %add3A_859 : vector<16xi32>
          %gather3A_861 = tpu.vector_load_idx %arg7[%add3A_860] : memref<110592xf32, #tpu.memory_space<vmem>>[vector<16xi32>], vector<16xf32>,
          %mul3A_862 = arith.mulf %select_n3A_481, %gather3A_861 : vector<16xf32>
          %add3A_863 = arith.addf %mul3A_857, %mul3A_862 : vector<16xf32>
          %add3A_864 = arith.constant 18432 : i32
          %add3A_865 = vector.broadcast %add3A_864 : i32 to vector<16xi32>
          %add3A_866 = arith.addi %add3A_566, %add3A_865 : vector<16xi32>
          %gather3A_867 = tpu.vector_load_idx %arg7[%add3A_866] : memref<110592xf32, #tpu.memory_space<vmem>>[vector<16xi32>], vector<16xf32>,
          %mul3A_868 = arith.mulf %select_n3A_550, %gather3A_867 : vector<16xf32>
          %add3A_869 = arith.addf %add3A_863, %mul3A_868 : vector<16xf32>
          %add3A_870 = arith.constant 18432 : i32
          %add3A_871 = vector.broadcast %add3A_870 : i32 to vector<16xi32>
          %add3A_872 = arith.addi %add3A_635, %add3A_871 : vector<16xi32>
          %gather3A_873 = tpu.vector_load_idx %arg7[%add3A_872] : memref<110592xf32, #tpu.memory_space<vmem>>[vector<16xi32>], vector<16xf32>,
          %mul3A_874 = arith.mulf %select_n3A_619, %gather3A_873 : vector<16xf32>
          %add3A_875 = arith.addf %add3A_869, %mul3A_874 : vector<16xf32>
          %mul3A_876 = arith.mulf %get3A_208, %add3A_875 : vector<16xf32>
          %add3A_877 = arith.addf %add3A_852, %mul3A_876 : vector<16xf32>
          %add3A_878 = arith.constant 20736 : i32
          %add3A_879 = vector.broadcast %add3A_878 : i32 to vector<16xi32>
          %add3A_880 = arith.addi %add3A_428, %add3A_879 : vector<16xi32>
          %gather3A_881 = tpu.vector_load_idx %arg7[%add3A_880] : memref<110592xf32, #tpu.memory_space<vmem>>[vector<16xi32>], vector<16xf32>,
          %mul3A_882 = arith.mulf %select_n3A_414, %gather3A_881 : vector<16xf32>
          %add3A_883 = arith.constant 20736 : i32
          %add3A_884 = vector.broadcast %add3A_883 : i32 to vector<16xi32>
          %add3A_885 = arith.addi %add3A_497, %add3A_884 : vector<16xi32>
          %gather3A_886 = tpu.vector_load_idx %arg7[%add3A_885] : memref<110592xf32, #tpu.memory_space<vmem>>[vector<16xi32>], vector<16xf32>,
          %mul3A_887 = arith.mulf %select_n3A_481, %gather3A_886 : vector<16xf32>
          %add3A_888 = arith.addf %mul3A_882, %mul3A_887 : vector<16xf32>
          %add3A_889 = arith.constant 20736 : i32
          %add3A_890 = vector.broadcast %add3A_889 : i32 to vector<16xi32>
          %add3A_891 = arith.addi %add3A_566, %add3A_890 : vector<16xi32>
          %gather3A_892 = tpu.vector_load_idx %arg7[%add3A_891] : memref<110592xf32, #tpu.memory_space<vmem>>[vector<16xi32>], vector<16xf32>,
          %mul3A_893 = arith.mulf %select_n3A_550, %gather3A_892 : vector<16xf32>
          %add3A_894 = arith.addf %add3A_888, %mul3A_893 : vector<16xf32>
          %add3A_895 = arith.constant 20736 : i32
          %add3A_896 = vector.broadcast %add3A_895 : i32 to vector<16xi32>
          %add3A_897 = arith.addi %add3A_635, %add3A_896 : vector<16xi32>
          %gather3A_898 = tpu.vector_load_idx %arg7[%add3A_897] : memref<110592xf32, #tpu.memory_space<vmem>>[vector<16xi32>], vector<16xf32>,
          %mul3A_899 = arith.mulf %select_n3A_619, %gather3A_898 : vector<16xf32>
          %add3A_900 = arith.addf %add3A_894, %mul3A_899 : vector<16xf32>
          %mul3A_901 = arith.mulf %get3A_212, %add3A_900 : vector<16xf32>
          %add3A_902 = arith.addf %add3A_877, %mul3A_901 : vector<16xf32>
          %add3A_903 = arith.constant 23040 : i32
          %add3A_904 = vector.broadcast %add3A_903 : i32 to vector<16xi32>
          %add3A_905 = arith.addi %add3A_428, %add3A_904 : vector<16xi32>
          %gather3A_906 = tpu.vector_load_idx %arg7[%add3A_905] : memref<110592xf32, #tpu.memory_space<vmem>>[vector<16xi32>], vector<16xf32>,
          %mul3A_907 = arith.mulf %select_n3A_414, %gather3A_906 : vector<16xf32>
          %add3A_908 = arith.constant 23040 : i32
          %add3A_909 = vector.broadcast %add3A_908 : i32 to vector<16xi32>
          %add3A_910 = arith.addi %add3A_497, %add3A_909 : vector<16xi32>
          %gather3A_911 = tpu.vector_load_idx %arg7[%add3A_910] : memref<110592xf32, #tpu.memory_space<vmem>>[vector<16xi32>], vector<16xf32>,
          %mul3A_912 = arith.mulf %select_n3A_481, %gather3A_911 : vector<16xf32>
          %add3A_913 = arith.addf %mul3A_907, %mul3A_912 : vector<16xf32>
          %add3A_914 = arith.constant 23040 : i32
          %add3A_915 = vector.broadcast %add3A_914 : i32 to vector<16xi32>
          %add3A_916 = arith.addi %add3A_566, %add3A_915 : vector<16xi32>
          %gather3A_917 = tpu.vector_load_idx %arg7[%add3A_916] : memref<110592xf32, #tpu.memory_space<vmem>>[vector<16xi32>], vector<16xf32>,
          %mul3A_918 = arith.mulf %select_n3A_550, %gather3A_917 : vector<16xf32>
          %add3A_919 = arith.addf %add3A_913, %mul3A_918 : vector<16xf32>
          %add3A_920 = arith.constant 23040 : i32
          %add3A_921 = vector.broadcast %add3A_920 : i32 to vector<16xi32>
          %add3A_922 = arith.addi %add3A_635, %add3A_921 : vector<16xi32>
          %gather3A_923 = tpu.vector_load_idx %arg7[%add3A_922] : memref<110592xf32, #tpu.memory_space<vmem>>[vector<16xi32>], vector<16xf32>,
          %mul3A_924 = arith.mulf %select_n3A_619, %gather3A_923 : vector<16xf32>
          %add3A_925 = arith.addf %add3A_919, %mul3A_924 : vector<16xf32>
          %mul3A_926 = arith.mulf %get3A_216, %add3A_925 : vector<16xf32>
          %add3A_927 = arith.addf %add3A_902, %mul3A_926 : vector<16xf32>
          %add3A_928 = arith.constant 25344 : i32
          %add3A_929 = vector.broadcast %add3A_928 : i32 to vector<16xi32>
          %add3A_930 = arith.addi %add3A_428, %add3A_929 : vector<16xi32>
          %gather3A_931 = tpu.vector_load_idx %arg7[%add3A_930] : memref<110592xf32, #tpu.memory_space<vmem>>[vector<16xi32>], vector<16xf32>,
          %mul3A_932 = arith.mulf %select_n3A_414, %gather3A_931 : vector<16xf32>
          %add3A_933 = arith.constant 25344 : i32
          %add3A_934 = vector.broadcast %add3A_933 : i32 to vector<16xi32>
          %add3A_935 = arith.addi %add3A_497, %add3A_934 : vector<16xi32>
          %gather3A_936 = tpu.vector_load_idx %arg7[%add3A_935] : memref<110592xf32, #tpu.memory_space<vmem>>[vector<16xi32>], vector<16xf32>,
          %mul3A_937 = arith.mulf %select_n3A_481, %gather3A_936 : vector<16xf32>
          %add3A_938 = arith.addf %mul3A_932, %mul3A_937 : vector<16xf32>
          %add3A_939 = arith.constant 25344 : i32
          %add3A_940 = vector.broadcast %add3A_939 : i32 to vector<16xi32>
          %add3A_941 = arith.addi %add3A_566, %add3A_940 : vector<16xi32>
          %gather3A_942 = tpu.vector_load_idx %arg7[%add3A_941] : memref<110592xf32, #tpu.memory_space<vmem>>[vector<16xi32>], vector<16xf32>,
          %mul3A_943 = arith.mulf %select_n3A_550, %gather3A_942 : vector<16xf32>
          %add3A_944 = arith.addf %add3A_938, %mul3A_943 : vector<16xf32>
          %add3A_945 = arith.constant 25344 : i32
          %add3A_946 = vector.broadcast %add3A_945 : i32 to vector<16xi32>
          %add3A_947 = arith.addi %add3A_635, %add3A_946 : vector<16xi32>
          %gather3A_948 = tpu.vector_load_idx %arg7[%add3A_947] : memref<110592xf32, #tpu.memory_space<vmem>>[vector<16xi32>], vector<16xf32>,
          %mul3A_949 = arith.mulf %select_n3A_619, %gather3A_948 : vector<16xf32>
          %add3A_950 = arith.addf %add3A_944, %mul3A_949 : vector<16xf32>
          %mul3A_951 = arith.mulf %get3A_220, %add3A_950 : vector<16xf32>
          %add3A_952 = arith.addf %add3A_927, %mul3A_951 : vector<16xf32>
          %mul3A_953 = arith.constant 0.288675129 : f32
          %mul3A_954 = vector.broadcast %mul3A_953 : f32 to vector<16xf32>
          %mul3A_955 = arith.mulf %add3A_952, %mul3A_954 : vector<16xf32>
          %mul3A_956 = arith.constant 16 : i32
          %mul3A_957 = arith.muli %add3A_314, %mul3A_956 : i32
          %swap3A_958 = arith.index_cast %mul3A_957 : i32 to index
          %swap3A_959 = tpu.vector_load %arg13[%swap3A_958] {strides = array<i32>} : memref<288xf32, #tpu.memory_space<vmem>>, vector<16xf32>,
          tpu.vector_store %arg13[%swap3A_958], %mul3A_955 {strides = array<i32>} : memref<288xf32, #tpu.memory_space<vmem>>, vector<16xf32>,
        }
        %scan3A_226 = arith.constant 9 : i32
        %scan3A_227 = arith.constant 0 : i32
        %scan3A_228 = arith.constant 0 : i32
        %scan3A_229 = arith.constant 9 : i32
        %scan3A_230 = arith.addi %scan3A_228, %scan3A_229 : i32
        %scan3A_231 = arith.constant 1 : i32
        scf.for %scan3A_312 = %scan3A_228 to %scan3A_230 step %scan3A_231  : i32 {
          %add3A_313 = arith.constant 9 : i32
          %add3A_314 = arith.addi %scan3A_312, %add3A_313 : i32
          %jit3A_315 = arith.constant 3 : i32
          %div3A_316 = arith.divsi %scan3A_312, %jit3A_315 : i32
          %sign3A_317 = arith.constant 0 : i32
          %sign3A_318 = arith.cmpi sgt, %scan3A_312, %sign3A_317 : i32
          %sign3A_319 = arith.extui %sign3A_318 : i1 to i32
          %sign3A_320 = arith.constant 0 : i32
          %sign3A_321 = arith.cmpi slt, %scan3A_312, %sign3A_320 : i32
          %sign3A_322 = arith.extui %sign3A_321 : i1 to i32
          %sign3A_323 = arith.subi %sign3A_319, %sign3A_322 : i32
          %sign3A_324 = arith.constant 0 : i32
          %sign3A_325 = arith.cmpi sgt, %jit3A_315, %sign3A_324 : i32
          %sign3A_326 = arith.extui %sign3A_325 : i1 to i32
          %sign3A_327 = arith.constant 0 : i32
          %sign3A_328 = arith.cmpi slt, %jit3A_315, %sign3A_327 : i32
          %sign3A_329 = arith.extui %sign3A_328 : i1 to i32
          %sign3A_330 = arith.subi %sign3A_326, %sign3A_329 : i32
          %ne3A_331 = arith.cmpi ne, %sign3A_323, %sign3A_330 : i32
          %rem3A_332 = arith.remsi %scan3A_312, %jit3A_315 : i32
          %ne3A_333 = arith.constant 0 : i32
          %ne3A_334 = arith.cmpi ne, %rem3A_332, %ne3A_333 : i32
          %and3A_335 = arith.andi %ne3A_331, %ne3A_334 : i1
          %sub3A_336 = arith.constant 1 : i32
          %sub3A_337 = arith.subi %div3A_316, %sub3A_336 : i32
          %select_n3A_338 = arith.select %and3A_335, %sub3A_337, %div3A_316 : i32
          %mul3A_339 = arith.constant 3 : i32
          %mul3A_340 = arith.muli %select_n3A_338, %mul3A_339 : i32
          %sub3A_341 = arith.subi %scan3A_312, %mul3A_340 : i32
          %sub3A_342 = arith.constant 1 : i32
          %sub3A_343 = arith.subi %select_n3A_338, %sub3A_342 : i32
          %add3A_344 = vector.broadcast %sub3A_343 : i32 to vector<16xi32>
          %add3A_345 = arith.addi %select_n3A_169, %add3A_344 : vector<16xi32>
          %convert_element_type3A_346 = arith.sitofp %add3A_345 : vector<16xi32> to vector<16xf32>
          %get3A_347 = arith.constant 1 : i32
          %get3A_348 = arith.constant 0 : i32
          %get3A_349 = arith.index_cast %get3A_347 : i32 to index
          %get3A_350 = arith.index_cast %scan3A_312 : i32 to index
          %get3A_351 = arith.index_cast %get3A_348 : i32 to index
          %get3A_352 = arith.index_cast %mul3A_133 : i32 to index
          %get3A_353 = tpu.vector_load %arg8[%get3A_349, %get3A_350, %get3A_351, %get3A_352] {strides = array<i32>} : memref<2x9x2x256xf32, #tpu.memory_space<vmem>>, vector<16xf32>,
          %add3A_354 = arith.addf %convert_element_type3A_346, %get3A_353 : vector<16xf32>
          %sub3A_355 = arith.constant 1 : i32
          %sub3A_356 = arith.subi %sub3A_341, %sub3A_355 : i32
          %add3A_357 = vector.broadcast %sub3A_356 : i32 to vector<16xi32>
          %add3A_358 = arith.addi %sub3A_173, %add3A_357 : vector<16xi32>
          %convert_element_type3A_359 = arith.sitofp %add3A_358 : vector<16xi32> to vector<16xf32>
          %get3A_360 = arith.constant 1 : i32
          %get3A_361 = arith.constant 1 : i32
          %get3A_362 = arith.index_cast %get3A_360 : i32 to index
          %get3A_363 = arith.index_cast %scan3A_312 : i32 to index
          %get3A_364 = arith.index_cast %get3A_361 : i32 to index
          %get3A_365 = arith.index_cast %mul3A_133 : i32 to index
          %get3A_366 = tpu.vector_load %arg8[%get3A_362, %get3A_363, %get3A_364, %get3A_365] {strides = array<i32>} : memref<2x9x2x256xf32, #tpu.memory_space<vmem>>, vector<16xf32>,
          %add3A_367 = arith.addf %convert_element_type3A_359, %get3A_366 : vector<16xf32>
          %convert_element_type3A_368 = arith.fptosi %add3A_354 : vector<16xf32> to vector<16xi32>
          %convert_element_type3A_369 = arith.sitofp %convert_element_type3A_368 : vector<16xi32> to vector<16xf32>
          %lt3A = arith.cmpf olt, %add3A_354, %convert_element_type3A_369 : vector<16xf32>
          %sub3A_370 = arith.constant 1 : i32
          %sub3A_371 = vector.broadcast %sub3A_370 : i32 to vector<16xi32>
          %sub3A_372 = arith.subi %convert_element_type3A_368, %sub3A_371 : vector<16xi32>
          %select_n3A_373 = arith.select %lt3A, %sub3A_372, %convert_element_type3A_368 : vector<16xi1>, vector<16xi32>
          %convert_element_type3A_374 = arith.fptosi %add3A_367 : vector<16xf32> to vector<16xi32>
          %convert_element_type3A_375 = arith.sitofp %convert_element_type3A_374 : vector<16xi32> to vector<16xf32>
          %lt3A_376 = arith.cmpf olt, %add3A_367, %convert_element_type3A_375 : vector<16xf32>
          %sub3A_377 = arith.constant 1 : i32
          %sub3A_378 = vector.broadcast %sub3A_377 : i32 to vector<16xi32>
          %sub3A_379 = arith.subi %convert_element_type3A_374, %sub3A_378 : vector<16xi32>
          %select_n3A_380 = arith.select %lt3A_376, %sub3A_379, %convert_element_type3A_374 : vector<16xi1>, vector<16xi32>
          %add3A_381 = arith.constant 0 : i32
          %add3A_382 = vector.broadcast %add3A_381 : i32 to vector<16xi32>
          %add3A_383 = arith.addi %select_n3A_373, %add3A_382 : vector<16xi32>
          %add3A_384 = arith.constant 0 : i32
          %add3A_385 = vector.broadcast %add3A_384 : i32 to vector<16xi32>
          %add3A_386 = arith.addi %select_n3A_380, %add3A_385 : vector<16xi32>
          %convert_element_type3A_387 = arith.sitofp %add3A_383 : vector<16xi32> to vector<16xf32>
          %sub3A_388 = arith.subf %add3A_354, %convert_element_type3A_387 : vector<16xf32>
          %abs3A = math.absf %sub3A_388 : vector<16xf32>
          %sub3A_389 = arith.constant 1.000000e+00 : f32
          %sub3A_390 = vector.broadcast %sub3A_389 : f32 to vector<16xf32>
          %sub3A_391 = arith.subf %sub3A_390, %abs3A : vector<16xf32>
          %convert_element_type3A_392 = arith.sitofp %add3A_386 : vector<16xi32> to vector<16xf32>
          %sub3A_393 = arith.subf %add3A_367, %convert_element_type3A_392 : vector<16xf32>
          %abs3A_394 = math.absf %sub3A_393 : vector<16xf32>
          %sub3A_395 = arith.constant 1.000000e+00 : f32
          %sub3A_396 = vector.broadcast %sub3A_395 : f32 to vector<16xf32>
          %sub3A_397 = arith.subf %sub3A_396, %abs3A_394 : vector<16xf32>
          %ge3A = arith.constant 0 : i32
          %ge3A_398 = vector.broadcast %ge3A : i32 to vector<16xi32>
          %ge3A_399 = arith.cmpi sge, %add3A_383, %ge3A_398 : vector<16xi32>
          %le3A = arith.constant 47 : i32
          %le3A_400 = vector.broadcast %le3A : i32 to vector<16xi32>
          %le3A_401 = arith.cmpi sle, %add3A_383, %le3A_400 : vector<16xi32>
          %and3A_402 = arith.andi %ge3A_399, %le3A_401 : vector<16xi1>
          %ge3A_403 = arith.constant 0 : i32
          %ge3A_404 = vector.broadcast %ge3A_403 : i32 to vector<16xi32>
          %ge3A_405 = arith.cmpi sge, %add3A_386, %ge3A_404 : vector<16xi32>
          %and3A_406 = arith.andi %and3A_402, %ge3A_405 : vector<16xi1>
          %le3A_407 = arith.constant 47 : i32
          %le3A_408 = vector.broadcast %le3A_407 : i32 to vector<16xi32>
          %le3A_409 = arith.cmpi sle, %add3A_386, %le3A_408 : vector<16xi32>
          %and3A_410 = arith.andi %and3A_406, %le3A_409 : vector<16xi1>
          %mul3A_411 = arith.mulf %sub3A_391, %sub3A_397 : vector<16xf32>
          %jit3A_412 = arith.constant 0.000000e+00 : f32
          %broadcast_in_dim3A_413 = vector.broadcast %jit3A_412 : f32 to vector<16xf32>
          %select_n3A_414 = arith.select %and3A_410, %mul3A_411, %broadcast_in_dim3A_413 : vector<16xi1>, vector<16xf32>
          %jit3A_415 = arith.constant 0 : i32
          %jit3A_416 = arith.constant 47 : i32
          %max3A = vector.broadcast %jit3A_415 : i32 to vector<16xi32>
          %max3A_417 = arith.maxsi %max3A, %add3A_383 : vector<16xi32>
          %min3A = vector.broadcast %jit3A_416 : i32 to vector<16xi32>
          %min3A_418 = arith.minsi %min3A, %max3A_417 : vector<16xi32>
          %jit3A_419 = arith.constant 0 : i32
          %jit3A_420 = arith.constant 47 : i32
          %max3A_421 = vector.broadcast %jit3A_419 : i32 to vector<16xi32>
          %max3A_422 = arith.maxsi %max3A_421, %add3A_386 : vector<16xi32>
          %min3A_423 = vector.broadcast %jit3A_420 : i32 to vector<16xi32>
          %min3A_424 = arith.minsi %min3A_423, %max3A_422 : vector<16xi32>
          %mul3A_425 = arith.constant 48 : i32
          %mul3A_426 = vector.broadcast %mul3A_425 : i32 to vector<16xi32>
          %mul3A_427 = arith.muli %min3A_418, %mul3A_426 : vector<16xi32>
          %add3A_428 = arith.addi %mul3A_427, %min3A_424 : vector<16xi32>
          %mul3A_429 = arith.constant 4 : i32
          %mul3A_430 = arith.muli %add3A_314, %mul3A_429 : i32
          %add3A_431 = arith.constant 0 : i32
          %add3A_432 = arith.addi %mul3A_430, %add3A_431 : i32
          %mul3A_433 = arith.constant 16 : i32
          %mul3A_434 = arith.muli %add3A_432, %mul3A_433 : i32
          %swap3A_435 = arith.index_cast %mul3A_434 : i32 to index
          %swap3A_436 = tpu.vector_load %arg11[%swap3A_435] {strides = array<i32>} : memref<1152xf32, #tpu.memory_space<vmem>>, vector<16xf32>,
          tpu.vector_store %arg11[%swap3A_435], %select_n3A_414 {strides = array<i32>} : memref<1152xf32, #tpu.memory_space<vmem>>, vector<16xf32>,
          %mul3A_437 = arith.constant 4 : i32
          %mul3A_438 = arith.muli %add3A_314, %mul3A_437 : i32
          %add3A_439 = arith.constant 0 : i32
          %add3A_440 = arith.addi %mul3A_438, %add3A_439 : i32
          %mul3A_441 = arith.constant 16 : i32
          %mul3A_442 = arith.muli %add3A_440, %mul3A_441 : i32
          %swap3A_443 = arith.index_cast %mul3A_442 : i32 to index
          %swap3A_444 = tpu.vector_load %arg12[%swap3A_443] {strides = array<i32>} : memref<1152xi32, #tpu.memory_space<vmem>>, vector<16xi32>,
          tpu.vector_store %arg12[%swap3A_443], %add3A_428 {strides = array<i32>} : memref<1152xi32, #tpu.memory_space<vmem>>, vector<16xi32>,
          %add3A_445 = arith.constant 0 : i32
          %add3A_446 = vector.broadcast %add3A_445 : i32 to vector<16xi32>
          %add3A_447 = arith.addi %select_n3A_373, %add3A_446 : vector<16xi32>
          %add3A_448 = arith.constant 1 : i32
          %add3A_449 = vector.broadcast %add3A_448 : i32 to vector<16xi32>
          %add3A_450 = arith.addi %select_n3A_380, %add3A_449 : vector<16xi32>
          %convert_element_type3A_451 = arith.sitofp %add3A_447 : vector<16xi32> to vector<16xf32>
          %sub3A_452 = arith.subf %add3A_354, %convert_element_type3A_451 : vector<16xf32>
          %abs3A_453 = math.absf %sub3A_452 : vector<16xf32>
          %sub3A_454 = arith.constant 1.000000e+00 : f32
          %sub3A_455 = vector.broadcast %sub3A_454 : f32 to vector<16xf32>
          %sub3A_456 = arith.subf %sub3A_455, %abs3A_453 : vector<16xf32>
          %convert_element_type3A_457 = arith.sitofp %add3A_450 : vector<16xi32> to vector<16xf32>
          %sub3A_458 = arith.subf %add3A_367, %convert_element_type3A_457 : vector<16xf32>
          %abs3A_459 = math.absf %sub3A_458 : vector<16xf32>
          %sub3A_460 = arith.constant 1.000000e+00 : f32
          %sub3A_461 = vector.broadcast %sub3A_460 : f32 to vector<16xf32>
          %sub3A_462 = arith.subf %sub3A_461, %abs3A_459 : vector<16xf32>
          %ge3A_463 = arith.constant 0 : i32
          %ge3A_464 = vector.broadcast %ge3A_463 : i32 to vector<16xi32>
          %ge3A_465 = arith.cmpi sge, %add3A_447, %ge3A_464 : vector<16xi32>
          %le3A_466 = arith.constant 47 : i32
          %le3A_467 = vector.broadcast %le3A_466 : i32 to vector<16xi32>
          %le3A_468 = arith.cmpi sle, %add3A_447, %le3A_467 : vector<16xi32>
          %and3A_469 = arith.andi %ge3A_465, %le3A_468 : vector<16xi1>
          %ge3A_470 = arith.constant 0 : i32
          %ge3A_471 = vector.broadcast %ge3A_470 : i32 to vector<16xi32>
          %ge3A_472 = arith.cmpi sge, %add3A_450, %ge3A_471 : vector<16xi32>
          %and3A_473 = arith.andi %and3A_469, %ge3A_472 : vector<16xi1>
          %le3A_474 = arith.constant 47 : i32
          %le3A_475 = vector.broadcast %le3A_474 : i32 to vector<16xi32>
          %le3A_476 = arith.cmpi sle, %add3A_450, %le3A_475 : vector<16xi32>
          %and3A_477 = arith.andi %and3A_473, %le3A_476 : vector<16xi1>
          %mul3A_478 = arith.mulf %sub3A_456, %sub3A_462 : vector<16xf32>
          %jit3A_479 = arith.constant 0.000000e+00 : f32
          %broadcast_in_dim3A_480 = vector.broadcast %jit3A_479 : f32 to vector<16xf32>
          %select_n3A_481 = arith.select %and3A_477, %mul3A_478, %broadcast_in_dim3A_480 : vector<16xi1>, vector<16xf32>
          %jit3A_482 = arith.constant 0 : i32
          %jit3A_483 = arith.constant 47 : i32
          %max3A_484 = vector.broadcast %jit3A_482 : i32 to vector<16xi32>
          %max3A_485 = arith.maxsi %max3A_484, %add3A_447 : vector<16xi32>
          %min3A_486 = vector.broadcast %jit3A_483 : i32 to vector<16xi32>
          %min3A_487 = arith.minsi %min3A_486, %max3A_485 : vector<16xi32>
          %jit3A_488 = arith.constant 0 : i32
          %jit3A_489 = arith.constant 47 : i32
          %max3A_490 = vector.broadcast %jit3A_488 : i32 to vector<16xi32>
          %max3A_491 = arith.maxsi %max3A_490, %add3A_450 : vector<16xi32>
          %min3A_492 = vector.broadcast %jit3A_489 : i32 to vector<16xi32>
          %min3A_493 = arith.minsi %min3A_492, %max3A_491 : vector<16xi32>
          %mul3A_494 = arith.constant 48 : i32
          %mul3A_495 = vector.broadcast %mul3A_494 : i32 to vector<16xi32>
          %mul3A_496 = arith.muli %min3A_487, %mul3A_495 : vector<16xi32>
          %add3A_497 = arith.addi %mul3A_496, %min3A_493 : vector<16xi32>
          %mul3A_498 = arith.constant 4 : i32
          %mul3A_499 = arith.muli %add3A_314, %mul3A_498 : i32
          %add3A_500 = arith.constant 1 : i32
          %add3A_501 = arith.addi %mul3A_499, %add3A_500 : i32
          %mul3A_502 = arith.constant 16 : i32
          %mul3A_503 = arith.muli %add3A_501, %mul3A_502 : i32
          %swap3A_504 = arith.index_cast %mul3A_503 : i32 to index
          %swap3A_505 = tpu.vector_load %arg11[%swap3A_504] {strides = array<i32>} : memref<1152xf32, #tpu.memory_space<vmem>>, vector<16xf32>,
          tpu.vector_store %arg11[%swap3A_504], %select_n3A_481 {strides = array<i32>} : memref<1152xf32, #tpu.memory_space<vmem>>, vector<16xf32>,
          %mul3A_506 = arith.constant 4 : i32
          %mul3A_507 = arith.muli %add3A_314, %mul3A_506 : i32
          %add3A_508 = arith.constant 1 : i32
          %add3A_509 = arith.addi %mul3A_507, %add3A_508 : i32
          %mul3A_510 = arith.constant 16 : i32
          %mul3A_511 = arith.muli %add3A_509, %mul3A_510 : i32
          %swap3A_512 = arith.index_cast %mul3A_511 : i32 to index
          %swap3A_513 = tpu.vector_load %arg12[%swap3A_512] {strides = array<i32>} : memref<1152xi32, #tpu.memory_space<vmem>>, vector<16xi32>,
          tpu.vector_store %arg12[%swap3A_512], %add3A_497 {strides = array<i32>} : memref<1152xi32, #tpu.memory_space<vmem>>, vector<16xi32>,
          %add3A_514 = arith.constant 1 : i32
          %add3A_515 = vector.broadcast %add3A_514 : i32 to vector<16xi32>
          %add3A_516 = arith.addi %select_n3A_373, %add3A_515 : vector<16xi32>
          %add3A_517 = arith.constant 0 : i32
          %add3A_518 = vector.broadcast %add3A_517 : i32 to vector<16xi32>
          %add3A_519 = arith.addi %select_n3A_380, %add3A_518 : vector<16xi32>
          %convert_element_type3A_520 = arith.sitofp %add3A_516 : vector<16xi32> to vector<16xf32>
          %sub3A_521 = arith.subf %add3A_354, %convert_element_type3A_520 : vector<16xf32>
          %abs3A_522 = math.absf %sub3A_521 : vector<16xf32>
          %sub3A_523 = arith.constant 1.000000e+00 : f32
          %sub3A_524 = vector.broadcast %sub3A_523 : f32 to vector<16xf32>
          %sub3A_525 = arith.subf %sub3A_524, %abs3A_522 : vector<16xf32>
          %convert_element_type3A_526 = arith.sitofp %add3A_519 : vector<16xi32> to vector<16xf32>
          %sub3A_527 = arith.subf %add3A_367, %convert_element_type3A_526 : vector<16xf32>
          %abs3A_528 = math.absf %sub3A_527 : vector<16xf32>
          %sub3A_529 = arith.constant 1.000000e+00 : f32
          %sub3A_530 = vector.broadcast %sub3A_529 : f32 to vector<16xf32>
          %sub3A_531 = arith.subf %sub3A_530, %abs3A_528 : vector<16xf32>
          %ge3A_532 = arith.constant 0 : i32
          %ge3A_533 = vector.broadcast %ge3A_532 : i32 to vector<16xi32>
          %ge3A_534 = arith.cmpi sge, %add3A_516, %ge3A_533 : vector<16xi32>
          %le3A_535 = arith.constant 47 : i32
          %le3A_536 = vector.broadcast %le3A_535 : i32 to vector<16xi32>
          %le3A_537 = arith.cmpi sle, %add3A_516, %le3A_536 : vector<16xi32>
          %and3A_538 = arith.andi %ge3A_534, %le3A_537 : vector<16xi1>
          %ge3A_539 = arith.constant 0 : i32
          %ge3A_540 = vector.broadcast %ge3A_539 : i32 to vector<16xi32>
          %ge3A_541 = arith.cmpi sge, %add3A_519, %ge3A_540 : vector<16xi32>
          %and3A_542 = arith.andi %and3A_538, %ge3A_541 : vector<16xi1>
          %le3A_543 = arith.constant 47 : i32
          %le3A_544 = vector.broadcast %le3A_543 : i32 to vector<16xi32>
          %le3A_545 = arith.cmpi sle, %add3A_519, %le3A_544 : vector<16xi32>
          %and3A_546 = arith.andi %and3A_542, %le3A_545 : vector<16xi1>
          %mul3A_547 = arith.mulf %sub3A_525, %sub3A_531 : vector<16xf32>
          %jit3A_548 = arith.constant 0.000000e+00 : f32
          %broadcast_in_dim3A_549 = vector.broadcast %jit3A_548 : f32 to vector<16xf32>
          %select_n3A_550 = arith.select %and3A_546, %mul3A_547, %broadcast_in_dim3A_549 : vector<16xi1>, vector<16xf32>
          %jit3A_551 = arith.constant 0 : i32
          %jit3A_552 = arith.constant 47 : i32
          %max3A_553 = vector.broadcast %jit3A_551 : i32 to vector<16xi32>
          %max3A_554 = arith.maxsi %max3A_553, %add3A_516 : vector<16xi32>
          %min3A_555 = vector.broadcast %jit3A_552 : i32 to vector<16xi32>
          %min3A_556 = arith.minsi %min3A_555, %max3A_554 : vector<16xi32>
          %jit3A_557 = arith.constant 0 : i32
          %jit3A_558 = arith.constant 47 : i32
          %max3A_559 = vector.broadcast %jit3A_557 : i32 to vector<16xi32>
          %max3A_560 = arith.maxsi %max3A_559, %add3A_519 : vector<16xi32>
          %min3A_561 = vector.broadcast %jit3A_558 : i32 to vector<16xi32>
          %min3A_562 = arith.minsi %min3A_561, %max3A_560 : vector<16xi32>
          %mul3A_563 = arith.constant 48 : i32
          %mul3A_564 = vector.broadcast %mul3A_563 : i32 to vector<16xi32>
          %mul3A_565 = arith.muli %min3A_556, %mul3A_564 : vector<16xi32>
          %add3A_566 = arith.addi %mul3A_565, %min3A_562 : vector<16xi32>
          %mul3A_567 = arith.constant 4 : i32
          %mul3A_568 = arith.muli %add3A_314, %mul3A_567 : i32
          %add3A_569 = arith.constant 2 : i32
          %add3A_570 = arith.addi %mul3A_568, %add3A_569 : i32
          %mul3A_571 = arith.constant 16 : i32
          %mul3A_572 = arith.muli %add3A_570, %mul3A_571 : i32
          %swap3A_573 = arith.index_cast %mul3A_572 : i32 to index
          %swap3A_574 = tpu.vector_load %arg11[%swap3A_573] {strides = array<i32>} : memref<1152xf32, #tpu.memory_space<vmem>>, vector<16xf32>,
          tpu.vector_store %arg11[%swap3A_573], %select_n3A_550 {strides = array<i32>} : memref<1152xf32, #tpu.memory_space<vmem>>, vector<16xf32>,
          %mul3A_575 = arith.constant 4 : i32
          %mul3A_576 = arith.muli %add3A_314, %mul3A_575 : i32
          %add3A_577 = arith.constant 2 : i32
          %add3A_578 = arith.addi %mul3A_576, %add3A_577 : i32
          %mul3A_579 = arith.constant 16 : i32
          %mul3A_580 = arith.muli %add3A_578, %mul3A_579 : i32
          %swap3A_581 = arith.index_cast %mul3A_580 : i32 to index
          %swap3A_582 = tpu.vector_load %arg12[%swap3A_581] {strides = array<i32>} : memref<1152xi32, #tpu.memory_space<vmem>>, vector<16xi32>,
          tpu.vector_store %arg12[%swap3A_581], %add3A_566 {strides = array<i32>} : memref<1152xi32, #tpu.memory_space<vmem>>, vector<16xi32>,
          %add3A_583 = arith.constant 1 : i32
          %add3A_584 = vector.broadcast %add3A_583 : i32 to vector<16xi32>
          %add3A_585 = arith.addi %select_n3A_373, %add3A_584 : vector<16xi32>
          %add3A_586 = arith.constant 1 : i32
          %add3A_587 = vector.broadcast %add3A_586 : i32 to vector<16xi32>
          %add3A_588 = arith.addi %select_n3A_380, %add3A_587 : vector<16xi32>
          %convert_element_type3A_589 = arith.sitofp %add3A_585 : vector<16xi32> to vector<16xf32>
          %sub3A_590 = arith.subf %add3A_354, %convert_element_type3A_589 : vector<16xf32>
          %abs3A_591 = math.absf %sub3A_590 : vector<16xf32>
          %sub3A_592 = arith.constant 1.000000e+00 : f32
          %sub3A_593 = vector.broadcast %sub3A_592 : f32 to vector<16xf32>
          %sub3A_594 = arith.subf %sub3A_593, %abs3A_591 : vector<16xf32>
          %convert_element_type3A_595 = arith.sitofp %add3A_588 : vector<16xi32> to vector<16xf32>
          %sub3A_596 = arith.subf %add3A_367, %convert_element_type3A_595 : vector<16xf32>
          %abs3A_597 = math.absf %sub3A_596 : vector<16xf32>
          %sub3A_598 = arith.constant 1.000000e+00 : f32
          %sub3A_599 = vector.broadcast %sub3A_598 : f32 to vector<16xf32>
          %sub3A_600 = arith.subf %sub3A_599, %abs3A_597 : vector<16xf32>
          %ge3A_601 = arith.constant 0 : i32
          %ge3A_602 = vector.broadcast %ge3A_601 : i32 to vector<16xi32>
          %ge3A_603 = arith.cmpi sge, %add3A_585, %ge3A_602 : vector<16xi32>
          %le3A_604 = arith.constant 47 : i32
          %le3A_605 = vector.broadcast %le3A_604 : i32 to vector<16xi32>
          %le3A_606 = arith.cmpi sle, %add3A_585, %le3A_605 : vector<16xi32>
          %and3A_607 = arith.andi %ge3A_603, %le3A_606 : vector<16xi1>
          %ge3A_608 = arith.constant 0 : i32
          %ge3A_609 = vector.broadcast %ge3A_608 : i32 to vector<16xi32>
          %ge3A_610 = arith.cmpi sge, %add3A_588, %ge3A_609 : vector<16xi32>
          %and3A_611 = arith.andi %and3A_607, %ge3A_610 : vector<16xi1>
          %le3A_612 = arith.constant 47 : i32
          %le3A_613 = vector.broadcast %le3A_612 : i32 to vector<16xi32>
          %le3A_614 = arith.cmpi sle, %add3A_588, %le3A_613 : vector<16xi32>
          %and3A_615 = arith.andi %and3A_611, %le3A_614 : vector<16xi1>
          %mul3A_616 = arith.mulf %sub3A_594, %sub3A_600 : vector<16xf32>
          %jit3A_617 = arith.constant 0.000000e+00 : f32
          %broadcast_in_dim3A_618 = vector.broadcast %jit3A_617 : f32 to vector<16xf32>
          %select_n3A_619 = arith.select %and3A_615, %mul3A_616, %broadcast_in_dim3A_618 : vector<16xi1>, vector<16xf32>
          %jit3A_620 = arith.constant 0 : i32
          %jit3A_621 = arith.constant 47 : i32
          %max3A_622 = vector.broadcast %jit3A_620 : i32 to vector<16xi32>
          %max3A_623 = arith.maxsi %max3A_622, %add3A_585 : vector<16xi32>
          %min3A_624 = vector.broadcast %jit3A_621 : i32 to vector<16xi32>
          %min3A_625 = arith.minsi %min3A_624, %max3A_623 : vector<16xi32>
          %jit3A_626 = arith.constant 0 : i32
          %jit3A_627 = arith.constant 47 : i32
          %max3A_628 = vector.broadcast %jit3A_626 : i32 to vector<16xi32>
          %max3A_629 = arith.maxsi %max3A_628, %add3A_588 : vector<16xi32>
          %min3A_630 = vector.broadcast %jit3A_627 : i32 to vector<16xi32>
          %min3A_631 = arith.minsi %min3A_630, %max3A_629 : vector<16xi32>
          %mul3A_632 = arith.constant 48 : i32
          %mul3A_633 = vector.broadcast %mul3A_632 : i32 to vector<16xi32>
          %mul3A_634 = arith.muli %min3A_625, %mul3A_633 : vector<16xi32>
          %add3A_635 = arith.addi %mul3A_634, %min3A_631 : vector<16xi32>
          %mul3A_636 = arith.constant 4 : i32
          %mul3A_637 = arith.muli %add3A_314, %mul3A_636 : i32
          %add3A_638 = arith.constant 3 : i32
          %add3A_639 = arith.addi %mul3A_637, %add3A_638 : i32
          %mul3A_640 = arith.constant 16 : i32
          %mul3A_641 = arith.muli %add3A_639, %mul3A_640 : i32
          %swap3A_642 = arith.index_cast %mul3A_641 : i32 to index
          %swap3A_643 = tpu.vector_load %arg11[%swap3A_642] {strides = array<i32>} : memref<1152xf32, #tpu.memory_space<vmem>>, vector<16xf32>,
          tpu.vector_store %arg11[%swap3A_642], %select_n3A_619 {strides = array<i32>} : memref<1152xf32, #tpu.memory_space<vmem>>, vector<16xf32>,
          %mul3A_644 = arith.constant 4 : i32
          %mul3A_645 = arith.muli %add3A_314, %mul3A_644 : i32
          %add3A_646 = arith.constant 3 : i32
          %add3A_647 = arith.addi %mul3A_645, %add3A_646 : i32
          %mul3A_648 = arith.constant 16 : i32
          %mul3A_649 = arith.muli %add3A_647, %mul3A_648 : i32
          %swap3A_650 = arith.index_cast %mul3A_649 : i32 to index
          %swap3A_651 = tpu.vector_load %arg12[%swap3A_650] {strides = array<i32>} : memref<1152xi32, #tpu.memory_space<vmem>>, vector<16xi32>,
          tpu.vector_store %arg12[%swap3A_650], %add3A_635 {strides = array<i32>} : memref<1152xi32, #tpu.memory_space<vmem>>, vector<16xi32>,
          %broadcast_in_dim3A_652 = arith.constant 0.000000e+00 : f32
          %broadcast_in_dim3A_653 = vector.broadcast %broadcast_in_dim3A_652 : f32 to vector<16xf32>
          %add3A_654 = arith.constant 27648 : i32
          %add3A_655 = vector.broadcast %add3A_654 : i32 to vector<16xi32>
          %add3A_656 = arith.addi %add3A_428, %add3A_655 : vector<16xi32>
          %gather3A = tpu.vector_load_idx %arg7[%add3A_656] : memref<110592xf32, #tpu.memory_space<vmem>>[vector<16xi32>], vector<16xf32>,
          %mul3A_657 = arith.mulf %select_n3A_414, %gather3A : vector<16xf32>
          %add3A_658 = arith.constant 27648 : i32
          %add3A_659 = vector.broadcast %add3A_658 : i32 to vector<16xi32>
          %add3A_660 = arith.addi %add3A_497, %add3A_659 : vector<16xi32>
          %gather3A_661 = tpu.vector_load_idx %arg7[%add3A_660] : memref<110592xf32, #tpu.memory_space<vmem>>[vector<16xi32>], vector<16xf32>,
          %mul3A_662 = arith.mulf %select_n3A_481, %gather3A_661 : vector<16xf32>
          %add3A_663 = arith.addf %mul3A_657, %mul3A_662 : vector<16xf32>
          %add3A_664 = arith.constant 27648 : i32
          %add3A_665 = vector.broadcast %add3A_664 : i32 to vector<16xi32>
          %add3A_666 = arith.addi %add3A_566, %add3A_665 : vector<16xi32>
          %gather3A_667 = tpu.vector_load_idx %arg7[%add3A_666] : memref<110592xf32, #tpu.memory_space<vmem>>[vector<16xi32>], vector<16xf32>,
          %mul3A_668 = arith.mulf %select_n3A_550, %gather3A_667 : vector<16xf32>
          %add3A_669 = arith.addf %add3A_663, %mul3A_668 : vector<16xf32>
          %add3A_670 = arith.constant 27648 : i32
          %add3A_671 = vector.broadcast %add3A_670 : i32 to vector<16xi32>
          %add3A_672 = arith.addi %add3A_635, %add3A_671 : vector<16xi32>
          %gather3A_673 = tpu.vector_load_idx %arg7[%add3A_672] : memref<110592xf32, #tpu.memory_space<vmem>>[vector<16xi32>], vector<16xf32>,
          %mul3A_674 = arith.mulf %select_n3A_619, %gather3A_673 : vector<16xf32>
          %add3A_675 = arith.addf %add3A_669, %mul3A_674 : vector<16xf32>
          %mul3A_676 = arith.mulf %get3A_176, %add3A_675 : vector<16xf32>
          %add3A_677 = arith.addf %broadcast_in_dim3A_653, %mul3A_676 : vector<16xf32>
          %add3A_678 = arith.constant 29952 : i32
          %add3A_679 = vector.broadcast %add3A_678 : i32 to vector<16xi32>
          %add3A_680 = arith.addi %add3A_428, %add3A_679 : vector<16xi32>
          %gather3A_681 = tpu.vector_load_idx %arg7[%add3A_680] : memref<110592xf32, #tpu.memory_space<vmem>>[vector<16xi32>], vector<16xf32>,
          %mul3A_682 = arith.mulf %select_n3A_414, %gather3A_681 : vector<16xf32>
          %add3A_683 = arith.constant 29952 : i32
          %add3A_684 = vector.broadcast %add3A_683 : i32 to vector<16xi32>
          %add3A_685 = arith.addi %add3A_497, %add3A_684 : vector<16xi32>
          %gather3A_686 = tpu.vector_load_idx %arg7[%add3A_685] : memref<110592xf32, #tpu.memory_space<vmem>>[vector<16xi32>], vector<16xf32>,
          %mul3A_687 = arith.mulf %select_n3A_481, %gather3A_686 : vector<16xf32>
          %add3A_688 = arith.addf %mul3A_682, %mul3A_687 : vector<16xf32>
          %add3A_689 = arith.constant 29952 : i32
          %add3A_690 = vector.broadcast %add3A_689 : i32 to vector<16xi32>
          %add3A_691 = arith.addi %add3A_566, %add3A_690 : vector<16xi32>
          %gather3A_692 = tpu.vector_load_idx %arg7[%add3A_691] : memref<110592xf32, #tpu.memory_space<vmem>>[vector<16xi32>], vector<16xf32>,
          %mul3A_693 = arith.mulf %select_n3A_550, %gather3A_692 : vector<16xf32>
          %add3A_694 = arith.addf %add3A_688, %mul3A_693 : vector<16xf32>
          %add3A_695 = arith.constant 29952 : i32
          %add3A_696 = vector.broadcast %add3A_695 : i32 to vector<16xi32>
          %add3A_697 = arith.addi %add3A_635, %add3A_696 : vector<16xi32>
          %gather3A_698 = tpu.vector_load_idx %arg7[%add3A_697] : memref<110592xf32, #tpu.memory_space<vmem>>[vector<16xi32>], vector<16xf32>,
          %mul3A_699 = arith.mulf %select_n3A_619, %gather3A_698 : vector<16xf32>
          %add3A_700 = arith.addf %add3A_694, %mul3A_699 : vector<16xf32>
          %mul3A_701 = arith.mulf %get3A_180, %add3A_700 : vector<16xf32>
          %add3A_702 = arith.addf %add3A_677, %mul3A_701 : vector<16xf32>
          %add3A_703 = arith.constant 32256 : i32
          %add3A_704 = vector.broadcast %add3A_703 : i32 to vector<16xi32>
          %add3A_705 = arith.addi %add3A_428, %add3A_704 : vector<16xi32>
          %gather3A_706 = tpu.vector_load_idx %arg7[%add3A_705] : memref<110592xf32, #tpu.memory_space<vmem>>[vector<16xi32>], vector<16xf32>,
          %mul3A_707 = arith.mulf %select_n3A_414, %gather3A_706 : vector<16xf32>
          %add3A_708 = arith.constant 32256 : i32
          %add3A_709 = vector.broadcast %add3A_708 : i32 to vector<16xi32>
          %add3A_710 = arith.addi %add3A_497, %add3A_709 : vector<16xi32>
          %gather3A_711 = tpu.vector_load_idx %arg7[%add3A_710] : memref<110592xf32, #tpu.memory_space<vmem>>[vector<16xi32>], vector<16xf32>,
          %mul3A_712 = arith.mulf %select_n3A_481, %gather3A_711 : vector<16xf32>
          %add3A_713 = arith.addf %mul3A_707, %mul3A_712 : vector<16xf32>
          %add3A_714 = arith.constant 32256 : i32
          %add3A_715 = vector.broadcast %add3A_714 : i32 to vector<16xi32>
          %add3A_716 = arith.addi %add3A_566, %add3A_715 : vector<16xi32>
          %gather3A_717 = tpu.vector_load_idx %arg7[%add3A_716] : memref<110592xf32, #tpu.memory_space<vmem>>[vector<16xi32>], vector<16xf32>,
          %mul3A_718 = arith.mulf %select_n3A_550, %gather3A_717 : vector<16xf32>
          %add3A_719 = arith.addf %add3A_713, %mul3A_718 : vector<16xf32>
          %add3A_720 = arith.constant 32256 : i32
          %add3A_721 = vector.broadcast %add3A_720 : i32 to vector<16xi32>
          %add3A_722 = arith.addi %add3A_635, %add3A_721 : vector<16xi32>
          %gather3A_723 = tpu.vector_load_idx %arg7[%add3A_722] : memref<110592xf32, #tpu.memory_space<vmem>>[vector<16xi32>], vector<16xf32>,
          %mul3A_724 = arith.mulf %select_n3A_619, %gather3A_723 : vector<16xf32>
          %add3A_725 = arith.addf %add3A_719, %mul3A_724 : vector<16xf32>
          %mul3A_726 = arith.mulf %get3A_184, %add3A_725 : vector<16xf32>
          %add3A_727 = arith.addf %add3A_702, %mul3A_726 : vector<16xf32>
          %add3A_728 = arith.constant 34560 : i32
          %add3A_729 = vector.broadcast %add3A_728 : i32 to vector<16xi32>
          %add3A_730 = arith.addi %add3A_428, %add3A_729 : vector<16xi32>
          %gather3A_731 = tpu.vector_load_idx %arg7[%add3A_730] : memref<110592xf32, #tpu.memory_space<vmem>>[vector<16xi32>], vector<16xf32>,
          %mul3A_732 = arith.mulf %select_n3A_414, %gather3A_731 : vector<16xf32>
          %add3A_733 = arith.constant 34560 : i32
          %add3A_734 = vector.broadcast %add3A_733 : i32 to vector<16xi32>
          %add3A_735 = arith.addi %add3A_497, %add3A_734 : vector<16xi32>
          %gather3A_736 = tpu.vector_load_idx %arg7[%add3A_735] : memref<110592xf32, #tpu.memory_space<vmem>>[vector<16xi32>], vector<16xf32>,
          %mul3A_737 = arith.mulf %select_n3A_481, %gather3A_736 : vector<16xf32>
          %add3A_738 = arith.addf %mul3A_732, %mul3A_737 : vector<16xf32>
          %add3A_739 = arith.constant 34560 : i32
          %add3A_740 = vector.broadcast %add3A_739 : i32 to vector<16xi32>
          %add3A_741 = arith.addi %add3A_566, %add3A_740 : vector<16xi32>
          %gather3A_742 = tpu.vector_load_idx %arg7[%add3A_741] : memref<110592xf32, #tpu.memory_space<vmem>>[vector<16xi32>], vector<16xf32>,
          %mul3A_743 = arith.mulf %select_n3A_550, %gather3A_742 : vector<16xf32>
          %add3A_744 = arith.addf %add3A_738, %mul3A_743 : vector<16xf32>
          %add3A_745 = arith.constant 34560 : i32
          %add3A_746 = vector.broadcast %add3A_745 : i32 to vector<16xi32>
          %add3A_747 = arith.addi %add3A_635, %add3A_746 : vector<16xi32>
          %gather3A_748 = tpu.vector_load_idx %arg7[%add3A_747] : memref<110592xf32, #tpu.memory_space<vmem>>[vector<16xi32>], vector<16xf32>,
          %mul3A_749 = arith.mulf %select_n3A_619, %gather3A_748 : vector<16xf32>
          %add3A_750 = arith.addf %add3A_744, %mul3A_749 : vector<16xf32>
          %mul3A_751 = arith.mulf %get3A_188, %add3A_750 : vector<16xf32>
          %add3A_752 = arith.addf %add3A_727, %mul3A_751 : vector<16xf32>
          %add3A_753 = arith.constant 36864 : i32
          %add3A_754 = vector.broadcast %add3A_753 : i32 to vector<16xi32>
          %add3A_755 = arith.addi %add3A_428, %add3A_754 : vector<16xi32>
          %gather3A_756 = tpu.vector_load_idx %arg7[%add3A_755] : memref<110592xf32, #tpu.memory_space<vmem>>[vector<16xi32>], vector<16xf32>,
          %mul3A_757 = arith.mulf %select_n3A_414, %gather3A_756 : vector<16xf32>
          %add3A_758 = arith.constant 36864 : i32
          %add3A_759 = vector.broadcast %add3A_758 : i32 to vector<16xi32>
          %add3A_760 = arith.addi %add3A_497, %add3A_759 : vector<16xi32>
          %gather3A_761 = tpu.vector_load_idx %arg7[%add3A_760] : memref<110592xf32, #tpu.memory_space<vmem>>[vector<16xi32>], vector<16xf32>,
          %mul3A_762 = arith.mulf %select_n3A_481, %gather3A_761 : vector<16xf32>
          %add3A_763 = arith.addf %mul3A_757, %mul3A_762 : vector<16xf32>
          %add3A_764 = arith.constant 36864 : i32
          %add3A_765 = vector.broadcast %add3A_764 : i32 to vector<16xi32>
          %add3A_766 = arith.addi %add3A_566, %add3A_765 : vector<16xi32>
          %gather3A_767 = tpu.vector_load_idx %arg7[%add3A_766] : memref<110592xf32, #tpu.memory_space<vmem>>[vector<16xi32>], vector<16xf32>,
          %mul3A_768 = arith.mulf %select_n3A_550, %gather3A_767 : vector<16xf32>
          %add3A_769 = arith.addf %add3A_763, %mul3A_768 : vector<16xf32>
          %add3A_770 = arith.constant 36864 : i32
          %add3A_771 = vector.broadcast %add3A_770 : i32 to vector<16xi32>
          %add3A_772 = arith.addi %add3A_635, %add3A_771 : vector<16xi32>
          %gather3A_773 = tpu.vector_load_idx %arg7[%add3A_772] : memref<110592xf32, #tpu.memory_space<vmem>>[vector<16xi32>], vector<16xf32>,
          %mul3A_774 = arith.mulf %select_n3A_619, %gather3A_773 : vector<16xf32>
          %add3A_775 = arith.addf %add3A_769, %mul3A_774 : vector<16xf32>
          %mul3A_776 = arith.mulf %get3A_192, %add3A_775 : vector<16xf32>
          %add3A_777 = arith.addf %add3A_752, %mul3A_776 : vector<16xf32>
          %add3A_778 = arith.constant 39168 : i32
          %add3A_779 = vector.broadcast %add3A_778 : i32 to vector<16xi32>
          %add3A_780 = arith.addi %add3A_428, %add3A_779 : vector<16xi32>
          %gather3A_781 = tpu.vector_load_idx %arg7[%add3A_780] : memref<110592xf32, #tpu.memory_space<vmem>>[vector<16xi32>], vector<16xf32>,
          %mul3A_782 = arith.mulf %select_n3A_414, %gather3A_781 : vector<16xf32>
          %add3A_783 = arith.constant 39168 : i32
          %add3A_784 = vector.broadcast %add3A_783 : i32 to vector<16xi32>
          %add3A_785 = arith.addi %add3A_497, %add3A_784 : vector<16xi32>
          %gather3A_786 = tpu.vector_load_idx %arg7[%add3A_785] : memref<110592xf32, #tpu.memory_space<vmem>>[vector<16xi32>], vector<16xf32>,
          %mul3A_787 = arith.mulf %select_n3A_481, %gather3A_786 : vector<16xf32>
          %add3A_788 = arith.addf %mul3A_782, %mul3A_787 : vector<16xf32>
          %add3A_789 = arith.constant 39168 : i32
          %add3A_790 = vector.broadcast %add3A_789 : i32 to vector<16xi32>
          %add3A_791 = arith.addi %add3A_566, %add3A_790 : vector<16xi32>
          %gather3A_792 = tpu.vector_load_idx %arg7[%add3A_791] : memref<110592xf32, #tpu.memory_space<vmem>>[vector<16xi32>], vector<16xf32>,
          %mul3A_793 = arith.mulf %select_n3A_550, %gather3A_792 : vector<16xf32>
          %add3A_794 = arith.addf %add3A_788, %mul3A_793 : vector<16xf32>
          %add3A_795 = arith.constant 39168 : i32
          %add3A_796 = vector.broadcast %add3A_795 : i32 to vector<16xi32>
          %add3A_797 = arith.addi %add3A_635, %add3A_796 : vector<16xi32>
          %gather3A_798 = tpu.vector_load_idx %arg7[%add3A_797] : memref<110592xf32, #tpu.memory_space<vmem>>[vector<16xi32>], vector<16xf32>,
          %mul3A_799 = arith.mulf %select_n3A_619, %gather3A_798 : vector<16xf32>
          %add3A_800 = arith.addf %add3A_794, %mul3A_799 : vector<16xf32>
          %mul3A_801 = arith.mulf %get3A_196, %add3A_800 : vector<16xf32>
          %add3A_802 = arith.addf %add3A_777, %mul3A_801 : vector<16xf32>
          %add3A_803 = arith.constant 41472 : i32
          %add3A_804 = vector.broadcast %add3A_803 : i32 to vector<16xi32>
          %add3A_805 = arith.addi %add3A_428, %add3A_804 : vector<16xi32>
          %gather3A_806 = tpu.vector_load_idx %arg7[%add3A_805] : memref<110592xf32, #tpu.memory_space<vmem>>[vector<16xi32>], vector<16xf32>,
          %mul3A_807 = arith.mulf %select_n3A_414, %gather3A_806 : vector<16xf32>
          %add3A_808 = arith.constant 41472 : i32
          %add3A_809 = vector.broadcast %add3A_808 : i32 to vector<16xi32>
          %add3A_810 = arith.addi %add3A_497, %add3A_809 : vector<16xi32>
          %gather3A_811 = tpu.vector_load_idx %arg7[%add3A_810] : memref<110592xf32, #tpu.memory_space<vmem>>[vector<16xi32>], vector<16xf32>,
          %mul3A_812 = arith.mulf %select_n3A_481, %gather3A_811 : vector<16xf32>
          %add3A_813 = arith.addf %mul3A_807, %mul3A_812 : vector<16xf32>
          %add3A_814 = arith.constant 41472 : i32
          %add3A_815 = vector.broadcast %add3A_814 : i32 to vector<16xi32>
          %add3A_816 = arith.addi %add3A_566, %add3A_815 : vector<16xi32>
          %gather3A_817 = tpu.vector_load_idx %arg7[%add3A_816] : memref<110592xf32, #tpu.memory_space<vmem>>[vector<16xi32>], vector<16xf32>,
          %mul3A_818 = arith.mulf %select_n3A_550, %gather3A_817 : vector<16xf32>
          %add3A_819 = arith.addf %add3A_813, %mul3A_818 : vector<16xf32>
          %add3A_820 = arith.constant 41472 : i32
          %add3A_821 = vector.broadcast %add3A_820 : i32 to vector<16xi32>
          %add3A_822 = arith.addi %add3A_635, %add3A_821 : vector<16xi32>
          %gather3A_823 = tpu.vector_load_idx %arg7[%add3A_822] : memref<110592xf32, #tpu.memory_space<vmem>>[vector<16xi32>], vector<16xf32>,
          %mul3A_824 = arith.mulf %select_n3A_619, %gather3A_823 : vector<16xf32>
          %add3A_825 = arith.addf %add3A_819, %mul3A_824 : vector<16xf32>
          %mul3A_826 = arith.mulf %get3A_200, %add3A_825 : vector<16xf32>
          %add3A_827 = arith.addf %add3A_802, %mul3A_826 : vector<16xf32>
          %add3A_828 = arith.constant 43776 : i32
          %add3A_829 = vector.broadcast %add3A_828 : i32 to vector<16xi32>
          %add3A_830 = arith.addi %add3A_428, %add3A_829 : vector<16xi32>
          %gather3A_831 = tpu.vector_load_idx %arg7[%add3A_830] : memref<110592xf32, #tpu.memory_space<vmem>>[vector<16xi32>], vector<16xf32>,
          %mul3A_832 = arith.mulf %select_n3A_414, %gather3A_831 : vector<16xf32>
          %add3A_833 = arith.constant 43776 : i32
          %add3A_834 = vector.broadcast %add3A_833 : i32 to vector<16xi32>
          %add3A_835 = arith.addi %add3A_497, %add3A_834 : vector<16xi32>
          %gather3A_836 = tpu.vector_load_idx %arg7[%add3A_835] : memref<110592xf32, #tpu.memory_space<vmem>>[vector<16xi32>], vector<16xf32>,
          %mul3A_837 = arith.mulf %select_n3A_481, %gather3A_836 : vector<16xf32>
          %add3A_838 = arith.addf %mul3A_832, %mul3A_837 : vector<16xf32>
          %add3A_839 = arith.constant 43776 : i32
          %add3A_840 = vector.broadcast %add3A_839 : i32 to vector<16xi32>
          %add3A_841 = arith.addi %add3A_566, %add3A_840 : vector<16xi32>
          %gather3A_842 = tpu.vector_load_idx %arg7[%add3A_841] : memref<110592xf32, #tpu.memory_space<vmem>>[vector<16xi32>], vector<16xf32>,
          %mul3A_843 = arith.mulf %select_n3A_550, %gather3A_842 : vector<16xf32>
          %add3A_844 = arith.addf %add3A_838, %mul3A_843 : vector<16xf32>
          %add3A_845 = arith.constant 43776 : i32
          %add3A_846 = vector.broadcast %add3A_845 : i32 to vector<16xi32>
          %add3A_847 = arith.addi %add3A_635, %add3A_846 : vector<16xi32>
          %gather3A_848 = tpu.vector_load_idx %arg7[%add3A_847] : memref<110592xf32, #tpu.memory_space<vmem>>[vector<16xi32>], vector<16xf32>,
          %mul3A_849 = arith.mulf %select_n3A_619, %gather3A_848 : vector<16xf32>
          %add3A_850 = arith.addf %add3A_844, %mul3A_849 : vector<16xf32>
          %mul3A_851 = arith.mulf %get3A_204, %add3A_850 : vector<16xf32>
          %add3A_852 = arith.addf %add3A_827, %mul3A_851 : vector<16xf32>
          %add3A_853 = arith.constant 46080 : i32
          %add3A_854 = vector.broadcast %add3A_853 : i32 to vector<16xi32>
          %add3A_855 = arith.addi %add3A_428, %add3A_854 : vector<16xi32>
          %gather3A_856 = tpu.vector_load_idx %arg7[%add3A_855] : memref<110592xf32, #tpu.memory_space<vmem>>[vector<16xi32>], vector<16xf32>,
          %mul3A_857 = arith.mulf %select_n3A_414, %gather3A_856 : vector<16xf32>
          %add3A_858 = arith.constant 46080 : i32
          %add3A_859 = vector.broadcast %add3A_858 : i32 to vector<16xi32>
          %add3A_860 = arith.addi %add3A_497, %add3A_859 : vector<16xi32>
          %gather3A_861 = tpu.vector_load_idx %arg7[%add3A_860] : memref<110592xf32, #tpu.memory_space<vmem>>[vector<16xi32>], vector<16xf32>,
          %mul3A_862 = arith.mulf %select_n3A_481, %gather3A_861 : vector<16xf32>
          %add3A_863 = arith.addf %mul3A_857, %mul3A_862 : vector<16xf32>
          %add3A_864 = arith.constant 46080 : i32
          %add3A_865 = vector.broadcast %add3A_864 : i32 to vector<16xi32>
          %add3A_866 = arith.addi %add3A_566, %add3A_865 : vector<16xi32>
          %gather3A_867 = tpu.vector_load_idx %arg7[%add3A_866] : memref<110592xf32, #tpu.memory_space<vmem>>[vector<16xi32>], vector<16xf32>,
          %mul3A_868 = arith.mulf %select_n3A_550, %gather3A_867 : vector<16xf32>
          %add3A_869 = arith.addf %add3A_863, %mul3A_868 : vector<16xf32>
          %add3A_870 = arith.constant 46080 : i32
          %add3A_871 = vector.broadcast %add3A_870 : i32 to vector<16xi32>
          %add3A_872 = arith.addi %add3A_635, %add3A_871 : vector<16xi32>
          %gather3A_873 = tpu.vector_load_idx %arg7[%add3A_872] : memref<110592xf32, #tpu.memory_space<vmem>>[vector<16xi32>], vector<16xf32>,
          %mul3A_874 = arith.mulf %select_n3A_619, %gather3A_873 : vector<16xf32>
          %add3A_875 = arith.addf %add3A_869, %mul3A_874 : vector<16xf32>
          %mul3A_876 = arith.mulf %get3A_208, %add3A_875 : vector<16xf32>
          %add3A_877 = arith.addf %add3A_852, %mul3A_876 : vector<16xf32>
          %add3A_878 = arith.constant 48384 : i32
          %add3A_879 = vector.broadcast %add3A_878 : i32 to vector<16xi32>
          %add3A_880 = arith.addi %add3A_428, %add3A_879 : vector<16xi32>
          %gather3A_881 = tpu.vector_load_idx %arg7[%add3A_880] : memref<110592xf32, #tpu.memory_space<vmem>>[vector<16xi32>], vector<16xf32>,
          %mul3A_882 = arith.mulf %select_n3A_414, %gather3A_881 : vector<16xf32>
          %add3A_883 = arith.constant 48384 : i32
          %add3A_884 = vector.broadcast %add3A_883 : i32 to vector<16xi32>
          %add3A_885 = arith.addi %add3A_497, %add3A_884 : vector<16xi32>
          %gather3A_886 = tpu.vector_load_idx %arg7[%add3A_885] : memref<110592xf32, #tpu.memory_space<vmem>>[vector<16xi32>], vector<16xf32>,
          %mul3A_887 = arith.mulf %select_n3A_481, %gather3A_886 : vector<16xf32>
          %add3A_888 = arith.addf %mul3A_882, %mul3A_887 : vector<16xf32>
          %add3A_889 = arith.constant 48384 : i32
          %add3A_890 = vector.broadcast %add3A_889 : i32 to vector<16xi32>
          %add3A_891 = arith.addi %add3A_566, %add3A_890 : vector<16xi32>
          %gather3A_892 = tpu.vector_load_idx %arg7[%add3A_891] : memref<110592xf32, #tpu.memory_space<vmem>>[vector<16xi32>], vector<16xf32>,
          %mul3A_893 = arith.mulf %select_n3A_550, %gather3A_892 : vector<16xf32>
          %add3A_894 = arith.addf %add3A_888, %mul3A_893 : vector<16xf32>
          %add3A_895 = arith.constant 48384 : i32
          %add3A_896 = vector.broadcast %add3A_895 : i32 to vector<16xi32>
          %add3A_897 = arith.addi %add3A_635, %add3A_896 : vector<16xi32>
          %gather3A_898 = tpu.vector_load_idx %arg7[%add3A_897] : memref<110592xf32, #tpu.memory_space<vmem>>[vector<16xi32>], vector<16xf32>,
          %mul3A_899 = arith.mulf %select_n3A_619, %gather3A_898 : vector<16xf32>
          %add3A_900 = arith.addf %add3A_894, %mul3A_899 : vector<16xf32>
          %mul3A_901 = arith.mulf %get3A_212, %add3A_900 : vector<16xf32>
          %add3A_902 = arith.addf %add3A_877, %mul3A_901 : vector<16xf32>
          %add3A_903 = arith.constant 50688 : i32
          %add3A_904 = vector.broadcast %add3A_903 : i32 to vector<16xi32>
          %add3A_905 = arith.addi %add3A_428, %add3A_904 : vector<16xi32>
          %gather3A_906 = tpu.vector_load_idx %arg7[%add3A_905] : memref<110592xf32, #tpu.memory_space<vmem>>[vector<16xi32>], vector<16xf32>,
          %mul3A_907 = arith.mulf %select_n3A_414, %gather3A_906 : vector<16xf32>
          %add3A_908 = arith.constant 50688 : i32
          %add3A_909 = vector.broadcast %add3A_908 : i32 to vector<16xi32>
          %add3A_910 = arith.addi %add3A_497, %add3A_909 : vector<16xi32>
          %gather3A_911 = tpu.vector_load_idx %arg7[%add3A_910] : memref<110592xf32, #tpu.memory_space<vmem>>[vector<16xi32>], vector<16xf32>,
          %mul3A_912 = arith.mulf %select_n3A_481, %gather3A_911 : vector<16xf32>
          %add3A_913 = arith.addf %mul3A_907, %mul3A_912 : vector<16xf32>
          %add3A_914 = arith.constant 50688 : i32
          %add3A_915 = vector.broadcast %add3A_914 : i32 to vector<16xi32>
          %add3A_916 = arith.addi %add3A_566, %add3A_915 : vector<16xi32>
          %gather3A_917 = tpu.vector_load_idx %arg7[%add3A_916] : memref<110592xf32, #tpu.memory_space<vmem>>[vector<16xi32>], vector<16xf32>,
          %mul3A_918 = arith.mulf %select_n3A_550, %gather3A_917 : vector<16xf32>
          %add3A_919 = arith.addf %add3A_913, %mul3A_918 : vector<16xf32>
          %add3A_920 = arith.constant 50688 : i32
          %add3A_921 = vector.broadcast %add3A_920 : i32 to vector<16xi32>
          %add3A_922 = arith.addi %add3A_635, %add3A_921 : vector<16xi32>
          %gather3A_923 = tpu.vector_load_idx %arg7[%add3A_922] : memref<110592xf32, #tpu.memory_space<vmem>>[vector<16xi32>], vector<16xf32>,
          %mul3A_924 = arith.mulf %select_n3A_619, %gather3A_923 : vector<16xf32>
          %add3A_925 = arith.addf %add3A_919, %mul3A_924 : vector<16xf32>
          %mul3A_926 = arith.mulf %get3A_216, %add3A_925 : vector<16xf32>
          %add3A_927 = arith.addf %add3A_902, %mul3A_926 : vector<16xf32>
          %add3A_928 = arith.constant 52992 : i32
          %add3A_929 = vector.broadcast %add3A_928 : i32 to vector<16xi32>
          %add3A_930 = arith.addi %add3A_428, %add3A_929 : vector<16xi32>
          %gather3A_931 = tpu.vector_load_idx %arg7[%add3A_930] : memref<110592xf32, #tpu.memory_space<vmem>>[vector<16xi32>], vector<16xf32>,
          %mul3A_932 = arith.mulf %select_n3A_414, %gather3A_931 : vector<16xf32>
          %add3A_933 = arith.constant 52992 : i32
          %add3A_934 = vector.broadcast %add3A_933 : i32 to vector<16xi32>
          %add3A_935 = arith.addi %add3A_497, %add3A_934 : vector<16xi32>
          %gather3A_936 = tpu.vector_load_idx %arg7[%add3A_935] : memref<110592xf32, #tpu.memory_space<vmem>>[vector<16xi32>], vector<16xf32>,
          %mul3A_937 = arith.mulf %select_n3A_481, %gather3A_936 : vector<16xf32>
          %add3A_938 = arith.addf %mul3A_932, %mul3A_937 : vector<16xf32>
          %add3A_939 = arith.constant 52992 : i32
          %add3A_940 = vector.broadcast %add3A_939 : i32 to vector<16xi32>
          %add3A_941 = arith.addi %add3A_566, %add3A_940 : vector<16xi32>
          %gather3A_942 = tpu.vector_load_idx %arg7[%add3A_941] : memref<110592xf32, #tpu.memory_space<vmem>>[vector<16xi32>], vector<16xf32>,
          %mul3A_943 = arith.mulf %select_n3A_550, %gather3A_942 : vector<16xf32>
          %add3A_944 = arith.addf %add3A_938, %mul3A_943 : vector<16xf32>
          %add3A_945 = arith.constant 52992 : i32
          %add3A_946 = vector.broadcast %add3A_945 : i32 to vector<16xi32>
          %add3A_947 = arith.addi %add3A_635, %add3A_946 : vector<16xi32>
          %gather3A_948 = tpu.vector_load_idx %arg7[%add3A_947] : memref<110592xf32, #tpu.memory_space<vmem>>[vector<16xi32>], vector<16xf32>,
          %mul3A_949 = arith.mulf %select_n3A_619, %gather3A_948 : vector<16xf32>
          %add3A_950 = arith.addf %add3A_944, %mul3A_949 : vector<16xf32>
          %mul3A_951 = arith.mulf %get3A_220, %add3A_950 : vector<16xf32>
          %add3A_952 = arith.addf %add3A_927, %mul3A_951 : vector<16xf32>
          %mul3A_953 = arith.constant 0.288675129 : f32
          %mul3A_954 = vector.broadcast %mul3A_953 : f32 to vector<16xf32>
          %mul3A_955 = arith.mulf %add3A_952, %mul3A_954 : vector<16xf32>
          %mul3A_956 = arith.constant 16 : i32
          %mul3A_957 = arith.muli %add3A_314, %mul3A_956 : i32
          %swap3A_958 = arith.index_cast %mul3A_957 : i32 to index
          %swap3A_959 = tpu.vector_load %arg13[%swap3A_958] {strides = array<i32>} : memref<288xf32, #tpu.memory_space<vmem>>, vector<16xf32>,
          tpu.vector_store %arg13[%swap3A_958], %mul3A_955 {strides = array<i32>} : memref<288xf32, #tpu.memory_space<vmem>>, vector<16xf32>,
        }
        %scan3A_232 = arith.constant 9 : i32
        %get3A_233 = arith.constant 0 : index
        %get3A_234 = tpu.vector_load %arg13[%get3A_233] {strides = array<i32>} : memref<288xf32, #tpu.memory_space<vmem>>, vector<16xf32>,
        %scan3A_235 = arith.constant 1 : i32
        %scan3A_236 = arith.constant 17 : i32
        %scan3A_237 = arith.addi %scan3A_235, %scan3A_236 : i32
        %scan3A_238 = arith.constant 1 : i32
        %scan3A_239 = scf.for %scan3A_312 = %scan3A_235 to %scan3A_237 step %scan3A_238 iter_args(%scan3A_313 = %get3A_234) -> (vector<16xf32>)  : i32 {
          %mul3A_314 = arith.constant 16 : i32
          %mul3A_315 = arith.muli %scan3A_312, %mul3A_314 : i32
          %get3A_316 = arith.index_cast %mul3A_315 : i32 to index
          %get3A_317 = tpu.vector_load %arg13[%get3A_316] {strides = array<i32>} : memref<288xf32, #tpu.memory_space<vmem>>, vector<16xf32>,
          %max3A = arith.maximumf %scan3A_313, %get3A_317 : vector<16xf32>
          scf.yield %max3A : vector<16xf32>
        }
        %scan3A_240 = arith.constant 17 : i32
        %broadcast_in_dim3A = arith.constant 0.000000e+00 : f32
        %broadcast_in_dim3A_241 = vector.broadcast %broadcast_in_dim3A : f32 to vector<16xf32>
        %scan3A_242 = arith.constant 0 : i32
        %scan3A_243 = arith.constant 18 : i32
        %scan3A_244 = arith.addi %scan3A_242, %scan3A_243 : i32
        %scan3A_245 = arith.constant 1 : i32
        %scan3A_246 = scf.for %scan3A_312 = %scan3A_242 to %scan3A_244 step %scan3A_245 iter_args(%scan3A_313 = %broadcast_in_dim3A_241) -> (vector<16xf32>)  : i32 {
          %mul3A_314 = arith.constant 16 : i32
          %mul3A_315 = arith.muli %scan3A_312, %mul3A_314 : i32
          %get3A_316 = arith.index_cast %mul3A_315 : i32 to index
          %get3A_317 = tpu.vector_load %arg13[%get3A_316] {strides = array<i32>} : memref<288xf32, #tpu.memory_space<vmem>>, vector<16xf32>,
          %sub3A_318 = arith.subf %get3A_317, %scan3A_239 : vector<16xf32>
          %exp3A = math.exp %sub3A_318 : vector<16xf32>
          %mul3A_319 = arith.constant 16 : i32
          %mul3A_320 = arith.muli %scan3A_312, %mul3A_319 : i32
          %swap3A_321 = arith.index_cast %mul3A_320 : i32 to index
          %swap3A_322 = tpu.vector_load %arg13[%swap3A_321] {strides = array<i32>} : memref<288xf32, #tpu.memory_space<vmem>>, vector<16xf32>,
          tpu.vector_store %arg13[%swap3A_321], %exp3A {strides = array<i32>} : memref<288xf32, #tpu.memory_space<vmem>>, vector<16xf32>,
          %add3A_323 = arith.addf %scan3A_313, %exp3A : vector<16xf32>
          scf.yield %add3A_323 : vector<16xf32>
        }
        %scan3A_247 = arith.constant 18 : i32
        %div3A_248 = arith.constant 1.000000e+00 : f32
        %div3A_249 = vector.broadcast %div3A_248 : f32 to vector<16xf32>
        %div3A_250 = arith.divf %div3A_249, %scan3A_246 : vector<16xf32>
        %broadcast_in_dim3A_251 = arith.constant 0.000000e+00 : f32
        %broadcast_in_dim3A_252 = vector.broadcast %broadcast_in_dim3A_251 : f32 to vector<16xf32>
        %scan3A_253 = arith.constant 0 : i32
        %scan3A_254 = arith.constant 9 : i32
        %scan3A_255 = arith.addi %scan3A_253, %scan3A_254 : i32
        %scan3A_256 = arith.constant 1 : i32
        %scan3A_257:12 = scf.for %scan3A_312 = %scan3A_253 to %scan3A_255 step %scan3A_256 iter_args(%scan3A_313 = %broadcast_in_dim3A_252, %scan3A_314 = %broadcast_in_dim3A_252, %scan3A_315 = %broadcast_in_dim3A_252, %scan3A_316 = %broadcast_in_dim3A_252, %scan3A_317 = %broadcast_in_dim3A_252, %scan3A_318 = %broadcast_in_dim3A_252, %scan3A_319 = %broadcast_in_dim3A_252, %scan3A_320 = %broadcast_in_dim3A_252, %scan3A_321 = %broadcast_in_dim3A_252, %scan3A_322 = %broadcast_in_dim3A_252, %scan3A_323 = %broadcast_in_dim3A_252, %scan3A_324 = %broadcast_in_dim3A_252) -> (vector<16xf32>, vector<16xf32>, vector<16xf32>, vector<16xf32>, vector<16xf32>, vector<16xf32>, vector<16xf32>, vector<16xf32>, vector<16xf32>, vector<16xf32>, vector<16xf32>, vector<16xf32>)  : i32 {
          %add3A_325 = arith.constant 0 : i32
          %add3A_326 = arith.addi %scan3A_312, %add3A_325 : i32
          %mul3A_327 = arith.constant 16 : i32
          %mul3A_328 = arith.muli %add3A_326, %mul3A_327 : i32
          %get3A_329 = arith.index_cast %mul3A_328 : i32 to index
          %get3A_330 = tpu.vector_load %arg13[%get3A_329] {strides = array<i32>} : memref<288xf32, #tpu.memory_space<vmem>>, vector<16xf32>,
          %mul3A_331 = arith.mulf %get3A_330, %div3A_250 : vector<16xf32>
          %mul3A_332 = arith.constant 4 : i32
          %mul3A_333 = arith.muli %add3A_326, %mul3A_332 : i32
          %add3A_334 = arith.constant 0 : i32
          %add3A_335 = arith.addi %mul3A_333, %add3A_334 : i32
          %mul3A_336 = arith.constant 16 : i32
          %mul3A_337 = arith.muli %add3A_335, %mul3A_336 : i32
          %get3A_338 = arith.index_cast %mul3A_337 : i32 to index
          %get3A_339 = tpu.vector_load %arg11[%get3A_338] {strides = array<i32>} : memref<1152xf32, #tpu.memory_space<vmem>>, vector<16xf32>,
          %mul3A_340 = arith.mulf %mul3A_331, %get3A_339 : vector<16xf32>
          %mul3A_341 = arith.constant 4 : i32
          %mul3A_342 = arith.muli %add3A_326, %mul3A_341 : i32
          %add3A_343 = arith.constant 0 : i32
          %add3A_344 = arith.addi %mul3A_342, %add3A_343 : i32
          %mul3A_345 = arith.constant 16 : i32
          %mul3A_346 = arith.muli %add3A_344, %mul3A_345 : i32
          %get3A_347 = arith.index_cast %mul3A_346 : i32 to index
          %get3A_348 = tpu.vector_load %arg12[%get3A_347] {strides = array<i32>} : memref<1152xi32, #tpu.memory_space<vmem>>, vector<16xi32>,
          %add3A_349 = arith.constant 55296 : i32
          %add3A_350 = vector.broadcast %add3A_349 : i32 to vector<16xi32>
          %add3A_351 = arith.addi %get3A_348, %add3A_350 : vector<16xi32>
          %gather3A = tpu.vector_load_idx %arg7[%add3A_351] : memref<110592xf32, #tpu.memory_space<vmem>>[vector<16xi32>], vector<16xf32>,
          %mul3A_352 = arith.mulf %mul3A_340, %gather3A : vector<16xf32>
          %add3A_353 = arith.addf %scan3A_313, %mul3A_352 : vector<16xf32>
          %add3A_354 = arith.constant 57600 : i32
          %add3A_355 = vector.broadcast %add3A_354 : i32 to vector<16xi32>
          %add3A_356 = arith.addi %get3A_348, %add3A_355 : vector<16xi32>
          %gather3A_357 = tpu.vector_load_idx %arg7[%add3A_356] : memref<110592xf32, #tpu.memory_space<vmem>>[vector<16xi32>], vector<16xf32>,
          %mul3A_358 = arith.mulf %mul3A_340, %gather3A_357 : vector<16xf32>
          %add3A_359 = arith.addf %scan3A_314, %mul3A_358 : vector<16xf32>
          %add3A_360 = arith.constant 59904 : i32
          %add3A_361 = vector.broadcast %add3A_360 : i32 to vector<16xi32>
          %add3A_362 = arith.addi %get3A_348, %add3A_361 : vector<16xi32>
          %gather3A_363 = tpu.vector_load_idx %arg7[%add3A_362] : memref<110592xf32, #tpu.memory_space<vmem>>[vector<16xi32>], vector<16xf32>,
          %mul3A_364 = arith.mulf %mul3A_340, %gather3A_363 : vector<16xf32>
          %add3A_365 = arith.addf %scan3A_315, %mul3A_364 : vector<16xf32>
          %add3A_366 = arith.constant 62208 : i32
          %add3A_367 = vector.broadcast %add3A_366 : i32 to vector<16xi32>
          %add3A_368 = arith.addi %get3A_348, %add3A_367 : vector<16xi32>
          %gather3A_369 = tpu.vector_load_idx %arg7[%add3A_368] : memref<110592xf32, #tpu.memory_space<vmem>>[vector<16xi32>], vector<16xf32>,
          %mul3A_370 = arith.mulf %mul3A_340, %gather3A_369 : vector<16xf32>
          %add3A_371 = arith.addf %scan3A_316, %mul3A_370 : vector<16xf32>
          %add3A_372 = arith.constant 64512 : i32
          %add3A_373 = vector.broadcast %add3A_372 : i32 to vector<16xi32>
          %add3A_374 = arith.addi %get3A_348, %add3A_373 : vector<16xi32>
          %gather3A_375 = tpu.vector_load_idx %arg7[%add3A_374] : memref<110592xf32, #tpu.memory_space<vmem>>[vector<16xi32>], vector<16xf32>,
          %mul3A_376 = arith.mulf %mul3A_340, %gather3A_375 : vector<16xf32>
          %add3A_377 = arith.addf %scan3A_317, %mul3A_376 : vector<16xf32>
          %add3A_378 = arith.constant 66816 : i32
          %add3A_379 = vector.broadcast %add3A_378 : i32 to vector<16xi32>
          %add3A_380 = arith.addi %get3A_348, %add3A_379 : vector<16xi32>
          %gather3A_381 = tpu.vector_load_idx %arg7[%add3A_380] : memref<110592xf32, #tpu.memory_space<vmem>>[vector<16xi32>], vector<16xf32>,
          %mul3A_382 = arith.mulf %mul3A_340, %gather3A_381 : vector<16xf32>
          %add3A_383 = arith.addf %scan3A_318, %mul3A_382 : vector<16xf32>
          %add3A_384 = arith.constant 69120 : i32
          %add3A_385 = vector.broadcast %add3A_384 : i32 to vector<16xi32>
          %add3A_386 = arith.addi %get3A_348, %add3A_385 : vector<16xi32>
          %gather3A_387 = tpu.vector_load_idx %arg7[%add3A_386] : memref<110592xf32, #tpu.memory_space<vmem>>[vector<16xi32>], vector<16xf32>,
          %mul3A_388 = arith.mulf %mul3A_340, %gather3A_387 : vector<16xf32>
          %add3A_389 = arith.addf %scan3A_319, %mul3A_388 : vector<16xf32>
          %add3A_390 = arith.constant 71424 : i32
          %add3A_391 = vector.broadcast %add3A_390 : i32 to vector<16xi32>
          %add3A_392 = arith.addi %get3A_348, %add3A_391 : vector<16xi32>
          %gather3A_393 = tpu.vector_load_idx %arg7[%add3A_392] : memref<110592xf32, #tpu.memory_space<vmem>>[vector<16xi32>], vector<16xf32>,
          %mul3A_394 = arith.mulf %mul3A_340, %gather3A_393 : vector<16xf32>
          %add3A_395 = arith.addf %scan3A_320, %mul3A_394 : vector<16xf32>
          %add3A_396 = arith.constant 73728 : i32
          %add3A_397 = vector.broadcast %add3A_396 : i32 to vector<16xi32>
          %add3A_398 = arith.addi %get3A_348, %add3A_397 : vector<16xi32>
          %gather3A_399 = tpu.vector_load_idx %arg7[%add3A_398] : memref<110592xf32, #tpu.memory_space<vmem>>[vector<16xi32>], vector<16xf32>,
          %mul3A_400 = arith.mulf %mul3A_340, %gather3A_399 : vector<16xf32>
          %add3A_401 = arith.addf %scan3A_321, %mul3A_400 : vector<16xf32>
          %add3A_402 = arith.constant 76032 : i32
          %add3A_403 = vector.broadcast %add3A_402 : i32 to vector<16xi32>
          %add3A_404 = arith.addi %get3A_348, %add3A_403 : vector<16xi32>
          %gather3A_405 = tpu.vector_load_idx %arg7[%add3A_404] : memref<110592xf32, #tpu.memory_space<vmem>>[vector<16xi32>], vector<16xf32>,
          %mul3A_406 = arith.mulf %mul3A_340, %gather3A_405 : vector<16xf32>
          %add3A_407 = arith.addf %scan3A_322, %mul3A_406 : vector<16xf32>
          %add3A_408 = arith.constant 78336 : i32
          %add3A_409 = vector.broadcast %add3A_408 : i32 to vector<16xi32>
          %add3A_410 = arith.addi %get3A_348, %add3A_409 : vector<16xi32>
          %gather3A_411 = tpu.vector_load_idx %arg7[%add3A_410] : memref<110592xf32, #tpu.memory_space<vmem>>[vector<16xi32>], vector<16xf32>,
          %mul3A_412 = arith.mulf %mul3A_340, %gather3A_411 : vector<16xf32>
          %add3A_413 = arith.addf %scan3A_323, %mul3A_412 : vector<16xf32>
          %add3A_414 = arith.constant 80640 : i32
          %add3A_415 = vector.broadcast %add3A_414 : i32 to vector<16xi32>
          %add3A_416 = arith.addi %get3A_348, %add3A_415 : vector<16xi32>
          %gather3A_417 = tpu.vector_load_idx %arg7[%add3A_416] : memref<110592xf32, #tpu.memory_space<vmem>>[vector<16xi32>], vector<16xf32>,
          %mul3A_418 = arith.mulf %mul3A_340, %gather3A_417 : vector<16xf32>
          %add3A_419 = arith.addf %scan3A_324, %mul3A_418 : vector<16xf32>
          %mul3A_420 = arith.constant 4 : i32
          %mul3A_421 = arith.muli %add3A_326, %mul3A_420 : i32
          %add3A_422 = arith.constant 1 : i32
          %add3A_423 = arith.addi %mul3A_421, %add3A_422 : i32
          %mul3A_424 = arith.constant 16 : i32
          %mul3A_425 = arith.muli %add3A_423, %mul3A_424 : i32
          %get3A_426 = arith.index_cast %mul3A_425 : i32 to index
          %get3A_427 = tpu.vector_load %arg11[%get3A_426] {strides = array<i32>} : memref<1152xf32, #tpu.memory_space<vmem>>, vector<16xf32>,
          %mul3A_428 = arith.mulf %mul3A_331, %get3A_427 : vector<16xf32>
          %mul3A_429 = arith.constant 4 : i32
          %mul3A_430 = arith.muli %add3A_326, %mul3A_429 : i32
          %add3A_431 = arith.constant 1 : i32
          %add3A_432 = arith.addi %mul3A_430, %add3A_431 : i32
          %mul3A_433 = arith.constant 16 : i32
          %mul3A_434 = arith.muli %add3A_432, %mul3A_433 : i32
          %get3A_435 = arith.index_cast %mul3A_434 : i32 to index
          %get3A_436 = tpu.vector_load %arg12[%get3A_435] {strides = array<i32>} : memref<1152xi32, #tpu.memory_space<vmem>>, vector<16xi32>,
          %add3A_437 = arith.constant 55296 : i32
          %add3A_438 = vector.broadcast %add3A_437 : i32 to vector<16xi32>
          %add3A_439 = arith.addi %get3A_436, %add3A_438 : vector<16xi32>
          %gather3A_440 = tpu.vector_load_idx %arg7[%add3A_439] : memref<110592xf32, #tpu.memory_space<vmem>>[vector<16xi32>], vector<16xf32>,
          %mul3A_441 = arith.mulf %mul3A_428, %gather3A_440 : vector<16xf32>
          %add3A_442 = arith.addf %add3A_353, %mul3A_441 : vector<16xf32>
          %add3A_443 = arith.constant 57600 : i32
          %add3A_444 = vector.broadcast %add3A_443 : i32 to vector<16xi32>
          %add3A_445 = arith.addi %get3A_436, %add3A_444 : vector<16xi32>
          %gather3A_446 = tpu.vector_load_idx %arg7[%add3A_445] : memref<110592xf32, #tpu.memory_space<vmem>>[vector<16xi32>], vector<16xf32>,
          %mul3A_447 = arith.mulf %mul3A_428, %gather3A_446 : vector<16xf32>
          %add3A_448 = arith.addf %add3A_359, %mul3A_447 : vector<16xf32>
          %add3A_449 = arith.constant 59904 : i32
          %add3A_450 = vector.broadcast %add3A_449 : i32 to vector<16xi32>
          %add3A_451 = arith.addi %get3A_436, %add3A_450 : vector<16xi32>
          %gather3A_452 = tpu.vector_load_idx %arg7[%add3A_451] : memref<110592xf32, #tpu.memory_space<vmem>>[vector<16xi32>], vector<16xf32>,
          %mul3A_453 = arith.mulf %mul3A_428, %gather3A_452 : vector<16xf32>
          %add3A_454 = arith.addf %add3A_365, %mul3A_453 : vector<16xf32>
          %add3A_455 = arith.constant 62208 : i32
          %add3A_456 = vector.broadcast %add3A_455 : i32 to vector<16xi32>
          %add3A_457 = arith.addi %get3A_436, %add3A_456 : vector<16xi32>
          %gather3A_458 = tpu.vector_load_idx %arg7[%add3A_457] : memref<110592xf32, #tpu.memory_space<vmem>>[vector<16xi32>], vector<16xf32>,
          %mul3A_459 = arith.mulf %mul3A_428, %gather3A_458 : vector<16xf32>
          %add3A_460 = arith.addf %add3A_371, %mul3A_459 : vector<16xf32>
          %add3A_461 = arith.constant 64512 : i32
          %add3A_462 = vector.broadcast %add3A_461 : i32 to vector<16xi32>
          %add3A_463 = arith.addi %get3A_436, %add3A_462 : vector<16xi32>
          %gather3A_464 = tpu.vector_load_idx %arg7[%add3A_463] : memref<110592xf32, #tpu.memory_space<vmem>>[vector<16xi32>], vector<16xf32>,
          %mul3A_465 = arith.mulf %mul3A_428, %gather3A_464 : vector<16xf32>
          %add3A_466 = arith.addf %add3A_377, %mul3A_465 : vector<16xf32>
          %add3A_467 = arith.constant 66816 : i32
          %add3A_468 = vector.broadcast %add3A_467 : i32 to vector<16xi32>
          %add3A_469 = arith.addi %get3A_436, %add3A_468 : vector<16xi32>
          %gather3A_470 = tpu.vector_load_idx %arg7[%add3A_469] : memref<110592xf32, #tpu.memory_space<vmem>>[vector<16xi32>], vector<16xf32>,
          %mul3A_471 = arith.mulf %mul3A_428, %gather3A_470 : vector<16xf32>
          %add3A_472 = arith.addf %add3A_383, %mul3A_471 : vector<16xf32>
          %add3A_473 = arith.constant 69120 : i32
          %add3A_474 = vector.broadcast %add3A_473 : i32 to vector<16xi32>
          %add3A_475 = arith.addi %get3A_436, %add3A_474 : vector<16xi32>
          %gather3A_476 = tpu.vector_load_idx %arg7[%add3A_475] : memref<110592xf32, #tpu.memory_space<vmem>>[vector<16xi32>], vector<16xf32>,
          %mul3A_477 = arith.mulf %mul3A_428, %gather3A_476 : vector<16xf32>
          %add3A_478 = arith.addf %add3A_389, %mul3A_477 : vector<16xf32>
          %add3A_479 = arith.constant 71424 : i32
          %add3A_480 = vector.broadcast %add3A_479 : i32 to vector<16xi32>
          %add3A_481 = arith.addi %get3A_436, %add3A_480 : vector<16xi32>
          %gather3A_482 = tpu.vector_load_idx %arg7[%add3A_481] : memref<110592xf32, #tpu.memory_space<vmem>>[vector<16xi32>], vector<16xf32>,
          %mul3A_483 = arith.mulf %mul3A_428, %gather3A_482 : vector<16xf32>
          %add3A_484 = arith.addf %add3A_395, %mul3A_483 : vector<16xf32>
          %add3A_485 = arith.constant 73728 : i32
          %add3A_486 = vector.broadcast %add3A_485 : i32 to vector<16xi32>
          %add3A_487 = arith.addi %get3A_436, %add3A_486 : vector<16xi32>
          %gather3A_488 = tpu.vector_load_idx %arg7[%add3A_487] : memref<110592xf32, #tpu.memory_space<vmem>>[vector<16xi32>], vector<16xf32>,
          %mul3A_489 = arith.mulf %mul3A_428, %gather3A_488 : vector<16xf32>
          %add3A_490 = arith.addf %add3A_401, %mul3A_489 : vector<16xf32>
          %add3A_491 = arith.constant 76032 : i32
          %add3A_492 = vector.broadcast %add3A_491 : i32 to vector<16xi32>
          %add3A_493 = arith.addi %get3A_436, %add3A_492 : vector<16xi32>
          %gather3A_494 = tpu.vector_load_idx %arg7[%add3A_493] : memref<110592xf32, #tpu.memory_space<vmem>>[vector<16xi32>], vector<16xf32>,
          %mul3A_495 = arith.mulf %mul3A_428, %gather3A_494 : vector<16xf32>
          %add3A_496 = arith.addf %add3A_407, %mul3A_495 : vector<16xf32>
          %add3A_497 = arith.constant 78336 : i32
          %add3A_498 = vector.broadcast %add3A_497 : i32 to vector<16xi32>
          %add3A_499 = arith.addi %get3A_436, %add3A_498 : vector<16xi32>
          %gather3A_500 = tpu.vector_load_idx %arg7[%add3A_499] : memref<110592xf32, #tpu.memory_space<vmem>>[vector<16xi32>], vector<16xf32>,
          %mul3A_501 = arith.mulf %mul3A_428, %gather3A_500 : vector<16xf32>
          %add3A_502 = arith.addf %add3A_413, %mul3A_501 : vector<16xf32>
          %add3A_503 = arith.constant 80640 : i32
          %add3A_504 = vector.broadcast %add3A_503 : i32 to vector<16xi32>
          %add3A_505 = arith.addi %get3A_436, %add3A_504 : vector<16xi32>
          %gather3A_506 = tpu.vector_load_idx %arg7[%add3A_505] : memref<110592xf32, #tpu.memory_space<vmem>>[vector<16xi32>], vector<16xf32>,
          %mul3A_507 = arith.mulf %mul3A_428, %gather3A_506 : vector<16xf32>
          %add3A_508 = arith.addf %add3A_419, %mul3A_507 : vector<16xf32>
          %mul3A_509 = arith.constant 4 : i32
          %mul3A_510 = arith.muli %add3A_326, %mul3A_509 : i32
          %add3A_511 = arith.constant 2 : i32
          %add3A_512 = arith.addi %mul3A_510, %add3A_511 : i32
          %mul3A_513 = arith.constant 16 : i32
          %mul3A_514 = arith.muli %add3A_512, %mul3A_513 : i32
          %get3A_515 = arith.index_cast %mul3A_514 : i32 to index
          %get3A_516 = tpu.vector_load %arg11[%get3A_515] {strides = array<i32>} : memref<1152xf32, #tpu.memory_space<vmem>>, vector<16xf32>,
          %mul3A_517 = arith.mulf %mul3A_331, %get3A_516 : vector<16xf32>
          %mul3A_518 = arith.constant 4 : i32
          %mul3A_519 = arith.muli %add3A_326, %mul3A_518 : i32
          %add3A_520 = arith.constant 2 : i32
          %add3A_521 = arith.addi %mul3A_519, %add3A_520 : i32
          %mul3A_522 = arith.constant 16 : i32
          %mul3A_523 = arith.muli %add3A_521, %mul3A_522 : i32
          %get3A_524 = arith.index_cast %mul3A_523 : i32 to index
          %get3A_525 = tpu.vector_load %arg12[%get3A_524] {strides = array<i32>} : memref<1152xi32, #tpu.memory_space<vmem>>, vector<16xi32>,
          %add3A_526 = arith.constant 55296 : i32
          %add3A_527 = vector.broadcast %add3A_526 : i32 to vector<16xi32>
          %add3A_528 = arith.addi %get3A_525, %add3A_527 : vector<16xi32>
          %gather3A_529 = tpu.vector_load_idx %arg7[%add3A_528] : memref<110592xf32, #tpu.memory_space<vmem>>[vector<16xi32>], vector<16xf32>,
          %mul3A_530 = arith.mulf %mul3A_517, %gather3A_529 : vector<16xf32>
          %add3A_531 = arith.addf %add3A_442, %mul3A_530 : vector<16xf32>
          %add3A_532 = arith.constant 57600 : i32
          %add3A_533 = vector.broadcast %add3A_532 : i32 to vector<16xi32>
          %add3A_534 = arith.addi %get3A_525, %add3A_533 : vector<16xi32>
          %gather3A_535 = tpu.vector_load_idx %arg7[%add3A_534] : memref<110592xf32, #tpu.memory_space<vmem>>[vector<16xi32>], vector<16xf32>,
          %mul3A_536 = arith.mulf %mul3A_517, %gather3A_535 : vector<16xf32>
          %add3A_537 = arith.addf %add3A_448, %mul3A_536 : vector<16xf32>
          %add3A_538 = arith.constant 59904 : i32
          %add3A_539 = vector.broadcast %add3A_538 : i32 to vector<16xi32>
          %add3A_540 = arith.addi %get3A_525, %add3A_539 : vector<16xi32>
          %gather3A_541 = tpu.vector_load_idx %arg7[%add3A_540] : memref<110592xf32, #tpu.memory_space<vmem>>[vector<16xi32>], vector<16xf32>,
          %mul3A_542 = arith.mulf %mul3A_517, %gather3A_541 : vector<16xf32>
          %add3A_543 = arith.addf %add3A_454, %mul3A_542 : vector<16xf32>
          %add3A_544 = arith.constant 62208 : i32
          %add3A_545 = vector.broadcast %add3A_544 : i32 to vector<16xi32>
          %add3A_546 = arith.addi %get3A_525, %add3A_545 : vector<16xi32>
          %gather3A_547 = tpu.vector_load_idx %arg7[%add3A_546] : memref<110592xf32, #tpu.memory_space<vmem>>[vector<16xi32>], vector<16xf32>,
          %mul3A_548 = arith.mulf %mul3A_517, %gather3A_547 : vector<16xf32>
          %add3A_549 = arith.addf %add3A_460, %mul3A_548 : vector<16xf32>
          %add3A_550 = arith.constant 64512 : i32
          %add3A_551 = vector.broadcast %add3A_550 : i32 to vector<16xi32>
          %add3A_552 = arith.addi %get3A_525, %add3A_551 : vector<16xi32>
          %gather3A_553 = tpu.vector_load_idx %arg7[%add3A_552] : memref<110592xf32, #tpu.memory_space<vmem>>[vector<16xi32>], vector<16xf32>,
          %mul3A_554 = arith.mulf %mul3A_517, %gather3A_553 : vector<16xf32>
          %add3A_555 = arith.addf %add3A_466, %mul3A_554 : vector<16xf32>
          %add3A_556 = arith.constant 66816 : i32
          %add3A_557 = vector.broadcast %add3A_556 : i32 to vector<16xi32>
          %add3A_558 = arith.addi %get3A_525, %add3A_557 : vector<16xi32>
          %gather3A_559 = tpu.vector_load_idx %arg7[%add3A_558] : memref<110592xf32, #tpu.memory_space<vmem>>[vector<16xi32>], vector<16xf32>,
          %mul3A_560 = arith.mulf %mul3A_517, %gather3A_559 : vector<16xf32>
          %add3A_561 = arith.addf %add3A_472, %mul3A_560 : vector<16xf32>
          %add3A_562 = arith.constant 69120 : i32
          %add3A_563 = vector.broadcast %add3A_562 : i32 to vector<16xi32>
          %add3A_564 = arith.addi %get3A_525, %add3A_563 : vector<16xi32>
          %gather3A_565 = tpu.vector_load_idx %arg7[%add3A_564] : memref<110592xf32, #tpu.memory_space<vmem>>[vector<16xi32>], vector<16xf32>,
          %mul3A_566 = arith.mulf %mul3A_517, %gather3A_565 : vector<16xf32>
          %add3A_567 = arith.addf %add3A_478, %mul3A_566 : vector<16xf32>
          %add3A_568 = arith.constant 71424 : i32
          %add3A_569 = vector.broadcast %add3A_568 : i32 to vector<16xi32>
          %add3A_570 = arith.addi %get3A_525, %add3A_569 : vector<16xi32>
          %gather3A_571 = tpu.vector_load_idx %arg7[%add3A_570] : memref<110592xf32, #tpu.memory_space<vmem>>[vector<16xi32>], vector<16xf32>,
          %mul3A_572 = arith.mulf %mul3A_517, %gather3A_571 : vector<16xf32>
          %add3A_573 = arith.addf %add3A_484, %mul3A_572 : vector<16xf32>
          %add3A_574 = arith.constant 73728 : i32
          %add3A_575 = vector.broadcast %add3A_574 : i32 to vector<16xi32>
          %add3A_576 = arith.addi %get3A_525, %add3A_575 : vector<16xi32>
          %gather3A_577 = tpu.vector_load_idx %arg7[%add3A_576] : memref<110592xf32, #tpu.memory_space<vmem>>[vector<16xi32>], vector<16xf32>,
          %mul3A_578 = arith.mulf %mul3A_517, %gather3A_577 : vector<16xf32>
          %add3A_579 = arith.addf %add3A_490, %mul3A_578 : vector<16xf32>
          %add3A_580 = arith.constant 76032 : i32
          %add3A_581 = vector.broadcast %add3A_580 : i32 to vector<16xi32>
          %add3A_582 = arith.addi %get3A_525, %add3A_581 : vector<16xi32>
          %gather3A_583 = tpu.vector_load_idx %arg7[%add3A_582] : memref<110592xf32, #tpu.memory_space<vmem>>[vector<16xi32>], vector<16xf32>,
          %mul3A_584 = arith.mulf %mul3A_517, %gather3A_583 : vector<16xf32>
          %add3A_585 = arith.addf %add3A_496, %mul3A_584 : vector<16xf32>
          %add3A_586 = arith.constant 78336 : i32
          %add3A_587 = vector.broadcast %add3A_586 : i32 to vector<16xi32>
          %add3A_588 = arith.addi %get3A_525, %add3A_587 : vector<16xi32>
          %gather3A_589 = tpu.vector_load_idx %arg7[%add3A_588] : memref<110592xf32, #tpu.memory_space<vmem>>[vector<16xi32>], vector<16xf32>,
          %mul3A_590 = arith.mulf %mul3A_517, %gather3A_589 : vector<16xf32>
          %add3A_591 = arith.addf %add3A_502, %mul3A_590 : vector<16xf32>
          %add3A_592 = arith.constant 80640 : i32
          %add3A_593 = vector.broadcast %add3A_592 : i32 to vector<16xi32>
          %add3A_594 = arith.addi %get3A_525, %add3A_593 : vector<16xi32>
          %gather3A_595 = tpu.vector_load_idx %arg7[%add3A_594] : memref<110592xf32, #tpu.memory_space<vmem>>[vector<16xi32>], vector<16xf32>,
          %mul3A_596 = arith.mulf %mul3A_517, %gather3A_595 : vector<16xf32>
          %add3A_597 = arith.addf %add3A_508, %mul3A_596 : vector<16xf32>
          %mul3A_598 = arith.constant 4 : i32
          %mul3A_599 = arith.muli %add3A_326, %mul3A_598 : i32
          %add3A_600 = arith.constant 3 : i32
          %add3A_601 = arith.addi %mul3A_599, %add3A_600 : i32
          %mul3A_602 = arith.constant 16 : i32
          %mul3A_603 = arith.muli %add3A_601, %mul3A_602 : i32
          %get3A_604 = arith.index_cast %mul3A_603 : i32 to index
          %get3A_605 = tpu.vector_load %arg11[%get3A_604] {strides = array<i32>} : memref<1152xf32, #tpu.memory_space<vmem>>, vector<16xf32>,
          %mul3A_606 = arith.mulf %mul3A_331, %get3A_605 : vector<16xf32>
          %mul3A_607 = arith.constant 4 : i32
          %mul3A_608 = arith.muli %add3A_326, %mul3A_607 : i32
          %add3A_609 = arith.constant 3 : i32
          %add3A_610 = arith.addi %mul3A_608, %add3A_609 : i32
          %mul3A_611 = arith.constant 16 : i32
          %mul3A_612 = arith.muli %add3A_610, %mul3A_611 : i32
          %get3A_613 = arith.index_cast %mul3A_612 : i32 to index
          %get3A_614 = tpu.vector_load %arg12[%get3A_613] {strides = array<i32>} : memref<1152xi32, #tpu.memory_space<vmem>>, vector<16xi32>,
          %add3A_615 = arith.constant 55296 : i32
          %add3A_616 = vector.broadcast %add3A_615 : i32 to vector<16xi32>
          %add3A_617 = arith.addi %get3A_614, %add3A_616 : vector<16xi32>
          %gather3A_618 = tpu.vector_load_idx %arg7[%add3A_617] : memref<110592xf32, #tpu.memory_space<vmem>>[vector<16xi32>], vector<16xf32>,
          %mul3A_619 = arith.mulf %mul3A_606, %gather3A_618 : vector<16xf32>
          %add3A_620 = arith.addf %add3A_531, %mul3A_619 : vector<16xf32>
          %add3A_621 = arith.constant 57600 : i32
          %add3A_622 = vector.broadcast %add3A_621 : i32 to vector<16xi32>
          %add3A_623 = arith.addi %get3A_614, %add3A_622 : vector<16xi32>
          %gather3A_624 = tpu.vector_load_idx %arg7[%add3A_623] : memref<110592xf32, #tpu.memory_space<vmem>>[vector<16xi32>], vector<16xf32>,
          %mul3A_625 = arith.mulf %mul3A_606, %gather3A_624 : vector<16xf32>
          %add3A_626 = arith.addf %add3A_537, %mul3A_625 : vector<16xf32>
          %add3A_627 = arith.constant 59904 : i32
          %add3A_628 = vector.broadcast %add3A_627 : i32 to vector<16xi32>
          %add3A_629 = arith.addi %get3A_614, %add3A_628 : vector<16xi32>
          %gather3A_630 = tpu.vector_load_idx %arg7[%add3A_629] : memref<110592xf32, #tpu.memory_space<vmem>>[vector<16xi32>], vector<16xf32>,
          %mul3A_631 = arith.mulf %mul3A_606, %gather3A_630 : vector<16xf32>
          %add3A_632 = arith.addf %add3A_543, %mul3A_631 : vector<16xf32>
          %add3A_633 = arith.constant 62208 : i32
          %add3A_634 = vector.broadcast %add3A_633 : i32 to vector<16xi32>
          %add3A_635 = arith.addi %get3A_614, %add3A_634 : vector<16xi32>
          %gather3A_636 = tpu.vector_load_idx %arg7[%add3A_635] : memref<110592xf32, #tpu.memory_space<vmem>>[vector<16xi32>], vector<16xf32>,
          %mul3A_637 = arith.mulf %mul3A_606, %gather3A_636 : vector<16xf32>
          %add3A_638 = arith.addf %add3A_549, %mul3A_637 : vector<16xf32>
          %add3A_639 = arith.constant 64512 : i32
          %add3A_640 = vector.broadcast %add3A_639 : i32 to vector<16xi32>
          %add3A_641 = arith.addi %get3A_614, %add3A_640 : vector<16xi32>
          %gather3A_642 = tpu.vector_load_idx %arg7[%add3A_641] : memref<110592xf32, #tpu.memory_space<vmem>>[vector<16xi32>], vector<16xf32>,
          %mul3A_643 = arith.mulf %mul3A_606, %gather3A_642 : vector<16xf32>
          %add3A_644 = arith.addf %add3A_555, %mul3A_643 : vector<16xf32>
          %add3A_645 = arith.constant 66816 : i32
          %add3A_646 = vector.broadcast %add3A_645 : i32 to vector<16xi32>
          %add3A_647 = arith.addi %get3A_614, %add3A_646 : vector<16xi32>
          %gather3A_648 = tpu.vector_load_idx %arg7[%add3A_647] : memref<110592xf32, #tpu.memory_space<vmem>>[vector<16xi32>], vector<16xf32>,
          %mul3A_649 = arith.mulf %mul3A_606, %gather3A_648 : vector<16xf32>
          %add3A_650 = arith.addf %add3A_561, %mul3A_649 : vector<16xf32>
          %add3A_651 = arith.constant 69120 : i32
          %add3A_652 = vector.broadcast %add3A_651 : i32 to vector<16xi32>
          %add3A_653 = arith.addi %get3A_614, %add3A_652 : vector<16xi32>
          %gather3A_654 = tpu.vector_load_idx %arg7[%add3A_653] : memref<110592xf32, #tpu.memory_space<vmem>>[vector<16xi32>], vector<16xf32>,
          %mul3A_655 = arith.mulf %mul3A_606, %gather3A_654 : vector<16xf32>
          %add3A_656 = arith.addf %add3A_567, %mul3A_655 : vector<16xf32>
          %add3A_657 = arith.constant 71424 : i32
          %add3A_658 = vector.broadcast %add3A_657 : i32 to vector<16xi32>
          %add3A_659 = arith.addi %get3A_614, %add3A_658 : vector<16xi32>
          %gather3A_660 = tpu.vector_load_idx %arg7[%add3A_659] : memref<110592xf32, #tpu.memory_space<vmem>>[vector<16xi32>], vector<16xf32>,
          %mul3A_661 = arith.mulf %mul3A_606, %gather3A_660 : vector<16xf32>
          %add3A_662 = arith.addf %add3A_573, %mul3A_661 : vector<16xf32>
          %add3A_663 = arith.constant 73728 : i32
          %add3A_664 = vector.broadcast %add3A_663 : i32 to vector<16xi32>
          %add3A_665 = arith.addi %get3A_614, %add3A_664 : vector<16xi32>
          %gather3A_666 = tpu.vector_load_idx %arg7[%add3A_665] : memref<110592xf32, #tpu.memory_space<vmem>>[vector<16xi32>], vector<16xf32>,
          %mul3A_667 = arith.mulf %mul3A_606, %gather3A_666 : vector<16xf32>
          %add3A_668 = arith.addf %add3A_579, %mul3A_667 : vector<16xf32>
          %add3A_669 = arith.constant 76032 : i32
          %add3A_670 = vector.broadcast %add3A_669 : i32 to vector<16xi32>
          %add3A_671 = arith.addi %get3A_614, %add3A_670 : vector<16xi32>
          %gather3A_672 = tpu.vector_load_idx %arg7[%add3A_671] : memref<110592xf32, #tpu.memory_space<vmem>>[vector<16xi32>], vector<16xf32>,
          %mul3A_673 = arith.mulf %mul3A_606, %gather3A_672 : vector<16xf32>
          %add3A_674 = arith.addf %add3A_585, %mul3A_673 : vector<16xf32>
          %add3A_675 = arith.constant 78336 : i32
          %add3A_676 = vector.broadcast %add3A_675 : i32 to vector<16xi32>
          %add3A_677 = arith.addi %get3A_614, %add3A_676 : vector<16xi32>
          %gather3A_678 = tpu.vector_load_idx %arg7[%add3A_677] : memref<110592xf32, #tpu.memory_space<vmem>>[vector<16xi32>], vector<16xf32>,
          %mul3A_679 = arith.mulf %mul3A_606, %gather3A_678 : vector<16xf32>
          %add3A_680 = arith.addf %add3A_591, %mul3A_679 : vector<16xf32>
          %add3A_681 = arith.constant 80640 : i32
          %add3A_682 = vector.broadcast %add3A_681 : i32 to vector<16xi32>
          %add3A_683 = arith.addi %get3A_614, %add3A_682 : vector<16xi32>
          %gather3A_684 = tpu.vector_load_idx %arg7[%add3A_683] : memref<110592xf32, #tpu.memory_space<vmem>>[vector<16xi32>], vector<16xf32>,
          %mul3A_685 = arith.mulf %mul3A_606, %gather3A_684 : vector<16xf32>
          %add3A_686 = arith.addf %add3A_597, %mul3A_685 : vector<16xf32>
          scf.yield %add3A_620, %add3A_626, %add3A_632, %add3A_638, %add3A_644, %add3A_650, %add3A_656, %add3A_662, %add3A_668, %add3A_674, %add3A_680, %add3A_686 : vector<16xf32>, vector<16xf32>, vector<16xf32>, vector<16xf32>, vector<16xf32>, vector<16xf32>, vector<16xf32>, vector<16xf32>, vector<16xf32>, vector<16xf32>, vector<16xf32>, vector<16xf32>
        }
        %scan3A_258 = arith.constant 9 : i32
        %scan3A_259 = arith.constant 0 : i32
        %scan3A_260 = arith.constant 9 : i32
        %scan3A_261 = arith.addi %scan3A_259, %scan3A_260 : i32
        %scan3A_262 = arith.constant 1 : i32
        %scan3A_263:12 = scf.for %scan3A_312 = %scan3A_259 to %scan3A_261 step %scan3A_262 iter_args(%scan3A_313 = %scan3A_257#0, %scan3A_314 = %scan3A_257#1, %scan3A_315 = %scan3A_257#2, %scan3A_316 = %scan3A_257#3, %scan3A_317 = %scan3A_257#4, %scan3A_318 = %scan3A_257#5, %scan3A_319 = %scan3A_257#6, %scan3A_320 = %scan3A_257#7, %scan3A_321 = %scan3A_257#8, %scan3A_322 = %scan3A_257#9, %scan3A_323 = %scan3A_257#10, %scan3A_324 = %scan3A_257#11) -> (vector<16xf32>, vector<16xf32>, vector<16xf32>, vector<16xf32>, vector<16xf32>, vector<16xf32>, vector<16xf32>, vector<16xf32>, vector<16xf32>, vector<16xf32>, vector<16xf32>, vector<16xf32>)  : i32 {
          %add3A_325 = arith.constant 9 : i32
          %add3A_326 = arith.addi %scan3A_312, %add3A_325 : i32
          %mul3A_327 = arith.constant 16 : i32
          %mul3A_328 = arith.muli %add3A_326, %mul3A_327 : i32
          %get3A_329 = arith.index_cast %mul3A_328 : i32 to index
          %get3A_330 = tpu.vector_load %arg13[%get3A_329] {strides = array<i32>} : memref<288xf32, #tpu.memory_space<vmem>>, vector<16xf32>,
          %mul3A_331 = arith.mulf %get3A_330, %div3A_250 : vector<16xf32>
          %mul3A_332 = arith.constant 4 : i32
          %mul3A_333 = arith.muli %add3A_326, %mul3A_332 : i32
          %add3A_334 = arith.constant 0 : i32
          %add3A_335 = arith.addi %mul3A_333, %add3A_334 : i32
          %mul3A_336 = arith.constant 16 : i32
          %mul3A_337 = arith.muli %add3A_335, %mul3A_336 : i32
          %get3A_338 = arith.index_cast %mul3A_337 : i32 to index
          %get3A_339 = tpu.vector_load %arg11[%get3A_338] {strides = array<i32>} : memref<1152xf32, #tpu.memory_space<vmem>>, vector<16xf32>,
          %mul3A_340 = arith.mulf %mul3A_331, %get3A_339 : vector<16xf32>
          %mul3A_341 = arith.constant 4 : i32
          %mul3A_342 = arith.muli %add3A_326, %mul3A_341 : i32
          %add3A_343 = arith.constant 0 : i32
          %add3A_344 = arith.addi %mul3A_342, %add3A_343 : i32
          %mul3A_345 = arith.constant 16 : i32
          %mul3A_346 = arith.muli %add3A_344, %mul3A_345 : i32
          %get3A_347 = arith.index_cast %mul3A_346 : i32 to index
          %get3A_348 = tpu.vector_load %arg12[%get3A_347] {strides = array<i32>} : memref<1152xi32, #tpu.memory_space<vmem>>, vector<16xi32>,
          %add3A_349 = arith.constant 82944 : i32
          %add3A_350 = vector.broadcast %add3A_349 : i32 to vector<16xi32>
          %add3A_351 = arith.addi %get3A_348, %add3A_350 : vector<16xi32>
          %gather3A = tpu.vector_load_idx %arg7[%add3A_351] : memref<110592xf32, #tpu.memory_space<vmem>>[vector<16xi32>], vector<16xf32>,
          %mul3A_352 = arith.mulf %mul3A_340, %gather3A : vector<16xf32>
          %add3A_353 = arith.addf %scan3A_313, %mul3A_352 : vector<16xf32>
          %add3A_354 = arith.constant 85248 : i32
          %add3A_355 = vector.broadcast %add3A_354 : i32 to vector<16xi32>
          %add3A_356 = arith.addi %get3A_348, %add3A_355 : vector<16xi32>
          %gather3A_357 = tpu.vector_load_idx %arg7[%add3A_356] : memref<110592xf32, #tpu.memory_space<vmem>>[vector<16xi32>], vector<16xf32>,
          %mul3A_358 = arith.mulf %mul3A_340, %gather3A_357 : vector<16xf32>
          %add3A_359 = arith.addf %scan3A_314, %mul3A_358 : vector<16xf32>
          %add3A_360 = arith.constant 87552 : i32
          %add3A_361 = vector.broadcast %add3A_360 : i32 to vector<16xi32>
          %add3A_362 = arith.addi %get3A_348, %add3A_361 : vector<16xi32>
          %gather3A_363 = tpu.vector_load_idx %arg7[%add3A_362] : memref<110592xf32, #tpu.memory_space<vmem>>[vector<16xi32>], vector<16xf32>,
          %mul3A_364 = arith.mulf %mul3A_340, %gather3A_363 : vector<16xf32>
          %add3A_365 = arith.addf %scan3A_315, %mul3A_364 : vector<16xf32>
          %add3A_366 = arith.constant 89856 : i32
          %add3A_367 = vector.broadcast %add3A_366 : i32 to vector<16xi32>
          %add3A_368 = arith.addi %get3A_348, %add3A_367 : vector<16xi32>
          %gather3A_369 = tpu.vector_load_idx %arg7[%add3A_368] : memref<110592xf32, #tpu.memory_space<vmem>>[vector<16xi32>], vector<16xf32>,
          %mul3A_370 = arith.mulf %mul3A_340, %gather3A_369 : vector<16xf32>
          %add3A_371 = arith.addf %scan3A_316, %mul3A_370 : vector<16xf32>
          %add3A_372 = arith.constant 92160 : i32
          %add3A_373 = vector.broadcast %add3A_372 : i32 to vector<16xi32>
          %add3A_374 = arith.addi %get3A_348, %add3A_373 : vector<16xi32>
          %gather3A_375 = tpu.vector_load_idx %arg7[%add3A_374] : memref<110592xf32, #tpu.memory_space<vmem>>[vector<16xi32>], vector<16xf32>,
          %mul3A_376 = arith.mulf %mul3A_340, %gather3A_375 : vector<16xf32>
          %add3A_377 = arith.addf %scan3A_317, %mul3A_376 : vector<16xf32>
          %add3A_378 = arith.constant 94464 : i32
          %add3A_379 = vector.broadcast %add3A_378 : i32 to vector<16xi32>
          %add3A_380 = arith.addi %get3A_348, %add3A_379 : vector<16xi32>
          %gather3A_381 = tpu.vector_load_idx %arg7[%add3A_380] : memref<110592xf32, #tpu.memory_space<vmem>>[vector<16xi32>], vector<16xf32>,
          %mul3A_382 = arith.mulf %mul3A_340, %gather3A_381 : vector<16xf32>
          %add3A_383 = arith.addf %scan3A_318, %mul3A_382 : vector<16xf32>
          %add3A_384 = arith.constant 96768 : i32
          %add3A_385 = vector.broadcast %add3A_384 : i32 to vector<16xi32>
          %add3A_386 = arith.addi %get3A_348, %add3A_385 : vector<16xi32>
          %gather3A_387 = tpu.vector_load_idx %arg7[%add3A_386] : memref<110592xf32, #tpu.memory_space<vmem>>[vector<16xi32>], vector<16xf32>,
          %mul3A_388 = arith.mulf %mul3A_340, %gather3A_387 : vector<16xf32>
          %add3A_389 = arith.addf %scan3A_319, %mul3A_388 : vector<16xf32>
          %add3A_390 = arith.constant 99072 : i32
          %add3A_391 = vector.broadcast %add3A_390 : i32 to vector<16xi32>
          %add3A_392 = arith.addi %get3A_348, %add3A_391 : vector<16xi32>
          %gather3A_393 = tpu.vector_load_idx %arg7[%add3A_392] : memref<110592xf32, #tpu.memory_space<vmem>>[vector<16xi32>], vector<16xf32>,
          %mul3A_394 = arith.mulf %mul3A_340, %gather3A_393 : vector<16xf32>
          %add3A_395 = arith.addf %scan3A_320, %mul3A_394 : vector<16xf32>
          %add3A_396 = arith.constant 101376 : i32
          %add3A_397 = vector.broadcast %add3A_396 : i32 to vector<16xi32>
          %add3A_398 = arith.addi %get3A_348, %add3A_397 : vector<16xi32>
          %gather3A_399 = tpu.vector_load_idx %arg7[%add3A_398] : memref<110592xf32, #tpu.memory_space<vmem>>[vector<16xi32>], vector<16xf32>,
          %mul3A_400 = arith.mulf %mul3A_340, %gather3A_399 : vector<16xf32>
          %add3A_401 = arith.addf %scan3A_321, %mul3A_400 : vector<16xf32>
          %add3A_402 = arith.constant 103680 : i32
          %add3A_403 = vector.broadcast %add3A_402 : i32 to vector<16xi32>
          %add3A_404 = arith.addi %get3A_348, %add3A_403 : vector<16xi32>
          %gather3A_405 = tpu.vector_load_idx %arg7[%add3A_404] : memref<110592xf32, #tpu.memory_space<vmem>>[vector<16xi32>], vector<16xf32>,
          %mul3A_406 = arith.mulf %mul3A_340, %gather3A_405 : vector<16xf32>
          %add3A_407 = arith.addf %scan3A_322, %mul3A_406 : vector<16xf32>
          %add3A_408 = arith.constant 105984 : i32
          %add3A_409 = vector.broadcast %add3A_408 : i32 to vector<16xi32>
          %add3A_410 = arith.addi %get3A_348, %add3A_409 : vector<16xi32>
          %gather3A_411 = tpu.vector_load_idx %arg7[%add3A_410] : memref<110592xf32, #tpu.memory_space<vmem>>[vector<16xi32>], vector<16xf32>,
          %mul3A_412 = arith.mulf %mul3A_340, %gather3A_411 : vector<16xf32>
          %add3A_413 = arith.addf %scan3A_323, %mul3A_412 : vector<16xf32>
          %add3A_414 = arith.constant 108288 : i32
          %add3A_415 = vector.broadcast %add3A_414 : i32 to vector<16xi32>
          %add3A_416 = arith.addi %get3A_348, %add3A_415 : vector<16xi32>
          %gather3A_417 = tpu.vector_load_idx %arg7[%add3A_416] : memref<110592xf32, #tpu.memory_space<vmem>>[vector<16xi32>], vector<16xf32>,
          %mul3A_418 = arith.mulf %mul3A_340, %gather3A_417 : vector<16xf32>
          %add3A_419 = arith.addf %scan3A_324, %mul3A_418 : vector<16xf32>
          %mul3A_420 = arith.constant 4 : i32
          %mul3A_421 = arith.muli %add3A_326, %mul3A_420 : i32
          %add3A_422 = arith.constant 1 : i32
          %add3A_423 = arith.addi %mul3A_421, %add3A_422 : i32
          %mul3A_424 = arith.constant 16 : i32
          %mul3A_425 = arith.muli %add3A_423, %mul3A_424 : i32
          %get3A_426 = arith.index_cast %mul3A_425 : i32 to index
          %get3A_427 = tpu.vector_load %arg11[%get3A_426] {strides = array<i32>} : memref<1152xf32, #tpu.memory_space<vmem>>, vector<16xf32>,
          %mul3A_428 = arith.mulf %mul3A_331, %get3A_427 : vector<16xf32>
          %mul3A_429 = arith.constant 4 : i32
          %mul3A_430 = arith.muli %add3A_326, %mul3A_429 : i32
          %add3A_431 = arith.constant 1 : i32
          %add3A_432 = arith.addi %mul3A_430, %add3A_431 : i32
          %mul3A_433 = arith.constant 16 : i32
          %mul3A_434 = arith.muli %add3A_432, %mul3A_433 : i32
          %get3A_435 = arith.index_cast %mul3A_434 : i32 to index
          %get3A_436 = tpu.vector_load %arg12[%get3A_435] {strides = array<i32>} : memref<1152xi32, #tpu.memory_space<vmem>>, vector<16xi32>,
          %add3A_437 = arith.constant 82944 : i32
          %add3A_438 = vector.broadcast %add3A_437 : i32 to vector<16xi32>
          %add3A_439 = arith.addi %get3A_436, %add3A_438 : vector<16xi32>
          %gather3A_440 = tpu.vector_load_idx %arg7[%add3A_439] : memref<110592xf32, #tpu.memory_space<vmem>>[vector<16xi32>], vector<16xf32>,
          %mul3A_441 = arith.mulf %mul3A_428, %gather3A_440 : vector<16xf32>
          %add3A_442 = arith.addf %add3A_353, %mul3A_441 : vector<16xf32>
          %add3A_443 = arith.constant 85248 : i32
          %add3A_444 = vector.broadcast %add3A_443 : i32 to vector<16xi32>
          %add3A_445 = arith.addi %get3A_436, %add3A_444 : vector<16xi32>
          %gather3A_446 = tpu.vector_load_idx %arg7[%add3A_445] : memref<110592xf32, #tpu.memory_space<vmem>>[vector<16xi32>], vector<16xf32>,
          %mul3A_447 = arith.mulf %mul3A_428, %gather3A_446 : vector<16xf32>
          %add3A_448 = arith.addf %add3A_359, %mul3A_447 : vector<16xf32>
          %add3A_449 = arith.constant 87552 : i32
          %add3A_450 = vector.broadcast %add3A_449 : i32 to vector<16xi32>
          %add3A_451 = arith.addi %get3A_436, %add3A_450 : vector<16xi32>
          %gather3A_452 = tpu.vector_load_idx %arg7[%add3A_451] : memref<110592xf32, #tpu.memory_space<vmem>>[vector<16xi32>], vector<16xf32>,
          %mul3A_453 = arith.mulf %mul3A_428, %gather3A_452 : vector<16xf32>
          %add3A_454 = arith.addf %add3A_365, %mul3A_453 : vector<16xf32>
          %add3A_455 = arith.constant 89856 : i32
          %add3A_456 = vector.broadcast %add3A_455 : i32 to vector<16xi32>
          %add3A_457 = arith.addi %get3A_436, %add3A_456 : vector<16xi32>
          %gather3A_458 = tpu.vector_load_idx %arg7[%add3A_457] : memref<110592xf32, #tpu.memory_space<vmem>>[vector<16xi32>], vector<16xf32>,
          %mul3A_459 = arith.mulf %mul3A_428, %gather3A_458 : vector<16xf32>
          %add3A_460 = arith.addf %add3A_371, %mul3A_459 : vector<16xf32>
          %add3A_461 = arith.constant 92160 : i32
          %add3A_462 = vector.broadcast %add3A_461 : i32 to vector<16xi32>
          %add3A_463 = arith.addi %get3A_436, %add3A_462 : vector<16xi32>
          %gather3A_464 = tpu.vector_load_idx %arg7[%add3A_463] : memref<110592xf32, #tpu.memory_space<vmem>>[vector<16xi32>], vector<16xf32>,
          %mul3A_465 = arith.mulf %mul3A_428, %gather3A_464 : vector<16xf32>
          %add3A_466 = arith.addf %add3A_377, %mul3A_465 : vector<16xf32>
          %add3A_467 = arith.constant 94464 : i32
          %add3A_468 = vector.broadcast %add3A_467 : i32 to vector<16xi32>
          %add3A_469 = arith.addi %get3A_436, %add3A_468 : vector<16xi32>
          %gather3A_470 = tpu.vector_load_idx %arg7[%add3A_469] : memref<110592xf32, #tpu.memory_space<vmem>>[vector<16xi32>], vector<16xf32>,
          %mul3A_471 = arith.mulf %mul3A_428, %gather3A_470 : vector<16xf32>
          %add3A_472 = arith.addf %add3A_383, %mul3A_471 : vector<16xf32>
          %add3A_473 = arith.constant 96768 : i32
          %add3A_474 = vector.broadcast %add3A_473 : i32 to vector<16xi32>
          %add3A_475 = arith.addi %get3A_436, %add3A_474 : vector<16xi32>
          %gather3A_476 = tpu.vector_load_idx %arg7[%add3A_475] : memref<110592xf32, #tpu.memory_space<vmem>>[vector<16xi32>], vector<16xf32>,
          %mul3A_477 = arith.mulf %mul3A_428, %gather3A_476 : vector<16xf32>
          %add3A_478 = arith.addf %add3A_389, %mul3A_477 : vector<16xf32>
          %add3A_479 = arith.constant 99072 : i32
          %add3A_480 = vector.broadcast %add3A_479 : i32 to vector<16xi32>
          %add3A_481 = arith.addi %get3A_436, %add3A_480 : vector<16xi32>
          %gather3A_482 = tpu.vector_load_idx %arg7[%add3A_481] : memref<110592xf32, #tpu.memory_space<vmem>>[vector<16xi32>], vector<16xf32>,
          %mul3A_483 = arith.mulf %mul3A_428, %gather3A_482 : vector<16xf32>
          %add3A_484 = arith.addf %add3A_395, %mul3A_483 : vector<16xf32>
          %add3A_485 = arith.constant 101376 : i32
          %add3A_486 = vector.broadcast %add3A_485 : i32 to vector<16xi32>
          %add3A_487 = arith.addi %get3A_436, %add3A_486 : vector<16xi32>
          %gather3A_488 = tpu.vector_load_idx %arg7[%add3A_487] : memref<110592xf32, #tpu.memory_space<vmem>>[vector<16xi32>], vector<16xf32>,
          %mul3A_489 = arith.mulf %mul3A_428, %gather3A_488 : vector<16xf32>
          %add3A_490 = arith.addf %add3A_401, %mul3A_489 : vector<16xf32>
          %add3A_491 = arith.constant 103680 : i32
          %add3A_492 = vector.broadcast %add3A_491 : i32 to vector<16xi32>
          %add3A_493 = arith.addi %get3A_436, %add3A_492 : vector<16xi32>
          %gather3A_494 = tpu.vector_load_idx %arg7[%add3A_493] : memref<110592xf32, #tpu.memory_space<vmem>>[vector<16xi32>], vector<16xf32>,
          %mul3A_495 = arith.mulf %mul3A_428, %gather3A_494 : vector<16xf32>
          %add3A_496 = arith.addf %add3A_407, %mul3A_495 : vector<16xf32>
          %add3A_497 = arith.constant 105984 : i32
          %add3A_498 = vector.broadcast %add3A_497 : i32 to vector<16xi32>
          %add3A_499 = arith.addi %get3A_436, %add3A_498 : vector<16xi32>
          %gather3A_500 = tpu.vector_load_idx %arg7[%add3A_499] : memref<110592xf32, #tpu.memory_space<vmem>>[vector<16xi32>], vector<16xf32>,
          %mul3A_501 = arith.mulf %mul3A_428, %gather3A_500 : vector<16xf32>
          %add3A_502 = arith.addf %add3A_413, %mul3A_501 : vector<16xf32>
          %add3A_503 = arith.constant 108288 : i32
          %add3A_504 = vector.broadcast %add3A_503 : i32 to vector<16xi32>
          %add3A_505 = arith.addi %get3A_436, %add3A_504 : vector<16xi32>
          %gather3A_506 = tpu.vector_load_idx %arg7[%add3A_505] : memref<110592xf32, #tpu.memory_space<vmem>>[vector<16xi32>], vector<16xf32>,
          %mul3A_507 = arith.mulf %mul3A_428, %gather3A_506 : vector<16xf32>
          %add3A_508 = arith.addf %add3A_419, %mul3A_507 : vector<16xf32>
          %mul3A_509 = arith.constant 4 : i32
          %mul3A_510 = arith.muli %add3A_326, %mul3A_509 : i32
          %add3A_511 = arith.constant 2 : i32
          %add3A_512 = arith.addi %mul3A_510, %add3A_511 : i32
          %mul3A_513 = arith.constant 16 : i32
          %mul3A_514 = arith.muli %add3A_512, %mul3A_513 : i32
          %get3A_515 = arith.index_cast %mul3A_514 : i32 to index
          %get3A_516 = tpu.vector_load %arg11[%get3A_515] {strides = array<i32>} : memref<1152xf32, #tpu.memory_space<vmem>>, vector<16xf32>,
          %mul3A_517 = arith.mulf %mul3A_331, %get3A_516 : vector<16xf32>
          %mul3A_518 = arith.constant 4 : i32
          %mul3A_519 = arith.muli %add3A_326, %mul3A_518 : i32
          %add3A_520 = arith.constant 2 : i32
          %add3A_521 = arith.addi %mul3A_519, %add3A_520 : i32
          %mul3A_522 = arith.constant 16 : i32
          %mul3A_523 = arith.muli %add3A_521, %mul3A_522 : i32
          %get3A_524 = arith.index_cast %mul3A_523 : i32 to index
          %get3A_525 = tpu.vector_load %arg12[%get3A_524] {strides = array<i32>} : memref<1152xi32, #tpu.memory_space<vmem>>, vector<16xi32>,
          %add3A_526 = arith.constant 82944 : i32
          %add3A_527 = vector.broadcast %add3A_526 : i32 to vector<16xi32>
          %add3A_528 = arith.addi %get3A_525, %add3A_527 : vector<16xi32>
          %gather3A_529 = tpu.vector_load_idx %arg7[%add3A_528] : memref<110592xf32, #tpu.memory_space<vmem>>[vector<16xi32>], vector<16xf32>,
          %mul3A_530 = arith.mulf %mul3A_517, %gather3A_529 : vector<16xf32>
          %add3A_531 = arith.addf %add3A_442, %mul3A_530 : vector<16xf32>
          %add3A_532 = arith.constant 85248 : i32
          %add3A_533 = vector.broadcast %add3A_532 : i32 to vector<16xi32>
          %add3A_534 = arith.addi %get3A_525, %add3A_533 : vector<16xi32>
          %gather3A_535 = tpu.vector_load_idx %arg7[%add3A_534] : memref<110592xf32, #tpu.memory_space<vmem>>[vector<16xi32>], vector<16xf32>,
          %mul3A_536 = arith.mulf %mul3A_517, %gather3A_535 : vector<16xf32>
          %add3A_537 = arith.addf %add3A_448, %mul3A_536 : vector<16xf32>
          %add3A_538 = arith.constant 87552 : i32
          %add3A_539 = vector.broadcast %add3A_538 : i32 to vector<16xi32>
          %add3A_540 = arith.addi %get3A_525, %add3A_539 : vector<16xi32>
          %gather3A_541 = tpu.vector_load_idx %arg7[%add3A_540] : memref<110592xf32, #tpu.memory_space<vmem>>[vector<16xi32>], vector<16xf32>,
          %mul3A_542 = arith.mulf %mul3A_517, %gather3A_541 : vector<16xf32>
          %add3A_543 = arith.addf %add3A_454, %mul3A_542 : vector<16xf32>
          %add3A_544 = arith.constant 89856 : i32
          %add3A_545 = vector.broadcast %add3A_544 : i32 to vector<16xi32>
          %add3A_546 = arith.addi %get3A_525, %add3A_545 : vector<16xi32>
          %gather3A_547 = tpu.vector_load_idx %arg7[%add3A_546] : memref<110592xf32, #tpu.memory_space<vmem>>[vector<16xi32>], vector<16xf32>,
          %mul3A_548 = arith.mulf %mul3A_517, %gather3A_547 : vector<16xf32>
          %add3A_549 = arith.addf %add3A_460, %mul3A_548 : vector<16xf32>
          %add3A_550 = arith.constant 92160 : i32
          %add3A_551 = vector.broadcast %add3A_550 : i32 to vector<16xi32>
          %add3A_552 = arith.addi %get3A_525, %add3A_551 : vector<16xi32>
          %gather3A_553 = tpu.vector_load_idx %arg7[%add3A_552] : memref<110592xf32, #tpu.memory_space<vmem>>[vector<16xi32>], vector<16xf32>,
          %mul3A_554 = arith.mulf %mul3A_517, %gather3A_553 : vector<16xf32>
          %add3A_555 = arith.addf %add3A_466, %mul3A_554 : vector<16xf32>
          %add3A_556 = arith.constant 94464 : i32
          %add3A_557 = vector.broadcast %add3A_556 : i32 to vector<16xi32>
          %add3A_558 = arith.addi %get3A_525, %add3A_557 : vector<16xi32>
          %gather3A_559 = tpu.vector_load_idx %arg7[%add3A_558] : memref<110592xf32, #tpu.memory_space<vmem>>[vector<16xi32>], vector<16xf32>,
          %mul3A_560 = arith.mulf %mul3A_517, %gather3A_559 : vector<16xf32>
          %add3A_561 = arith.addf %add3A_472, %mul3A_560 : vector<16xf32>
          %add3A_562 = arith.constant 96768 : i32
          %add3A_563 = vector.broadcast %add3A_562 : i32 to vector<16xi32>
          %add3A_564 = arith.addi %get3A_525, %add3A_563 : vector<16xi32>
          %gather3A_565 = tpu.vector_load_idx %arg7[%add3A_564] : memref<110592xf32, #tpu.memory_space<vmem>>[vector<16xi32>], vector<16xf32>,
          %mul3A_566 = arith.mulf %mul3A_517, %gather3A_565 : vector<16xf32>
          %add3A_567 = arith.addf %add3A_478, %mul3A_566 : vector<16xf32>
          %add3A_568 = arith.constant 99072 : i32
          %add3A_569 = vector.broadcast %add3A_568 : i32 to vector<16xi32>
          %add3A_570 = arith.addi %get3A_525, %add3A_569 : vector<16xi32>
          %gather3A_571 = tpu.vector_load_idx %arg7[%add3A_570] : memref<110592xf32, #tpu.memory_space<vmem>>[vector<16xi32>], vector<16xf32>,
          %mul3A_572 = arith.mulf %mul3A_517, %gather3A_571 : vector<16xf32>
          %add3A_573 = arith.addf %add3A_484, %mul3A_572 : vector<16xf32>
          %add3A_574 = arith.constant 101376 : i32
          %add3A_575 = vector.broadcast %add3A_574 : i32 to vector<16xi32>
          %add3A_576 = arith.addi %get3A_525, %add3A_575 : vector<16xi32>
          %gather3A_577 = tpu.vector_load_idx %arg7[%add3A_576] : memref<110592xf32, #tpu.memory_space<vmem>>[vector<16xi32>], vector<16xf32>,
          %mul3A_578 = arith.mulf %mul3A_517, %gather3A_577 : vector<16xf32>
          %add3A_579 = arith.addf %add3A_490, %mul3A_578 : vector<16xf32>
          %add3A_580 = arith.constant 103680 : i32
          %add3A_581 = vector.broadcast %add3A_580 : i32 to vector<16xi32>
          %add3A_582 = arith.addi %get3A_525, %add3A_581 : vector<16xi32>
          %gather3A_583 = tpu.vector_load_idx %arg7[%add3A_582] : memref<110592xf32, #tpu.memory_space<vmem>>[vector<16xi32>], vector<16xf32>,
          %mul3A_584 = arith.mulf %mul3A_517, %gather3A_583 : vector<16xf32>
          %add3A_585 = arith.addf %add3A_496, %mul3A_584 : vector<16xf32>
          %add3A_586 = arith.constant 105984 : i32
          %add3A_587 = vector.broadcast %add3A_586 : i32 to vector<16xi32>
          %add3A_588 = arith.addi %get3A_525, %add3A_587 : vector<16xi32>
          %gather3A_589 = tpu.vector_load_idx %arg7[%add3A_588] : memref<110592xf32, #tpu.memory_space<vmem>>[vector<16xi32>], vector<16xf32>,
          %mul3A_590 = arith.mulf %mul3A_517, %gather3A_589 : vector<16xf32>
          %add3A_591 = arith.addf %add3A_502, %mul3A_590 : vector<16xf32>
          %add3A_592 = arith.constant 108288 : i32
          %add3A_593 = vector.broadcast %add3A_592 : i32 to vector<16xi32>
          %add3A_594 = arith.addi %get3A_525, %add3A_593 : vector<16xi32>
          %gather3A_595 = tpu.vector_load_idx %arg7[%add3A_594] : memref<110592xf32, #tpu.memory_space<vmem>>[vector<16xi32>], vector<16xf32>,
          %mul3A_596 = arith.mulf %mul3A_517, %gather3A_595 : vector<16xf32>
          %add3A_597 = arith.addf %add3A_508, %mul3A_596 : vector<16xf32>
          %mul3A_598 = arith.constant 4 : i32
          %mul3A_599 = arith.muli %add3A_326, %mul3A_598 : i32
          %add3A_600 = arith.constant 3 : i32
          %add3A_601 = arith.addi %mul3A_599, %add3A_600 : i32
          %mul3A_602 = arith.constant 16 : i32
          %mul3A_603 = arith.muli %add3A_601, %mul3A_602 : i32
          %get3A_604 = arith.index_cast %mul3A_603 : i32 to index
          %get3A_605 = tpu.vector_load %arg11[%get3A_604] {strides = array<i32>} : memref<1152xf32, #tpu.memory_space<vmem>>, vector<16xf32>,
          %mul3A_606 = arith.mulf %mul3A_331, %get3A_605 : vector<16xf32>
          %mul3A_607 = arith.constant 4 : i32
          %mul3A_608 = arith.muli %add3A_326, %mul3A_607 : i32
          %add3A_609 = arith.constant 3 : i32
          %add3A_610 = arith.addi %mul3A_608, %add3A_609 : i32
          %mul3A_611 = arith.constant 16 : i32
          %mul3A_612 = arith.muli %add3A_610, %mul3A_611 : i32
          %get3A_613 = arith.index_cast %mul3A_612 : i32 to index
          %get3A_614 = tpu.vector_load %arg12[%get3A_613] {strides = array<i32>} : memref<1152xi32, #tpu.memory_space<vmem>>, vector<16xi32>,
          %add3A_615 = arith.constant 82944 : i32
          %add3A_616 = vector.broadcast %add3A_615 : i32 to vector<16xi32>
          %add3A_617 = arith.addi %get3A_614, %add3A_616 : vector<16xi32>
          %gather3A_618 = tpu.vector_load_idx %arg7[%add3A_617] : memref<110592xf32, #tpu.memory_space<vmem>>[vector<16xi32>], vector<16xf32>,
          %mul3A_619 = arith.mulf %mul3A_606, %gather3A_618 : vector<16xf32>
          %add3A_620 = arith.addf %add3A_531, %mul3A_619 : vector<16xf32>
          %add3A_621 = arith.constant 85248 : i32
          %add3A_622 = vector.broadcast %add3A_621 : i32 to vector<16xi32>
          %add3A_623 = arith.addi %get3A_614, %add3A_622 : vector<16xi32>
          %gather3A_624 = tpu.vector_load_idx %arg7[%add3A_623] : memref<110592xf32, #tpu.memory_space<vmem>>[vector<16xi32>], vector<16xf32>,
          %mul3A_625 = arith.mulf %mul3A_606, %gather3A_624 : vector<16xf32>
          %add3A_626 = arith.addf %add3A_537, %mul3A_625 : vector<16xf32>
          %add3A_627 = arith.constant 87552 : i32
          %add3A_628 = vector.broadcast %add3A_627 : i32 to vector<16xi32>
          %add3A_629 = arith.addi %get3A_614, %add3A_628 : vector<16xi32>
          %gather3A_630 = tpu.vector_load_idx %arg7[%add3A_629] : memref<110592xf32, #tpu.memory_space<vmem>>[vector<16xi32>], vector<16xf32>,
          %mul3A_631 = arith.mulf %mul3A_606, %gather3A_630 : vector<16xf32>
          %add3A_632 = arith.addf %add3A_543, %mul3A_631 : vector<16xf32>
          %add3A_633 = arith.constant 89856 : i32
          %add3A_634 = vector.broadcast %add3A_633 : i32 to vector<16xi32>
          %add3A_635 = arith.addi %get3A_614, %add3A_634 : vector<16xi32>
          %gather3A_636 = tpu.vector_load_idx %arg7[%add3A_635] : memref<110592xf32, #tpu.memory_space<vmem>>[vector<16xi32>], vector<16xf32>,
          %mul3A_637 = arith.mulf %mul3A_606, %gather3A_636 : vector<16xf32>
          %add3A_638 = arith.addf %add3A_549, %mul3A_637 : vector<16xf32>
          %add3A_639 = arith.constant 92160 : i32
          %add3A_640 = vector.broadcast %add3A_639 : i32 to vector<16xi32>
          %add3A_641 = arith.addi %get3A_614, %add3A_640 : vector<16xi32>
          %gather3A_642 = tpu.vector_load_idx %arg7[%add3A_641] : memref<110592xf32, #tpu.memory_space<vmem>>[vector<16xi32>], vector<16xf32>,
          %mul3A_643 = arith.mulf %mul3A_606, %gather3A_642 : vector<16xf32>
          %add3A_644 = arith.addf %add3A_555, %mul3A_643 : vector<16xf32>
          %add3A_645 = arith.constant 94464 : i32
          %add3A_646 = vector.broadcast %add3A_645 : i32 to vector<16xi32>
          %add3A_647 = arith.addi %get3A_614, %add3A_646 : vector<16xi32>
          %gather3A_648 = tpu.vector_load_idx %arg7[%add3A_647] : memref<110592xf32, #tpu.memory_space<vmem>>[vector<16xi32>], vector<16xf32>,
          %mul3A_649 = arith.mulf %mul3A_606, %gather3A_648 : vector<16xf32>
          %add3A_650 = arith.addf %add3A_561, %mul3A_649 : vector<16xf32>
          %add3A_651 = arith.constant 96768 : i32
          %add3A_652 = vector.broadcast %add3A_651 : i32 to vector<16xi32>
          %add3A_653 = arith.addi %get3A_614, %add3A_652 : vector<16xi32>
          %gather3A_654 = tpu.vector_load_idx %arg7[%add3A_653] : memref<110592xf32, #tpu.memory_space<vmem>>[vector<16xi32>], vector<16xf32>,
          %mul3A_655 = arith.mulf %mul3A_606, %gather3A_654 : vector<16xf32>
          %add3A_656 = arith.addf %add3A_567, %mul3A_655 : vector<16xf32>
          %add3A_657 = arith.constant 99072 : i32
          %add3A_658 = vector.broadcast %add3A_657 : i32 to vector<16xi32>
          %add3A_659 = arith.addi %get3A_614, %add3A_658 : vector<16xi32>
          %gather3A_660 = tpu.vector_load_idx %arg7[%add3A_659] : memref<110592xf32, #tpu.memory_space<vmem>>[vector<16xi32>], vector<16xf32>,
          %mul3A_661 = arith.mulf %mul3A_606, %gather3A_660 : vector<16xf32>
          %add3A_662 = arith.addf %add3A_573, %mul3A_661 : vector<16xf32>
          %add3A_663 = arith.constant 101376 : i32
          %add3A_664 = vector.broadcast %add3A_663 : i32 to vector<16xi32>
          %add3A_665 = arith.addi %get3A_614, %add3A_664 : vector<16xi32>
          %gather3A_666 = tpu.vector_load_idx %arg7[%add3A_665] : memref<110592xf32, #tpu.memory_space<vmem>>[vector<16xi32>], vector<16xf32>,
          %mul3A_667 = arith.mulf %mul3A_606, %gather3A_666 : vector<16xf32>
          %add3A_668 = arith.addf %add3A_579, %mul3A_667 : vector<16xf32>
          %add3A_669 = arith.constant 103680 : i32
          %add3A_670 = vector.broadcast %add3A_669 : i32 to vector<16xi32>
          %add3A_671 = arith.addi %get3A_614, %add3A_670 : vector<16xi32>
          %gather3A_672 = tpu.vector_load_idx %arg7[%add3A_671] : memref<110592xf32, #tpu.memory_space<vmem>>[vector<16xi32>], vector<16xf32>,
          %mul3A_673 = arith.mulf %mul3A_606, %gather3A_672 : vector<16xf32>
          %add3A_674 = arith.addf %add3A_585, %mul3A_673 : vector<16xf32>
          %add3A_675 = arith.constant 105984 : i32
          %add3A_676 = vector.broadcast %add3A_675 : i32 to vector<16xi32>
          %add3A_677 = arith.addi %get3A_614, %add3A_676 : vector<16xi32>
          %gather3A_678 = tpu.vector_load_idx %arg7[%add3A_677] : memref<110592xf32, #tpu.memory_space<vmem>>[vector<16xi32>], vector<16xf32>,
          %mul3A_679 = arith.mulf %mul3A_606, %gather3A_678 : vector<16xf32>
          %add3A_680 = arith.addf %add3A_591, %mul3A_679 : vector<16xf32>
          %add3A_681 = arith.constant 108288 : i32
          %add3A_682 = vector.broadcast %add3A_681 : i32 to vector<16xi32>
          %add3A_683 = arith.addi %get3A_614, %add3A_682 : vector<16xi32>
          %gather3A_684 = tpu.vector_load_idx %arg7[%add3A_683] : memref<110592xf32, #tpu.memory_space<vmem>>[vector<16xi32>], vector<16xf32>,
          %mul3A_685 = arith.mulf %mul3A_606, %gather3A_684 : vector<16xf32>
          %add3A_686 = arith.addf %add3A_597, %mul3A_685 : vector<16xf32>
          scf.yield %add3A_620, %add3A_626, %add3A_632, %add3A_638, %add3A_644, %add3A_650, %add3A_656, %add3A_662, %add3A_668, %add3A_674, %add3A_680, %add3A_686 : vector<16xf32>, vector<16xf32>, vector<16xf32>, vector<16xf32>, vector<16xf32>, vector<16xf32>, vector<16xf32>, vector<16xf32>, vector<16xf32>, vector<16xf32>, vector<16xf32>, vector<16xf32>
        }
        %scan3A_264 = arith.constant 9 : i32
        %swap3A = arith.constant 0 : i32
        %swap3A_265 = arith.index_cast %swap3A : i32 to index
        %swap3A_266 = arith.index_cast %mul3A_133 : i32 to index
        %swap3A_267 = tpu.vector_load %arg10[%swap3A_265, %swap3A_266] {strides = array<i32>} : memref<12x256xf32, #tpu.memory_space<vmem>>, vector<16xf32>,
        tpu.vector_store %arg10[%swap3A_265, %swap3A_266], %scan3A_263#0 {strides = array<i32>} : memref<12x256xf32, #tpu.memory_space<vmem>>, vector<16xf32>,
        %swap3A_268 = arith.constant 1 : i32
        %swap3A_269 = arith.index_cast %swap3A_268 : i32 to index
        %swap3A_270 = arith.index_cast %mul3A_133 : i32 to index
        %swap3A_271 = tpu.vector_load %arg10[%swap3A_269, %swap3A_270] {strides = array<i32>} : memref<12x256xf32, #tpu.memory_space<vmem>>, vector<16xf32>,
        tpu.vector_store %arg10[%swap3A_269, %swap3A_270], %scan3A_263#1 {strides = array<i32>} : memref<12x256xf32, #tpu.memory_space<vmem>>, vector<16xf32>,
        %swap3A_272 = arith.constant 2 : i32
        %swap3A_273 = arith.index_cast %swap3A_272 : i32 to index
        %swap3A_274 = arith.index_cast %mul3A_133 : i32 to index
        %swap3A_275 = tpu.vector_load %arg10[%swap3A_273, %swap3A_274] {strides = array<i32>} : memref<12x256xf32, #tpu.memory_space<vmem>>, vector<16xf32>,
        tpu.vector_store %arg10[%swap3A_273, %swap3A_274], %scan3A_263#2 {strides = array<i32>} : memref<12x256xf32, #tpu.memory_space<vmem>>, vector<16xf32>,
        %swap3A_276 = arith.constant 3 : i32
        %swap3A_277 = arith.index_cast %swap3A_276 : i32 to index
        %swap3A_278 = arith.index_cast %mul3A_133 : i32 to index
        %swap3A_279 = tpu.vector_load %arg10[%swap3A_277, %swap3A_278] {strides = array<i32>} : memref<12x256xf32, #tpu.memory_space<vmem>>, vector<16xf32>,
        tpu.vector_store %arg10[%swap3A_277, %swap3A_278], %scan3A_263#3 {strides = array<i32>} : memref<12x256xf32, #tpu.memory_space<vmem>>, vector<16xf32>,
        %swap3A_280 = arith.constant 4 : i32
        %swap3A_281 = arith.index_cast %swap3A_280 : i32 to index
        %swap3A_282 = arith.index_cast %mul3A_133 : i32 to index
        %swap3A_283 = tpu.vector_load %arg10[%swap3A_281, %swap3A_282] {strides = array<i32>} : memref<12x256xf32, #tpu.memory_space<vmem>>, vector<16xf32>,
        tpu.vector_store %arg10[%swap3A_281, %swap3A_282], %scan3A_263#4 {strides = array<i32>} : memref<12x256xf32, #tpu.memory_space<vmem>>, vector<16xf32>,
        %swap3A_284 = arith.constant 5 : i32
        %swap3A_285 = arith.index_cast %swap3A_284 : i32 to index
        %swap3A_286 = arith.index_cast %mul3A_133 : i32 to index
        %swap3A_287 = tpu.vector_load %arg10[%swap3A_285, %swap3A_286] {strides = array<i32>} : memref<12x256xf32, #tpu.memory_space<vmem>>, vector<16xf32>,
        tpu.vector_store %arg10[%swap3A_285, %swap3A_286], %scan3A_263#5 {strides = array<i32>} : memref<12x256xf32, #tpu.memory_space<vmem>>, vector<16xf32>,
        %swap3A_288 = arith.constant 6 : i32
        %swap3A_289 = arith.index_cast %swap3A_288 : i32 to index
        %swap3A_290 = arith.index_cast %mul3A_133 : i32 to index
        %swap3A_291 = tpu.vector_load %arg10[%swap3A_289, %swap3A_290] {strides = array<i32>} : memref<12x256xf32, #tpu.memory_space<vmem>>, vector<16xf32>,
        tpu.vector_store %arg10[%swap3A_289, %swap3A_290], %scan3A_263#6 {strides = array<i32>} : memref<12x256xf32, #tpu.memory_space<vmem>>, vector<16xf32>,
        %swap3A_292 = arith.constant 7 : i32
        %swap3A_293 = arith.index_cast %swap3A_292 : i32 to index
        %swap3A_294 = arith.index_cast %mul3A_133 : i32 to index
        %swap3A_295 = tpu.vector_load %arg10[%swap3A_293, %swap3A_294] {strides = array<i32>} : memref<12x256xf32, #tpu.memory_space<vmem>>, vector<16xf32>,
        tpu.vector_store %arg10[%swap3A_293, %swap3A_294], %scan3A_263#7 {strides = array<i32>} : memref<12x256xf32, #tpu.memory_space<vmem>>, vector<16xf32>,
        %swap3A_296 = arith.constant 8 : i32
        %swap3A_297 = arith.index_cast %swap3A_296 : i32 to index
        %swap3A_298 = arith.index_cast %mul3A_133 : i32 to index
        %swap3A_299 = tpu.vector_load %arg10[%swap3A_297, %swap3A_298] {strides = array<i32>} : memref<12x256xf32, #tpu.memory_space<vmem>>, vector<16xf32>,
        tpu.vector_store %arg10[%swap3A_297, %swap3A_298], %scan3A_263#8 {strides = array<i32>} : memref<12x256xf32, #tpu.memory_space<vmem>>, vector<16xf32>,
        %swap3A_300 = arith.constant 9 : i32
        %swap3A_301 = arith.index_cast %swap3A_300 : i32 to index
        %swap3A_302 = arith.index_cast %mul3A_133 : i32 to index
        %swap3A_303 = tpu.vector_load %arg10[%swap3A_301, %swap3A_302] {strides = array<i32>} : memref<12x256xf32, #tpu.memory_space<vmem>>, vector<16xf32>,
        tpu.vector_store %arg10[%swap3A_301, %swap3A_302], %scan3A_263#9 {strides = array<i32>} : memref<12x256xf32, #tpu.memory_space<vmem>>, vector<16xf32>,
        %swap3A_304 = arith.constant 10 : i32
        %swap3A_305 = arith.index_cast %swap3A_304 : i32 to index
        %swap3A_306 = arith.index_cast %mul3A_133 : i32 to index
        %swap3A_307 = tpu.vector_load %arg10[%swap3A_305, %swap3A_306] {strides = array<i32>} : memref<12x256xf32, #tpu.memory_space<vmem>>, vector<16xf32>,
        tpu.vector_store %arg10[%swap3A_305, %swap3A_306], %scan3A_263#10 {strides = array<i32>} : memref<12x256xf32, #tpu.memory_space<vmem>>, vector<16xf32>,
        %swap3A_308 = arith.constant 11 : i32
        %swap3A_309 = arith.index_cast %swap3A_308 : i32 to index
        %swap3A_310 = arith.index_cast %mul3A_133 : i32 to index
        %swap3A_311 = tpu.vector_load %arg10[%swap3A_309, %swap3A_310] {strides = array<i32>} : memref<12x256xf32, #tpu.memory_space<vmem>>, vector<16xf32>,
        tpu.vector_store %arg10[%swap3A_309, %swap3A_310], %scan3A_263#11 {strides = array<i32>} : memref<12x256xf32, #tpu.memory_space<vmem>>, vector<16xf32>,
      }
      %scan3A_128 = arith.constant 16 : i32
      %mul3A_129 = arith.constant 256 : i32
      %mul3A_130 = arith.muli %sub3A_85, %mul3A_129 : i32
      "tpu.region"() ({
        %run_scoped3A_131 = tpu.sem_alloc : memref<!tpu.dma_semaphore, #tpu.memory_space<semaphore_mem>>
        %dma_start3A = arith.constant 0 : i32
        %dma_start3A_132 = tpu.memref_slice %arg6[%select_n3A_109, %sub3A_112, %dma_start3A, %mul3A_130] : memref<2x12x12x2304xf32, #tpu.memory_space<hbm>> -> memref<1x1x12x256xf32, #tpu.memory_space<hbm>>
        %dma_start3A_133 = tpu.memref_squeeze %dma_start3A_132 : memref<1x1x12x256xf32, #tpu.memory_space<hbm>> -> memref<12x256xf32, #tpu.memory_space<hbm>>
        %dma_start3A_134 = arith.constant 0 : i32
        %dma_start3A_135 = tpu.memref_slice %arg6[%select_n3A_109, %sub3A_112, %dma_start3A_134, %mul3A_130] : memref<2x12x12x2304xf32, #tpu.memory_space<hbm>> -> memref<1x1x12x256xf32, #tpu.memory_space<hbm>>
        %dma_start3A_136 = tpu.memref_squeeze %dma_start3A_135 : memref<1x1x12x256xf32, #tpu.memory_space<hbm>> -> memref<12x256xf32, #tpu.memory_space<hbm>>
        tpu.enqueue_dma source(%arg10 : memref<12x256xf32, #tpu.memory_space<vmem>>) target(%dma_start3A_136 : memref<12x256xf32, #tpu.memory_space<hbm>>) target_semaphore(%run_scoped3A_131 : memref<!tpu.dma_semaphore, #tpu.memory_space<semaphore_mem>>)
        %dma_wait3A = arith.constant 0 : i32
        %dma_wait3A_137 = tpu.memref_slice %arg6[%select_n3A_109, %sub3A_112, %dma_wait3A, %mul3A_130] : memref<2x12x12x2304xf32, #tpu.memory_space<hbm>> -> memref<1x1x12x256xf32, #tpu.memory_space<hbm>>
        %dma_wait3A_138 = tpu.memref_squeeze %dma_wait3A_137 : memref<1x1x12x256xf32, #tpu.memory_space<hbm>> -> memref<12x256xf32, #tpu.memory_space<hbm>>
        %dma_wait3A_139 = arith.constant 0 : i32
        %dma_wait3A_140 = tpu.memref_slice %arg6[%select_n3A_109, %sub3A_112, %dma_wait3A_139, %mul3A_130] : memref<2x12x12x2304xf32, #tpu.memory_space<hbm>> -> memref<1x1x12x256xf32, #tpu.memory_space<hbm>>
        %dma_wait3A_141 = tpu.memref_squeeze %dma_wait3A_140 : memref<1x1x12x256xf32, #tpu.memory_space<hbm>> -> memref<12x256xf32, #tpu.memory_space<hbm>>
        tpu.wait_dma2 semaphore(%run_scoped3A_131 : memref<!tpu.dma_semaphore, #tpu.memory_space<semaphore_mem>>) src(%arg10 : memref<12x256xf32, #tpu.memory_space<vmem>>) dst(%dma_wait3A_141 : memref<12x256xf32, #tpu.memory_space<hbm>>)
        tpu.yield
      }) : () -> ()
      scf.yield %select_n3A_82 : i32
    }
    return
  }
}

module attributes {stable_mosaic.version = 14 : i64} {
  func.func @_proj_body(%arg0: i32, %arg1: memref<1x144x2304xf32, #tpu.memory_space<vmem>>, %arg2: memref<144x144xf32, #tpu.memory_space<vmem>>, %arg3: memref<144x1xf32, #tpu.memory_space<vmem>>, %arg4: memref<1x144x2304xf32, #tpu.memory_space<vmem>>) attributes {dimension_semantics = [#tpu.dimension_semantics<arbitrary>], iteration_bounds = array<i64: 4>, scalar_prefetch = 0 : i64, scratch_operands = 0 : i64, tpu.core_type = #tpu.core_type<tc>, window_params = [{transform_indices = @transform_0, window_bounds = array<i64: 1, 144, 2304>}, {pipeline_mode = #tpu.pipeline_mode<synchronous>, transform_indices = @transform_1, window_bounds = array<i64: 144, 144>}, {pipeline_mode = #tpu.pipeline_mode<synchronous>, transform_indices = @transform_2, window_bounds = array<i64: 144, 1>}, {transform_indices = @transform_3, window_bounds = array<i64: 1, 144, 2304>}]} {
    %get3A = arith.constant 0 : index
    %get3A_0 = arith.constant 0 : index
    %get3A_1 = vector.load %arg2[%get3A, %get3A_0] : memref<144x144xf32, #tpu.memory_space<vmem>>, vector<144x144xf32>
    %get3A_2 = arith.constant 0 : index
    %get3A_3 = arith.constant 0 : index
    %get3A_4 = arith.constant 0 : index
    %get3A_5 = vector.load %arg1[%get3A_2, %get3A_3, %get3A_4] : memref<1x144x2304xf32, #tpu.memory_space<vmem>>, vector<1x144x2304xf32>
    %get3A_6 = vector.shape_cast %get3A_5 : vector<1x144x2304xf32> to vector<144x2304xf32>
    %dot_general3A = arith.constant dense<0.000000e+00> : vector<144x2304xf32>
    %dot_general3A_7 = tpu.matmul %get3A_1, %get3A_6, %dot_general3A {dimension_numbers = #tpu.dot_dimension_numbers<[1], [0], [0], [1], [0, 0, 1, 1], [], []>, transpose_lhs_hint = false} : vector<144x144xf32>, vector<144x2304xf32>, vector<144x2304xf32> -> vector<144x2304xf32>
    %get3A_8 = arith.constant 0 : index
    %get3A_9 = arith.constant 0 : index
    %get3A_10 = vector.load %arg3[%get3A_8, %get3A_9] : memref<144x1xf32, #tpu.memory_space<vmem>>, vector<144x1xf32>
    %add3A = vector.broadcast %get3A_10 : vector<144x1xf32> to vector<144x2304xf32>
    %add3A_11 = arith.addf %dot_general3A_7, %add3A : vector<144x2304xf32>
    %swap3A = arith.constant 0 : index
    %swap3A_12 = arith.constant 0 : index
    %swap3A_13 = arith.constant 0 : index
    %swap3A_14 = vector.load %arg4[%swap3A, %swap3A_12, %swap3A_13] : memref<1x144x2304xf32, #tpu.memory_space<vmem>>, vector<1x144x2304xf32>
    %swap3A_15 = vector.shape_cast %swap3A_14 : vector<1x144x2304xf32> to vector<144x2304xf32>
    %swap3A_16 = vector.shape_cast %add3A_11 : vector<144x2304xf32> to vector<1x144x2304xf32>
    tpu.vector_store %arg4[%swap3A, %swap3A_12, %swap3A_13], %swap3A_16 {strides = array<i32>} : memref<1x144x2304xf32, #tpu.memory_space<vmem>>, vector<1x144x2304xf32>,
    return
  }
  func.func @transform_0(%arg0: i32) -> (i32, i32, i32) {
    %c0_i32 = arith.constant 0 : i32
    %c0_i32_0 = arith.constant 0 : i32
    %c0_i32_1 = arith.constant 0 : i32
    return %arg0, %c0_i32, %c0_i32_0 : i32, i32, i32
  }
  func.func @transform_1(%arg0: i32) -> (i32, i32) {
    %c0_i32 = arith.constant 0 : i32
    %c0_i32_0 = arith.constant 0 : i32
    %c0_i32_1 = arith.constant 0 : i32
    return %c0_i32, %c0_i32_0 : i32, i32
  }
  func.func @transform_2(%arg0: i32) -> (i32, i32) {
    %c0_i32 = arith.constant 0 : i32
    %c0_i32_0 = arith.constant 0 : i32
    %c0_i32_1 = arith.constant 0 : i32
    return %c0_i32, %c0_i32_0 : i32, i32
  }
  func.func @transform_3(%arg0: i32) -> (i32, i32, i32) {
    %c0_i32 = arith.constant 0 : i32
    %c0_i32_0 = arith.constant 0 : i32
    %c0_i32_1 = arith.constant 0 : i32
    return %arg0, %c0_i32, %c0_i32_0 : i32, i32, i32
  }
}

module attributes {stable_mosaic.version = 14 : i64} {
  func.func @_proj_body(%arg0: i32, %arg1: memref<1x144x2304xf32, #tpu.memory_space<vmem>>, %arg2: memref<144x144xf32, #tpu.memory_space<vmem>>, %arg3: memref<144x1xf32, #tpu.memory_space<vmem>>, %arg4: memref<1x144x2304xf32, #tpu.memory_space<vmem>>) attributes {dimension_semantics = [#tpu.dimension_semantics<arbitrary>], iteration_bounds = array<i64: 2>, scalar_prefetch = 0 : i64, scratch_operands = 0 : i64, tpu.core_type = #tpu.core_type<tc>, window_params = [{transform_indices = @transform_0, window_bounds = array<i64: 1, 144, 2304>}, {pipeline_mode = #tpu.pipeline_mode<synchronous>, transform_indices = @transform_1, window_bounds = array<i64: 144, 144>}, {pipeline_mode = #tpu.pipeline_mode<synchronous>, transform_indices = @transform_2, window_bounds = array<i64: 144, 1>}, {transform_indices = @transform_3, window_bounds = array<i64: 1, 144, 2304>}]} {
    %get3A = arith.constant 0 : index
    %get3A_0 = arith.constant 0 : index
    %get3A_1 = vector.load %arg2[%get3A, %get3A_0] : memref<144x144xf32, #tpu.memory_space<vmem>>, vector<144x144xf32>
    %get3A_2 = arith.constant 0 : index
    %get3A_3 = arith.constant 0 : index
    %get3A_4 = arith.constant 0 : index
    %get3A_5 = vector.load %arg1[%get3A_2, %get3A_3, %get3A_4] : memref<1x144x2304xf32, #tpu.memory_space<vmem>>, vector<1x144x2304xf32>
    %get3A_6 = vector.shape_cast %get3A_5 : vector<1x144x2304xf32> to vector<144x2304xf32>
    %dot_general3A = arith.constant dense<0.000000e+00> : vector<144x2304xf32>
    %dot_general3A_7 = tpu.matmul %get3A_1, %get3A_6, %dot_general3A {dimension_numbers = #tpu.dot_dimension_numbers<[1], [0], [0], [1], [0, 0, 1, 1], [], []>, transpose_lhs_hint = false} : vector<144x144xf32>, vector<144x2304xf32>, vector<144x2304xf32> -> vector<144x2304xf32>
    %get3A_8 = arith.constant 0 : index
    %get3A_9 = arith.constant 0 : index
    %get3A_10 = vector.load %arg3[%get3A_8, %get3A_9] : memref<144x1xf32, #tpu.memory_space<vmem>>, vector<144x1xf32>
    %add3A = vector.broadcast %get3A_10 : vector<144x1xf32> to vector<144x2304xf32>
    %add3A_11 = arith.addf %dot_general3A_7, %add3A : vector<144x2304xf32>
    %swap3A = arith.constant 0 : index
    %swap3A_12 = arith.constant 0 : index
    %swap3A_13 = arith.constant 0 : index
    %swap3A_14 = vector.load %arg4[%swap3A, %swap3A_12, %swap3A_13] : memref<1x144x2304xf32, #tpu.memory_space<vmem>>, vector<1x144x2304xf32>
    %swap3A_15 = vector.shape_cast %swap3A_14 : vector<1x144x2304xf32> to vector<144x2304xf32>
    %swap3A_16 = vector.shape_cast %add3A_11 : vector<144x2304xf32> to vector<1x144x2304xf32>
    tpu.vector_store %arg4[%swap3A, %swap3A_12, %swap3A_13], %swap3A_16 {strides = array<i32>} : memref<1x144x2304xf32, #tpu.memory_space<vmem>>, vector<1x144x2304xf32>,
    return
  }
  func.func @transform_0(%arg0: i32) -> (i32, i32, i32) {
    %c0_i32 = arith.constant 0 : i32
    %c0_i32_0 = arith.constant 0 : i32
    %c0_i32_1 = arith.constant 0 : i32
    return %arg0, %c0_i32, %c0_i32_0 : i32, i32, i32
  }
  func.func @transform_1(%arg0: i32) -> (i32, i32) {
    %c0_i32 = arith.constant 0 : i32
    %c0_i32_0 = arith.constant 0 : i32
    %c0_i32_1 = arith.constant 0 : i32
    return %c0_i32, %c0_i32_0 : i32, i32
  }
  func.func @transform_2(%arg0: i32) -> (i32, i32) {
    %c0_i32 = arith.constant 0 : i32
    %c0_i32_0 = arith.constant 0 : i32
    %c0_i32_1 = arith.constant 0 : i32
    return %c0_i32, %c0_i32_0 : i32, i32
  }
  func.func @transform_3(%arg0: i32) -> (i32, i32, i32) {
    %c0_i32 = arith.constant 0 : i32
    %c0_i32_0 = arith.constant 0 : i32
    %c0_i32_1 = arith.constant 0 : i32
    return %arg0, %c0_i32, %c0_i32_0 : i32, i32, i32
  }
}

module attributes {stable_mosaic.version = 14 : i64} {
  func.func @_mlp_body(%arg0: i32, %arg1: i32, %arg2: memref<1x144x768xf32, #tpu.memory_space<vmem>>, %arg3: memref<288x144xf32, #tpu.memory_space<vmem>>, %arg4: memref<288x1xf32, #tpu.memory_space<vmem>>, %arg5: memref<144x288xf32, #tpu.memory_space<vmem>>, %arg6: memref<144x1xf32, #tpu.memory_space<vmem>>, %arg7: memref<1x144x768xf32, #tpu.memory_space<vmem>>) attributes {dimension_semantics = [#tpu.dimension_semantics<arbitrary>, #tpu.dimension_semantics<arbitrary>], iteration_bounds = array<i64: 2, 3>, scalar_prefetch = 0 : i64, scratch_operands = 0 : i64, tpu.core_type = #tpu.core_type<tc>, window_params = [{transform_indices = @transform_0, window_bounds = array<i64: 1, 144, 768>}, {pipeline_mode = #tpu.pipeline_mode<synchronous>, transform_indices = @transform_1, window_bounds = array<i64: 288, 144>}, {pipeline_mode = #tpu.pipeline_mode<synchronous>, transform_indices = @transform_2, window_bounds = array<i64: 288, 1>}, {pipeline_mode = #tpu.pipeline_mode<synchronous>, transform_indices = @transform_3, window_bounds = array<i64: 144, 288>}, {pipeline_mode = #tpu.pipeline_mode<synchronous>, transform_indices = @transform_4, window_bounds = array<i64: 144, 1>}, {transform_indices = @transform_5, window_bounds = array<i64: 1, 144, 768>}]} {
    %get3A = arith.constant 0 : index
    %get3A_0 = arith.constant 0 : index
    %get3A_1 = arith.constant 0 : index
    %get3A_2 = vector.load %arg2[%get3A, %get3A_0, %get3A_1] : memref<1x144x768xf32, #tpu.memory_space<vmem>>, vector<1x144x768xf32>
    %get3A_3 = vector.shape_cast %get3A_2 : vector<1x144x768xf32> to vector<144x768xf32>
    %get3A_4 = arith.constant 0 : index
    %get3A_5 = arith.constant 0 : index
    %get3A_6 = vector.load %arg3[%get3A_4, %get3A_5] : memref<288x144xf32, #tpu.memory_space<vmem>>, vector<288x144xf32>
    %dot_general3A = arith.constant dense<0.000000e+00> : vector<288x768xf32>
    %dot_general3A_7 = tpu.matmul %get3A_6, %get3A_3, %dot_general3A {dimension_numbers = #tpu.dot_dimension_numbers<[1], [0], [0], [1], [0, 0, 1, 1], [], []>, transpose_lhs_hint = false} : vector<288x144xf32>, vector<144x768xf32>, vector<288x768xf32> -> vector<288x768xf32>
    %get3A_8 = arith.constant 0 : index
    %get3A_9 = arith.constant 0 : index
    %get3A_10 = vector.load %arg4[%get3A_8, %get3A_9] : memref<288x1xf32, #tpu.memory_space<vmem>>, vector<288x1xf32>
    %add3A = vector.broadcast %get3A_10 : vector<288x1xf32> to vector<288x768xf32>
    %add3A_11 = arith.addf %dot_general3A_7, %add3A : vector<288x768xf32>
    %mul3A = arith.constant 5.000000e-01 : f32
    %mul3A_12 = vector.broadcast %mul3A : f32 to vector<288x768xf32>
    %mul3A_13 = arith.mulf %mul3A_12, %add3A_11 : vector<288x768xf32>
    %mul3A_14 = arith.constant 0.707106769 : f32
    %mul3A_15 = vector.broadcast %mul3A_14 : f32 to vector<288x768xf32>
    %mul3A_16 = arith.mulf %add3A_11, %mul3A_15 : vector<288x768xf32>
    %erf3A = math.erf %mul3A_16 : vector<288x768xf32>
    %add3A_17 = arith.constant 1.000000e+00 : f32
    %add3A_18 = vector.broadcast %add3A_17 : f32 to vector<288x768xf32>
    %add3A_19 = arith.addf %add3A_18, %erf3A : vector<288x768xf32>
    %mul3A_20 = arith.mulf %mul3A_13, %add3A_19 : vector<288x768xf32>
    %get3A_21 = arith.constant 0 : index
    %get3A_22 = arith.constant 0 : index
    %get3A_23 = vector.load %arg5[%get3A_21, %get3A_22] : memref<144x288xf32, #tpu.memory_space<vmem>>, vector<144x288xf32>
    %dot_general3A_24 = arith.constant dense<0.000000e+00> : vector<144x768xf32>
    %dot_general3A_25 = tpu.matmul %get3A_23, %mul3A_20, %dot_general3A_24 {dimension_numbers = #tpu.dot_dimension_numbers<[1], [0], [0], [1], [0, 0, 1, 1], [], []>, transpose_lhs_hint = false} : vector<144x288xf32>, vector<288x768xf32>, vector<144x768xf32> -> vector<144x768xf32>
    %get3A_26 = arith.constant 0 : index
    %get3A_27 = arith.constant 0 : index
    %get3A_28 = vector.load %arg6[%get3A_26, %get3A_27] : memref<144x1xf32, #tpu.memory_space<vmem>>, vector<144x1xf32>
    %add3A_29 = vector.broadcast %get3A_28 : vector<144x1xf32> to vector<144x768xf32>
    %add3A_30 = arith.addf %dot_general3A_25, %add3A_29 : vector<144x768xf32>
    %add3A_31 = arith.addf %add3A_30, %get3A_3 : vector<144x768xf32>
    %swap3A = arith.constant 0 : index
    %swap3A_32 = arith.constant 0 : index
    %swap3A_33 = arith.constant 0 : index
    %swap3A_34 = vector.load %arg7[%swap3A, %swap3A_32, %swap3A_33] : memref<1x144x768xf32, #tpu.memory_space<vmem>>, vector<1x144x768xf32>
    %swap3A_35 = vector.shape_cast %swap3A_34 : vector<1x144x768xf32> to vector<144x768xf32>
    %swap3A_36 = vector.shape_cast %add3A_31 : vector<144x768xf32> to vector<1x144x768xf32>
    tpu.vector_store %arg7[%swap3A, %swap3A_32, %swap3A_33], %swap3A_36 {strides = array<i32>} : memref<1x144x768xf32, #tpu.memory_space<vmem>>, vector<1x144x768xf32>,
    return
  }
  func.func @transform_0(%arg0: i32, %arg1: i32) -> (i32, i32, i32) {
    %c0_i32 = arith.constant 0 : i32
    %c0_i32_0 = arith.constant 0 : i32
    return %arg0, %c0_i32, %arg1 : i32, i32, i32
  }
  func.func @transform_1(%arg0: i32, %arg1: i32) -> (i32, i32) {
    %c0_i32 = arith.constant 0 : i32
    %c0_i32_0 = arith.constant 0 : i32
    %c0_i32_1 = arith.constant 0 : i32
    return %c0_i32, %c0_i32_0 : i32, i32
  }
  func.func @transform_2(%arg0: i32, %arg1: i32) -> (i32, i32) {
    %c0_i32 = arith.constant 0 : i32
    %c0_i32_0 = arith.constant 0 : i32
    %c0_i32_1 = arith.constant 0 : i32
    return %c0_i32, %c0_i32_0 : i32, i32
  }
  func.func @transform_3(%arg0: i32, %arg1: i32) -> (i32, i32) {
    %c0_i32 = arith.constant 0 : i32
    %c0_i32_0 = arith.constant 0 : i32
    %c0_i32_1 = arith.constant 0 : i32
    return %c0_i32, %c0_i32_0 : i32, i32
  }
  func.func @transform_4(%arg0: i32, %arg1: i32) -> (i32, i32) {
    %c0_i32 = arith.constant 0 : i32
    %c0_i32_0 = arith.constant 0 : i32
    %c0_i32_1 = arith.constant 0 : i32
    return %c0_i32, %c0_i32_0 : i32, i32
  }
  func.func @transform_5(%arg0: i32, %arg1: i32) -> (i32, i32, i32) {
    %c0_i32 = arith.constant 0 : i32
    %c0_i32_0 = arith.constant 0 : i32
    return %arg0, %c0_i32, %arg1 : i32, i32, i32
  }
}

</mosaic_0001>

<sc_bundles>
// kernel: kernel.7.cloned.1.call-start
scs
__scs_entry_jumppad:
0x0: {  	(pc) =	sbr.rel $0x88, $3  }
0x1: {  	(tag) =	ssettag $0x0;
	lr =	simm.s32 $0x1  }
0x2: {  	[smem:$0x3F93] =	sst lr;
	_ =	strace $0xD0000000  }
0x3: {  	_ = 	snop  }
0x4: {  	_ = 	snop  }
0x5: {  	_ = 	snop  }
0x6: {  	_ = 	snop  }
0x7: {  	_ = 	snop  }
__scs_overlays_trampoline_lowered:
0x8: {  	[smem:$0x3FA2] =	sst s0  }
0x9: {  	[smem:$0x3FA3] =	sst s1  }
0xa: {  	[smem:$0x3FA4] =	sst s2  }
0xb: {  	[smem:$0x3FA5] =	sst s3  }
0xc: {  	[smem:$0x3FA6] =	sst s4  }
0xd: {  	[smem:$0x3FA7] =	sst s5  }
0xe: {  	[smem:$0x3FA8] =	sst s6  }
0xf: {  	[smem:$0x3FA9] =	sst s7  }
0x10: {  	[smem:$0x3FAA] =	sst s8  }
0x11: {  	[smem:$0x3FAB] =	sst s9;
	s0 =	simm.s32 @!p0 $0x0  }
0x12: {  	s1 =	sld [smem:$0x3F91];
	s0 =	simm.s32 @p0 $0x1  }
0x13: {  	[smem:$0x3FAC] =	sst s0;
	s0 =	simm.s32 @!p1 $0x0  }
0x14: {  	s2 =	sld [smem:$0x3F90];
	s0 =	simm.s32 @p1 $0x1  }
0x15: {  	[smem:$0x3FAD] =	sst s0;
	s0 =	simm.s32 @!p2 $0x0  }
0x16: {  	s3 =	sld [smem:$0x3FDB];
	s0 =	simm.s32 @p2 $0x1  }
0x17: {  	s4 =	simm.s32 $0x1BF5;
	[smem:$0x3FAF] =	sst s0  }
0x18: {  	s0 =	sld [smem:$0x3F92];
	_ =	swait.ge [sflag:s4], $0x0  }
0x19: {  	s7 =	sld [smem:$0x3F93]  }
0x1a: {  	s8 =	sadd.s32 $0xFFFFE003, lr  }
0x1b: {  	s9 =	sadd.s32 $0xFFFFFEF7, lr;
	s5 =	simm.s32 $0xFFFFFFFF;
	p2 =	slt.u32 s8, $0xFFFFF086  }
0x1c: {  	p1 =	slt.u32 s9, $0xF7A;
	s5 =	simm.s32 @!p2 $0x0  }
0x1d: {  	s5 =	simm.s32 @p1 $0x1;
	p0 =	seq.s32 s7, s2  }
0x1e: {  	s7 =	smul.u32 @!p0 $0xF7A, s2;
	p2 =	seq.s32 @!p0 s5, $0x0  }
0x1f: {  	s9 =	smul.u32 $0xF7A, s1;
	s8 =	simm.s32 @!p0 $0x1BF5;
	p2 =	por !p2, p0  }
0x20: {  	[sflag:s8] =	ssyncset.s32 @!p0 $0xFFFFF086;
	s6 =	sadd.s32 @!p0 s3, s7;
	s7 =	simm.s32 @!p0 $0x108  }
0x21: {  	s3 =	sadd.s32 s3, s9;
	s6 =	sadd.s32 @!p0 $0x88, s6;
	s7 =	simm.s32 @p2 $0x1082  }
0x22: {  	[simem:s7], [sflag:s8] =	dma.local @!p0 [hbm:s6], $0xF7A  }
0x23: {  	s9 =	sor.u32 $0xD0000000, s2;
	s6 =	simm.s32 $0x108;
	_ =	swait.ge @!p0 [sflag:s8], $0x0  }
0x24: {  	s3 =	sadd.s32 $0x88, s3;
	s6 =	simm.s32 @!p1 $0x1082;
	[sflag:s4] =	ssyncset.s32 $0xFFFFF086  }
0x25: {  	[simem:s6], [sflag:s4] =	dma.local [hbm:s3], $0xF7A  }
0x26: {  	[smem:$0x3F93] =	sst s1;
	(tag) =	ssettag s2;
	_ =	strace s9  }
0x27: {  	s1 =	sld [smem:$0x3FA3]  }
0x28: {  	s2 =	sld [smem:$0x3FA4]  }
0x29: {  	s4 =	sld [smem:$0x3FA6]  }
0x2a: {  	p0 =	seq.s32 s5, $0x0;
	s5 =	sld [smem:$0x3FA7]  }
0x2b: {  	s6 =	sld [smem:$0x3FA8]  }
0x2c: {  	s7 =	sld [smem:$0x3FA9]  }
0x2d: {  	s3 =	simm.s32 $0x108;
	s8 =	sld [smem:$0x3FAA]  }
0x2e: {  	s3 =	simm.s32 @!p0 $0x1082;
	s9 =	sld [smem:$0x3FAB]  }
0x2f: {  	lr =	sadd.s32 s0, s3;
	s0 =	sld [smem:$0x3FA2]  }
0x30: {  	s3 =	sld [smem:$0x3FA5]  }
0x31: {  	[smem:$0x3FAE] =	sst s10  }
0x32: {  	s10 =	sld [smem:$0x3FAC];
	_ =	sdelay $0x3  }
0x33: {  	p0 =	seq.s32 s10, $0x1;
	s10 =	sld [smem:$0x3FAE];
	_ =	sdelay $0x3  }
0x34: {  	[smem:$0x3FAE] =	sst s10  }
0x35: {  	s10 =	sld [smem:$0x3FAD];
	_ =	sdelay $0x3  }
0x36: {  	p1 =	seq.s32 s10, $0x1;
	s10 =	sld [smem:$0x3FAE];
	_ =	sdelay $0x3  }
0x37: {  	[smem:$0x3FAE] =	sst s10  }
0x38: {  	s10 =	sld [smem:$0x3FAF]  }
0x39: {  	_ = 	snop;
	(pc) =	sbr.ind lr, $3  }
0x3a: {  	_ = 	snop  }
0x3b: {  	_ = 	snop  }
0x3c: {  	p2 =	seq.s32 s10, $0x1;
	s10 =	sld [smem:$0x3FAE]  }
0x3d: {  	_ =	shalt  }
0x3e: {  	_ =	shalt  }
0x3f: {  	_ =	shalt  }
0x40: {  	_ =	shalt  }
0x41: {  	_ =	shalt  }
0x42: {  	_ =	shalt  }
0x43: {  	_ =	shalt  }
0x44: {  	_ =	shalt  }
0x45: {  	_ =	shalt  }
0x46: {  	_ =	shalt  }
0x47: {  	_ =	shalt  }
0x48: {  	_ =	shalt  }
0x49: {  	_ =	shalt  }
0x4a: {  	_ =	shalt  }
0x4b: {  	_ =	shalt  }
0x4c: {  	_ =	shalt  }
0x4d: {  	_ =	shalt  }
0x4e: {  	_ =	shalt  }
0x4f: {  	_ =	shalt  }
0x50: {  	_ =	shalt  }
0x51: {  	_ =	shalt  }
0x52: {  	_ =	shalt  }
0x53: {  	_ =	shalt  }
0x54: {  	_ =	shalt  }
0x55: {  	_ =	shalt  }
0x56: {  	_ =	shalt  }
0x57: {  	_ =	shalt  }
0x58: {  	_ =	shalt  }
0x59: {  	_ =	shalt  }
0x5a: {  	_ =	shalt  }
0x5b: {  	_ =	shalt  }
0x5c: {  	_ =	shalt  }
0x5d: {  	_ =	shalt  }
0x5e: {  	_ =	shalt  }
0x5f: {  	_ =	shalt  }
0x60: {  	_ =	shalt  }
0x61: {  	_ =	shalt  }
0x62: {  	_ =	shalt  }
0x63: {  	_ =	shalt  }
0x64: {  	_ =	shalt  }
0x65: {  	_ =	shalt  }
0x66: {  	_ =	shalt  }
0x67: {  	_ =	shalt  }
0x68: {  	_ =	shalt  }
0x69: {  	_ =	shalt  }
0x6a: {  	_ =	shalt  }
0x6b: {  	_ =	shalt  }
0x6c: {  	_ =	shalt  }
0x6d: {  	_ =	shalt  }
0x6e: {  	_ =	shalt  }
0x6f: {  	_ =	shalt  }
0x70: {  	_ =	shalt  }
0x71: {  	_ =	shalt  }
0x72: {  	_ =	shalt  }
0x73: {  	_ =	shalt  }
0x74: {  	_ =	shalt  }
0x75: {  	_ =	shalt  }
0x76: {  	_ =	shalt  }
0x77: {  	_ =	shalt  }
0x78: {  	_ =	shalt  }
0x79: {  	_ =	shalt  }
0x7a: {  	_ =	shalt  }
0x7b: {  	_ =	shalt  }
0x7c: {  	_ =	shalt  }
0x7d: {  	_ =	shalt  }
0x7e: {  	_ =	shalt  }
0x7f: {  	_ =	shalt  }
0x80: {  	_ =	shalt  }
0x81: {  	_ =	shalt  }
0x82: {  	_ =	shalt  }
0x83: {  	_ =	shalt  }
0x84: {  	_ =	shalt  }
0x85: {  	_ =	shalt  }
0x86: {  	_ =	shalt  }
0x87: {  	_ =	shalt  }
.Lfunc_end0:
.L_simem_size_0:
called_computation_lowered:
.L_overlay_start_0:
0x88: {  	s2 =	sld [smem:$0x3FD9]  }
0x89: {  	s3 =	sld [smem:$0x3FFE];
	_ =	sdelay $0x1  }
0x8a: {  	s1 =	srdreg.scid  }
0x8b: {  	s0 =	sand.u32 $0x1, s1  }
0x8c: {  	s17 =	sshll.u32 s0, $0xA;
	s2 =	sadd.s32 s3, s2  }
0x8d: {  	s2 =	sadd.s32 s2, s17  }
0x8e: {  	[smem:$0x3FBA] =	sst s2  }
0x8f: {  	_ = 	snop  }
0x90: {  	s2 =	sld [smem:$0x3FD0];
	(tm) =	ssettm $0x1  }
0x91: {  	s18 =	sld [smem:$0x3FFB];
	_ =	sdelay $0x3  }
0x92: {  	_ =	strace s18  }
0x93: {  	s3 =	sld [smem:$0x3FFC];
	_ =	sdelay $0x3  }
0x94: {  	_ =	strace s3  }
0x95: {  	s3 =	sld [smem:$0x3FFD];
	_ =	sdelay $0x3  }
0x96: {  	_ =	strace s3  }
0x97: {  	_ =	strace $0x8FFFFFFF  }
0x98: {  	s19 =	sld [smem:$0x3FDB];
	_ =	sdelay $0x1  }
0x99: {  	s4 =	simm.s32 $_scs_section_size  }
0x9a: {  	s5 =	simm.s32 $_size__tile_overlayer_lowered;
	s6 =	simm.s32 $_tile_overlayer_lowered  }
0x9b: {  	s22 =	simm.s32 $0x1BFF;
	s21 =	sshll.u32 s6, $0x1;
	s3 =	sadd.s32 s4, s19  }
0x9c: {  	s7 =	simm.s32 $0x0;
	s20 =	sshll.u32 s5, $0x1;
	s5 =	sadd.s32 s21, s3  }
0x9d: {  	[timem:s7], [sflag:s22] =	dma.local [hbm:s5], s20  }
0x9e: {  	_ =	swait.ge [sflag:s22], s20  }
0x9f: {  	s4 =	ssub.s32 $0x0, s20;
	[sflag:s22] =	ssyncset.done $0x0  }
0xa0: {  	[sflag:s22] =	ssyncadd.s32 s4;
	_ =	sdelay $0x1  }
0xa1: {  	s23 =	simm.s32 $0x1B8B  }
0xa2: {  	_ =	swait.ge [sflag:s23], $0x1  }
0xa3: {  	[sflag:s23] =	ssyncset.done $0x0  }
0xa4: {  	s25 =	simm.s32 $0x1B8E;
	s24 =	sld [smem:$0x3FFE];
	[sflag:s23] =	ssyncadd.s32 $0xFFFFFFFF  }
0xa5: {  	s26 =	simm.s32 $execute0_lowered;
	[smem:$0x3FD2] =	sst s25  }
0xa6: {  	s5 =	sshll.u32 s26, $0x1;
	_ =	strace $0x80000046;
	[dreg:$0x1] =	wrdreg $0xFFFFFFFF  }
0xa7: {  	s28 =	simm.s32 $_size_execute0_lowered;
	s3 =	sadd.s32 s3, s5;
	[dreg:$0x0] =	wrdreg $0x0  }
0xa8: {  	s5 =	sshll.u32 s28, $0x1;
	[dreg:$0x2] =	wrdreg s3  }
0xa9: {  	[dreg:$0x3] =	wrdreg s5  }
0xaa: {  	[dreg:$0x4] =	wrdreg $0xC0  }
0xab: {  	_ =	task [dreg:s7], $0x5FFFF  }
0xac: {  	[dreg:$0x1] =	wrdreg $0xFFFFFFFF  }
0xad: {  	[dreg:$0x0] =	wrdreg $0x60  }
0xae: {  	[dreg:$0x2] =	wrdreg s24  }
0xaf: {  	[dreg:$0x3] =	wrdreg s2  }
0xb0: {  	[dreg:$0x4] =	wrdreg $0x9  }
0xb1: {  	_ =	task.clear_ibuf [dreg:s7], $0x5FFFF;
	_ =	strace $0x90000046  }
0xb2: {  	s29 =	simm.s32 $0x9;
	_ =	strace $0x80000048  }
0xb3: {  	_ =	swait.ge [sflag:s29], $0x1  }
0xb4: {  	[sflag:s29] =	ssyncadd.s32 $0xFFFFFFFF  }
0xb5: {  	_ =	strace $0x90000048  }
0xb6: {  	_ =	sfence  }
0xb7: {  	s30 =	sld [smem:$0x0];
	_ =	sdelay $0x2  }
0xb8: {  	s31 =	sshll.u32 s1, $0xD;
	s1 =	sshrl.u32 s1, $0x2  }
0xb9: {  	s3 =	sand.u32 $0x4000, s31;
	s1 =	sadd.s32 s1, s30  }
0xba: {  	s0 =	sor.u32 s3, s0;
	s1 =	sshll.u32 s1, $0x11  }
0xbb: {  	s0 =	sor.u32 s1, s0  }
0xbc: {  	s0 =	sadd.s32 $0x8F2B, s0  }
0xbd: {  	[sflag:s0] =	ssyncadd.remote.s32 $0x1  }
0xbe: {  	_ =	sfence.sel $0xFFFF  }
0xbf: {  	[dreg:$0x0] =	wrdreg $0xFFFFFFFF;
	(pc) =	sbr.abs _section_cstart, $3  }
0xc0: {  	[dreg:$0x1] =	wrdreg $0xFFFFFFFF  }
0xc1: {  	_ =	task.clear_ibuf [dreg:s7], $0x2FFFF;
	_ =	strace $0x9FFFFFFF  }
0xc2: {  	(tm) =	ssettm $0x7FFFFFFF  }
0xc3: {  	_ =	shalt  }
tec
execute0_lowered:
.L_overlay_start_1:
0x0: {  	(tag) =	ssettag $0x1  }
0x1: {  	s0 =	srdreg.scid;
	s2 =	stileid.u32  }
0x2: {  	s1 =	sand.u32 $0x1, s0;
	s31 =	sshll.u32 s2, $0x1  }
0x3: {  	s2 =	sor.u32 s1, s31  }
0x4: {  	s2 =	smul.u32 $0xD8, s2;
	_ =	sdelay $0x1  }
0x5: {  	s4 =	sadd.s32 $0xD8, s2  }
0x6: {  	s2 =	sshrl.u32 s2, $0x5;
	s4 =	sshrl.u32 s4, $0x5  }
0x7: {  	p0 =	sge.u32 s2, s4  }
.Ltmp0:
0x8: {  	s3 =	simm.s32 $0x0;
	(pc) =	sbr.rel @p0 .LBB2_15-.Ltmp0, $4  }
0x9: {  	[smem:$0x7FF] =	sst s3  }
0xa: {  	[dreg:$0x3] =	wrdreg s2  }
0xb: {  	[dreg:$0x4] =	wrdreg s4  }
0xc: {  	s0 =	rddreg [dreg:$0x0];
	_ =	strace $0x80000047  }
0xd: {  	v0 =	vimm.s32 $0xECA86420;
	s1 =	ssub.s32 $0x2, s1;
	vm0 =	vcmask $0xB08;
	s2 =	sadd.s32 $0x40400, s0;
	vm1 =	vcmask $0x1310  }
0xe: {  	vm2 =	vcmask $0x1B18;
	s4 =	sadd.s32 $0x68C00, s0;
	s29 =	sadd.s32 $0x3800, s0;
	v1 =	vunpack.c.l.s4.s8 v0;
	v0 =	vlaneseq.u32;
	[dreg:$0x5] =	wrdreg s2  }
0xf: {  	vm3 =	vcmask $0x300;
	vm4 =	vcmask $0x2320;
	s30 =	sadd.s32 $0x91400, s0;
	s28 =	sshrl.u32 s1, $0x1;
	[dreg:$0x6] =	wrdreg s4;
	v0 =	vmul.u32 $0x2, v0  }
0x10: {  	vm5 =	vcmask $0x2B28;
	s8 =	simm.s32 $0x1;
	vm6 =	vcmask $0x3330;
	[dreg:$0x7] =	wrdreg s29;
	s1 =	ssub.s32 s1, s28;
	v1 =	vunpack.c.0.s8.s32 v1  }
0x11: {  	vm7 =	vcmask $0x3B38;
	vm8 =	vmmov $0xff;
	s11 =	simm.s32 $0x800;
	vm13 =	vcmask $0x2724;
	[dreg:$0x8] =	wrdreg s30;
	s31 =	smax.u32 s1, $0x1;
	[tilespmem:$0x1FFF0] =	vst v0  }
0x12: {  	s12 =	simm.s32 $0x4800;
	vm14 =	vcmask $0x2F2C;
	vm15 =	vcmask $0x3734;
	v2 =	vimm.s32 $0x0;
	s1 =	simm.s32 $0x0;
	[dreg:$0x9] =	wrdreg s31;
	[tilespmem:$0x1FFE0] =	vst v1  }
.LBB2_2:
0x13: {  	[dreg:$0xa] =	wrdreg s1  }
0x14: {  	s1 =	simm.s32 $0xFFFFFFFF;
	s14 =	rddreg [dreg:$0x3]  }
.LBB2_3:
0x15: {  	s0 =	smulhi.u32 $0x38E38E39, s14;
	_ =	sdelay $0x1  }
0x16: {  	s13 =	sshrl.u32 s0, $0x1  }
0x17: {  	s0 =	smul.u32 $0xAAAAAAAB, s13;
	_ =	sdelay $0x1  }
0x18: {  	s2 =	sshll.u32 s0, $0x1E;
	s0 =	sshrl.u32 s0, $0x2  }
0x19: {  	s0 =	sor.u32 s2, s0  }
0x1a: {  	s9 =	sshrl.u32 s14, $0x2;
	p0 =	slt.u32 s14, $0x9;
	p1 =	sgt.u32 s0, $0x15555555  }
0x1b: {  	s10 =	smulhi.u32 $0x4BDA12F7, s9;
	p0 =	por !p0, !p1  }
0x1c: {  	s2 =	simm.s32 $0x1;
	p0 =	por !p0, !p0  }
0x1d: {  	s0 =	sshrl.u32 s10, $0x3;
	s2 =	simm.s32 @!p0 $0x0  }
0x1e: {  	s0 =	ssub.s32 s0, s2  }
0x1f: {  	s2 =	smul.u32 $0xFFFFFFF4, s0  }
0x20: {  	p0 =	seq.s32 s13, s1  }
0x21: {  	s4 =	smul.u32 @!p0 $0xA2000, s0;
	s2 =	sadd.s32 s13, s2  }
0x22: {  	s1 =	smul.u32 @!p0 $0x6C00, s2;
	_ =	sdelay $0x1  }
0x23: {  	s1 =	sadd.s32 @!p0 s4, s1  }
0x24: {  	s6 =	rddreg [dreg:$0x5];
	s4 =	sshrl.u32 @!p0 s1, $0x3  }
0x25: {  	s9 =	simm.s32 @!p0 $0x0;
	s5 =	sadd.s32 @!p0 s6, s4  }
0x26: {  	[tilespmem:s9], [sflag:$0x1] =	stream.linear.gather @!p0 [hbm4b:s5+s9], $0x6C00, $0x38;
	[tilespmem:$0x1FE80] =	vst v63  }
0x27: {  	s15 =	smul.u32 $0xFFFFF7, s13;
	s5 =	simm.s32 @!p0 $0x1  }
0x28: {  	s22 =	simm.s32 $0x200;
	_ =	swait.ge @!p0 [sflag:s5], $0x6C00  }
0x29: {  	s16 =	sadd.s32 s14, s15;
	[sflag:s5] =	ssyncset.done @!p0 $0x0;
	s7 =	rddreg [dreg:$0x6]  }
0x2a: {  	s10 =	simm.s32 @!p0 $0xD800;
	[sflag:s5] =	ssyncadd.s32 @!p0 $0xFFFF9400;
	s4 =	sadd.s32 @!p0 s7, s4  }
0x2b: {  	[tilespmem:s10], [sflag:$0x1] =	stream.linear.gather @!p0 [hbm4b:s4+s9], $0x6C00, $0x38;
	[tilespmem:$0x1FE80] =	vst v63  }
0x2c: {  	s19 =	sshll.u32 s16, $0x9;
	s1 =	sadd.s32 @!p0 $0x51000, s1;
	_ =	swait.ge @!p0 [sflag:s5], $0x6C00  }
0x2d: {  	s17 =	smul.u32 $0xF3000, s0;
	s1 =	sshrl.u32 @!p0 s1, $0x3;
	[sflag:s5] =	ssyncset.done @!p0 $0x0  }
0x2e: {  	s4 =	sadd.s32 @!p0 s6, s1;
	s10 =	simm.s32 @!p0 $0x6C00;
	[sflag:s5] =	ssyncadd.s32 @!p0 $0xFFFF9400  }
0x2f: {  	[tilespmem:s10], [sflag:$0x1] =	stream.linear.gather @!p0 [hbm4b:s4+s9], $0x6C00, $0x38;
	[tilespmem:$0x1FE80] =	vst v63  }
0x30: {  	s18 =	smul.u32 $0xA200, s2;
	s1 =	sadd.s32 @!p0 s7, s1;
	_ =	swait.ge @!p0 [sflag:s5], $0x6C00  }
0x31: {  	s10 =	simm.s32 @!p0 $0x14400;
	[dreg:$0xb] =	wrdreg s13;
	[sflag:s5] =	ssyncset.done @!p0 $0x0  }
0x32: {  	s4 =	sadd.s32 s19, s17;
	[dreg:$0xc] =	wrdreg s14;
	[sflag:s5] =	ssyncadd.s32 @!p0 $0xFFFF9400  }
0x33: {  	[tilespmem:s10], [sflag:$0x1] =	stream.linear.gather @!p0 [hbm4b:s1+s9], $0x6C00, $0x38;
	[tilespmem:$0x1FE80] =	vst v63  }
0x34: {  	s23 =	simm.s32 $0x1200;
	s4 =	sadd.s32 s18, s4;
	_ =	swait.ge @!p0 [sflag:s5], $0x6C00  }
0x35: {  	s9 =	sshrl.u32 s4, $0x3;
	[sflag:s5] =	ssyncset.done @!p0 $0x0;
	s20 =	rddreg [dreg:$0x7]  }
0x36: {  	s24 =	simm.s32 $0x1B000;
	[sflag:s5] =	ssyncadd.s32 @!p0 $0xFFFF9400;
	s21 =	sadd.s32 s20, s9  }
0x37: {  	[tilespmem:s24], [sflag:$0x1] =	stream.strided.gather [hbm4b:s21+s22], $0x1200, s23, s22, $0x38;
	[tilespmem:$0x1FE80] =	vst v63  }
0x38: {  	s4 =	sadd.s32 $0x79800, s4;
	_ =	swait.ge [sflag:s8], $0x1200  }
0x39: {  	s25 =	simm.s32 $0x1C200;
	s4 =	sshrl.u32 s4, $0x3;
	[sflag:s8] =	ssyncset.done $0x0  }
0x3a: {  	s0 =	smul.u32 $0x6C000, s0;
	s4 =	sadd.s32 s20, s4;
	[sflag:s8] =	ssyncadd.s32 $0xFFFFEE00  }
0x3b: {  	[tilespmem:s25], [sflag:$0x1] =	stream.strided.gather [hbm4b:s4+s22], $0x1200, s23, s22, $0x38;
	[tilespmem:$0x1FE80] =	vst v63  }
0x3c: {  	s26 =	sshll.u32 s16, $0xB;
	s2 =	smul.u32 $0x9000, s2;
	_ =	swait.ge [sflag:s8], $0x1200  }
0x3d: {  	s0 =	sadd.s32 s26, s0;
	[sflag:s8] =	ssyncset.done $0x0  }
0x3e: {  	s0 =	sadd.s32 s2, s0;
	[sflag:s8] =	ssyncadd.s32 $0xFFFFEE00  }
0x3f: {  	s2 =	sshrl.u32 s0, $0x3;
	s29 =	rddreg [dreg:$0x1]  }
0x40: {  	s30 =	simm.s32 $0x1D400;
	[dreg:$0xd] =	wrdreg s2;
	s0 =	sadd.s32 s29, s2  }
0x41: {  	[tilespmem:s30], [sflag:$0x1] =	stream.strided.gather [hbm4b:s0+s11], $0x1000, s12, s11, $0x38;
	[tilespmem:$0x1FE80] =	vst v63  }
0x42: {  	s28 =	simm.s32 $0x0;
	_ =	swait.ge [sflag:s8], $0x1000  }
0x43: {  	s31 =	sshll.u32 s16, $0x8;
	s26 =	simm.s32 $0x0;
	[sflag:s8] =	ssyncset.done $0x0  }
0x44: {  	s25 =	simm.s32 $0x0;
	[dreg:$0xe] =	wrdreg s31;
	[sflag:s8] =	ssyncadd.s32 $0xFFFFF000  }
.LBB2_4:
0x45: {  	s0 =	sshll.u32 s28, $0x4;
	s1 =	rddreg [dreg:$0xe]  }
0x46: {  	s1 =	sadd.s32 s1, s0  }
0x47: {  	v4 =	vmov s1  }
0x48: {  	v7 =	vbroadcast v4, $0x0  }
0x49: {  	v0 =	vlaneseq.u32  }
0x4a: {  	v16 =	vor.u32 v0, v7  }
0x4b: {  	(v2sf) =	vpush v16, $0xD;
	_ =	sdelay $0x1  }
0x4c: {  	(v2sf) =	vpush v16, $0xC;
	_ =	sdelay $0x1  }
0x4d: {  	(v2sf) =	vpush v16, $0xE;
	_ =	sdelay $0x1  }
0x4e: {  	(v2sf) =	vpush v16, $0xF;
	_ =	sdelay $0x1  }
0x4f: {  	(v2sf) =	vpush v16, $0x9;
	_ =	sdelay $0x1  }
0x50: {  	(v2sf) =	vpush v16, $0x8;
	_ =	sdelay $0x1  }
0x51: {  	(v2sf) =	vpush v16, $0xA;
	_ =	sdelay $0x1  }
0x52: {  	(v2sf) =	vpush v16, $0xB  }
0x53: {  	s24 =	spop (v2sf)  }
0x54: {  	(v2sf) =	vpush v16, $0x0;
	s2 =	smulhi.u32 $0x2AAAAAAB, s24;
	s1 =	sshra.s32 s24, $0x1F  }
0x55: {  	(v2sf) =	vpush v16, $0x1;
	s4 =	spop (v2sf);
	s1 =	smul.u32 $0x2AAAAAAB, s1  }
0x56: {  	s5 =	smulhi.u32 $0x2AAAAAAB, s4;
	s4 =	sshra.s32 s4, $0x1F  }
0x57: {  	(v2sf) =	vpush v16, $0x2;
	s9 =	spop (v2sf);
	s4 =	smul.u32 $0x2AAAAAAB, s4  }
0x58: {  	(v2sf) =	vpush v16, $0x3;
	s12 =	smulhi.u32 $0x2AAAAAAB, s9;
	s9 =	sshra.s32 s9, $0x1F  }
0x59: {  	(v2sf) =	vpush v16, $0x4;
	s10 =	spop (v2sf);
	s9 =	smul.u32 $0x2AAAAAAB, s9  }
0x5a: {  	(v2sf) =	vpush v16, $0x5;
	s16 =	smulhi.u32 $0x2AAAAAAB, s10;
	s10 =	sshra.s32 s10, $0x1F  }
0x5b: {  	(v2sf) =	vpush v16, $0x6;
	s13 =	spop (v2sf);
	s10 =	smul.u32 $0x2AAAAAAB, s10  }
0x5c: {  	(v2sf) =	vpush v16, $0x7;
	s17 =	smulhi.u32 $0x2AAAAAAB, s13;
	s13 =	sshra.s32 s13, $0x1F  }
0x5d: {  	s14 =	spop (v2sf);
	s13 =	smul.u32 $0x2AAAAAAB, s13  }
0x5e: {  	s2 =	sadd.s32 s1, s2;
	s29 =	smulhi.u32 $0x2AAAAAAB, s14;
	s14 =	sshra.s32 s14, $0x1F  }
0x5f: {  	s5 =	sadd.s32 s4, s5;
	s15 =	spop (v2sf);
	s14 =	smul.u32 $0x2AAAAAAB, s14  }
0x60: {  	s22 =	sshrl.u32 s5, $0x1F;
	s6 =	smulhi.u32 $0x2AAAAAAB, s15;
	s15 =	sshra.s32 s15, $0x1F  }
0x61: {  	s5 =	sshra.s32 s5, $0x3;
	s18 =	spop (v2sf);
	s8 =	smul.u32 $0x2AAAAAAB, s15  }
0x62: {  	s1 =	sadd.s32 s10, s16;
	s11 =	smulhi.u32 $0x2AAAAAAB, s18;
	s18 =	sshra.s32 s18, $0x1F  }
0x63: {  	s19 =	spop (v2sf);
	s13 =	sadd.s32 s13, s17;
	s18 =	smul.u32 $0x2AAAAAAB, s18  }
0x64: {  	s20 =	spop (v2sf);
	s21 =	smulhi.u32 $0x2AAAAAAB, s19;
	s4 =	sshra.s32 s19, $0x1F  }
0x65: {  	s19 =	sshrl.u32 s2, $0x1F;
	s14 =	sadd.s32 s14, s29;
	s2 =	sshra.s32 s2, $0x3  }
0x66: {  	s30 =	spop (v2sf);
	s24 =	smul.u32 $0x2AAAAAAB, s4;
	s4 =	sadd.s32 s9, s12  }
0x67: {  	s12 =	smulhi.u32 $0x2AAAAAAB, s20;
	s9 =	sshra.s32 s20, $0x1F;
	s31 =	spop (v2sf)  }
0x68: {  	s20 =	sshrl.u32 s4, $0x1F;
	s16 =	smul.u32 $0x2AAAAAAB, s9;
	s7 =	spop (v2sf)  }
0x69: {  	s17 =	smulhi.u32 $0x2AAAAAAB, s30;
	s10 =	sshra.s32 s30, $0x1F;
	s23 =	spop (v2sf)  }
0x6a: {  	s9 =	sadd.s32 s18, s11;
	s29 =	smul.u32 $0x2AAAAAAB, s10;
	s15 =	spop (v2sf)  }
0x6b: {  	s10 =	sadd.s32 s8, s6;
	s6 =	smulhi.u32 $0x2AAAAAAB, s31;
	s11 =	spop (v2sf)  }
0x6c: {  	s18 =	sadd.s32 s24, s21;
	s21 =	smulhi.u32 $0x2AAAAAAB, s11;
	s11 =	sshra.s32 s11, $0x1F  }
0x6d: {  	s30 =	sshrl.u32 s1, $0x1F;
	s8 =	sshra.s32 s31, $0x1F;
	s11 =	smul.u32 $0x2AAAAAAB, s11  }
0x6e: {  	s1 =	sshra.s32 s1, $0x3;
	s24 =	sshrl.u32 s13, $0x1F;
	s8 =	smul.u32 $0x2AAAAAAB, s8  }
0x6f: {  	v5 =	vmov s22;
	s31 =	sshrl.u32 s14, $0x1F;
	s16 =	sadd.s32 s16, s12;
	s12 =	sadd.s32 s11, s21  }
0x70: {  	v5 =	vsel vm0, s19, v5;
	s17 =	sadd.s32 s29, s17;
	s6 =	sadd.s32 s8, s6;
	s8 =	sshra.s32 s12, $0x1F  }
0x71: {  	v5 =	vsel vm1, s20, v5;
	s29 =	smulhi.u32 $0x2AAAAAAB, s7;
	s7 =	sshra.s32 s7, $0x1F;
	v4 =	vmov s8;
	s8 =	sshra.s32 s18, $0x3  }
0x72: {  	vm9 =	vcmask $0x704;
	s22 =	sshrl.u32 s18, $0x1F;
	v5 =	vsel vm2, s30, v5;
	s7 =	smul.u32 $0x2AAAAAAB, s7;
	s18 =	sshra.s32 s18, $0x1F;
	v4 =	vsel vm3, s8, v4  }
0x73: {  	v8 =	vmov s31;
	v6 =	vmov s22;
	s19 =	smulhi.u32 $0x2AAAAAAB, s23;
	s22 =	sshra.s32 s23, $0x1F;
	s23 =	sshra.s32 s16, $0x3;
	v4 =	vsel vm9, s18, v4  }
0x74: {  	v8 =	vsel vm0, s24, v8;
	s11 =	sshrl.u32 s10, $0x1F;
	s8 =	sshrl.u32 s16, $0x1F;
	s16 =	sshra.s32 s16, $0x1F;
	vm9 =	vcmask $0xF0C;
	v4 =	vsel vm0, s23, v4  }
0x75: {  	v6 =	vnsel vm3, $0x0, v6;
	s24 =	sshra.s32 s6, $0x3;
	s21 =	sshrl.u32 s9, $0x1F;
	v8 =	vsel vm1, s11, v8;
	s23 =	sshra.s32 s17, $0x3;
	v4 =	vsel vm9, s16, v4  }
0x76: {  	s7 =	sadd.s32 s7, s29;
	v8 =	vsel vm2, s21, v8;
	s18 =	sshrl.u32 s17, $0x1F;
	s17 =	sshra.s32 s17, $0x1F;
	vm9 =	vcmask $0x1714;
	v4 =	vsel vm1, s23, v4  }
0x77: {  	s20 =	smul.u32 $0x2AAAAAAB, s22;
	s22 =	sshrl.u32 s6, $0x1F;
	s6 =	sshra.s32 s6, $0x1F;
	v5 =	vcombine.low v8, v5;
	v6 =	vsel vm0, s8, v6;
	v4 =	vsel vm9, s17, v4  }
0x78: {  	s11 =	sshra.s32 s4, $0x3;
	s8 =	smulhi.u32 $0x2AAAAAAB, s15;
	s15 =	sshra.s32 s15, $0x1F;
	v6 =	vsel vm1, s18, v6;
	vm9 =	vcmask $0x1F1C;
	v4 =	vsel vm2, s24, v4  }
0x79: {  	s21 =	sshra.s32 s7, $0x3;
	v8 =	vmov s5;
	s15 =	smul.u32 $0x2AAAAAAB, s15;
	v6 =	vsel vm2, s22, v6;
	s23 =	sshrl.u32 s7, $0x1F;
	v4 =	vsel vm9, s6, v4  }
0x7a: {  	v1 =	vld [tilespmem:$0x1FFF0];
	v8 =	vsel vm0, s2, v8;
	s18 =	sadd.s32 s20, s19;
	s22 =	sshra.s32 s14, $0x3;
	v6 =	vsel vm4, s23, v6;
	s23 =	sshra.s32 s7, $0x1F;
	v4 =	vsel vm4, s21, v4  }
0x7b: {  	v0 =	vld [tilespmem:$0x1FFE0];
	v8 =	vsel vm1, s11, v8;
	s19 =	sshrl.u32 s18, $0x1F;
	v9 =	vmov s22;
	s7 =	sshra.s32 s18, $0x3;
	s24 =	sshra.s32 s13, $0x3;
	v4 =	vsel vm13, s23, v4  }
0x7c: {  	s14 =	sshra.s32 s18, $0x1F;
	v8 =	vsel vm2, s1, v8;
	s8 =	sadd.s32 s15, s8;
	s13 =	sshra.s32 s10, $0x3;
	v9 =	vsel vm0, s24, v9;
	v4 =	vsel vm5, s7, v4  }
0x7d: {  	s15 =	sshra.s32 s9, $0x3;
	s20 =	sshrl.u32 s8, $0x1F;
	s16 =	sshra.s32 s8, $0x3;
	v6 =	vsel vm5, s19, v6;
	v9 =	vsel vm1, s13, v9;
	v4 =	vsel vm14, s14, v4  }
0x7e: {  	s17 =	sshrl.u32 s12, $0x1F;
	s18 =	sshra.s32 s8, $0x1F;
	v6 =	vsel vm6, s20, v6;
	v9 =	vsel vm2, s15, v9;
	v4 =	vsel vm6, s16, v4  }
0x7f: {  	s19 =	sshra.s32 s12, $0x3;
	s20 =	sshll.u32 s28, $0x7;
	v6 =	vsel vm7, s17, v6;
	v8 =	vcombine.low v9, v8;
	v4 =	vsel vm15, s18, v4  }
0x80: {  	v5 =	vperm.xlane v5, v0;
	s21 =	sand.u32 $0x70, s0;
	s2 =	sand.u32 $0x7FFFFC00, s20;
	v6 =	vperm.xlane v6, v1;
	v4 =	vsel vm7, s19, v4  }
0x81: {  	s31 =	sor.u32 s21, s2;
	s22 =	sor.u32 s0, s2;
	v8 =	vperm.xlane v8, v0;
	v9 =	vperm.xlane v4, v1  }
0x82: {  	s30 =	sor.u32 $0x80, s22;
	v15 =	vld [tilespmem:s31+$0x1DD00]  }
0x83: {  	s10 =	sor.u32 $0x880, s22;
	v6 =	vsel vm8, v6, v5;
	v5 =	vld [tilespmem:s30+$0x1D400];
	v8 =	vsel vm8, v9, v8  }
0x84: {  	vm9 =	vlt.s32 v2, v16;
	v14 =	vld [tilespmem:s10+$0x1D400];
	v12 =	vadd.s32 v6, v8  }
0x85: {  	s29 =	sor.u32 $0x180, s22;
	v4 =	vld [tilespmem:s31+$0x1D400];
	v9 =	vshra.s32 v7, $0x1F;
	v8 =	vsel vm9, $0x1, v2;
	v10 =	vmul.u32 $0xFFFFFFD0, v12  }
0x86: {  	v11 =	vsub.s32 $0x0, v16;
	v7 =	vld [tilespmem:s29+$0x1D400];
	v9 =	vadd.s32 v8, v9  }
0x87: {  	s23 =	sand.u32 $0x7, s25;
	v6 =	vld [tilespmem:s31+$0x1D500];
	vm9 =	vne.s32 v9, $0x1;
	vm10 =	vne.s32 v10, v11  }
0x88: {  	s24 =	sand.u32 $0xFFFFFC00, s26;
	s0 =	sshll.u32 s23, $0x6;
	s1 =	sor.u32 $0x280, s22;
	v8 =	vld [tilespmem:s31+$0x1D600];
	vm9 =	vmand vm10, vm9  }
0x89: {  	s12 =	simm.s32 $0x1FD00;
	s13 =	simm.s32 $0x1F420;
	s0 =	sor.u32 s0, s24;
	v9 =	vld [tilespmem:s1+$0x1D400];
	v13 =	vsel vm9, $0xFFFFFFFF, v2  }
0x8a: {  	s17 =	simm.s32 $0x0;
	s2 =	sshrl.u32 s0, $0x2;
	s0 =	sor.u32 $0x380, s22;
	v10 =	vld [tilespmem:s31+$0x1D700];
	v12 =	vadd.s32 v13, v12  }
0x8b: {  	s15 =	sor.u32 $0x200, s31;
	s4 =	sor.u32 $0x900, s31;
	s20 =	sor.u32 $0x980, s22;
	v11 =	vld [tilespmem:s0+$0x1D400];
	v17 =	vmul.u32 $0xFFFFFFD0, v12  }
0x8c: {  	s14 =	sor.u32 $0x300, s31;
	s16 =	simm.s32 $0x1F8A0;
	s9 =	sadd.s32 $0x1B080, s2;
	v13 =	vld [tilespmem:s31+$0x1DC00]  }
0x8d: {  	s18 =	sor.u32 $0x100, s31;
	s19 =	sadd.s32 $0x1C280, s2;
	s2 =	sor.u32 $0x800, s31;
	v16 =	vadd.s32 v16, v17;
	v17 =	vld [tilespmem:s20+$0x1D400]  }
.LBB2_5:
0x8e: {  	s5 =	smulhi.u32 $0xAAAAAAAB, s17  }
0x8f: {  	s6 =	smul.u32 $0xAB, s17  }
0x90: {  	s5 =	sshrl.u32 s5, $0x1  }
0x91: {  	s6 =	sshrl.u32 s6, $0x9;
	s5 =	smul.u32 $0x3, s5  }
0x92: {  	v18 =	vld [tilespmem:s9+$0xFFFFFF80];
	s6 =	sand.u32 $0x7F, s6  }
0x93: {  	v19 =	vld [tilespmem:s9+$0x0];
	s6 =	sadd.s32 $0xFFFFFFFF, s6;
	s5 =	sxor.u32 $0xFFFFFFFF, s5  }
0x94: {  	v20 =	vadd.s32 s6, v12;
	s5 =	sadd.s32 s17, s5  }
0x95: {  	v20 =	vcvt.s32.f32 v20;
	v21 =	vadd.s32 s5, v16  }
0x96: {  	v21 =	vcvt.s32.f32 v21  }
0x97: {  	v20 =	vadd.f32 v20, v18  }
0x98: {  	v18 =	vadd.f32 v21, v19  }
0x99: {  	v19 =	vtrunc.f32 v20  }
0x9a: {  	v41 =	vcvt.f32.s32 v19;
	v22 =	vtrunc.f32 v18  }
0x9b: {  	vm9 =	vlt.f32 v20, v19;
	v19 =	vcvt.f32.s32 v22;
	vm10 =	vlt.f32 v18, v22  }
0x9c: {  	v42 =	vsel vm9, $0xFFFFFFFF, v2;
	v23 =	vsel vm10, $0xFFFFFFFF, v2  }
0x9d: {  	v21 =	vadd.s32 v41, v42;
	v19 =	vadd.s32 v19, v23  }
0x9e: {  	v22 =	vcvt.s32.f32 v21;
	v23 =	vcvt.s32.f32 v19  }
0x9f: {  	vm10 =	vlt.u32 v21, $0x30;
	vm12 =	vgt.s32 v21, $0x0;
	v24 =	vadd.s32 $0x1, v19  }
0xa0: {  	v22 =	vsub.f32 v20, v22;
	v25 =	vcvt.s32.f32 v24;
	v23 =	vsub.f32 v18, v23  }
0xa1: {  	v26 =	vnsel vm12, $0x0, v21;
	v21 =	vadd.s32 $0x1, v21;
	vm9 =	vlt.u32 v19, $0x30  }
0xa2: {  	v22 =	vand.u32 $0x7FFFFFFF, v22;
	v18 =	vsub.f32 v18, v25;
	v23 =	vand.u32 $0x7FFFFFFF, v23  }
0xa3: {  	vm12 =	vgt.s32 v19, $0x0;
	v22 =	vsub.f32 $1.000000000e+00, v22;
	v23 =	vsub.f32 $1.000000000e+00, v23  }
0xa4: {  	v28 =	vcvt.s32.f32 v21;
	v44 =	vmin.u32 v26, $0x2F;
	v18 =	vand.u32 $0x7FFFFFFF, v18  }
0xa5: {  	vm11 =	vmand vm10, vm9;
	v27 =	vsub.f32 $1.000000000e+00, v18;
	v43 =	vmul.f32 v23, v22  }
0xa6: {  	v19 =	vnsel vm12, $0x0, v19;
	v46 =	vmul.u32 $0x30, v44;
	v20 =	vsub.f32 v20, v28  }
0xa7: {  	v22 =	vmul.f32 v27, v22;
	v18 =	vnsel vm11, $0x0, v43;
	vm11 =	vlt.u32 v24, $0x30  }
0xa8: {  	v45 =	vmin.u32 v19, $0x2F;
	v20 =	vand.u32 $0x7FFFFFFF, v20;
	vm10 =	vmand vm10, vm11  }
0xa9: {  	v29 =	vsub.f32 $1.000000000e+00, v20;
	v19 =	vnsel vm10, $0x0, v22;
	vm10 =	vgt.s32 v24, $0x0  }
0xaa: {  	v47 =	vnsel vm10, $0x0, v24;
	vm10 =	vgt.s32 v21, $0x0  }
0xab: {  	v25 =	vadd.s32 v45, v46;
	v49 =	vmul.f32 v23, v29;
	[tilespmem:s13+$0xFFFFFFE0] =	vst v18;
	v48 =	vnsel vm10, $0x0, v21  }
0xac: {  	[tilespmem:s16+$0xFFFFFFE0] =	vst v25;
	v22 =	vmin.u32 v47, $0x2F;
	vm10 =	vlt.u32 v21, $0x30;
	v20 =	vmin.u32 v48, $0x2F  }
0xad: {  	[tilespmem:s13+$0xFFFFFFF0] =	vst v19;
	v24 =	vadd.s32 v46, v22;
	vm9 =	vmand vm10, vm9;
	v50 =	vmul.u32 $0x30, v20  }
0xae: {  	v55 =	vadd.s32 $0x900, v25;
	v51 =	vmul.f32 v27, v29;
	[tilespmem:s16+$0xFFFFFFF0] =	vst v24;
	v20 =	vnsel vm9, $0x0, v49  }
0xaf: {  	v58 =	vadd.s32 $0x1200, v25;
	vm9 =	vmand vm10, vm11;
	[tilespmem:s13+$0x0] =	vst v20;
	v23 =	vadd.s32 v45, v50  }
0xb0: {  	v41 =	vadd.s32 $0x1B00, v25;
	v44 =	vadd.s32 $0x3600, v25;
	v21 =	vnsel vm9, $0x0, v51;
	[tilespmem:s16+$0x0] =	vst v23  }
0xb1: {  	v41 =	vand.u32 $0x3F80, v41;
	v29 =	vand.u32 $0x7F, v25;
	v22 =	vadd.s32 v22, v50;
	[tilespmem:s13+$0x10] =	vst v21  }
0xb2: {  	s5 =	simm.s32 $0x0;
	v44 =	vand.u32 $0x7F80, v44;
	v41 =	vor.u32 v29, v41;
	v43 =	vadd.s32 $0x2400, v25;
	[tilespmem:s16+$0x10] =	vst v22  }
0xb3: {  	v44 =	vor.u32 v29, v44;
	v36 =	vadd.s32 $0x1200, v24;
	v42 =	vadd.s32 $0x1B00, v24;
	v52 =	vld.idx.msk [tilespmem:v25+s5+$0x0], $0xffff  }
0xb4: {  	v28 =	vand.u32 $0x7F, v24;
	v36 =	vand.u32 $0x3F80, v36;
	v42 =	vand.u32 $0x3F80, v42;
	v53 =	vld.idx.msk [tilespmem:v24+s5+$0x0], $0xffff  }
0xb5: {  	v56 =	vadd.s32 $0x900, v24;
	v36 =	vor.u32 v28, v36;
	v60 =	vor.u32 v28, v42  }
0xb6: {  	v45 =	vand.u32 $0x7F80, v43;
	v57 =	vadd.s32 $0x900, v23;
	v35 =	vadd.s32 $0x900, v22  }
0xb7: {  	v39 =	vadd.s32 $0x1200, v23;
	v40 =	vadd.s32 $0x1200, v22;
	v61 =	vadd.s32 $0x1B00, v23  }
0xb8: {  	v47 =	vor.u32 v29, v45;
	v45 =	vadd.s32 $0x3600, v24;
	v33 =	vand.u32 $0x3F80, v57  }
0xb9: {  	v35 =	vand.u32 $0x3F80, v35;
	v26 =	vmul.f32 v18, v52;
	v27 =	vmul.f32 v19, v53  }
0xba: {  	v39 =	vand.u32 $0x3F80, v39;
	v40 =	vand.u32 $0x3F80, v40;
	v42 =	vand.u32 $0x3F80, v61;
	v54 =	vld.idx.msk [tilespmem:v23+s5+$0x0], $0xffff  }
0xbb: {  	v57 =	vadd.s32 $0x2400, v22;
	v38 =	vld.idx.msk [tilespmem:v22+s5+$0x0], $0xffff;
	v30 =	vadd.f32 v27, v26;
	v26 =	vand.u32 $0x3F80, v55  }
0xbc: {  	v61 =	vadd.s32 $0x2D00, v22;
	v59 =	vld.idx.msk [tilespmem:v36+s5+$0x0], $0xffff;
	v27 =	vand.u32 $0x3F80, v56;
	v32 =	vor.u32 v29, v26  }
0xbd: {  	v45 =	vand.u32 $0x7F80, v45;
	v36 =	vld.idx.msk [tilespmem:v60+s5+$0x0], $0xffff;
	v26 =	vand.u32 $0x7F, v23;
	v34 =	vor.u32 v28, v27  }
0xbe: {  	v43 =	vand.u32 $0x7F80, v61;
	v27 =	vand.u32 $0x3F80, v58;
	v33 =	vor.u32 v26, v33  }
0xbf: {  	v46 =	vld.idx.msk [tilespmem:v41+s5+$0x0], $0xffff;
	v60 =	vadd.s32 $0x2D00, v23;
	v53 =	vadd.s32 $0x2400, v24;
	v37 =	vor.u32 v29, v27  }
0xc0: {  	v52 =	vld.idx.msk [tilespmem:v47+s5+$0x0], $0xffff;
	v47 =	vadd.s32 $0x3F00, v24;
	v31 =	vmul.f32 v20, v54;
	v39 =	vor.u32 v26, v39  }
0xc1: {  	v38 =	vmul.f32 v21, v38;
	v27 =	vand.u32 $0x7F, v22;
	v63 =	vor.u32 v26, v42;
	v32 =	vld.idx.msk [tilespmem:v32+s5+$0x0], $0xffff  }
0xc2: {  	v36 =	vmul.f32 v36, v19;
	v54 =	vadd.s32 $0x1B00, v22;
	v35 =	vor.u32 v27, v35;
	v34 =	vld.idx.msk [tilespmem:v34+s5+$0x0], $0xffff  }
0xc3: {  	v30 =	vadd.f32 v30, v31;
	v42 =	vand.u32 $0x7F80, v60;
	v40 =	vor.u32 v27, v40;
	v33 =	vld.idx.msk [tilespmem:v33+s5+$0x0], $0xffff  }
0xc4: {  	v47 =	vand.u32 $0x7F80, v47;
	v55 =	vand.u32 $0x3F80, v54;
	v42 =	vor.u32 v26, v42;
	v37 =	vld.idx.msk [tilespmem:v37+s5+$0x0], $0xffff  }
0xc5: {  	v56 =	vadd.s32 $0x2400, v23;
	v43 =	vor.u32 v27, v43;
	v30 =	vadd.f32 v30, v38;
	v39 =	vld.idx.msk [tilespmem:v39+s5+$0x0], $0xffff  }
0xc6: {  	v31 =	vmul.f32 v59, v19;
	v59 =	vadd.s32 $0x2D00, v24;
	v38 =	vand.u32 $0x7F80, v53;
	v50 =	vld.idx.msk [tilespmem:v63+s5+$0x0], $0xffff  }
0xc7: {  	v41 =	vand.u32 $0x7F80, v59;
	v38 =	vor.u32 v28, v38;
	v30 =	vmul.f32 v30, v4;
	v35 =	vld.idx.msk [tilespmem:v35+s5+$0x0], $0xffff  }
0xc8: {  	v47 =	vor.u32 v28, v47;
	v58 =	vadd.s32 $0x2D00, v25;
	v41 =	vor.u32 v28, v41;
	v62 =	vld.idx.msk [tilespmem:v40+s5+$0x0], $0xffff  }
0xc9: {  	v63 =	vor.u32 v28, v45;
	v30 =	vadd.f32 $0.0e+00, v30;
	v42 =	vld.idx.msk [tilespmem:v42+s5+$0x0], $0xffff;
	v32 =	vmul.f32 v32, v18  }
0xca: {  	v40 =	vand.u32 $0x7F80, v58;
	v43 =	vld.idx.msk [tilespmem:v43+s5+$0x0], $0xffff;
	v34 =	vmul.f32 v34, v19;
	v33 =	vmul.f32 v33, v20  }
0xcb: {  	v40 =	vor.u32 v29, v40;
	v37 =	vmul.f32 v37, v18;
	v49 =	vmul.f32 v39, v20  }
0xcc: {  	v38 =	vld.idx.msk [tilespmem:v38+s5+$0x0], $0xffff;
	v39 =	vand.u32 $0x7F80, v57;
	v32 =	vadd.f32 v34, v32;
	v48 =	vmul.f32 v35, v21  }
0xcd: {  	v51 =	vmul.f32 v62, v21;
	v34 =	vmul.f32 v46, v18;
	v35 =	vor.u32 v27, v55  }
0xce: {  	v39 =	vor.u32 v27, v39;
	v46 =	vadd.s32 $0x3F00, v25;
	v58 =	vmul.f32 v42, v20  }
0xcf: {  	v60 =	vmul.f32 v43, v21;
	v31 =	vadd.f32 v31, v37;
	v37 =	vmul.f32 v52, v18  }
0xd0: {  	v44 =	vld.idx.msk [tilespmem:v44+s5+$0x0], $0xffff;
	v46 =	vand.u32 $0x7F80, v46;
	v32 =	vadd.f32 v33, v32;
	v34 =	vadd.f32 v36, v34  }
0xd1: {  	v62 =	vld.idx.msk [tilespmem:v40+s5+$0x0], $0xffff;
	v33 =	vmul.f32 v50, v20;
	v36 =	vand.u32 $0x7F80, v56;
	v38 =	vmul.f32 v38, v19  }
0xd2: {  	v40 =	vld.idx.msk [tilespmem:v63+s5+$0x0], $0xffff;
	v46 =	vor.u32 v29, v46;
	v31 =	vadd.f32 v49, v31;
	v36 =	vor.u32 v26, v36  }
0xd3: {  	v49 =	vld.idx.msk [tilespmem:v41+s5+$0x0], $0xffff;
	v32 =	vadd.f32 v48, v32;
	v33 =	vadd.f32 v33, v34;
	v48 =	vadd.s32 $0x3600, v23  }
0xd4: {  	v37 =	vadd.f32 v38, v37;
	v31 =	vadd.f32 v51, v31;
	v35 =	vld.idx.msk [tilespmem:v35+s5+$0x0], $0xffff;
	v50 =	vand.u32 $0x7F80, v48  }
0xd5: {  	v39 =	vld.idx.msk [tilespmem:v39+s5+$0x0], $0xffff;
	v51 =	vadd.s32 $0x3600, v22;
	v32 =	vmul.f32 v32, v5;
	v41 =	vor.u32 v26, v50  }
0xd6: {  	v45 =	vand.u32 $0x7F80, v51;
	v52 =	vmul.f32 v62, v18;
	v62 =	vmul.f32 v44, v18  }
0xd7: {  	v63 =	vmul.f32 v40, v19;
	v44 =	vld.idx.msk [tilespmem:v47+s5+$0x0], $0xffff;
	v50 =	vadd.s32 $0x3F00, v23;
	v45 =	vor.u32 v27, v45  }
0xd8: {  	v31 =	vmul.f32 v31, v6;
	v61 =	vld.idx.msk [tilespmem:v46+s5+$0x0], $0xffff;
	v30 =	vadd.f32 v32, v30;
	v53 =	vmul.f32 v49, v19  }
0xd9: {  	v32 =	vadd.f32 v63, v62;
	v62 =	vadd.s32 $0x5A00, v24;
	v63 =	vadd.s32 $0x5A00, v23  }
0xda: {  	v35 =	vmul.f32 v35, v21;
	v55 =	vmul.f32 v39, v21;
	v30 =	vadd.f32 v31, v30  }
0xdb: {  	v36 =	vld.idx.msk [tilespmem:v36+s5+$0x0], $0xffff;
	v57 =	vadd.f32 v53, v52;
	v52 =	vadd.s32 $0x3F00, v22;
	v53 =	vadd.s32 $0x4800, v25  }
0xdc: {  	v49 =	vmul.f32 v44, v19;
	v34 =	vand.u32 $0x7F80, v52;
	v44 =	vand.u32 $0x7F80, v62  }
0xdd: {  	v33 =	vadd.f32 v35, v33;
	v31 =	vadd.f32 v58, v57;
	v48 =	vmul.f32 v61, v18  }
0xde: {  	v34 =	vor.u32 v27, v34;
	v57 =	vadd.s32 $0x5100, v25;
	v58 =	vadd.s32 $0x5100, v24  }
0xdf: {  	v56 =	vld.idx.msk [tilespmem:v41+s5+$0x0], $0xffff;
	v61 =	vadd.s32 $0x5A00, v25;
	v25 =	vadd.s32 $0x6300, v25;
	v44 =	vor.u32 v28, v44  }
0xe0: {  	v36 =	vmul.f32 v36, v20;
	v39 =	vand.u32 $0x7F80, v57;
	v40 =	vand.u32 $0x7F80, v58  }
0xe1: {  	v59 =	vld.idx.msk [tilespmem:v45+s5+$0x0], $0xffff;
	v43 =	vand.u32 $0x7F80, v61;
	v33 =	vmul.f32 v33, v7;
	v31 =	vadd.f32 v60, v31  }
0xe2: {  	v39 =	vor.u32 v29, v39;
	v60 =	vadd.s32 $0x5100, v22;
	v54 =	vadd.f32 v36, v37  }
0xe3: {  	v40 =	vor.u32 v28, v40;
	v43 =	vor.u32 v29, v43;
	v42 =	vand.u32 $0x7F80, v60  }
0xe4: {  	v30 =	vadd.f32 v33, v30;
	v46 =	vmul.f32 v56, v20;
	v35 =	vadd.f32 v55, v54  }
0xe5: {  	v31 =	vmul.f32 v31, v9;
	v56 =	vadd.s32 $0x4800, v22;
	v42 =	vor.u32 v27, v42  }
0xe6: {  	v47 =	vmul.f32 v59, v21;
	v38 =	vand.u32 $0x7F80, v56;
	v45 =	vmul.f32 v35, v8  }
0xe7: {  	v54 =	vadd.s32 $0x4800, v24;
	v34 =	vld.idx.msk [tilespmem:v34+s5+$0x0], $0xffff;
	v32 =	vadd.f32 v46, v32;
	v38 =	vor.u32 v27, v38  }
0xe8: {  	v36 =	vand.u32 $0x7F80, v54;
	v35 =	vand.u32 $0x7F80, v53;
	v39 =	vld.idx.msk [tilespmem:v39+s5+$0x0], $0xffff;
	v30 =	vadd.f32 v45, v30  }
0xe9: {  	v55 =	vadd.s32 $0x4800, v23;
	v36 =	vor.u32 v28, v36;
	v40 =	vld.idx.msk [tilespmem:v40+s5+$0x0], $0xffff;
	v35 =	vor.u32 v29, v35  }
0xea: {  	v46 =	vld.idx.msk [tilespmem:v43+s5+$0x0], $0xffff;
	v30 =	vadd.f32 v31, v30;
	v31 =	vadd.f32 v47, v32;
	v32 =	vand.u32 $0x7F80, v50  }
0xeb: {  	v59 =	vadd.s32 $0x5100, v23;
	v37 =	vand.u32 $0x7F80, v55;
	v42 =	vld.idx.msk [tilespmem:v42+s5+$0x0], $0xffff;
	v32 =	vor.u32 v26, v32  }
0xec: {  	v24 =	vadd.s32 $0x6300, v24;
	v41 =	vand.u32 $0x7F80, v59;
	v37 =	vor.u32 v26, v37;
	v38 =	vld.idx.msk [tilespmem:v38+s5+$0x0], $0xffff  }
0xed: {  	v25 =	vand.u32 $0xFF80, v25;
	v24 =	vand.u32 $0xFF80, v24;
	v41 =	vor.u32 v26, v41;
	v47 =	vld.idx.msk [tilespmem:v44+s5+$0x0], $0xffff  }
0xee: {  	v51 =	vadd.f32 v49, v48;
	v23 =	vadd.s32 $0x6300, v23;
	v24 =	vor.u32 v28, v24;
	v36 =	vld.idx.msk [tilespmem:v36+s5+$0x0], $0xffff  }
0xef: {  	v25 =	vor.u32 v29, v25;
	v23 =	vand.u32 $0xFF80, v23;
	v29 =	vand.u32 $0x7F80, v63;
	v35 =	vld.idx.msk [tilespmem:v35+s5+$0x0], $0xffff  }
0xf0: {  	v23 =	vor.u32 v26, v23;
	v29 =	vor.u32 v26, v29;
	v45 =	vadd.s32 $0x5A00, v22;
	v32 =	vld.idx.msk [tilespmem:v32+s5+$0x0], $0xffff  }
0xf1: {  	v22 =	vadd.s32 $0x6300, v22;
	v28 =	vand.u32 $0x7F80, v45;
	v34 =	vmul.f32 v34, v21;
	v37 =	vld.idx.msk [tilespmem:v37+s5+$0x0], $0xffff  }
0xf2: {  	v22 =	vand.u32 $0xFF80, v22;
	v41 =	vld.idx.msk [tilespmem:v41+s5+$0x0], $0xffff;
	v49 =	vmul.f32 v39, v18;
	v50 =	vmul.f32 v40, v19  }
0xf3: {  	v28 =	vor.u32 v27, v28;
	v24 =	vld.idx.msk [tilespmem:v24+s5+$0x0], $0xffff;
	v54 =	vmul.f32 v46, v18;
	v31 =	vmul.f32 v31, v10  }
0xf4: {  	v25 =	vld.idx.msk [tilespmem:v25+s5+$0x0], $0xffff;
	v22 =	vor.u32 v27, v22;
	v56 =	vmul.f32 v42, v21;
	v36 =	vmul.f32 v36, v19  }
0xf5: {  	v29 =	vld.idx.msk [tilespmem:v29+s5+$0x0], $0xffff;
	v35 =	vmul.f32 v35, v18;
	v32 =	vmul.f32 v32, v20  }
0xf6: {  	v27 =	vadd.f32 v50, v49;
	v52 =	vmul.f32 v38, v21;
	v26 =	vmul.f32 v47, v19  }
0xf7: {  	v23 =	vld.idx.msk [tilespmem:v23+s5+$0x0], $0xffff;
	v48 =	vmul.f32 v37, v20;
	v35 =	vadd.f32 v36, v35;
	v32 =	vadd.f32 v32, v51  }
0xf8: {  	v30 =	vadd.f32 v31, v30;
	v28 =	vld.idx.msk [tilespmem:v28+s5+$0x0], $0xffff;
	v53 =	vmul.f32 v41, v20;
	v19 =	vmul.f32 v24, v19  }
0xf9: {  	v22 =	vld.idx.msk [tilespmem:v22+s5+$0x0], $0xffff;
	v18 =	vmul.f32 v25, v18;
	v51 =	vadd.f32 v48, v35;
	v32 =	vadd.f32 v34, v32  }
0xfa: {  	v26 =	vadd.f32 v26, v54;
	v27 =	vadd.f32 v53, v27;
	v29 =	vmul.f32 v29, v20  }
0xfb: {  	v18 =	vadd.f32 v19, v18;
	v55 =	vadd.f32 v52, v51;
	v32 =	vmul.f32 v32, v11  }
0xfc: {  	v19 =	vmul.f32 v23, v20;
	v58 =	vadd.f32 v56, v27;
	v26 =	vadd.f32 v29, v26  }
0xfd: {  	v59 =	vmul.f32 v28, v21;
	v57 =	vmul.f32 v55, v13;
	v30 =	vadd.f32 v32, v30  }
0xfe: {  	v18 =	vadd.f32 v19, v18;
	v19 =	vmul.f32 v22, v21  }
0xff: {  	v61 =	vmul.f32 v58, v14;
	v62 =	vadd.f32 v59, v26;
	v60 =	vadd.f32 v57, v30;
	_ =	sdelay $0x1  }
0x100: {  	v18 =	vadd.f32 v19, v18;
	v63 =	vmul.f32 v62, v15;
	v20 =	vadd.f32 v61, v60;
	_ =	sdelay $0x1  }
0x101: {  	v18 =	vmul.f32 v18, v17;
	v19 =	vadd.f32 v63, v20  }
0x102: {  	p0 =	sne.s32 s17, $0x8  }
.Ltmp1:
0x103: {  	v18 =	vadd.f32 v18, v19;
	(pc) =	sbr.rel @p0 .LBB2_5-.Ltmp1, $4  }
0x104: {  	_ = 	snop  }
0x105: {  	v18 =	vmul.f32 $2.886751290e-01, v18  }
0x106: {  	s9 =	sadd.s32 $0x200, s9;
	s17 =	sadd.s32 $0x1, s17  }
0x107: {  	s13 =	sadd.s32 $0x40, s13;
	s16 =	sadd.s32 $0x40, s16;
	[tilespmem:s12+$0x0] =	vst v18;
	s12 =	sadd.s32 $0x10, s12  }
0x108: {  	s9 =	simm.s32 $0x1FD90;
	s12 =	simm.s32 $0x1FAF0;
	s13 =	simm.s32 $0x1F670  }
.LBB2_7:
0x109: {  	s6 =	smulhi.u32 $0xAAAAAAAB, s5  }
0x10a: {  	s7 =	smul.u32 $0xAB, s5;
	_ =	sdelay $0x1  }
0x10b: {  	s6 =	sshrl.u32 s6, $0x1;
	s7 =	sshrl.u32 s7, $0x9  }
0x10c: {  	v18 =	vld [tilespmem:s19+$0xFFFFFF80];
	s6 =	smul.u32 $0x3, s6;
	s7 =	sand.u32 $0x7F, s7  }
0x10d: {  	s7 =	sadd.s32 $0xFFFFFFFF, s7  }
0x10e: {  	v19 =	vld [tilespmem:s19+$0x0];
	s6 =	sxor.u32 $0xFFFFFFFF, s6;
	v20 =	vadd.s32 s7, v12  }
0x10f: {  	s6 =	sadd.s32 s5, s6;
	v20 =	vcvt.s32.f32 v20  }
0x110: {  	v21 =	vadd.s32 s6, v16  }
0x111: {  	v21 =	vcvt.s32.f32 v21;
	v20 =	vadd.f32 v20, v18;
	_ =	sdelay $0x1  }
0x112: {  	v18 =	vadd.f32 v21, v19;
	v19 =	vtrunc.f32 v20  }
0x113: {  	v38 =	vcvt.f32.s32 v19;
	vm9 =	vlt.f32 v20, v19  }
0x114: {  	v22 =	vtrunc.f32 v18;
	v39 =	vsel vm9, $0xFFFFFFFF, v2  }
0x115: {  	vm10 =	vlt.f32 v18, v22;
	v21 =	vadd.s32 v38, v39  }
0x116: {  	v19 =	vcvt.f32.s32 v22;
	v23 =	vsel vm10, $0xFFFFFFFF, v2;
	v22 =	vcvt.s32.f32 v21  }
0x117: {  	vm10 =	vlt.u32 v21, $0x30;
	v26 =	vadd.s32 $0x1, v21;
	vm12 =	vgt.s32 v21, $0x0  }
0x118: {  	v19 =	vadd.s32 v19, v23;
	v27 =	vcvt.s32.f32 v26;
	v21 =	vnsel vm12, $0x0, v21  }
0x119: {  	v23 =	vcvt.s32.f32 v19;
	v22 =	vsub.f32 v20, v22;
	v24 =	vadd.s32 $0x1, v19  }
0x11a: {  	vm11 =	vlt.u32 v19, $0x30;
	vm12 =	vgt.s32 v19, $0x0;
	v21 =	vmin.u32 v21, $0x2F  }
0x11b: {  	v25 =	vcvt.s32.f32 v24;
	vm9 =	vmand vm10, vm11;
	v20 =	vsub.f32 v20, v27  }
0x11c: {  	v41 =	vnsel vm12, $0x0, v19;
	v23 =	vsub.f32 v18, v23;
	v22 =	vand.u32 $0x7FFFFFFF, v22  }
0x11d: {  	v44 =	vmul.u32 $0x30, v21;
	v22 =	vsub.f32 $1.000000000e+00, v22;
	v18 =	vsub.f32 v18, v25  }
0x11e: {  	v20 =	vand.u32 $0x7FFFFFFF, v20;
	v25 =	vmin.u32 v41, $0x2F;
	v23 =	vand.u32 $0x7FFFFFFF, v23  }
0x11f: {  	v43 =	vsub.f32 $1.000000000e+00, v20;
	v27 =	vadd.s32 v25, v44;
	v23 =	vsub.f32 $1.000000000e+00, v23  }
0x120: {  	v18 =	vand.u32 $0x7FFFFFFF, v18;
	v48 =	vadd.s32 $0x6C00, v27;
	v29 =	vand.u32 $0x7F, v27  }
0x121: {  	v57 =	vadd.s32 $0x7500, v27;
	v36 =	vadd.s32 $0x7E00, v27;
	v41 =	vadd.s32 $0x8700, v27  }
0x122: {  	v28 =	vsub.f32 $1.000000000e+00, v18;
	v36 =	vand.u32 $0xFF80, v36;
	v40 =	vmul.f32 v23, v22  }
0x123: {  	v41 =	vand.u32 $0xBF80, v41;
	v46 =	vmul.f32 v23, v43;
	v36 =	vor.u32 v29, v36  }
0x124: {  	v22 =	vmul.f32 v28, v22;
	v18 =	vnsel vm9, $0x0, v40;
	vm9 =	vlt.u32 v24, $0x30  }
0x125: {  	v41 =	vor.u32 v29, v41;
	v47 =	vmul.f32 v28, v43;
	vm10 =	vmand vm10, vm9  }
0x126: {  	v43 =	vadd.s32 $0x9000, v27;
	v19 =	vnsel vm10, $0x0, v22;
	vm10 =	vgt.s32 v24, $0x0  }
0x127: {  	v63 =	vand.u32 $0xBF80, v43;
	v42 =	vnsel vm10, $0x0, v24;
	vm10 =	vgt.s32 v26, $0x0  }
0x128: {  	v24 =	vand.u32 $0xFF80, v48;
	v45 =	vnsel vm10, $0x0, v26;
	vm10 =	vlt.u32 v26, $0x30  }
0x129: {  	v30 =	vmin.u32 v42, $0x2F;
	v50 =	vor.u32 v29, v24;
	v21 =	vmin.u32 v45, $0x2F  }
0x12a: {  	[tilespmem:s13+$0xFFFFFFD0] =	vst v18;
	vm11 =	vmand vm10, vm11;
	v23 =	vadd.s32 v44, v30;
	vm9 =	vmand vm10, vm9  }
0x12b: {  	[tilespmem:s12+$0xFFFFFFD0] =	vst v27;
	v31 =	vmul.u32 $0x30, v21;
	v20 =	vnsel vm11, $0x0, v46;
	v49 =	vadd.s32 $0x6C00, v23  }
0x12c: {  	[tilespmem:s13+$0xFFFFFFE0] =	vst v19;
	v26 =	vand.u32 $0x7F, v23;
	v21 =	vnsel vm9, $0x0, v47;
	v34 =	vadd.s32 $0x7500, v23  }
0x12d: {  	[tilespmem:s12+$0xFFFFFFE0] =	vst v23;
	v37 =	vadd.s32 $0x7E00, v23;
	v42 =	vadd.s32 $0x8700, v23;
	v46 =	vor.u32 v29, v63  }
0x12e: {  	v51 =	vand.u32 $0xFF80, v49;
	[tilespmem:s13+$0xFFFFFFF0] =	vst v20;
	v34 =	vand.u32 $0xFF80, v34;
	v22 =	vadd.s32 v25, v31  }
0x12f: {  	v37 =	vand.u32 $0xFF80, v37;
	v42 =	vand.u32 $0xBF80, v42;
	v32 =	vor.u32 v26, v51;
	[tilespmem:s12+$0xFFFFFFF0] =	vst v22  }
0x130: {  	v24 =	vadd.s32 v30, v31;
	v34 =	vor.u32 v26, v34;
	v37 =	vor.u32 v26, v37;
	[tilespmem:s13+$0x0] =	vst v21  }
0x131: {  	v59 =	vor.u32 v26, v42;
	v51 =	vadd.s32 $0x9000, v23;
	v52 =	vadd.s32 $0x6C00, v22;
	[tilespmem:s12+$0x0] =	vst v24  }
0x132: {  	v25 =	vand.u32 $0x7F, v22;
	v55 =	vadd.s32 $0x6C00, v24;
	v35 =	vadd.s32 $0x7500, v22;
	v28 =	vld.idx.msk [tilespmem:v50+s3+$0x0], $0xffff  }
0x133: {  	v38 =	vadd.s32 $0x7500, v24;
	v39 =	vadd.s32 $0x7E00, v22;
	v40 =	vadd.s32 $0x7E00, v24;
	v36 =	vld.idx.msk [tilespmem:v36+s3+$0x0], $0xffff  }
0x134: {  	v60 =	vadd.s32 $0x8700, v22;
	v63 =	vadd.s32 $0xA200, v22;
	v33 =	vand.u32 $0xFF80, v52;
	v45 =	vld.idx.msk [tilespmem:v41+s3+$0x0], $0xffff  }
0x135: {  	v56 =	vand.u32 $0xFF80, v55;
	v35 =	vand.u32 $0xFF80, v35;
	v53 =	vor.u32 v25, v33;
	v50 =	vld.idx.msk [tilespmem:v46+s3+$0x0], $0xffff  }
0x136: {  	v38 =	vand.u32 $0xFF80, v38;
	v39 =	vand.u32 $0xFF80, v39;
	v35 =	vor.u32 v25, v35;
	v54 =	vld.idx.msk [tilespmem:v32+s3+$0x0], $0xffff  }
0x137: {  	v40 =	vand.u32 $0xFF80, v40;
	v33 =	vand.u32 $0xFF80, v57;
	v39 =	vor.u32 v25, v39;
	v34 =	vld.idx.msk [tilespmem:v34+s3+$0x0], $0xffff  }
0x138: {  	v42 =	vand.u32 $0xBF80, v60;
	v52 =	vadd.s32 $0x8700, v24;
	v33 =	vor.u32 v29, v33;
	v58 =	vld.idx.msk [tilespmem:v37+s3+$0x0], $0xffff  }
0x139: {  	v55 =	vadd.s32 $0x9000, v22;
	v60 =	vadd.s32 $0x9900, v24;
	v62 =	vor.u32 v25, v42;
	v37 =	vld.idx.msk [tilespmem:v59+s3+$0x0], $0xffff  }
0x13a: {  	v57 =	vadd.s32 $0x9900, v27;
	v46 =	vadd.s32 $0xAB00, v27;
	v59 =	vadd.s32 $0x9900, v22;
	v30 =	vld.idx.msk [tilespmem:v53+s3+$0x0], $0xffff  }
0x13b: {  	v43 =	vand.u32 $0xBF80, v60;
	v46 =	vand.u32 $0xFF80, v46;
	v42 =	vand.u32 $0xBF80, v59;
	v35 =	vld.idx.msk [tilespmem:v35+s3+$0x0], $0xffff  }
0x13c: {  	v46 =	vor.u32 v29, v46;
	v39 =	vld.idx.msk [tilespmem:v39+s3+$0x0], $0xffff;
	v28 =	vmul.f32 v18, v28;
	v31 =	vmul.f32 v19, v54  }
0x13d: {  	v42 =	vor.u32 v25, v42;
	v33 =	vld.idx.msk [tilespmem:v33+s3+$0x0], $0xffff;
	v36 =	vmul.f32 v36, v18;
	v34 =	vmul.f32 v34, v19  }
0x13e: {  	v37 =	vmul.f32 v37, v19;
	v31 =	vadd.f32 v31, v28;
	v28 =	vand.u32 $0x7F, v24  }
0x13f: {  	v54 =	vand.u32 $0xBF80, v52;
	v30 =	vmul.f32 v20, v30;
	v32 =	vor.u32 v28, v56  }
0x140: {  	v38 =	vor.u32 v28, v38;
	v40 =	vor.u32 v28, v40;
	v44 =	vmul.f32 v35, v20  }
0x141: {  	v49 =	vld.idx.msk [tilespmem:v62+s3+$0x0], $0xffff;
	v48 =	vmul.f32 v39, v20;
	v35 =	vmul.f32 v45, v18;
	v56 =	vadd.s32 $0x9000, v24  }
0x142: {  	v43 =	vor.u32 v28, v43;
	v45 =	vadd.s32 $0xA200, v23;
	v33 =	vmul.f32 v33, v18  }
0x143: {  	v39 =	vand.u32 $0xBF80, v56;
	v45 =	vand.u32 $0xFF80, v45;
	v30 =	vadd.f32 v31, v30  }
0x144: {  	v31 =	vmul.f32 v58, v19;
	v53 =	vadd.f32 v37, v35;
	v35 =	vor.u32 v28, v54  }
0x145: {  	v42 =	vld.idx.msk [tilespmem:v42+s3+$0x0], $0xffff;
	v37 =	vand.u32 $0xBF80, v55;
	v39 =	vor.u32 v28, v39;
	v58 =	vadd.s32 $0x9900, v23  }
0x146: {  	v62 =	vor.u32 v26, v45;
	v33 =	vadd.f32 v34, v33;
	v34 =	vmul.f32 v49, v20;
	v32 =	vld.idx.msk [tilespmem:v32+s3+$0x0], $0xffff  }
0x147: {  	v37 =	vor.u32 v25, v37;
	v41 =	vand.u32 $0xBF80, v58;
	v49 =	vand.u32 $0xFF80, v63;
	v38 =	vld.idx.msk [tilespmem:v38+s3+$0x0], $0xffff  }
0x148: {  	v31 =	vadd.f32 v31, v36;
	v36 =	vmul.f32 v50, v18;
	v41 =	vor.u32 v26, v41;
	v61 =	vld.idx.msk [tilespmem:v40+s3+$0x0], $0xffff  }
0x149: {  	v33 =	vadd.f32 v44, v33;
	v40 =	vand.u32 $0xBF80, v57;
	v44 =	vadd.s32 $0xA200, v27;
	v43 =	vld.idx.msk [tilespmem:v43+s3+$0x0], $0xffff  }
0x14a: {  	v50 =	vadd.s32 $0xA200, v24;
	v40 =	vor.u32 v29, v40;
	v44 =	vand.u32 $0xFF80, v44;
	v35 =	vld.idx.msk [tilespmem:v35+s3+$0x0], $0xffff  }
0x14b: {  	v45 =	vand.u32 $0xFF80, v50;
	v57 =	vmul.f32 v42, v20;
	v39 =	vld.idx.msk [tilespmem:v39+s3+$0x0], $0xffff;
	v44 =	vor.u32 v29, v44  }
0x14c: {  	v50 =	vadd.s32 $0xAB00, v22;
	v31 =	vadd.f32 v48, v31;
	v45 =	vor.u32 v28, v45;
	v37 =	vld.idx.msk [tilespmem:v37+s3+$0x0], $0xffff  }
0x14d: {  	v60 =	vld.idx.msk [tilespmem:v46+s3+$0x0], $0xffff;
	v32 =	vmul.f32 v21, v32;
	v47 =	vmul.f32 v38, v21;
	v38 =	vand.u32 $0xBF80, v51  }
0x14e: {  	v48 =	vld.idx.msk [tilespmem:v41+s3+$0x0], $0xffff;
	v41 =	vor.u32 v25, v49;
	v59 =	vmul.f32 v43, v21;
	v38 =	vor.u32 v26, v38  }
0x14f: {  	v30 =	vadd.f32 v30, v32;
	v33 =	vadd.f32 v47, v33;
	v32 =	vmul.f32 v61, v21;
	v61 =	vld.idx.msk [tilespmem:v40+s3+$0x0], $0xffff  }
0x150: {  	v47 =	vadd.s32 $0xAB00, v23;
	v44 =	vld.idx.msk [tilespmem:v44+s3+$0x0], $0xffff;
	v35 =	vmul.f32 v35, v21;
	v54 =	vmul.f32 v39, v21  }
0x151: {  	v40 =	vld.idx.msk [tilespmem:v62+s3+$0x0], $0xffff;
	v47 =	vand.u32 $0xFF80, v47;
	v37 =	vmul.f32 v37, v20;
	v30 =	vmul.f32 v30, v4  }
0x152: {  	v58 =	vld.idx.msk [tilespmem:v45+s3+$0x0], $0xffff;
	v31 =	vadd.f32 v32, v31;
	v32 =	vadd.f32 v34, v53;
	v47 =	vor.u32 v26, v47  }
0x153: {  	v52 =	vmul.f32 v48, v19;
	v55 =	vld.idx.msk [tilespmem:v41+s3+$0x0], $0xffff;
	v48 =	vmul.f32 v60, v18;
	v60 =	vadd.s32 $0xBD00, v24  }
0x154: {  	v33 =	vmul.f32 v33, v5;
	v42 =	vand.u32 $0xFF80, v60;
	v30 =	vadd.f32 $0.0e+00, v30  }
0x155: {  	v31 =	vmul.f32 v31, v6;
	v32 =	vadd.f32 v35, v32;
	v51 =	vmul.f32 v61, v18  }
0x156: {  	v42 =	vor.u32 v28, v42;
	v61 =	vmul.f32 v44, v18;
	v62 =	vmul.f32 v40, v19  }
0x157: {  	v38 =	vld.idx.msk [tilespmem:v38+s3+$0x0], $0xffff;
	v30 =	vadd.f32 v33, v30;
	v32 =	vmul.f32 v32, v7;
	v56 =	vadd.f32 v52, v51  }
0x158: {  	v63 =	vld.idx.msk [tilespmem:v47+s3+$0x0], $0xffff;
	v33 =	vadd.f32 v62, v61;
	v45 =	vmul.f32 v55, v20;
	v47 =	vmul.f32 v58, v21  }
0x159: {  	v52 =	vadd.s32 $0xAB00, v24;
	v55 =	vadd.s32 $0xB400, v22;
	v58 =	vadd.s32 $0xBD00, v23  }
0x15a: {  	v61 =	vadd.s32 $0xC600, v27;
	v62 =	vadd.s32 $0xC600, v23;
	v30 =	vadd.f32 v31, v30  }
0x15b: {  	v34 =	vand.u32 $0xFF80, v52;
	v40 =	vand.u32 $0xFF80, v58;
	v43 =	vand.u32 $0xFF80, v61  }
0x15c: {  	v38 =	vmul.f32 v38, v19;
	v31 =	vadd.f32 v57, v56;
	v46 =	vadd.f32 v45, v33  }
0x15d: {  	v34 =	vor.u32 v28, v34;
	v56 =	vadd.s32 $0xB400, v24;
	v57 =	vadd.s32 $0xBD00, v27  }
0x15e: {  	v40 =	vor.u32 v26, v40;
	v43 =	vor.u32 v29, v43;
	v30 =	vadd.f32 v32, v30  }
0x15f: {  	v32 =	vand.u32 $0xFF80, v50;
	v39 =	vand.u32 $0xFF80, v57;
	v36 =	vadd.f32 v38, v36  }
0x160: {  	v31 =	vadd.f32 v59, v31;
	v32 =	vor.u32 v25, v32;
	v38 =	vand.u32 $0xFF80, v56  }
0x161: {  	v39 =	vor.u32 v29, v39;
	v59 =	vadd.s32 $0xBD00, v22;
	v49 =	vmul.f32 v63, v19  }
0x162: {  	v38 =	vor.u32 v28, v38;
	v41 =	vand.u32 $0xFF80, v59;
	v53 =	vadd.f32 v37, v36  }
0x163: {  	v63 =	vadd.s32 $0xC600, v22;
	v22 =	vadd.s32 $0xCF00, v22;
	v31 =	vmul.f32 v31, v9  }
0x164: {  	v42 =	vld.idx.msk [tilespmem:v42+s3+$0x0], $0xffff;
	v37 =	vand.u32 $0xFF80, v55;
	v35 =	vadd.f32 v54, v53;
	v54 =	vadd.s32 $0xB400, v23  }
0x165: {  	v41 =	vor.u32 v25, v41;
	v34 =	vld.idx.msk [tilespmem:v34+s3+$0x0], $0xffff;
	v53 =	vadd.s32 $0xB400, v27;
	v36 =	vand.u32 $0xFF80, v54  }
0x166: {  	v40 =	vld.idx.msk [tilespmem:v40+s3+$0x0], $0xffff;
	v44 =	vmul.f32 v35, v8;
	v35 =	vand.u32 $0xFF80, v53;
	v36 =	vor.u32 v26, v36  }
0x167: {  	v22 =	vand.u32 $0xFF80, v22;
	v51 =	vadd.f32 v49, v48;
	v32 =	vld.idx.msk [tilespmem:v32+s3+$0x0], $0xffff;
	v35 =	vor.u32 v29, v35  }
0x168: {  	v37 =	vor.u32 v25, v37;
	v22 =	vor.u32 v25, v22;
	v27 =	vadd.s32 $0xCF00, v27;
	v39 =	vld.idx.msk [tilespmem:v39+s3+$0x0], $0xffff  }
0x169: {  	v57 =	vmul.f32 v42, v21;
	v23 =	vadd.s32 $0xCF00, v23;
	v27 =	vand.u32 $0xFF80, v27;
	v38 =	vld.idx.msk [tilespmem:v38+s3+$0x0], $0xffff  }
0x16a: {  	v27 =	vor.u32 v29, v27;
	v41 =	vld.idx.msk [tilespmem:v41+s3+$0x0], $0xffff;
	v30 =	vadd.f32 v44, v30;
	v44 =	vand.u32 $0xFF80, v62  }
0x16b: {  	v23 =	vand.u32 $0xFF80, v23;
	v29 =	vand.u32 $0xFF80, v63;
	v44 =	vor.u32 v26, v44;
	v36 =	vld.idx.msk [tilespmem:v36+s3+$0x0], $0xffff  }
0x16c: {  	v23 =	vor.u32 v26, v23;
	v29 =	vor.u32 v25, v29;
	v34 =	vmul.f32 v34, v21;
	v35 =	vld.idx.msk [tilespmem:v35+s3+$0x0], $0xffff  }
0x16d: {  	v37 =	vld.idx.msk [tilespmem:v37+s3+$0x0], $0xffff;
	v30 =	vadd.f32 v31, v30;
	v31 =	vadd.f32 v47, v46;
	v46 =	vadd.s32 $0xC600, v24  }
0x16e: {  	v32 =	vmul.f32 v32, v20;
	v47 =	vld.idx.msk [tilespmem:v43+s3+$0x0], $0xffff;
	v24 =	vadd.s32 $0xCF00, v24;
	v26 =	vand.u32 $0xFF80, v46  }
0x16f: {  	v50 =	vmul.f32 v39, v18;
	v24 =	vand.u32 $0xFF80, v24;
	v27 =	vld.idx.msk [tilespmem:v27+s3+$0x0], $0xffff;
	v26 =	vor.u32 v28, v26  }
0x170: {  	v53 =	vmul.f32 v38, v21;
	v32 =	vadd.f32 v32, v51;
	v51 =	vmul.f32 v40, v19;
	v48 =	vld.idx.msk [tilespmem:v44+s3+$0x0], $0xffff  }
0x171: {  	v23 =	vld.idx.msk [tilespmem:v23+s3+$0x0], $0xffff;
	v24 =	vor.u32 v28, v24;
	v36 =	vmul.f32 v36, v19;
	v35 =	vmul.f32 v35, v18  }
0x172: {  	v31 =	vmul.f32 v31, v10;
	v54 =	vmul.f32 v41, v20;
	v29 =	vld.idx.msk [tilespmem:v29+s3+$0x0], $0xffff;
	v32 =	vadd.f32 v34, v32  }
0x173: {  	v22 =	vld.idx.msk [tilespmem:v22+s3+$0x0], $0xffff;
	v49 =	vmul.f32 v37, v20;
	v28 =	vadd.f32 v51, v50;
	v35 =	vadd.f32 v36, v35  }
0x174: {  	v30 =	vadd.f32 v31, v30;
	v55 =	vmul.f32 v47, v18;
	v32 =	vmul.f32 v32, v11;
	v26 =	vld.idx.msk [tilespmem:v26+s3+$0x0], $0xffff  }
0x175: {  	v28 =	vadd.f32 v54, v28;
	v25 =	vmul.f32 v48, v19;
	v52 =	vadd.f32 v49, v35  }
0x176: {  	v24 =	vld.idx.msk [tilespmem:v24+s3+$0x0], $0xffff;
	v18 =	vmul.f32 v27, v18;
	v30 =	vadd.f32 v32, v30;
	v19 =	vmul.f32 v23, v19  }
0x177: {  	v29 =	vmul.f32 v29, v20;
	v25 =	vadd.f32 v25, v55;
	v56 =	vadd.f32 v53, v52  }
0x178: {  	v59 =	vadd.f32 v57, v28;
	v18 =	vadd.f32 v19, v18;
	v19 =	vmul.f32 v22, v20  }
0x179: {  	v26 =	vmul.f32 v26, v21;
	v25 =	vadd.f32 v29, v25;
	v58 =	vmul.f32 v56, v13  }
0x17a: {  	v61 =	vmul.f32 v59, v14;
	v18 =	vadd.f32 v19, v18  }
0x17b: {  	v19 =	vmul.f32 v24, v21;
	v62 =	vadd.f32 v26, v25;
	v60 =	vadd.f32 v58, v30;
	_ =	sdelay $0x1  }
0x17c: {  	v18 =	vadd.f32 v19, v18;
	v63 =	vmul.f32 v62, v15;
	v20 =	vadd.f32 v61, v60;
	_ =	sdelay $0x1  }
0x17d: {  	v18 =	vmul.f32 v18, v17;
	v19 =	vadd.f32 v63, v20  }
0x17e: {  	p0 =	sne.s32 s5, $0x8  }
.Ltmp2:
0x17f: {  	v18 =	vadd.f32 v18, v19;
	(pc) =	sbr.rel @p0 .LBB2_7-.Ltmp2, $4  }
0x180: {  	_ = 	snop  }
0x181: {  	v18 =	vmul.f32 $2.886751290e-01, v18  }
0x182: {  	s19 =	sadd.s32 $0x200, s19;
	s5 =	sadd.s32 $0x1, s5  }
0x183: {  	s13 =	sadd.s32 $0x40, s13;
	s12 =	sadd.s32 $0x40, s12;
	[tilespmem:s9+$0x0] =	vst v18;
	s9 =	sadd.s32 $0x10, s9  }
0x184: {  	v4 =	vld [tilespmem:$0x1FD00]  }
0x185: {  	v5 =	vld [tilespmem:$0x1FD10]  }
0x186: {  	v6 =	vld [tilespmem:$0x1FD20]  }
0x187: {  	v7 =	vld [tilespmem:$0x1FD30]  }
0x188: {  	v8 =	vld [tilespmem:$0x1FD40]  }
0x189: {  	v9 =	vld [tilespmem:$0x1FD50]  }
0x18a: {  	v11 =	vld [tilespmem:$0x1FD60];
	v10 =	vmax.f32 v4, v5  }
0x18b: {  	v12 =	vld [tilespmem:$0x1FD70];
	v10 =	vmax.f32 v10, v6  }
0x18c: {  	v13 =	vld [tilespmem:$0x1FD80];
	v10 =	vmax.f32 v10, v7  }
0x18d: {  	v14 =	vld [tilespmem:$0x1FD90];
	v10 =	vmax.f32 v10, v8  }
0x18e: {  	v15 =	vld [tilespmem:$0x1FDA0];
	v10 =	vmax.f32 v10, v9  }
0x18f: {  	v16 =	vld [tilespmem:$0x1FDB0];
	v10 =	vmax.f32 v10, v11  }
0x190: {  	v17 =	vld [tilespmem:$0x1FDC0];
	v10 =	vmax.f32 v10, v12  }
0x191: {  	v18 =	vld [tilespmem:$0x1FDD0];
	v10 =	vmax.f32 v10, v13  }
0x192: {  	v19 =	vld [tilespmem:$0x1FDE0];
	v10 =	vmax.f32 v10, v14  }
0x193: {  	v20 =	vld [tilespmem:$0x1FDF0];
	v10 =	vmax.f32 v10, v15  }
0x194: {  	v21 =	vld [tilespmem:$0x1FE00];
	v10 =	vmax.f32 v10, v16  }
0x195: {  	v22 =	vld [tilespmem:$0x1FE10];
	v10 =	vmax.f32 v10, v17  }
0x196: {  	v10 =	vmax.f32 v10, v18  }
0x197: {  	v10 =	vmax.f32 v10, v19  }
0x198: {  	v10 =	vmax.f32 v10, v20  }
0x199: {  	v10 =	vmax.f32 v10, v21  }
0x19a: {  	v10 =	vmax.f32 v10, v22  }
0x19b: {  	v4 =	vsub.f32 v4, v10;
	_ =	sdelay $0x1  }
0x19c: {  	v5 =	vsub.f32 v5, v10;
	v4 =	vmul.f32 $1.442695020e+00, v4;
	_ =	sdelay $0x1  }
0x19d: {  	(erf) = vpow2.f32 v4;
	v4 =	vmul.f32 $1.442695020e+00, v5;
	v5 =	vsub.f32 v6, v10;
	_ =	sdelay $0x1  }
0x19e: {  	(erf) = vpow2.f32 v4;
	v4 =	vmul.f32 $1.442695020e+00, v5;
	_ =	sdelay $0x1  }
0x19f: {  	(erf) = vpow2.f32 v4;
	_ =	sdelay $0x1  }
0x1a0: {  	v7 =	vsub.f32 v7, v10;
	_ =	sdelay $0x1  }
0x1a1: {  	v8 =	vsub.f32 v8, v10;
	v7 =	vmul.f32 $1.442695020e+00, v7  }
0x1a2: {  	v9 =	vsub.f32 v9, v10  }
0x1a3: {  	v11 =	vsub.f32 v11, v10;
	v8 =	vmul.f32 $1.442695020e+00, v8;
	v4 =	vpop (erf);
	(erf) = vpow2.f32 v7  }
0x1a4: {  	v7 =	vmul.f32 $1.442695020e+00, v9;
	v9 =	vsub.f32 v12, v10;
	v5 =	vadd.f32 $0.0e+00, v4  }
0x1a5: {  	v6 =	vpop (erf);
	(erf) = vpow2.f32 v8;
	v8 =	vmul.f32 $1.442695020e+00, v11;
	v11 =	vsub.f32 v13, v10  }
0x1a6: {  	v23 =	vpop (erf);
	(erf) = vpow2.f32 v7;
	v7 =	vmul.f32 $1.442695020e+00, v9;
	v9 =	vsub.f32 v14, v10  }
0x1a7: {  	(erf) = vpow2.f32 v8;
	v8 =	vmul.f32 $1.442695020e+00, v11;
	v11 =	vsub.f32 v15, v10  }
0x1a8: {  	(erf) = vpow2.f32 v7;
	v7 =	vmul.f32 $1.442695020e+00, v9;
	v9 =	vsub.f32 v16, v10  }
0x1a9: {  	(erf) = vpow2.f32 v8;
	v8 =	vmul.f32 $1.442695020e+00, v11;
	v11 =	vsub.f32 v17, v10  }
0x1aa: {  	(erf) = vpow2.f32 v7;
	v7 =	vmul.f32 $1.442695020e+00, v9;
	v9 =	vsub.f32 v18, v10  }
0x1ab: {  	v5 =	vadd.f32 v6, v5  }
0x1ac: {  	[tilespmem:$0x1FD00] =	vst v4;
	(erf) = vpow2.f32 v8;
	v4 =	vmul.f32 $1.442695020e+00, v11;
	v8 =	vsub.f32 v19, v10  }
0x1ad: {  	[tilespmem:$0x1FD10] =	vst v6;
	(erf) = vpow2.f32 v7;
	v6 =	vmul.f32 $1.442695020e+00, v9;
	v7 =	vsub.f32 v20, v10  }
0x1ae: {  	v9 =	vpop (erf);
	(erf) = vpow2.f32 v4;
	v4 =	vmul.f32 $1.442695020e+00, v8;
	v8 =	vsub.f32 v21, v10  }
0x1af: {  	v5 =	vadd.f32 v23, v5  }
0x1b0: {  	[tilespmem:$0x1FD20] =	vst v23;
	v11 =	vpop (erf);
	(erf) = vpow2.f32 v6;
	v6 =	vmul.f32 $1.442695020e+00, v7;
	v7 =	vsub.f32 v22, v10  }
0x1b1: {  	[tilespmem:$0x1FD30] =	vst v9;
	v5 =	vadd.f32 v9, v5;
	v10 =	vpop (erf);
	(erf) = vpow2.f32 v4;
	v4 =	vmul.f32 $1.442695020e+00, v8  }
0x1b2: {  	[tilespmem:$0x1FD40] =	vst v11;
	v8 =	vpop (erf);
	(erf) = vpow2.f32 v6;
	v6 =	vmul.f32 $1.442695020e+00, v7  }
0x1b3: {  	[tilespmem:$0x1FD50] =	vst v10  }
0x1b4: {  	[tilespmem:$0x1FD60] =	vst v8;
	v7 =	vpop (erf);
	(erf) = vpow2.f32 v4  }
0x1b5: {  	v4 =	vadd.f32 v11, v5;
	[tilespmem:$0x1FD70] =	vst v7;
	v5 =	vpop (erf);
	(erf) = vpow2.f32 v6  }
0x1b6: {  	[tilespmem:$0x1FD80] =	vst v5;
	v6 =	vpop (erf)  }
0x1b7: {  	v4 =	vadd.f32 v10, v4;
	v9 =	vpop (erf);
	[tilespmem:$0x1FD90] =	vst v6  }
0x1b8: {  	v10 =	vpop (erf);
	[tilespmem:$0x1FDA0] =	vst v9  }
0x1b9: {  	v4 =	vadd.f32 v8, v4;
	v11 =	vpop (erf);
	[tilespmem:$0x1FDB0] =	vst v10  }
0x1ba: {  	v8 =	vpop (erf);
	[tilespmem:$0x1FDC0] =	vst v11  }
0x1bb: {  	v4 =	vadd.f32 v7, v4;
	v12 =	vpop (erf);
	[tilespmem:$0x1FDD0] =	vst v8  }
0x1bc: {  	v7 =	vpop (erf);
	[tilespmem:$0x1FDE0] =	vst v12  }
0x1bd: {  	v4 =	vadd.f32 v5, v4;
	v13 =	vpop (erf);
	[tilespmem:$0x1FDF0] =	vst v7  }
0x1be: {  	[tilespmem:$0x1FE00] =	vst v13;
	v14 =	vpop (erf)  }
0x1bf: {  	s5 =	simm.s32 $0x30;
	v4 =	vadd.f32 v6, v4;
	[tilespmem:$0x1FE10] =	vst v14  }
0x1c0: {  	v15 =	vld [tilespmem:s5+$0x1F850]  }
0x1c1: {  	v4 =	vadd.f32 v9, v4;
	v17 =	vld [tilespmem:s5+$0x1F860]  }
0x1c2: {  	v16 =	vld [tilespmem:s5+$0x1F870]  }
0x1c3: {  	v4 =	vadd.f32 v10, v4  }
0x1c4: {  	v9 =	vld [tilespmem:s5+$0x1F3E0]  }
0x1c5: {  	v5 =	vld [tilespmem:s5+$0x1F880];
	v4 =	vadd.f32 v11, v4;
	v6 =	vadd.s32 $0xD800, v15  }
0x1c6: {  	v18 =	vld [tilespmem:s5+$0x1F3F0];
	v11 =	vadd.s32 $0xEA00, v17  }
0x1c7: {  	v20 =	vld [tilespmem:s5+$0x1F400];
	v4 =	vadd.f32 v8, v4;
	v8 =	vadd.s32 $0x10E00, v16  }
0x1c8: {  	s19 =	simm.s32 $0x1FD00;
	v10 =	vld [tilespmem:s5+$0x1F3D0];
	v19 =	vadd.s32 $0x12900, v16  }
0x1c9: {  	s5 =	simm.s32 $0x0;
	v21 =	vadd.s32 $0xF300, v17;
	v4 =	vadd.f32 v12, v4;
	v12 =	vld [tilespmem:s19+$0x0]  }
0x1ca: {  	v22 =	vadd.s32 $0x13200, v16;
	v23 =	vld.idx.msk [tilespmem:v6+s5+$0x0], $0xffff  }
0x1cb: {  	v29 =	vadd.s32 $0x13200, v17;
	v4 =	vadd.f32 v7, v4;
	v7 =	vld.idx.msk [tilespmem:v11+s5+$0x0], $0xffff  }
0x1cc: {  	v31 =	vadd.s32 $0x12000, v5;
	v24 =	vld.idx.msk [tilespmem:v8+s5+$0x0], $0xffff  }
0x1cd: {  	v33 =	vadd.s32 $0xE100, v16;
	v19 =	vld.idx.msk [tilespmem:v19+s5+$0x0], $0xffff;
	v4 =	vadd.f32 v13, v4  }
0x1ce: {  	v39 =	vadd.s32 $0x13B00, v17;
	v21 =	vld.idx.msk [tilespmem:v21+s5+$0x0], $0xffff  }
0x1cf: {  	v22 =	vld.idx.msk [tilespmem:v22+s5+$0x0], $0xffff;
	v4 =	vadd.f32 v14, v4;
	v14 =	vadd.s32 $0xF300, v15  }
0x1d0: {  	v45 =	vadd.s32 $0x12900, v15;
	v29 =	vld.idx.msk [tilespmem:v29+s5+$0x0], $0xffff  }
0x1d1: {  	v46 =	vadd.s32 $0x12000, v15;
	v31 =	vld.idx.msk [tilespmem:v31+s5+$0x0], $0xffff;
	(erf) = vrcp.f32 v4  }
0x1d2: {  	v8 =	vadd.s32 $0xE100, v15;
	v33 =	vld.idx.msk [tilespmem:v33+s5+$0x0], $0xffff  }
0x1d3: {  	v39 =	vld.idx.msk [tilespmem:v39+s5+$0x0], $0xffff;
	v13 =	vadd.s32 $0x12000, v17  }
0x1d4: {  	v0 =	vld.idx.msk [tilespmem:v14+s5+$0x0], $0xffff;
	v14 =	vadd.s32 $0x13B00, v16  }
0x1d5: {  	v58 =	vadd.s32 $0x13200, v5;
	v45 =	vld.idx.msk [tilespmem:v45+s5+$0x0], $0xffff  }
0x1d6: {  	v11 =	vadd.s32 $0x12900, v5;
	v62 =	vld.idx.msk [tilespmem:v46+s5+$0x0], $0xffff  }
0x1d7: {  	v6 =	vadd.s32 $0xEA00, v15;
	v27 =	vld.idx.msk [tilespmem:v8+s5+$0x0], $0xffff  }
0x1d8: {  	v35 =	vadd.s32 $0xFC00, v15;
	v36 =	vadd.s32 $0x10500, v17;
	v8 =	vld.idx.msk [tilespmem:v13+s5+$0x0], $0xffff;
	v13 =	vadd.s32 $0xD800, v5  }
0x1d9: {  	v38 =	vadd.s32 $0x10500, v15;
	v2 =	vadd.s32 $0x10E00, v5;
	v40 =	vld.idx.msk [tilespmem:v14+s5+$0x0], $0xffff;
	v14 =	vadd.s32 $0xF300, v5  }
0x1da: {  	v41 =	vadd.s32 $0x10E00, v15;
	v42 =	vadd.s32 $0x11700, v15;
	v43 =	vadd.s32 $0xE100, v5;
	v46 =	vld.idx.msk [tilespmem:v58+s5+$0x0], $0xffff;
	v1 =	vpop (erf)  }
0x1db: {  	v47 =	vadd.s32 $0x13200, v15;
	v26 =	vld.idx.msk [tilespmem:v11+s5+$0x0], $0xffff;
	v11 =	vadd.s32 $0x12000, v16;
	v44 =	vmul.f32 v12, v1  }
0x1dc: {  	v48 =	vadd.s32 $0xEA00, v5;
	v49 =	vadd.s32 $0x10E00, v17;
	v15 =	vadd.s32 $0x13B00, v15;
	v25 =	vld.idx.msk [tilespmem:v6+s5+$0x0], $0xffff  }
0x1dd: {  	v50 =	vadd.s32 $0xE100, v17;
	v37 =	vld.idx.msk [tilespmem:v13+s5+$0x0], $0xffff;
	v13 =	vmul.f32 v10, v44;
	v12 =	vmul.f32 v9, v44  }
0x1de: {  	v51 =	vadd.s32 $0xFC00, v17;
	v6 =	vadd.s32 $0xEA00, v16;
	v53 =	vld.idx.msk [tilespmem:v14+s5+$0x0], $0xffff;
	v14 =	vmul.f32 v18, v44  }
0x1df: {  	v43 =	vld.idx.msk [tilespmem:v43+s5+$0x0], $0xffff;
	v4 =	vadd.s32 $0x11700, v16;
	v23 =	vmul.f32 v23, v13;
	v52 =	vmul.f32 v8, v12  }
0x1e0: {  	v54 =	vadd.s32 $0x10500, v5;
	v34 =	vld.idx.msk [tilespmem:v11+s5+$0x0], $0xffff;
	v55 =	vmul.f32 v7, v12;
	v8 =	vmul.f32 v20, v44  }
0x1e1: {  	v57 =	vadd.s32 $0x11700, v17;
	v56 =	vld.idx.msk [tilespmem:v15+s5+$0x0], $0xffff;
	v20 =	vmul.f32 v21, v12;
	v21 =	vmul.f32 v29, v12  }
0x1e2: {  	v11 =	vimm.f32 $0.0e+00;
	v9 =	vld.idx.msk [tilespmem:v36+s5+$0x0], $0xffff;
	v25 =	vmul.f32 v25, v13;
	v39 =	vmul.f32 v39, v12  }
0x1e3: {  	v30 =	vld.idx.msk [tilespmem:v6+s5+$0x0], $0xffff;
	v36 =	vadd.s32 $0xD800, v17;
	v61 =	vmul.f32 v62, v13;
	v15 =	vmul.f32 v24, v14  }
0x1e4: {  	v32 =	vld.idx.msk [tilespmem:v4+s5+$0x0], $0xffff;
	v18 =	vadd.s32 $0x10500, v16;
	v22 =	vmul.f32 v22, v14;
	v60 =	vmul.f32 v40, v14  }
0x1e5: {  	v29 =	vld.idx.msk [tilespmem:v35+s5+$0x0], $0xffff;
	v35 =	vadd.s32 $0xFC00, v16;
	v34 =	vmul.f32 v34, v14;
	v10 =	vmul.f32 v31, v8  }
0x1e6: {  	v44 =	vld.idx.msk [tilespmem:v48+s5+$0x0], $0xffff;
	v63 =	vmul.f32 v26, v8;
	v26 =	vmul.f32 v27, v13;
	v31 =	vadd.s32 $0xFC00, v5  }
0x1e7: {  	v27 =	vld.idx.msk [tilespmem:v47+s5+$0x0], $0xffff;
	v47 =	vadd.s32 $0xF300, v16;
	v16 =	vadd.s32 $0xD800, v16;
	v48 =	vmul.f32 v9, v12  }
0x1e8: {  	v61 =	vadd.f32 v61, v11;
	v9 =	vmul.f32 v19, v14;
	v19 =	vmul.f32 v0, v13;
	v0 =	vld.idx.msk [tilespmem:v38+s5+$0x0], $0xffff  }
0x1e9: {  	v38 =	vadd.s32 $0x12900, v17;
	v17 =	vmul.f32 v45, v13;
	v45 =	vmul.f32 v33, v14;
	v36 =	vld.idx.msk [tilespmem:v36+s5+$0x0], $0xffff  }
0x1ea: {  	v59 =	vld.idx.msk [tilespmem:v18+s5+$0x0], $0xffff;
	v58 =	vadd.f32 v26, v11;
	v29 =	vmul.f32 v29, v13;
	v19 =	vadd.f32 v19, v11  }
0x1eb: {  	v24 =	vadd.f32 v17, v11;
	v33 =	vmul.f32 v44, v8;
	v17 =	vmul.f32 v32, v14;
	v32 =	vld.idx.msk [tilespmem:v50+s5+$0x0], $0xffff  }
0x1ec: {  	v44 =	vmul.f32 v30, v14;
	v30 =	vmul.f32 v56, v13;
	v56 =	vadd.f32 v23, v11;
	v40 =	vld.idx.msk [tilespmem:v31+s5+$0x0], $0xffff  }
0x1ed: {  	v31 =	vld.idx.msk [tilespmem:v42+s5+$0x0], $0xffff;
	v27 =	vmul.f32 v27, v13;
	v18 =	vadd.f32 v29, v11;
	v29 =	vadd.f32 v25, v11  }
0x1ee: {  	v35 =	vld.idx.msk [tilespmem:v35+s5+$0x0], $0xffff;
	v25 =	vadd.f32 v20, v19;
	v62 =	vadd.f32 v30, v11;
	v0 =	vmul.f32 v0, v13  }
0x1ef: {  	[tilespmem:$0x1FFD0] =	vst v1;
	v50 =	vadd.s32 $0x13B00, v5;
	v55 =	vadd.f32 v55, v29;
	v29 =	vld.idx.msk [tilespmem:v54+s5+$0x0], $0xffff;
	v27 =	vadd.f32 v27, v11  }
0x1f0: {  	v19 =	vmul.f32 v59, v14;
	v59 =	vld.idx.msk [tilespmem:v16+s5+$0x0], $0xffff;
	v0 =	vadd.f32 v0, v11;
	v32 =	vmul.f32 v32, v12  }
0x1f1: {  	v26 =	vmul.f32 v53, v8;
	v21 =	vadd.f32 v21, v27;
	v27 =	vadd.f32 v39, v62;
	v39 =	vld.idx.msk [tilespmem:v47+s5+$0x0], $0xffff  }
0x1f2: {  	v23 =	vmul.f32 v31, v13;
	v0 =	vadd.f32 v48, v0;
	v31 =	vld.idx.msk [tilespmem:v38+s5+$0x0], $0xffff;
	v62 =	vadd.f32 v32, v58  }
0x1f3: {  	v16 =	vmul.f32 v40, v8;
	v38 =	vld.idx.msk [tilespmem:v49+s5+$0x0], $0xffff;
	v40 =	vadd.f32 v52, v61;
	v42 =	vadd.f32 v22, v21  }
0x1f4: {  	v20 =	vmul.f32 v35, v14;
	v32 =	vadd.f32 v60, v27;
	v30 =	vadd.f32 v23, v11;
	v23 =	vld.idx.msk [tilespmem:v41+s5+$0x0], $0xffff  }
0x1f5: {  	v27 =	vadd.f32 v44, v55;
	v35 =	vadd.f32 v19, v0;
	v41 =	vld.idx.msk [tilespmem:v50+s5+$0x0], $0xffff;
	v0 =	vmul.f32 v36, v12  }
0x1f6: {  	v22 =	vmul.f32 v43, v8;
	v19 =	vmul.f32 v37, v8;
	v36 =	vld.idx.msk [tilespmem:v57+s5+$0x0], $0xffff;
	v21 =	vadd.f32 v45, v62  }
0x1f7: {  	s12 =	simm.s32 $0x1C0;
	v37 =	vld.idx.msk [tilespmem:v51+s5+$0x0], $0xffff;
	v44 =	vmul.f32 v59, v14;
	v45 =	vmul.f32 v46, v8;
	v43 =	vadd.f32 v0, v56  }
.LBB2_9:
0x1f8: {  	s6 =	sshra.s32 s12, $0x2  }
0x1f9: {  	v47 =	vld [tilespmem:s6+$0x1F850]  }
0x1fa: {  	v46 =	vadd.s32 $0x11700, v5;
	v34 =	vadd.f32 v34, v40;
	v40 =	vld [tilespmem:s6+$0x1F3E0]  }
0x1fb: {  	v5 =	vmul.f32 v29, v8;
	v0 =	vadd.f32 v45, v42;
	v42 =	vadd.f32 v44, v43;
	v43 =	vld [tilespmem:s6+$0x1F3F0]  }
0x1fc: {  	v48 =	vld [tilespmem:s6+$0x1F400]  }
0x1fd: {  	s19 =	sadd.s32 $0x10, s19;
	v29 =	vadd.f32 v5, v35;
	v5 =	vld [tilespmem:s6+$0x1F880]  }
0x1fe: {  	v62 =	vld [tilespmem:s19+$0x0];
	v13 =	vmul.f32 v23, v13;
	v23 =	vadd.f32 v33, v27;
	v27 =	vmul.f32 v41, v8  }
0x1ff: {  	v6 =	vld.idx.msk [tilespmem:v2+s5+$0x0], $0xffff;
	v58 =	vmul.f32 v31, v12;
	v59 =	vmul.f32 v37, v12  }
0x200: {  	v33 =	vld [tilespmem:s6+$0x1F860];
	v11 =	vadd.f32 v13, v11;
	v13 =	vmul.f32 v38, v12;
	v37 =	vadd.s32 $0xEA00, v47  }
0x201: {  	v31 =	vld [tilespmem:s6+$0x1F870];
	v12 =	vmul.f32 v36, v12;
	v41 =	vadd.s32 $0xE100, v47;
	v49 =	vadd.s32 $0xF300, v47  }
0x202: {  	[tilespmem:$0x1FFB0] =	vst v0;
	v36 =	vld [tilespmem:s6+$0x1F3D0];
	v0 =	vadd.s32 $0x10E00, v5;
	v11 =	vadd.f32 v13, v11;
	v13 =	vmul.f32 v39, v14  }
0x203: {  	v35 =	vadd.f32 v10, v34;
	v34 =	vadd.s32 $0x13200, v47;
	[tilespmem:$0x1FFC0] =	vst v0;
	v12 =	vadd.f32 v12, v30;
	v0 =	vld [tilespmem:$0x1FFD0]  }
0x204: {  	v55 =	vadd.s32 $0x12900, v5;
	v13 =	vadd.f32 v13, v25;
	v25 =	vld.idx.msk [tilespmem:v46+s5+$0x0], $0xffff  }
0x205: {  	v7 =	vadd.s32 $0x12000, v5;
	v12 =	vadd.f32 v17, v12;
	v17 =	vld.idx.msk [tilespmem:v37+s5+$0x0], $0xffff  }
0x206: {  	v24 =	vadd.f32 v58, v24;
	v58 =	vadd.s32 $0xF300, v5;
	v41 =	vld.idx.msk [tilespmem:v41+s5+$0x0], $0xffff  }
0x207: {  	v14 =	vadd.s32 $0xD800, v47;
	v49 =	vld.idx.msk [tilespmem:v49+s5+$0x0], $0xffff  }
0x208: {  	v60 =	vadd.s32 $0xEA00, v33;
	v34 =	vld.idx.msk [tilespmem:v34+s5+$0x0], $0xffff  }
0x209: {  	v61 =	vadd.s32 $0x12900, v31;
	v55 =	vld.idx.msk [tilespmem:v55+s5+$0x0], $0xffff  }
0x20a: {  	v52 =	vadd.s32 $0xF300, v33;
	v7 =	vld.idx.msk [tilespmem:v7+s5+$0x0], $0xffff  }
0x20b: {  	v19 =	vadd.f32 v19, v42;
	v50 =	vadd.s32 $0x13200, v31;
	v42 =	vld.idx.msk [tilespmem:v58+s5+$0x0], $0xffff  }
0x20c: {  	v18 =	vadd.f32 v59, v18;
	v59 =	vadd.s32 $0xEA00, v31;
	v14 =	vld.idx.msk [tilespmem:v14+s5+$0x0], $0xffff  }
0x20d: {  	v44 =	vadd.s32 $0x11700, v31;
	v54 =	vld.idx.msk [tilespmem:v60+s5+$0x0], $0xffff  }
0x20e: {  	v3 =	vadd.s32 $0x13B00, v31;
	v45 =	vld.idx.msk [tilespmem:v61+s5+$0x0], $0xffff  }
0x20f: {  	v2 =	vadd.s32 $0xE100, v31;
	v52 =	vld.idx.msk [tilespmem:v52+s5+$0x0], $0xffff  }
0x210: {  	v39 =	vmul.f32 v6, v8;
	v6 =	vadd.s32 $0x10500, v33;
	v50 =	vld.idx.msk [tilespmem:v50+s5+$0x0], $0xffff  }
0x211: {  	v21 =	vadd.f32 v22, v21;
	v56 =	vadd.s32 $0x12000, v33;
	v59 =	vld.idx.msk [tilespmem:v59+s5+$0x0], $0xffff  }
0x212: {  	v27 =	vadd.f32 v27, v32;
	v51 =	vadd.s32 $0xFC00, v47;
	v1 =	vadd.s32 $0x13B00, v33;
	v44 =	vld.idx.msk [tilespmem:v44+s5+$0x0], $0xffff  }
0x213: {  	v53 =	vadd.s32 $0x10500, v47;
	v18 =	vadd.f32 v20, v18;
	v9 =	vadd.f32 v9, v24;
	v3 =	vld.idx.msk [tilespmem:v3+s5+$0x0], $0xffff  }
0x214: {  	v32 =	vadd.s32 $0x10E00, v47;
	v11 =	vadd.f32 v15, v11;
	v15 =	vadd.s32 $0x10E00, v31;
	v2 =	vld.idx.msk [tilespmem:v2+s5+$0x0], $0xffff  }
0x215: {  	v46 =	vadd.s32 $0x12900, v47;
	v16 =	vadd.f32 v16, v18;
	v18 =	vadd.f32 v63, v9;
	v9 =	vld.idx.msk [tilespmem:v6+s5+$0x0], $0xffff  }
0x216: {  	v57 =	vadd.s32 $0x12000, v47;
	v8 =	vmul.f32 v25, v8;
	v25 =	vld.idx.msk [tilespmem:v56+s5+$0x0], $0xffff;
	v56 =	vadd.s32 $0x13200, v33  }
0x217: {  	v20 =	vadd.s32 $0x11700, v47;
	v47 =	vadd.s32 $0x13B00, v47;
	v30 =	vmul.f32 v62, v0;
	v1 =	vld.idx.msk [tilespmem:v1+s5+$0x0], $0xffff  }
0x218: {  	v38 =	vadd.s32 $0xE100, v5;
	v37 =	vadd.s32 $0xFC00, v33;
	v26 =	vadd.f32 v26, v13;
	v6 =	vld [tilespmem:$0x1FFB0]  }
0x219: {  	v11 =	vadd.f32 v39, v11;
	v0 =	vadd.s32 $0xD800, v5;
	v15 =	vld.idx.msk [tilespmem:v15+s5+$0x0], $0xffff;
	v13 =	vmul.f32 v36, v30  }
0x21a: {  	v62 =	vadd.s32 $0xE100, v33;
	v24 =	vld.idx.msk [tilespmem:v46+s5+$0x0], $0xffff;
	v28 =	vadd.f32 v8, v12;
	v12 =	vmul.f32 v40, v30  }
0x21b: {  	v61 =	vadd.s32 $0x12000, v31;
	v17 =	vmul.f32 v17, v13;
	v39 =	vmul.f32 v14, v13;
	v8 =	vld.idx.msk [tilespmem:v56+s5+$0x0], $0xffff  }
0x21c: {  	v10 =	vadd.s32 $0xEA00, v5;
	v47 =	vld.idx.msk [tilespmem:v47+s5+$0x0], $0xffff;
	v14 =	vmul.f32 v43, v30;
	v40 =	vmul.f32 v54, v12  }
0x21d: {  	v4 =	vadd.s32 $0x10500, v5;
	v37 =	vld.idx.msk [tilespmem:v37+s5+$0x0], $0xffff;
	v1 =	vmul.f32 v1, v12;
	v22 =	vmul.f32 v25, v12  }
0x21e: {  	v0 =	vld.idx.msk [tilespmem:v0+s5+$0x0], $0xffff;
	v43 =	vadd.s32 $0x10500, v31;
	v25 =	vmul.f32 v52, v12;
	v15 =	vmul.f32 v15, v14  }
0x21f: {  	v62 =	vld.idx.msk [tilespmem:v62+s5+$0x0], $0xffff;
	v50 =	vmul.f32 v50, v14;
	v24 =	vmul.f32 v24, v13;
	v56 =	vadd.s32 $0x13200, v5  }
0x220: {  	v60 =	vadd.s32 $0xD800, v33;
	v61 =	vld.idx.msk [tilespmem:v61+s5+$0x0], $0xffff;
	v46 =	vmul.f32 v8, v12;
	v8 =	vmul.f32 v48, v30  }
0x221: {  	v36 =	vadd.s32 $0x10E00, v33;
	v52 =	vld.idx.msk [tilespmem:v10+s5+$0x0], $0xffff;
	v2 =	vmul.f32 v2, v14;
	v3 =	vmul.f32 v3, v14  }
0x222: {  	v47 =	vmul.f32 v47, v13;
	v48 =	vld.idx.msk [tilespmem:v51+s5+$0x0], $0xffff;
	v30 =	vadd.s32 $0xFC00, v31;
	v10 =	vmul.f32 v7, v8  }
0x223: {  	v54 =	vadd.s32 $0xFC00, v5;
	v43 =	vld.idx.msk [tilespmem:v43+s5+$0x0], $0xffff;
	v7 =	vmul.f32 v41, v13;
	v41 =	vmul.f32 v9, v12  }
0x224: {  	v39 =	vadd.f32 v39, v19;
	v56 =	vld.idx.msk [tilespmem:v56+s5+$0x0], $0xffff;
	v9 =	vmul.f32 v45, v14;
	v45 =	vmul.f32 v49, v13  }
0x225: {  	v24 =	vadd.f32 v24, v18;
	v27 =	vadd.f32 v47, v27;
	v62 =	vmul.f32 v62, v12;
	v49 =	vld.idx.msk [tilespmem:v53+s5+$0x0], $0xffff  }
0x226: {  	v51 =	vadd.s32 $0xF300, v31;
	v31 =	vadd.s32 $0xD800, v31;
	v26 =	vadd.f32 v45, v26;
	v45 =	vld.idx.msk [tilespmem:v20+s5+$0x0], $0xffff  }
0x227: {  	v63 =	vmul.f32 v55, v8;
	v55 =	vadd.s32 $0x11700, v33;
	v30 =	vld.idx.msk [tilespmem:v30+s5+$0x0], $0xffff;
	v58 =	vmul.f32 v48, v13  }
0x228: {  	v53 =	vadd.s32 $0x12900, v33;
	v33 =	vmul.f32 v52, v8;
	v52 =	vmul.f32 v34, v13;
	v48 =	vld.idx.msk [tilespmem:v54+s5+$0x0], $0xffff  }
0x229: {  	v34 =	vmul.f32 v61, v14;
	v18 =	vadd.f32 v58, v16;
	v16 =	vadd.f32 v17, v23;
	v23 =	vld.idx.msk [tilespmem:v57+s5+$0x0], $0xffff  }
0x22a: {  	v43 =	vmul.f32 v43, v14;
	v7 =	vadd.f32 v7, v21;
	v21 =	vadd.f32 v52, v6;
	v57 =	vld.idx.msk [tilespmem:v60+s5+$0x0], $0xffff  }
0x22b: {  	v25 =	vadd.f32 v25, v26;
	v26 =	vmul.f32 v42, v8;
	v42 =	vadd.s32 $0x13B00, v5;
	v60 =	vld.idx.msk [tilespmem:v38+s5+$0x0], $0xffff  }
0x22c: {  	v1 =	vadd.f32 v1, v27;
	v54 =	vmul.f32 v59, v14;
	v61 =	vmul.f32 v49, v13;
	v38 =	vld.idx.msk [tilespmem:v36+s5+$0x0], $0xffff  }
0x22d: {  	v21 =	vadd.f32 v46, v21;
	v17 =	vmul.f32 v44, v14;
	v36 =	vld.idx.msk [tilespmem:v55+s5+$0x0], $0xffff;
	v19 =	vmul.f32 v45, v13  }
0x22e: {  	v44 =	vadd.f32 v61, v29;
	v58 =	vadd.f32 v40, v16;
	v61 =	vld.idx.msk [tilespmem:v31+s5+$0x0], $0xffff;
	v45 =	vmul.f32 v56, v8  }
0x22f: {  	p0 =	sne.s32 s12, $0x8C0;
	v29 =	vld.idx.msk [tilespmem:v4+s5+$0x0], $0xffff;
	v20 =	vmul.f32 v30, v14;
	v30 =	vadd.f32 v19, v28;
	v4 =	vmul.f32 v23, v13  }
.Ltmp3:
0x230: {  	v16 =	vmul.f32 v48, v8;
	v19 =	vadd.f32 v41, v44;
	v41 =	vld.idx.msk [tilespmem:v42+s5+$0x0], $0xffff;
	v42 =	vadd.f32 v50, v21;
	(pc) =	sbr.rel @p0 .LBB2_9-.Ltmp3, $4  }
0x231: {  	v31 =	vld.idx.msk [tilespmem:v53+s5+$0x0], $0xffff;
	v27 =	vadd.f32 v54, v58;
	v28 =	vmul.f32 v57, v12;
	v4 =	vadd.f32 v4, v35  }
0x232: {  	v23 =	vld.idx.msk [tilespmem:v32+s5+$0x0], $0xffff;
	v35 =	vadd.f32 v43, v19;
	v19 =	vmul.f32 v0, v8;
	v0 =	vadd.f32 v62, v7  }
0x233: {  	s9 =	sadd.s32 $0x100, s12;
	v32 =	vadd.f32 v3, v1;
	v43 =	vadd.f32 v28, v39;
	v44 =	vmul.f32 v61, v14;
	v39 =	vld.idx.msk [tilespmem:v51+s5+$0x0], $0xffff  }
0x234: {  	s7 =	smov.u32 s12;
	s12 =	smov.u32 s9;
	v40 =	vadd.f32 v22, v4;
	v21 =	vadd.f32 v2, v0;
	v2 =	vld [tilespmem:$0x1FFC0];
	v22 =	vmul.f32 v60, v8  }
0x235: {  	s6 =	simm.s32 $0x0;
	v59 =	vld [tilespmem:$0x1FFD0]  }
0x236: {  	v0 =	vadd.s32 $0x11700, v5;
	v5 =	vld [tilespmem:s6+$0x1FAE0]  }
0x237: {  	v3 =	vld [tilespmem:s6+$0x1FAD0]  }
0x238: {  	v4 =	vld [tilespmem:s6+$0x1F650]  }
0x239: {  	v28 =	vadd.f32 v33, v27;
	v27 =	vld [tilespmem:s6+$0x1F660]  }
0x23a: {  	v6 =	vadd.f32 v45, v42;
	v52 =	vld [tilespmem:s6+$0x1F640]  }
0x23b: {  	v60 =	vmul.f32 v37, v12;
	v34 =	vadd.f32 v34, v40;
	v40 =	vld [tilespmem:s6+$0x1F670]  }
0x23c: {  	v7 =	vmul.f32 v23, v13;
	[tilespmem:$0x1FFA0] =	vst v6;
	v6 =	vld [tilespmem:s6+$0x1FAF0];
	v55 =	vadd.s32 $0x15F00, v3  }
0x23d: {  	v18 =	vadd.f32 v60, v18;
	v1 =	vld.idx.msk [tilespmem:v2+s5+$0x0], $0xffff;
	v46 =	vadd.s32 $0x1A700, v5  }
0x23e: {  	v29 =	vmul.f32 v29, v8;
	v2 =	vld [tilespmem:s6+$0x1FAC0];
	v7 =	vadd.f32 v7, v11;
	v47 =	vadd.s32 $0x1A700, v3  }
0x23f: {  	v11 =	vmul.f32 v38, v12;
	v18 =	vadd.f32 v20, v18;
	v0 =	vld.idx.msk [tilespmem:v0+s5+$0x0], $0xffff;
	s5 =	simm.s32 $0x1FD90;
	v61 =	vadd.s32 $0x16800, v3  }
0x240: {  	v31 =	vmul.f32 v31, v12;
	v12 =	vmul.f32 v36, v12;
	v56 =	vld [tilespmem:s5+$0x0];
	v20 =	vadd.s32 $0x17100, v3  }
0x241: {  	v7 =	vadd.f32 v11, v7;
	v16 =	vadd.f32 v16, v18;
	v18 =	vadd.s32 $0x14400, v5;
	v62 =	vld.idx.msk [tilespmem:v55+s3+$0x0], $0xffff  }
0x242: {  	v29 =	vadd.f32 v29, v35;
	v48 =	vadd.s32 $0x14D00, v6;
	v35 =	vld.idx.msk [tilespmem:v46+s3+$0x0], $0xffff  }
0x243: {  	v12 =	vadd.f32 v12, v30;
	v7 =	vadd.f32 v15, v7;
	v15 =	vadd.s32 $0x15600, v3;
	v30 =	vld.idx.msk [tilespmem:v47+s3+$0x0], $0xffff  }
0x244: {  	v23 =	vadd.s32 $0x14400, v2;
	v57 =	vld.idx.msk [tilespmem:v61+s3+$0x0], $0xffff  }
0x245: {  	v31 =	vadd.f32 v31, v24;
	v53 =	vadd.s32 $0x15F00, v2;
	v20 =	vld.idx.msk [tilespmem:v20+s3+$0x0], $0xffff  }
0x246: {  	v41 =	vmul.f32 v41, v8;
	v54 =	vadd.s32 $0x17A00, v5;
	v11 =	vmul.f32 v39, v14;
	v51 =	vld.idx.msk [tilespmem:v18+s3+$0x0], $0xffff  }
0x247: {  	v21 =	vadd.f32 v22, v21;
	v9 =	vadd.f32 v9, v31;
	v14 =	vadd.s32 $0x15600, v2;
	v48 =	vld.idx.msk [tilespmem:v48+s3+$0x0], $0xffff  }
0x248: {  	v11 =	vadd.f32 v11, v25;
	v12 =	vadd.f32 v17, v12;
	v25 =	vadd.s32 $0x14D00, v2;
	v15 =	vld.idx.msk [tilespmem:v15+s3+$0x0], $0xffff  }
0x249: {  	v22 =	vadd.s32 $0x16800, v2;
	v31 =	vadd.s32 $0x17100, v2;
	v60 =	vadd.s32 $0x18C00, v2;
	v37 =	vld.idx.msk [tilespmem:v23+s3+$0x0], $0xffff  }
0x24a: {  	v42 =	vadd.s32 $0x17A00, v2;
	v45 =	vadd.s32 $0x18300, v2;
	v49 =	vadd.s32 $0x19500, v2;
	v36 =	vld.idx.msk [tilespmem:v53+s3+$0x0], $0xffff  }
0x24b: {  	v33 =	vadd.s32 $0x19E00, v2;
	v2 =	vadd.s32 $0x1A700, v2;
	v0 =	vmul.f32 v0, v8;
	v23 =	vld.idx.msk [tilespmem:v54+s3+$0x0], $0xffff  }
0x24c: {  	v43 =	vadd.f32 v44, v43;
	v32 =	vadd.f32 v41, v32;
	v17 =	vld.idx.msk [tilespmem:v14+s3+$0x0], $0xffff  }
0x24d: {  	v24 =	vadd.s32 $0x19500, v5;
	v13 =	vadd.f32 v0, v12;
	v14 =	vadd.s32 $0x18300, v5;
	v12 =	vld.idx.msk [tilespmem:v25+s3+$0x0], $0xffff  }
0x24e: {  	v58 =	vadd.s32 $0x18300, v3;
	v9 =	vadd.f32 v63, v9;
	v1 =	vmul.f32 v1, v8;
	v41 =	vld.idx.msk [tilespmem:v60+s3+$0x0], $0xffff  }
0x24f: {  	v11 =	vadd.f32 v26, v11;
	v26 =	vadd.f32 v10, v34;
	v10 =	vadd.s32 $0x19E00, v5;
	v31 =	vld.idx.msk [tilespmem:v31+s3+$0x0], $0xffff  }
0x250: {  	v44 =	vadd.s32 $0x17A00, v6;
	v63 =	vadd.s32 $0x1A700, v6;
	v34 =	vadd.s32 $0x16800, v6;
	v2 =	vld.idx.msk [tilespmem:v2+s3+$0x0], $0xffff  }
0x251: {  	v8 =	vadd.f32 v1, v7;
	v7 =	vadd.s32 $0x14400, v6;
	v38 =	vmul.f32 v56, v59;
	v49 =	vld.idx.msk [tilespmem:v49+s3+$0x0], $0xffff  }
0x252: {  	v61 =	vadd.s32 $0x14D00, v3;
	v56 =	vadd.s32 $0x19500, v3;
	v39 =	vld.idx.msk [tilespmem:v14+s3+$0x0], $0xffff;
	v14 =	vadd.s32 $0x19500, v6  }
0x253: {  	v59 =	vadd.s32 $0x17A00, v3;
	v50 =	vmul.f32 v52, v38;
	v52 =	vadd.s32 $0x15F00, v6;
	v33 =	vld.idx.msk [tilespmem:v33+s3+$0x0], $0xffff  }
0x254: {  	v25 =	vadd.f32 v19, v43;
	v19 =	vadd.s32 $0x19E00, v3;
	v47 =	vld.idx.msk [tilespmem:v10+s3+$0x0], $0xffff;
	v10 =	vmul.f32 v4, v38  }
0x255: {  	v54 =	vadd.s32 $0x14400, v3;
	v3 =	vadd.s32 $0x18C00, v3;
	v60 =	vadd.s32 $0x19E00, v6;
	v4 =	vld.idx.msk [tilespmem:v58+s3+$0x0], $0xffff  }
0x256: {  	v43 =	vld.idx.msk [tilespmem:v7+s3+$0x0], $0xffff;
	v7 =	vadd.s32 $0x14D00, v5;
	v30 =	vmul.f32 v30, v10;
	v18 =	vmul.f32 v36, v50  }
0x257: {  	v1 =	vmul.f32 v57, v10;
	v57 =	vadd.s32 $0x17100, v5;
	v58 =	vmul.f32 v20, v10;
	v55 =	vld.idx.msk [tilespmem:v14+s3+$0x0], $0xffff  }
0x258: {  	v46 =	vmul.f32 v12, v50;
	v12 =	vadd.s32 $0x16800, v5;
	v14 =	vadd.f32 v18, v11;
	v11 =	vld.idx.msk [tilespmem:v22+s3+$0x0], $0xffff  }
0x259: {  	v20 =	vadd.s32 $0x17100, v6;
	v53 =	vld.idx.msk [tilespmem:v19+s3+$0x0], $0xffff;
	v17 =	vmul.f32 v17, v50;
	v31 =	vmul.f32 v31, v50  }
0x25a: {  	v15 =	vmul.f32 v15, v10;
	v37 =	vmul.f32 v37, v50;
	v19 =	vadd.s32 $0x18C00, v5;
	v36 =	vld.idx.msk [tilespmem:v61+s3+$0x0], $0xffff  }
0x25b: {  	v2 =	vmul.f32 v2, v50;
	v3 =	vld.idx.msk [tilespmem:v3+s3+$0x0], $0xffff;
	v17 =	vadd.f32 v17, v28;
	v29 =	vadd.f32 v31, v29  }
0x25c: {  	v31 =	vmul.f32 v49, v50;
	v49 =	vld.idx.msk [tilespmem:v63+s3+$0x0], $0xffff;
	v18 =	vmul.f32 v62, v10;
	v62 =	vadd.s32 $0x15600, v6  }
0x25d: {  	v33 =	vmul.f32 v33, v50;
	v2 =	vadd.f32 v2, v32;
	v61 =	vld.idx.msk [tilespmem:v12+s3+$0x0], $0xffff;
	v28 =	vmul.f32 v11, v50  }
0x25e: {  	v53 =	vmul.f32 v53, v10;
	v12 =	vmul.f32 v41, v50;
	v41 =	vld.idx.msk [tilespmem:v57+s3+$0x0], $0xffff;
	v11 =	vadd.f32 v15, v17  }
0x25f: {  	v15 =	vmul.f32 v40, v38;
	v0 =	vadd.f32 v28, v16;
	v16 =	vmul.f32 v27, v38;
	v27 =	vld.idx.msk [tilespmem:v20+s3+$0x0], $0xffff  }
0x260: {  	v22 =	vmul.f32 v4, v10;
	v4 =	vadd.s32 $0x15F00, v5;
	v38 =	vadd.f32 v37, v25;
	v25 =	vld.idx.msk [tilespmem:v45+s3+$0x0], $0xffff  }
0x261: {  	v28 =	vadd.f32 v12, v26;
	v26 =	vmul.f32 v43, v15;
	v12 =	vmul.f32 v55, v15;
	v37 =	vld.idx.msk [tilespmem:v62+s3+$0x0], $0xffff  }
0x262: {  	v17 =	vmul.f32 v48, v15;
	v20 =	vadd.f32 v46, v21;
	v62 =	vld.idx.msk [tilespmem:v54+s3+$0x0], $0xffff;
	v21 =	vmul.f32 v36, v10  }
0x263: {  	v2 =	vadd.f32 v30, v2;
	v54 =	vld.idx.msk [tilespmem:v42+s3+$0x0], $0xffff;
	v35 =	vmul.f32 v35, v16;
	v45 =	vmul.f32 v61, v16  }
0x264: {  	v48 =	vmul.f32 v41, v16;
	v20 =	vadd.f32 v21, v20;
	v21 =	vadd.f32 v58, v29;
	v29 =	vld.idx.msk [tilespmem:v34+s3+$0x0], $0xffff  }
0x265: {  	v57 =	vadd.s32 $0x18300, v6;
	v32 =	vmul.f32 v39, v16;
	v34 =	vld.idx.msk [tilespmem:v4+s3+$0x0], $0xffff;
	v4 =	vmul.f32 v49, v15  }
0x266: {  	v41 =	vmul.f32 v3, v10;
	v30 =	vmul.f32 v27, v15;
	v27 =	vadd.f32 v31, v9;
	v9 =	vld [tilespmem:$0x1FFA0]  }
0x267: {  	v52 =	vld.idx.msk [tilespmem:v52+s3+$0x0], $0xffff;
	v0 =	vadd.f32 v1, v0;
	v55 =	vmul.f32 v25, v50;
	v25 =	vmul.f32 v47, v16  }
0x268: {  	v24 =	vld.idx.msk [tilespmem:v24+s3+$0x0], $0xffff;
	v58 =	vadd.f32 v48, v21;
	v21 =	vmul.f32 v37, v15;
	v61 =	vmul.f32 v62, v10  }
0x269: {  	v36 =	vld.idx.msk [tilespmem:v59+s3+$0x0], $0xffff;
	v31 =	vmul.f32 v23, v16;
	v62 =	vadd.f32 v35, v2;
	v23 =	vmul.f32 v51, v16  }
0x26a: {  	v39 =	vld.idx.msk [tilespmem:v56+s3+$0x0], $0xffff;
	v43 =	vmul.f32 v54, v50;
	v40 =	vadd.f32 v55, v13;
	v63 =	vadd.f32 v61, v38  }
0x26b: {  	v37 =	vld.idx.msk [tilespmem:v57+s3+$0x0], $0xffff;
	v35 =	vmul.f32 v29, v15;
	v13 =	vadd.f32 v4, v62;
	v9 =	vadd.f32 v33, v9  }
0x26c: {  	v29 =	vmul.f32 v52, v15;
	v38 =	vadd.f32 v45, v0;
	v42 =	vadd.f32 v23, v63;
	v23 =	vld.idx.msk [tilespmem:v44+s3+$0x0], $0xffff  }
0x26d: {  	s12 =	simm.s32 $0x100;
	v33 =	vadd.f32 v53, v9;
	v9 =	vadd.f32 v30, v58;
	v30 =	vmul.f32 v24, v16;
	v24 =	vld.idx.msk [tilespmem:v60+s3+$0x0], $0xffff  }
.LBB2_11:
0x26e: {  	v1 =	vld.idx.msk [tilespmem:v19+s3+$0x0], $0xffff  }
0x26f: {  	s6 =	sshra.s32 s12, $0x2;
	v7 =	vld.idx.msk [tilespmem:v7+s3+$0x0], $0xffff  }
0x270: {  	v3 =	vld [tilespmem:s6+$0x1FAC0]  }
0x271: {  	v14 =	vadd.f32 v18, v14;
	v18 =	vadd.s32 $0x15600, v5;
	v5 =	vld [tilespmem:s6+$0x1FAE0]  }
0x272: {  	v4 =	vadd.f32 v22, v40;
	v40 =	vld [tilespmem:s6+$0x1F650]  }
0x273: {  	v58 =	vld [tilespmem:s6+$0x1F640]  }
0x274: {  	v57 =	vadd.s32 $0x18C00, v6;
	v0 =	vadd.f32 v43, v8;
	v6 =	vld [tilespmem:s6+$0x1FAF0]  }
0x275: {  	v4 =	vadd.f32 v32, v4;
	v32 =	vld [tilespmem:s6+$0x1F660];
	v8 =	vmul.f32 v34, v16;
	v22 =	vmul.f32 v37, v15  }
0x276: {  	v34 =	vld [tilespmem:s6+$0x1FAD0];
	v56 =	vmul.f32 v36, v10;
	v10 =	vmul.f32 v39, v10  }
0x277: {  	v36 =	vld [tilespmem:s6+$0x1F670];
	v8 =	vadd.f32 v8, v14;
	v14 =	vmul.f32 v23, v15;
	v59 =	vadd.s32 $0x14400, v3  }
0x278: {  	v18 =	vld.idx.msk [tilespmem:v18+s3+$0x0], $0xffff;
	v23 =	vmul.f32 v24, v15;
	v24 =	vadd.f32 v22, v4;
	v4 =	vadd.s32 $0x15F00, v3  }
0x279: {  	v62 =	vadd.s32 $0x17A00, v5;
	v10 =	vadd.f32 v10, v27;
	v27 =	vld [tilespmem:$0x1FFD0]  }
0x27a: {  	s5 =	sadd.s32 $0x10, s5;
	v48 =	vadd.s32 $0x1A700, v5;
	v43 =	vadd.f32 v29, v8;
	v8 =	vld.idx.msk [tilespmem:v57+s3+$0x0], $0xffff  }
0x27b: {  	v47 =	vadd.s32 $0x19500, v5;
	v29 =	vld [tilespmem:s5+$0x0]  }
0x27c: {  	v19 =	vadd.f32 v41, v28;
	v61 =	vadd.s32 $0x15600, v3;
	v41 =	vld.idx.msk [tilespmem:v59+s3+$0x0], $0xffff  }
0x27d: {  	v60 =	vadd.s32 $0x14D00, v3;
	v4 =	vld.idx.msk [tilespmem:v4+s3+$0x0], $0xffff  }
0x27e: {  	v28 =	vadd.f32 v35, v38;
	v44 =	vadd.s32 $0x16800, v3;
	v35 =	vld.idx.msk [tilespmem:v62+s3+$0x0], $0xffff  }
0x27f: {  	v2 =	vadd.f32 v25, v33;
	v51 =	vadd.s32 $0x14D00, v6;
	v39 =	vld.idx.msk [tilespmem:v48+s3+$0x0], $0xffff  }
0x280: {  	v46 =	vadd.s32 $0x17100, v3;
	v10 =	vadd.f32 v30, v10;
	v30 =	vld.idx.msk [tilespmem:v47+s3+$0x0], $0xffff  }
0x281: {  	v1 =	vmul.f32 v1, v16;
	v53 =	vadd.s32 $0x19500, v3;
	v25 =	vadd.f32 v23, v2;
	v2 =	vld.idx.msk [tilespmem:v61+s3+$0x0], $0xffff  }
0x282: {  	v33 =	vadd.s32 $0x17A00, v3;
	v37 =	vadd.s32 $0x18300, v3;
	v54 =	vadd.s32 $0x19E00, v3;
	v38 =	vld.idx.msk [tilespmem:v60+s3+$0x0], $0xffff  }
0x283: {  	v1 =	vadd.f32 v1, v19;
	v19 =	vadd.s32 $0x18C00, v3;
	v3 =	vadd.s32 $0x1A700, v3;
	v44 =	vld.idx.msk [tilespmem:v44+s3+$0x0], $0xffff  }
0x284: {  	v0 =	vadd.f32 v56, v0;
	v57 =	vadd.s32 $0x18300, v5;
	v51 =	vld.idx.msk [tilespmem:v51+s3+$0x0], $0xffff  }
0x285: {  	v26 =	vadd.f32 v26, v42;
	v50 =	vadd.s32 $0x19500, v6;
	v22 =	vadd.s32 $0x15F00, v34;
	v46 =	vld.idx.msk [tilespmem:v46+s3+$0x0], $0xffff  }
0x286: {  	v23 =	vadd.s32 $0x17A00, v6;
	v0 =	vadd.f32 v31, v0;
	v49 =	vadd.s32 $0x1A700, v34;
	v53 =	vld.idx.msk [tilespmem:v53+s3+$0x0], $0xffff  }
0x287: {  	v31 =	vadd.s32 $0x16800, v6;
	v42 =	vadd.s32 $0x15600, v34;
	v45 =	vadd.s32 $0x16800, v34;
	v54 =	vld.idx.msk [tilespmem:v54+s3+$0x0], $0xffff  }
0x288: {  	v55 =	vadd.s32 $0x14D00, v34;
	v56 =	vadd.s32 $0x19E00, v34;
	v48 =	vadd.s32 $0x14400, v34;
	v3 =	vld.idx.msk [tilespmem:v3+s3+$0x0], $0xffff  }
0x289: {  	v47 =	vadd.s32 $0x18300, v34;
	v59 =	vadd.s32 $0x14400, v6;
	v60 =	vadd.s32 $0x19E00, v5;
	v57 =	vld.idx.msk [tilespmem:v57+s3+$0x0], $0xffff  }
0x28a: {  	v61 =	vadd.s32 $0x19E00, v6;
	v52 =	vmul.f32 v29, v27;
	v15 =	vmul.f32 v8, v15;
	v22 =	vld.idx.msk [tilespmem:v22+s3+$0x0], $0xffff  }
0x28b: {  	v62 =	vadd.s32 $0x1A700, v6;
	v8 =	vmul.f32 v18, v16;
	v16 =	vmul.f32 v7, v16;
	v49 =	vld.idx.msk [tilespmem:v49+s3+$0x0], $0xffff  }
0x28c: {  	v27 =	vadd.s32 $0x15F00, v6;
	v18 =	vadd.s32 $0x17100, v34;
	v7 =	vadd.s32 $0x14D00, v5;
	v45 =	vld.idx.msk [tilespmem:v45+s3+$0x0], $0xffff  }
0x28d: {  	v63 =	vld.idx.msk [tilespmem:v42+s3+$0x0], $0xffff;
	v29 =	vmul.f32 v58, v52;
	v11 =	vadd.f32 v8, v11;
	v16 =	vadd.f32 v16, v20  }
0x28e: {  	v58 =	vadd.s32 $0x14400, v5;
	v8 =	vadd.f32 v14, v0;
	v1 =	vadd.f32 v15, v1;
	v15 =	vld.idx.msk [tilespmem:v56+s3+$0x0], $0xffff  }
0x28f: {  	v0 =	vadd.f32 v12, v10;
	v10 =	vmul.f32 v40, v52;
	v42 =	vadd.f32 v17, v16;
	v16 =	vld.idx.msk [tilespmem:v47+s3+$0x0], $0xffff  }
0x290: {  	v20 =	vmul.f32 v41, v29;
	v4 =	vmul.f32 v4, v29;
	v11 =	vadd.f32 v21, v11;
	v47 =	vld.idx.msk [tilespmem:v19+s3+$0x0], $0xffff  }
0x291: {  	v21 =	vld.idx.msk [tilespmem:v60+s3+$0x0], $0xffff;
	v19 =	vadd.s32 $0x18C00, v5;
	v38 =	vmul.f32 v38, v29;
	v2 =	vmul.f32 v2, v29  }
0x292: {  	v17 =	vld.idx.msk [tilespmem:v50+s3+$0x0], $0xffff;
	v50 =	vadd.s32 $0x16800, v5;
	v60 =	vadd.s32 $0x17A00, v34;
	v46 =	vmul.f32 v46, v29  }
0x293: {  	v12 =	vld.idx.msk [tilespmem:v18+s3+$0x0], $0xffff;
	v18 =	vmul.f32 v22, v10;
	v41 =	vmul.f32 v63, v10;
	v2 =	vadd.f32 v2, v11  }
0x294: {  	v55 =	vld.idx.msk [tilespmem:v55+s3+$0x0], $0xffff;
	v56 =	vmul.f32 v15, v10;
	v15 =	vadd.s32 $0x17100, v5;
	v22 =	vmul.f32 v16, v10  }
0x295: {  	v14 =	vadd.f32 v4, v43;
	v4 =	vld.idx.msk [tilespmem:v59+s3+$0x0], $0xffff;
	v16 =	vmul.f32 v44, v29;
	v44 =	vmul.f32 v47, v29  }
0x296: {  	v40 =	vmul.f32 v49, v10;
	v43 =	vld.idx.msk [tilespmem:v58+s3+$0x0], $0xffff;
	v11 =	vadd.f32 v41, v2;
	v41 =	vadd.s32 $0x15600, v6  }
0x297: {  	v45 =	vmul.f32 v45, v10;
	v2 =	vld.idx.msk [tilespmem:v50+s3+$0x0], $0xffff;
	v63 =	vadd.f32 v16, v28;
	v28 =	vadd.f32 v44, v1  }
0x298: {  	v44 =	vadd.f32 v20, v26;
	v20 =	vadd.f32 v38, v42;
	v38 =	vmul.f32 v53, v29;
	v53 =	vld.idx.msk [tilespmem:v31+s3+$0x0], $0xffff  }
0x299: {  	v49 =	vadd.s32 $0x19500, v34;
	v34 =	vadd.s32 $0x18C00, v34;
	v1 =	vmul.f32 v3, v29;
	v47 =	vld.idx.msk [tilespmem:v15+s3+$0x0], $0xffff  }
0x29a: {  	v59 =	vmul.f32 v12, v10;
	v12 =	vadd.s32 $0x17100, v6;
	v15 =	vmul.f32 v36, v52;
	v36 =	vld.idx.msk [tilespmem:v37+s3+$0x0], $0xffff  }
0x29b: {  	v55 =	vmul.f32 v55, v10;
	v16 =	vmul.f32 v32, v52;
	v1 =	vadd.f32 v1, v13;
	v13 =	vld.idx.msk [tilespmem:v41+s3+$0x0], $0xffff  }
0x29c: {  	v9 =	vadd.f32 v46, v9;
	v58 =	vadd.s32 $0x15F00, v5;
	v41 =	vld.idx.msk [tilespmem:v62+s3+$0x0], $0xffff;
	v62 =	vmul.f32 v54, v29  }
0x29d: {  	v50 =	vadd.s32 $0x18300, v6;
	v37 =	vld.idx.msk [tilespmem:v48+s3+$0x0], $0xffff;
	v32 =	vmul.f32 v57, v16;
	v31 =	vmul.f32 v35, v16  }
0x29e: {  	v52 =	vld.idx.msk [tilespmem:v27+s3+$0x0], $0xffff;
	v9 =	vadd.f32 v59, v9;
	v30 =	vmul.f32 v30, v16;
	v26 =	vmul.f32 v4, v15  }
0x29f: {  	v20 =	vadd.f32 v55, v20;
	v4 =	vmul.f32 v39, v16;
	v2 =	vmul.f32 v2, v16;
	v3 =	vld.idx.msk [tilespmem:v12+s3+$0x0], $0xffff  }
0x2a0: {  	v59 =	vld.idx.msk [tilespmem:v34+s3+$0x0], $0xffff;
	v27 =	vadd.f32 v38, v0;
	v12 =	vmul.f32 v17, v15;
	v17 =	vmul.f32 v51, v15  }
0x2a1: {  	v57 =	vadd.f32 v62, v25;
	v25 =	vmul.f32 v21, v16;
	v35 =	vmul.f32 v53, v15  }
0x2a2: {  	v54 =	vld.idx.msk [tilespmem:v33+s3+$0x0], $0xffff;
	v1 =	vadd.f32 v40, v1;
	v39 =	vmul.f32 v47, v16;
	v55 =	vmul.f32 v36, v29  }
0x2a3: {  	p0 =	sne.s32 s12, $0x800;
	v23 =	vld.idx.msk [tilespmem:v23+s3+$0x0], $0xffff;
	v33 =	vadd.f32 v56, v57;
	v21 =	vmul.f32 v13, v15;
	v13 =	vmul.f32 v37, v10  }
.Ltmp4:
0x2a4: {  	v34 =	vld.idx.msk [tilespmem:v58+s3+$0x0], $0xffff;
	v1 =	vadd.f32 v4, v1;
	v9 =	vadd.f32 v39, v9;
	v3 =	vmul.f32 v3, v15;
	(pc) =	sbr.rel @p0 .LBB2_11-.Ltmp4, $4  }
0x2a5: {  	v36 =	vld.idx.msk [tilespmem:v60+s3+$0x0], $0xffff;
	v62 =	vmul.f32 v41, v15;
	v41 =	vmul.f32 v59, v10;
	v4 =	vadd.f32 v13, v44  }
0x2a6: {  	v37 =	vld.idx.msk [tilespmem:v50+s3+$0x0], $0xffff;
	v9 =	vadd.f32 v3, v9;
	v3 =	vadd.f32 v45, v63;
	v63 =	vmul.f32 v43, v16  }
0x2a7: {  	s9 =	sadd.s32 $0x100, s12;
	v40 =	vadd.f32 v55, v24;
	v24 =	vld.idx.msk [tilespmem:v61+s3+$0x0], $0xffff;
	v13 =	vadd.f32 v62, v1;
	v43 =	vmul.f32 v54, v29  }
0x2a8: {  	s7 =	smov.u32 s12;
	s12 =	smov.u32 s9;
	v39 =	vld.idx.msk [tilespmem:v49+s3+$0x0], $0xffff;
	v29 =	vmul.f32 v52, v15;
	v42 =	vadd.f32 v63, v4;
	v38 =	vadd.f32 v2, v3  }
0x2a9: {  	v0 =	vadd.s32 $0x15600, v5;
	_ =	sdelay $0x3  }
0x2aa: {  	v1 =	vld.idx.msk [tilespmem:v7+s3+$0x0], $0xffff  }
0x2ab: {  	v0 =	vld.idx.msk [tilespmem:v0+s3+$0x0], $0xffff;
	_ =	sdelay $0x2  }
0x2ac: {  	v2 =	vadd.s32 $0x18C00, v6  }
0x2ad: {  	v3 =	vadd.f32 v43, v8;
	v1 =	vmul.f32 v1, v16  }
0x2ae: {  	v4 =	vadd.f32 v22, v40;
	v54 =	vadd.f32 v18, v14;
	v0 =	vmul.f32 v0, v16  }
0x2af: {  	v52 =	vld.idx.msk [tilespmem:v19+s3+$0x0], $0xffff;
	v53 =	vmul.f32 v34, v16;
	v55 =	vadd.f32 v41, v28;
	v1 =	vadd.f32 v1, v20  }
0x2b0: {  	v51 =	vadd.f32 v26, v42;
	v56 =	vmul.f32 v36, v10;
	v0 =	vadd.f32 v0, v11  }
0x2b1: {  	v7 =	vadd.f32 v53, v54;
	v2 =	vld.idx.msk [tilespmem:v2+s3+$0x0], $0xffff;
	v1 =	vadd.f32 v17, v1  }
0x2b2: {  	v3 =	vadd.f32 v56, v3;
	[tilespmem:s31+$0x1E400] =	vst v51;
	v0 =	vadd.f32 v21, v0  }
0x2b3: {  	v58 =	vmul.f32 v23, v15;
	v57 =	vmul.f32 v39, v10;
	v7 =	vadd.f32 v29, v7;
	[tilespmem:s30+$0x1E400] =	vst v1  }
0x2b4: {  	v59 =	vadd.f32 v35, v38;
	v3 =	vadd.f32 v31, v3;
	v1 =	vmul.f32 v52, v16;
	[tilespmem:s18+$0x1E400] =	vst v0  }
0x2b5: {  	v60 =	vmul.f32 v37, v15;
	v5 =	vadd.f32 v57, v27;
	v0 =	vadd.f32 v32, v4;
	[tilespmem:s29+$0x1E400] =	vst v7  }
0x2b6: {  	v3 =	vadd.f32 v58, v3;
	v2 =	vmul.f32 v2, v15;
	v1 =	vadd.f32 v1, v55;
	[tilespmem:s15+$0x1E400] =	vst v59  }
0x2b7: {  	s28 =	sadd.s32 $0x1, s28;
	v61 =	vadd.f32 v30, v5;
	v0 =	vadd.f32 v60, v0;
	[tilespmem:s1+$0x1E400] =	vst v9  }
0x2b8: {  	v62 =	vadd.f32 v25, v33;
	p0 =	sne.s32 s28, $0x10;
	v63 =	vmul.f32 v24, v15;
	v1 =	vadd.f32 v2, v1;
	[tilespmem:s14+$0x1E400] =	vst v3  }
.Ltmp5:
0x2b9: {  	v2 =	vadd.f32 v12, v61;
	[tilespmem:s0+$0x1E400] =	vst v0;
	(pc) =	sbr.rel @p0 .LBB2_4-.Ltmp5, $4  }
0x2ba: {  	v0 =	vadd.f32 v63, v62;
	[tilespmem:s2+$0x1E400] =	vst v1  }
0x2bb: {  	[tilespmem:s10+$0x1E400] =	vst v2  }
0x2bc: {  	[tilespmem:s4+$0x1E400] =	vst v0  }
0x2bd: {  	s26 =	sadd.s32 $0x80, s26;
	s25 =	sadd.s32 $0x1, s25;
	v2 =	vimm.s32 $0x0;
	[tilespmem:s20+$0x1E400] =	vst v13  }
0x2be: {  	s0 =	rddreg [dreg:$0x8]  }
0x2bf: {  	s1 =	rddreg [dreg:$0xd];
	s11 =	simm.s32 $0x800;
	s12 =	simm.s32 $0x4800  }
0x2c0: {  	s30 =	simm.s32 $0x1E400;
	s8 =	simm.s32 $0x1;
	s0 =	sadd.s32 s0, s1  }
0x2c1: {  	[hbm4b:s0+s11] =	stream.strided.scatter [tilespmem:s30], [sflag:$0x1], $0x1000, s12, s11, $0x38;
	[tilespmem:$0x1FE80] =	vst v63  }
0x2c2: {  	_ =	swait.ge [sflag:s8], $0x1000  }
0x2c3: {  	s14 =	rddreg [dreg:$0xc]  }
0x2c4: {  	s31 =	rddreg [dreg:$0x4];
	s14 =	sadd.s32 $0x1, s14  }
0x2c5: {  	p0 =	sne.s32 s14, s31  }
.Ltmp6:
0x2c6: {  	_ = 	snop;
	(pc) =	sbr.rel @p0 .LBB2_3-.Ltmp6, $3  }
0x2c7: {  	_ =	sdelay $0x1  }
0x2c8: {  	[sflag:s8] =	ssyncset.done $0x0  }
0x2c9: {  	s1 =	rddreg [dreg:$0xb];
	[sflag:s8] =	ssyncadd.s32 $0xFFFFF000  }
0x2ca: {  	s1 =	rddreg [dreg:$0xa]  }
0x2cb: {  	s0 =	rddreg [dreg:$0x9];
	s1 =	sadd.s32 $0x1, s1  }
0x2cc: {  	p0 =	sne.s32 s1, s0  }
.Ltmp7:
0x2cd: {  	_ = 	snop;
	(pc) =	sbr.rel @p0 .LBB2_2-.Ltmp7, $1  }
0x2ce: {  	_ =	sdelay $0x3  }
.LBB2_15:
0x2cf: {  	_ =	sfence.sel $0x180000  }
0x2d0: {  	[bflag:$0x0] =	sbarrier.arrive $0xFFFF  }
0x2d1: {  	_ =	strace $0x90000047  }
0x2d2: {  	s0 =	stileid.u32;
	[bflag:$0x2] =	sbarrier.arrive $0xFFFF  }
0x2d3: {  	p0 =	sne.s32 s0, $0x0;
	s0 =	rddreg [dreg:$0x2]  }
0x2d4: {  	s0 =	sadd.s32 @!p0 $0x100000, s0  }
0x2d5: {  	[sflag:s0] =	ssyncadd.tile.s32 @!p0 $0x1;
	_ =	shalt  }
.Lfunc_end2:
_tile_overlayer_lowered:
.L_overlay_start_2:
0x2d6: {  	(tag) =	ssettag $0x2  }
0x2d7: {  	s0 =	rddreg [dreg:$0x0];
	s2 =	stileid.u32  }
0x2d8: {  	s1 =	rddreg [dreg:$0x1];
	p0 =	sne.s32 s2, $0x0  }
0x2d9: {  	s3 =	rddreg [dreg:$0x2];
	[bflag:$0x3] =	sbarrier.arrive $0xFFFF;
	s2 =	simm.s32 @!p0 $0x1C01  }
0x2da: {  	[timem:s3], [sflag:s2] =	dma.local @!p0 [hbm:s0], s1  }
0x2db: {  	s0 =	simm.s32 @!p0 $0x1  }
0x2dc: {  	_ =	swait.ge @!p0 [sflag:s0], s1  }
0x2dd: {  	s1 =	ssub.s32 @!p0 $0x0, s1;
	[sflag:s0] =	ssyncset.done @!p0 $0x0  }
0x2de: {  	[sflag:s0] =	ssyncadd.s32 @!p0 s1  }
0x2df: {  	[bflag:$0x3] =	sbarrier.arrive $0xFFFF  }
0x2e0: {  	_ =	shalt  }

</sc_bundles>
